<compile_context>
chip_gen: v7x
topology: tpu7x:2x2x1
jax: 0.10.2.dev20260603
libtpu: 0.0.44.dev20260713+nightly
codegen_flags: <defaults>
</compile_context>

<pallas_src>
import functools

import jax
import jax.numpy as jnp
from jax import lax
from jax.experimental import pallas as pl
from jax.experimental.pallas import tpu as pltpu
from jax.experimental.pallas import tpu_sc as plsc

VOCAB = 100000
DIM = 64
BATCH = 4096
NUM_CTX = 5

NC = 2
NS = 16
NW = NC * NS
L = 16

BPW = BATCH // NW
PPW = BPW * NUM_CTX

_mesh = plsc.VectorSubcoreMesh(core_axis_name="c", subcore_axis_name="s")


@functools.partial(
    pl.kernel,
    mesh=_mesh,
    compiler_params=pltpu.CompilerParams(
        needs_layout_passes=False,
        disable_bounds_checks=True,
        disable_semaphore_checks=True),
    out_type=jax.ShapeDtypeStruct((NUM_CTX, BATCH), jnp.float32),
    scratch_types=[
        pltpu.VMEM((BPW,), jnp.int32),
        pltpu.VMEM((PPW,), jnp.int32),
        pltpu.SMEM((BPW,), jnp.int32),
        pltpu.SMEM((PPW,), jnp.int32),
        pltpu.VMEM((BPW, DIM), jnp.float32),
        pltpu.VMEM((PPW, DIM), jnp.float32),
        pltpu.VMEM((NUM_CTX, BPW), jnp.float32),
        pltpu.VMEM((80 * 17,), jnp.float32),
        pltpu.SemaphoreType.DMA,
    ],
)
def _w2v_sc(tgt_hbm, ctx_hbm, wt_hbm, wc_hbm, out_hbm,
            tgt_v, ctx_v, tgt_s, ctx_s, we_v, ce_v, out_v, t_v, sem):
    wid = lax.axis_index("s") * NC + lax.axis_index("c")
    base = wid * BPW
    idx_copies = [pltpu.async_copy(tgt_hbm.at[pl.ds(base, BPW)], tgt_v, sem)]
    for c in range(NUM_CTX):
        idx_copies.append(pltpu.async_copy(
            ctx_hbm.at[pl.ds(c * BATCH + base, BPW)],
            ctx_v.at[pl.ds(c * BPW, BPW)], sem))
    for cp in idx_copies:
        cp.wait()

    iota0 = lax.iota(jnp.int32, L)

    def spill(src_v, dst_s, n):
        def spill_group(g, carry):
            vec = src_v[pl.ds(g * L, L)]
            for j in range(L):
                s = jnp.sum(jnp.where(iota0 == j, vec, 0))
                dst_s[g * L + j] = s
            return carry
        lax.fori_loop(0, n // L, spill_group, 0)

    spill(tgt_v, tgt_s, BPW)
    spill(ctx_v, ctx_s, PPW)

    def issue_rows(b, carry):
        pltpu.async_copy(wt_hbm.at[tgt_s[b]], we_v.at[b], sem)
        for c in range(NUM_CTX):
            pltpu.async_copy(wc_hbm.at[ctx_s[c * BPW + b]],
                             ce_v.at[b * NUM_CTX + c], sem)
        return carry

    lax.fori_loop(0, BPW, issue_rows, 0)
    pltpu.make_async_copy(wt_hbm.at[pl.ds(0, BPW)], we_v, sem).wait()
    pltpu.make_async_copy(wc_hbm.at[pl.ds(0, PPW)], ce_v, sem).wait()

    nq = DIM // L

    def super_group(sg, carry):
        b0 = sg * L
        for bb in range(L):
            b = b0 + bb
            w = [we_v[b, pl.ds(q * L, L)] for q in range(nq)]
            for c in range(NUM_CTX):
                r = b * NUM_CTX + c
                part = w[0] * ce_v[r, pl.ds(0, L)]
                for q in range(1, nq):
                    part = part + w[q] * ce_v[r, pl.ds(q * L, L)]
                t_v[pl.ds((bb * NUM_CTX + c) * 17, L)] = part
        for c in range(NUM_CTX):
            cbase = (iota0 * NUM_CTX + c) * 17
            acc = plsc.load_gather(t_v, [cbase])
            for l in range(1, L):
                acc = acc + plsc.load_gather(t_v, [cbase + l])
            out_v[c, pl.ds(b0, L)] = acc
        return carry

    lax.fori_loop(0, BPW // L, super_group, 0)

    out_copies = []
    for c in range(NUM_CTX):
        out_copies.append(pltpu.async_copy(
            out_v.at[pl.ds(c, 1)],
            out_hbm.at[pl.ds(c, 1), pl.ds(base, BPW)], sem))
    for cp in out_copies:
        cp.wait()


def kernel(target, context, W_target, W_context):
    tgt = target.reshape(BATCH)
    ctx = context.T.reshape(NUM_CTX * BATCH)
    out = _w2v_sc(tgt, ctx, W_target, W_context)
    return out.T

# --- scband reference (transcript-rebuilt; emitter-appended) ---
"""Pipeline reference for scband-word2-vec-76278619177059 (READ-ONLY COPY).

The authoritative reference and input builder live on the scoring server;
editing this copy changes nothing except your own understanding.
"""

import jax, jax.numpy as jnp
import numpy as np

VOCAB = 100000
DIM = 64
BATCH = 4096
NUM_CTX = 5

def setup_inputs(seed: int = 0) -> dict:
    key = jax.random.key(seed)
    k1, k2, k3, k4 = jax.random.split(key, 4)
    target = jax.random.randint(k1, (BATCH, 1), 0, VOCAB, dtype=jnp.int64 if jax.config.jax_enable_x64 else jnp.int32).astype(jnp.int32)
    context = jax.random.randint(k2, (BATCH, NUM_CTX), 0, VOCAB, dtype=jnp.int32)
    # learned parameters: two embedding tables (target and context)
    W_target = jax.random.normal(k3, (VOCAB, DIM), dtype=jnp.float32) * 0.05
    W_context = jax.random.normal(k4, (VOCAB, DIM), dtype=jnp.float32) * 0.05
    return {"target": target, "context": context, "W_target": W_target, "W_context": W_context}

def reference(target, context, W_target, W_context):
    # we = target_embedding(target): [B, 1, D]
    we = jnp.take(W_target, target, axis=0)
    # ce = context_embedding(context): [B, C, D]
    ce = jnp.take(W_context, context, axis=0)
    # Dot(axes=(2,2))([ce, we]) -> [B, C, 1]
    dots = jnp.einsum('bcd,btd->bct', ce, we)
    # Flatten -> [B, C]
    return dots.reshape(dots.shape[0], -1)

if __name__ == "__main__":
    import jax
    _d = setup_inputs()
    print(jax.jit(kernel)(*tuple(_d.values())))

</pallas_src>

<mosaic_0001>
#map = affine_map<(d0, d1) -> (0)>
#map1 = affine_map<(d0, d1) -> (0, 0)>
module attributes {stable_mosaic.version = 14 : i64} {
  func.func @_w2v_sc(%arg0: i32, %arg1: i32, %arg2: memref<4096xi32, #tpu.memory_space<hbm>>, %arg3: memref<20480xi32, #tpu.memory_space<hbm>>, %arg4: memref<100000x64xf32, #tpu.memory_space<hbm>>, %arg5: memref<100000x64xf32, #tpu.memory_space<hbm>>, %arg6: memref<5x4096xf32, #tpu.memory_space<hbm>>, %arg7: memref<128xi32, #tpu.memory_space<vmem>>, %arg8: memref<640xi32, #tpu.memory_space<vmem>>, %arg9: memref<128xi32, #tpu.memory_space<smem>>, %arg10: memref<640xi32, #tpu.memory_space<smem>>, %arg11: memref<128x64xf32, #tpu.memory_space<vmem>>, %arg12: memref<640x64xf32, #tpu.memory_space<vmem>>, %arg13: memref<5x128xf32, #tpu.memory_space<vmem>>, %arg14: memref<1360xf32, #tpu.memory_space<vmem>>, %arg15: memref<!tpu.dma_semaphore, #tpu.memory_space<semaphore_mem>>) attributes {dimension_semantics = [#tpu.dimension_semantics<core_parallel>, #tpu.dimension_semantics<subcore_parallel>], iteration_bounds = array<i64: 2, 16>, scalar_prefetch = 0 : i64, scratch_operands = 9 : i64, tpu.core_type = #tpu.core_type<sc_vector_subcore>, window_params = [{transform_indices = #map}, {transform_indices = #map}, {transform_indices = #map1}, {transform_indices = #map1}, {transform_indices = #map1}]} {
    %mul3A = arith.constant 2 : i32
    %mul3A_0 = arith.muli %arg1, %mul3A : i32
    %add3A = arith.addi %mul3A_0, %arg0 : i32
    %mul3A_1 = arith.constant 128 : i32
    %mul3A_2 = arith.muli %add3A, %mul3A_1 : i32
    %dma_start3A = tpu.memref_slice %arg2[%mul3A_2] : memref<4096xi32, #tpu.memory_space<hbm>> -> memref<128xi32, #tpu.memory_space<hbm>>
    %dma_start3A_3 = tpu.memref_slice %arg2[%mul3A_2] : memref<4096xi32, #tpu.memory_space<hbm>> -> memref<128xi32, #tpu.memory_space<hbm>>
    tpu.enqueue_dma source(%dma_start3A_3 : memref<128xi32, #tpu.memory_space<hbm>>) target(%arg7 : memref<128xi32, #tpu.memory_space<vmem>>) target_semaphore(%arg15 : memref<!tpu.dma_semaphore, #tpu.memory_space<semaphore_mem>>)
    %add3A_4 = arith.constant 0 : i32
    %add3A_5 = arith.addi %add3A_4, %mul3A_2 : i32
    %dma_start3A_6 = arith.constant 0 : i32
    %dma_start3A_7 = tpu.memref_slice %arg8[%dma_start3A_6] : memref<640xi32, #tpu.memory_space<vmem>> -> memref<128xi32, #tpu.memory_space<vmem>>
    %dma_start3A_8 = tpu.memref_slice %arg3[%add3A_5] : memref<20480xi32, #tpu.memory_space<hbm>> -> memref<128xi32, #tpu.memory_space<hbm>>
    %dma_start3A_9 = arith.constant 0 : i32
    %dma_start3A_10 = tpu.memref_slice %arg8[%dma_start3A_9] : memref<640xi32, #tpu.memory_space<vmem>> -> memref<128xi32, #tpu.memory_space<vmem>>
    %dma_start3A_11 = tpu.memref_slice %arg3[%add3A_5] : memref<20480xi32, #tpu.memory_space<hbm>> -> memref<128xi32, #tpu.memory_space<hbm>>
    tpu.enqueue_dma source(%dma_start3A_11 : memref<128xi32, #tpu.memory_space<hbm>>) target(%dma_start3A_10 : memref<128xi32, #tpu.memory_space<vmem>>) target_semaphore(%arg15 : memref<!tpu.dma_semaphore, #tpu.memory_space<semaphore_mem>>)
    %add3A_12 = arith.constant 4096 : i32
    %add3A_13 = arith.addi %add3A_12, %mul3A_2 : i32
    %dma_start3A_14 = arith.constant 128 : i32
    %dma_start3A_15 = tpu.memref_slice %arg8[%dma_start3A_14] : memref<640xi32, #tpu.memory_space<vmem>> -> memref<128xi32, #tpu.memory_space<vmem>>
    %dma_start3A_16 = tpu.memref_slice %arg3[%add3A_13] : memref<20480xi32, #tpu.memory_space<hbm>> -> memref<128xi32, #tpu.memory_space<hbm>>
    %dma_start3A_17 = arith.constant 128 : i32
    %dma_start3A_18 = tpu.memref_slice %arg8[%dma_start3A_17] : memref<640xi32, #tpu.memory_space<vmem>> -> memref<128xi32, #tpu.memory_space<vmem>>
    %dma_start3A_19 = tpu.memref_slice %arg3[%add3A_13] : memref<20480xi32, #tpu.memory_space<hbm>> -> memref<128xi32, #tpu.memory_space<hbm>>
    tpu.enqueue_dma source(%dma_start3A_19 : memref<128xi32, #tpu.memory_space<hbm>>) target(%dma_start3A_18 : memref<128xi32, #tpu.memory_space<vmem>>) target_semaphore(%arg15 : memref<!tpu.dma_semaphore, #tpu.memory_space<semaphore_mem>>)
    %add3A_20 = arith.constant 8192 : i32
    %add3A_21 = arith.addi %add3A_20, %mul3A_2 : i32
    %dma_start3A_22 = arith.constant 256 : i32
    %dma_start3A_23 = tpu.memref_slice %arg8[%dma_start3A_22] : memref<640xi32, #tpu.memory_space<vmem>> -> memref<128xi32, #tpu.memory_space<vmem>>
    %dma_start3A_24 = tpu.memref_slice %arg3[%add3A_21] : memref<20480xi32, #tpu.memory_space<hbm>> -> memref<128xi32, #tpu.memory_space<hbm>>
    %dma_start3A_25 = arith.constant 256 : i32
    %dma_start3A_26 = tpu.memref_slice %arg8[%dma_start3A_25] : memref<640xi32, #tpu.memory_space<vmem>> -> memref<128xi32, #tpu.memory_space<vmem>>
    %dma_start3A_27 = tpu.memref_slice %arg3[%add3A_21] : memref<20480xi32, #tpu.memory_space<hbm>> -> memref<128xi32, #tpu.memory_space<hbm>>
    tpu.enqueue_dma source(%dma_start3A_27 : memref<128xi32, #tpu.memory_space<hbm>>) target(%dma_start3A_26 : memref<128xi32, #tpu.memory_space<vmem>>) target_semaphore(%arg15 : memref<!tpu.dma_semaphore, #tpu.memory_space<semaphore_mem>>)
    %add3A_28 = arith.constant 12288 : i32
    %add3A_29 = arith.addi %add3A_28, %mul3A_2 : i32
    %dma_start3A_30 = arith.constant 384 : i32
    %dma_start3A_31 = tpu.memref_slice %arg8[%dma_start3A_30] : memref<640xi32, #tpu.memory_space<vmem>> -> memref<128xi32, #tpu.memory_space<vmem>>
    %dma_start3A_32 = tpu.memref_slice %arg3[%add3A_29] : memref<20480xi32, #tpu.memory_space<hbm>> -> memref<128xi32, #tpu.memory_space<hbm>>
    %dma_start3A_33 = arith.constant 384 : i32
    %dma_start3A_34 = tpu.memref_slice %arg8[%dma_start3A_33] : memref<640xi32, #tpu.memory_space<vmem>> -> memref<128xi32, #tpu.memory_space<vmem>>
    %dma_start3A_35 = tpu.memref_slice %arg3[%add3A_29] : memref<20480xi32, #tpu.memory_space<hbm>> -> memref<128xi32, #tpu.memory_space<hbm>>
    tpu.enqueue_dma source(%dma_start3A_35 : memref<128xi32, #tpu.memory_space<hbm>>) target(%dma_start3A_34 : memref<128xi32, #tpu.memory_space<vmem>>) target_semaphore(%arg15 : memref<!tpu.dma_semaphore, #tpu.memory_space<semaphore_mem>>)
    %add3A_36 = arith.constant 16384 : i32
    %add3A_37 = arith.addi %add3A_36, %mul3A_2 : i32
    %dma_start3A_38 = arith.constant 512 : i32
    %dma_start3A_39 = tpu.memref_slice %arg8[%dma_start3A_38] : memref<640xi32, #tpu.memory_space<vmem>> -> memref<128xi32, #tpu.memory_space<vmem>>
    %dma_start3A_40 = tpu.memref_slice %arg3[%add3A_37] : memref<20480xi32, #tpu.memory_space<hbm>> -> memref<128xi32, #tpu.memory_space<hbm>>
    %dma_start3A_41 = arith.constant 512 : i32
    %dma_start3A_42 = tpu.memref_slice %arg8[%dma_start3A_41] : memref<640xi32, #tpu.memory_space<vmem>> -> memref<128xi32, #tpu.memory_space<vmem>>
    %dma_start3A_43 = tpu.memref_slice %arg3[%add3A_37] : memref<20480xi32, #tpu.memory_space<hbm>> -> memref<128xi32, #tpu.memory_space<hbm>>
    tpu.enqueue_dma source(%dma_start3A_43 : memref<128xi32, #tpu.memory_space<hbm>>) target(%dma_start3A_42 : memref<128xi32, #tpu.memory_space<vmem>>) target_semaphore(%arg15 : memref<!tpu.dma_semaphore, #tpu.memory_space<semaphore_mem>>)
    %dma_wait3A = tpu.memref_slice %arg2[%mul3A_2] : memref<4096xi32, #tpu.memory_space<hbm>> -> memref<128xi32, #tpu.memory_space<hbm>>
    %dma_wait3A_44 = tpu.memref_slice %arg2[%mul3A_2] : memref<4096xi32, #tpu.memory_space<hbm>> -> memref<128xi32, #tpu.memory_space<hbm>>
    tpu.wait_dma2 semaphore(%arg15 : memref<!tpu.dma_semaphore, #tpu.memory_space<semaphore_mem>>) src(%dma_wait3A_44 : memref<128xi32, #tpu.memory_space<hbm>>) dst(%arg7 : memref<128xi32, #tpu.memory_space<vmem>>)
    %dma_wait3A_45 = arith.constant 0 : i32
    %dma_wait3A_46 = tpu.memref_slice %arg8[%dma_wait3A_45] : memref<640xi32, #tpu.memory_space<vmem>> -> memref<128xi32, #tpu.memory_space<vmem>>
    %dma_wait3A_47 = tpu.memref_slice %arg3[%add3A_5] : memref<20480xi32, #tpu.memory_space<hbm>> -> memref<128xi32, #tpu.memory_space<hbm>>
    %dma_wait3A_48 = arith.constant 0 : i32
    %dma_wait3A_49 = tpu.memref_slice %arg8[%dma_wait3A_48] : memref<640xi32, #tpu.memory_space<vmem>> -> memref<128xi32, #tpu.memory_space<vmem>>
    %dma_wait3A_50 = tpu.memref_slice %arg3[%add3A_5] : memref<20480xi32, #tpu.memory_space<hbm>> -> memref<128xi32, #tpu.memory_space<hbm>>
    tpu.wait_dma2 semaphore(%arg15 : memref<!tpu.dma_semaphore, #tpu.memory_space<semaphore_mem>>) src(%dma_wait3A_50 : memref<128xi32, #tpu.memory_space<hbm>>) dst(%dma_wait3A_49 : memref<128xi32, #tpu.memory_space<vmem>>)
    %dma_wait3A_51 = arith.constant 128 : i32
    %dma_wait3A_52 = tpu.memref_slice %arg8[%dma_wait3A_51] : memref<640xi32, #tpu.memory_space<vmem>> -> memref<128xi32, #tpu.memory_space<vmem>>
    %dma_wait3A_53 = tpu.memref_slice %arg3[%add3A_13] : memref<20480xi32, #tpu.memory_space<hbm>> -> memref<128xi32, #tpu.memory_space<hbm>>
    %dma_wait3A_54 = arith.constant 128 : i32
    %dma_wait3A_55 = tpu.memref_slice %arg8[%dma_wait3A_54] : memref<640xi32, #tpu.memory_space<vmem>> -> memref<128xi32, #tpu.memory_space<vmem>>
    %dma_wait3A_56 = tpu.memref_slice %arg3[%add3A_13] : memref<20480xi32, #tpu.memory_space<hbm>> -> memref<128xi32, #tpu.memory_space<hbm>>
    tpu.wait_dma2 semaphore(%arg15 : memref<!tpu.dma_semaphore, #tpu.memory_space<semaphore_mem>>) src(%dma_wait3A_56 : memref<128xi32, #tpu.memory_space<hbm>>) dst(%dma_wait3A_55 : memref<128xi32, #tpu.memory_space<vmem>>)
    %dma_wait3A_57 = arith.constant 256 : i32
    %dma_wait3A_58 = tpu.memref_slice %arg8[%dma_wait3A_57] : memref<640xi32, #tpu.memory_space<vmem>> -> memref<128xi32, #tpu.memory_space<vmem>>
    %dma_wait3A_59 = tpu.memref_slice %arg3[%add3A_21] : memref<20480xi32, #tpu.memory_space<hbm>> -> memref<128xi32, #tpu.memory_space<hbm>>
    %dma_wait3A_60 = arith.constant 256 : i32
    %dma_wait3A_61 = tpu.memref_slice %arg8[%dma_wait3A_60] : memref<640xi32, #tpu.memory_space<vmem>> -> memref<128xi32, #tpu.memory_space<vmem>>
    %dma_wait3A_62 = tpu.memref_slice %arg3[%add3A_21] : memref<20480xi32, #tpu.memory_space<hbm>> -> memref<128xi32, #tpu.memory_space<hbm>>
    tpu.wait_dma2 semaphore(%arg15 : memref<!tpu.dma_semaphore, #tpu.memory_space<semaphore_mem>>) src(%dma_wait3A_62 : memref<128xi32, #tpu.memory_space<hbm>>) dst(%dma_wait3A_61 : memref<128xi32, #tpu.memory_space<vmem>>)
    %dma_wait3A_63 = arith.constant 384 : i32
    %dma_wait3A_64 = tpu.memref_slice %arg8[%dma_wait3A_63] : memref<640xi32, #tpu.memory_space<vmem>> -> memref<128xi32, #tpu.memory_space<vmem>>
    %dma_wait3A_65 = tpu.memref_slice %arg3[%add3A_29] : memref<20480xi32, #tpu.memory_space<hbm>> -> memref<128xi32, #tpu.memory_space<hbm>>
    %dma_wait3A_66 = arith.constant 384 : i32
    %dma_wait3A_67 = tpu.memref_slice %arg8[%dma_wait3A_66] : memref<640xi32, #tpu.memory_space<vmem>> -> memref<128xi32, #tpu.memory_space<vmem>>
    %dma_wait3A_68 = tpu.memref_slice %arg3[%add3A_29] : memref<20480xi32, #tpu.memory_space<hbm>> -> memref<128xi32, #tpu.memory_space<hbm>>
    tpu.wait_dma2 semaphore(%arg15 : memref<!tpu.dma_semaphore, #tpu.memory_space<semaphore_mem>>) src(%dma_wait3A_68 : memref<128xi32, #tpu.memory_space<hbm>>) dst(%dma_wait3A_67 : memref<128xi32, #tpu.memory_space<vmem>>)
    %dma_wait3A_69 = arith.constant 512 : i32
    %dma_wait3A_70 = tpu.memref_slice %arg8[%dma_wait3A_69] : memref<640xi32, #tpu.memory_space<vmem>> -> memref<128xi32, #tpu.memory_space<vmem>>
    %dma_wait3A_71 = tpu.memref_slice %arg3[%add3A_37] : memref<20480xi32, #tpu.memory_space<hbm>> -> memref<128xi32, #tpu.memory_space<hbm>>
    %dma_wait3A_72 = arith.constant 512 : i32
    %dma_wait3A_73 = tpu.memref_slice %arg8[%dma_wait3A_72] : memref<640xi32, #tpu.memory_space<vmem>> -> memref<128xi32, #tpu.memory_space<vmem>>
    %dma_wait3A_74 = tpu.memref_slice %arg3[%add3A_37] : memref<20480xi32, #tpu.memory_space<hbm>> -> memref<128xi32, #tpu.memory_space<hbm>>
    tpu.wait_dma2 semaphore(%arg15 : memref<!tpu.dma_semaphore, #tpu.memory_space<semaphore_mem>>) src(%dma_wait3A_74 : memref<128xi32, #tpu.memory_space<hbm>>) dst(%dma_wait3A_73 : memref<128xi32, #tpu.memory_space<vmem>>)
    %iota3A = tpu.iota {dimensions = array<i32: 0>} : vector<16xi32>
    %scan3A = arith.constant 0 : i32
    %scan3A_75 = arith.constant 0 : i32
    %scan3A_76 = arith.constant 8 : i32
    %scan3A_77 = arith.addi %scan3A_75, %scan3A_76 : i32
    %scan3A_78 = arith.constant 1 : i32
    scf.for %scan3A_210 = %scan3A_75 to %scan3A_77 step %scan3A_78  : i32 {
      %mul3A_211 = arith.constant 16 : i32
      %mul3A_212 = arith.muli %scan3A_210, %mul3A_211 : i32
      %get3A = arith.index_cast %mul3A_212 : i32 to index
      %get3A_213 = tpu.vector_load %arg7[%get3A] {strides = array<i32>} : memref<128xi32, #tpu.memory_space<vmem>>, vector<16xi32>,
      %eq3A = arith.constant 0 : i32
      %eq3A_214 = vector.broadcast %eq3A : i32 to vector<16xi32>
      %eq3A_215 = arith.cmpi eq, %iota3A, %eq3A_214 : vector<16xi32>
      %jit3A = arith.constant 0 : i32
      %broadcast_in_dim3A = vector.broadcast %jit3A : i32 to vector<16xi32>
      %select_n3A = arith.select %eq3A_215, %get3A_213, %broadcast_in_dim3A : vector<16xi1>, vector<16xi32>
      %reduce_sum3A = arith.constant true
      %reduce_sum3A_216 = vector.broadcast %reduce_sum3A : i1 to vector<16xi1>
      %reduce_sum3A_217 = tpu.scan <sum>, %select_n3A masked %reduce_sum3A_216 : vector<16xi32>, vector<16xi1> -> vector<16xi32>
      %reduce_sum3A_218 = vector.extract %reduce_sum3A_217[15] : i32 from vector<16xi32>
      %mul3A_219 = arith.constant 16 : i32
      %mul3A_220 = arith.muli %scan3A_210, %mul3A_219 : i32
      %add3A_221 = arith.constant 0 : i32
      %add3A_222 = arith.addi %mul3A_220, %add3A_221 : i32
      %swap3A = arith.index_cast %add3A_222 : i32 to index
      %swap3A_223 = memref.load %arg9[%swap3A] : memref<128xi32, #tpu.memory_space<smem>>
      memref.store %reduce_sum3A_218, %arg9[%swap3A] : memref<128xi32, #tpu.memory_space<smem>>
      %eq3A_224 = arith.constant 1 : i32
      %eq3A_225 = vector.broadcast %eq3A_224 : i32 to vector<16xi32>
      %eq3A_226 = arith.cmpi eq, %iota3A, %eq3A_225 : vector<16xi32>
      %jit3A_227 = arith.constant 0 : i32
      %broadcast_in_dim3A_228 = vector.broadcast %jit3A_227 : i32 to vector<16xi32>
      %select_n3A_229 = arith.select %eq3A_226, %get3A_213, %broadcast_in_dim3A_228 : vector<16xi1>, vector<16xi32>
      %reduce_sum3A_230 = arith.constant true
      %reduce_sum3A_231 = vector.broadcast %reduce_sum3A_230 : i1 to vector<16xi1>
      %reduce_sum3A_232 = tpu.scan <sum>, %select_n3A_229 masked %reduce_sum3A_231 : vector<16xi32>, vector<16xi1> -> vector<16xi32>
      %reduce_sum3A_233 = vector.extract %reduce_sum3A_232[15] : i32 from vector<16xi32>
      %mul3A_234 = arith.constant 16 : i32
      %mul3A_235 = arith.muli %scan3A_210, %mul3A_234 : i32
      %add3A_236 = arith.constant 1 : i32
      %add3A_237 = arith.addi %mul3A_235, %add3A_236 : i32
      %swap3A_238 = arith.index_cast %add3A_237 : i32 to index
      %swap3A_239 = memref.load %arg9[%swap3A_238] : memref<128xi32, #tpu.memory_space<smem>>
      memref.store %reduce_sum3A_233, %arg9[%swap3A_238] : memref<128xi32, #tpu.memory_space<smem>>
      %eq3A_240 = arith.constant 2 : i32
      %eq3A_241 = vector.broadcast %eq3A_240 : i32 to vector<16xi32>
      %eq3A_242 = arith.cmpi eq, %iota3A, %eq3A_241 : vector<16xi32>
      %jit3A_243 = arith.constant 0 : i32
      %broadcast_in_dim3A_244 = vector.broadcast %jit3A_243 : i32 to vector<16xi32>
      %select_n3A_245 = arith.select %eq3A_242, %get3A_213, %broadcast_in_dim3A_244 : vector<16xi1>, vector<16xi32>
      %reduce_sum3A_246 = arith.constant true
      %reduce_sum3A_247 = vector.broadcast %reduce_sum3A_246 : i1 to vector<16xi1>
      %reduce_sum3A_248 = tpu.scan <sum>, %select_n3A_245 masked %reduce_sum3A_247 : vector<16xi32>, vector<16xi1> -> vector<16xi32>
      %reduce_sum3A_249 = vector.extract %reduce_sum3A_248[15] : i32 from vector<16xi32>
      %mul3A_250 = arith.constant 16 : i32
      %mul3A_251 = arith.muli %scan3A_210, %mul3A_250 : i32
      %add3A_252 = arith.constant 2 : i32
      %add3A_253 = arith.addi %mul3A_251, %add3A_252 : i32
      %swap3A_254 = arith.index_cast %add3A_253 : i32 to index
      %swap3A_255 = memref.load %arg9[%swap3A_254] : memref<128xi32, #tpu.memory_space<smem>>
      memref.store %reduce_sum3A_249, %arg9[%swap3A_254] : memref<128xi32, #tpu.memory_space<smem>>
      %eq3A_256 = arith.constant 3 : i32
      %eq3A_257 = vector.broadcast %eq3A_256 : i32 to vector<16xi32>
      %eq3A_258 = arith.cmpi eq, %iota3A, %eq3A_257 : vector<16xi32>
      %jit3A_259 = arith.constant 0 : i32
      %broadcast_in_dim3A_260 = vector.broadcast %jit3A_259 : i32 to vector<16xi32>
      %select_n3A_261 = arith.select %eq3A_258, %get3A_213, %broadcast_in_dim3A_260 : vector<16xi1>, vector<16xi32>
      %reduce_sum3A_262 = arith.constant true
      %reduce_sum3A_263 = vector.broadcast %reduce_sum3A_262 : i1 to vector<16xi1>
      %reduce_sum3A_264 = tpu.scan <sum>, %select_n3A_261 masked %reduce_sum3A_263 : vector<16xi32>, vector<16xi1> -> vector<16xi32>
      %reduce_sum3A_265 = vector.extract %reduce_sum3A_264[15] : i32 from vector<16xi32>
      %mul3A_266 = arith.constant 16 : i32
      %mul3A_267 = arith.muli %scan3A_210, %mul3A_266 : i32
      %add3A_268 = arith.constant 3 : i32
      %add3A_269 = arith.addi %mul3A_267, %add3A_268 : i32
      %swap3A_270 = arith.index_cast %add3A_269 : i32 to index
      %swap3A_271 = memref.load %arg9[%swap3A_270] : memref<128xi32, #tpu.memory_space<smem>>
      memref.store %reduce_sum3A_265, %arg9[%swap3A_270] : memref<128xi32, #tpu.memory_space<smem>>
      %eq3A_272 = arith.constant 4 : i32
      %eq3A_273 = vector.broadcast %eq3A_272 : i32 to vector<16xi32>
      %eq3A_274 = arith.cmpi eq, %iota3A, %eq3A_273 : vector<16xi32>
      %jit3A_275 = arith.constant 0 : i32
      %broadcast_in_dim3A_276 = vector.broadcast %jit3A_275 : i32 to vector<16xi32>
      %select_n3A_277 = arith.select %eq3A_274, %get3A_213, %broadcast_in_dim3A_276 : vector<16xi1>, vector<16xi32>
      %reduce_sum3A_278 = arith.constant true
      %reduce_sum3A_279 = vector.broadcast %reduce_sum3A_278 : i1 to vector<16xi1>
      %reduce_sum3A_280 = tpu.scan <sum>, %select_n3A_277 masked %reduce_sum3A_279 : vector<16xi32>, vector<16xi1> -> vector<16xi32>
      %reduce_sum3A_281 = vector.extract %reduce_sum3A_280[15] : i32 from vector<16xi32>
      %mul3A_282 = arith.constant 16 : i32
      %mul3A_283 = arith.muli %scan3A_210, %mul3A_282 : i32
      %add3A_284 = arith.constant 4 : i32
      %add3A_285 = arith.addi %mul3A_283, %add3A_284 : i32
      %swap3A_286 = arith.index_cast %add3A_285 : i32 to index
      %swap3A_287 = memref.load %arg9[%swap3A_286] : memref<128xi32, #tpu.memory_space<smem>>
      memref.store %reduce_sum3A_281, %arg9[%swap3A_286] : memref<128xi32, #tpu.memory_space<smem>>
      %eq3A_288 = arith.constant 5 : i32
      %eq3A_289 = vector.broadcast %eq3A_288 : i32 to vector<16xi32>
      %eq3A_290 = arith.cmpi eq, %iota3A, %eq3A_289 : vector<16xi32>
      %jit3A_291 = arith.constant 0 : i32
      %broadcast_in_dim3A_292 = vector.broadcast %jit3A_291 : i32 to vector<16xi32>
      %select_n3A_293 = arith.select %eq3A_290, %get3A_213, %broadcast_in_dim3A_292 : vector<16xi1>, vector<16xi32>
      %reduce_sum3A_294 = arith.constant true
      %reduce_sum3A_295 = vector.broadcast %reduce_sum3A_294 : i1 to vector<16xi1>
      %reduce_sum3A_296 = tpu.scan <sum>, %select_n3A_293 masked %reduce_sum3A_295 : vector<16xi32>, vector<16xi1> -> vector<16xi32>
      %reduce_sum3A_297 = vector.extract %reduce_sum3A_296[15] : i32 from vector<16xi32>
      %mul3A_298 = arith.constant 16 : i32
      %mul3A_299 = arith.muli %scan3A_210, %mul3A_298 : i32
      %add3A_300 = arith.constant 5 : i32
      %add3A_301 = arith.addi %mul3A_299, %add3A_300 : i32
      %swap3A_302 = arith.index_cast %add3A_301 : i32 to index
      %swap3A_303 = memref.load %arg9[%swap3A_302] : memref<128xi32, #tpu.memory_space<smem>>
      memref.store %reduce_sum3A_297, %arg9[%swap3A_302] : memref<128xi32, #tpu.memory_space<smem>>
      %eq3A_304 = arith.constant 6 : i32
      %eq3A_305 = vector.broadcast %eq3A_304 : i32 to vector<16xi32>
      %eq3A_306 = arith.cmpi eq, %iota3A, %eq3A_305 : vector<16xi32>
      %jit3A_307 = arith.constant 0 : i32
      %broadcast_in_dim3A_308 = vector.broadcast %jit3A_307 : i32 to vector<16xi32>
      %select_n3A_309 = arith.select %eq3A_306, %get3A_213, %broadcast_in_dim3A_308 : vector<16xi1>, vector<16xi32>
      %reduce_sum3A_310 = arith.constant true
      %reduce_sum3A_311 = vector.broadcast %reduce_sum3A_310 : i1 to vector<16xi1>
      %reduce_sum3A_312 = tpu.scan <sum>, %select_n3A_309 masked %reduce_sum3A_311 : vector<16xi32>, vector<16xi1> -> vector<16xi32>
      %reduce_sum3A_313 = vector.extract %reduce_sum3A_312[15] : i32 from vector<16xi32>
      %mul3A_314 = arith.constant 16 : i32
      %mul3A_315 = arith.muli %scan3A_210, %mul3A_314 : i32
      %add3A_316 = arith.constant 6 : i32
      %add3A_317 = arith.addi %mul3A_315, %add3A_316 : i32
      %swap3A_318 = arith.index_cast %add3A_317 : i32 to index
      %swap3A_319 = memref.load %arg9[%swap3A_318] : memref<128xi32, #tpu.memory_space<smem>>
      memref.store %reduce_sum3A_313, %arg9[%swap3A_318] : memref<128xi32, #tpu.memory_space<smem>>
      %eq3A_320 = arith.constant 7 : i32
      %eq3A_321 = vector.broadcast %eq3A_320 : i32 to vector<16xi32>
      %eq3A_322 = arith.cmpi eq, %iota3A, %eq3A_321 : vector<16xi32>
      %jit3A_323 = arith.constant 0 : i32
      %broadcast_in_dim3A_324 = vector.broadcast %jit3A_323 : i32 to vector<16xi32>
      %select_n3A_325 = arith.select %eq3A_322, %get3A_213, %broadcast_in_dim3A_324 : vector<16xi1>, vector<16xi32>
      %reduce_sum3A_326 = arith.constant true
      %reduce_sum3A_327 = vector.broadcast %reduce_sum3A_326 : i1 to vector<16xi1>
      %reduce_sum3A_328 = tpu.scan <sum>, %select_n3A_325 masked %reduce_sum3A_327 : vector<16xi32>, vector<16xi1> -> vector<16xi32>
      %reduce_sum3A_329 = vector.extract %reduce_sum3A_328[15] : i32 from vector<16xi32>
      %mul3A_330 = arith.constant 16 : i32
      %mul3A_331 = arith.muli %scan3A_210, %mul3A_330 : i32
      %add3A_332 = arith.constant 7 : i32
      %add3A_333 = arith.addi %mul3A_331, %add3A_332 : i32
      %swap3A_334 = arith.index_cast %add3A_333 : i32 to index
      %swap3A_335 = memref.load %arg9[%swap3A_334] : memref<128xi32, #tpu.memory_space<smem>>
      memref.store %reduce_sum3A_329, %arg9[%swap3A_334] : memref<128xi32, #tpu.memory_space<smem>>
      %eq3A_336 = arith.constant 8 : i32
      %eq3A_337 = vector.broadcast %eq3A_336 : i32 to vector<16xi32>
      %eq3A_338 = arith.cmpi eq, %iota3A, %eq3A_337 : vector<16xi32>
      %jit3A_339 = arith.constant 0 : i32
      %broadcast_in_dim3A_340 = vector.broadcast %jit3A_339 : i32 to vector<16xi32>
      %select_n3A_341 = arith.select %eq3A_338, %get3A_213, %broadcast_in_dim3A_340 : vector<16xi1>, vector<16xi32>
      %reduce_sum3A_342 = arith.constant true
      %reduce_sum3A_343 = vector.broadcast %reduce_sum3A_342 : i1 to vector<16xi1>
      %reduce_sum3A_344 = tpu.scan <sum>, %select_n3A_341 masked %reduce_sum3A_343 : vector<16xi32>, vector<16xi1> -> vector<16xi32>
      %reduce_sum3A_345 = vector.extract %reduce_sum3A_344[15] : i32 from vector<16xi32>
      %mul3A_346 = arith.constant 16 : i32
      %mul3A_347 = arith.muli %scan3A_210, %mul3A_346 : i32
      %add3A_348 = arith.constant 8 : i32
      %add3A_349 = arith.addi %mul3A_347, %add3A_348 : i32
      %swap3A_350 = arith.index_cast %add3A_349 : i32 to index
      %swap3A_351 = memref.load %arg9[%swap3A_350] : memref<128xi32, #tpu.memory_space<smem>>
      memref.store %reduce_sum3A_345, %arg9[%swap3A_350] : memref<128xi32, #tpu.memory_space<smem>>
      %eq3A_352 = arith.constant 9 : i32
      %eq3A_353 = vector.broadcast %eq3A_352 : i32 to vector<16xi32>
      %eq3A_354 = arith.cmpi eq, %iota3A, %eq3A_353 : vector<16xi32>
      %jit3A_355 = arith.constant 0 : i32
      %broadcast_in_dim3A_356 = vector.broadcast %jit3A_355 : i32 to vector<16xi32>
      %select_n3A_357 = arith.select %eq3A_354, %get3A_213, %broadcast_in_dim3A_356 : vector<16xi1>, vector<16xi32>
      %reduce_sum3A_358 = arith.constant true
      %reduce_sum3A_359 = vector.broadcast %reduce_sum3A_358 : i1 to vector<16xi1>
      %reduce_sum3A_360 = tpu.scan <sum>, %select_n3A_357 masked %reduce_sum3A_359 : vector<16xi32>, vector<16xi1> -> vector<16xi32>
      %reduce_sum3A_361 = vector.extract %reduce_sum3A_360[15] : i32 from vector<16xi32>
      %mul3A_362 = arith.constant 16 : i32
      %mul3A_363 = arith.muli %scan3A_210, %mul3A_362 : i32
      %add3A_364 = arith.constant 9 : i32
      %add3A_365 = arith.addi %mul3A_363, %add3A_364 : i32
      %swap3A_366 = arith.index_cast %add3A_365 : i32 to index
      %swap3A_367 = memref.load %arg9[%swap3A_366] : memref<128xi32, #tpu.memory_space<smem>>
      memref.store %reduce_sum3A_361, %arg9[%swap3A_366] : memref<128xi32, #tpu.memory_space<smem>>
      %eq3A_368 = arith.constant 10 : i32
      %eq3A_369 = vector.broadcast %eq3A_368 : i32 to vector<16xi32>
      %eq3A_370 = arith.cmpi eq, %iota3A, %eq3A_369 : vector<16xi32>
      %jit3A_371 = arith.constant 0 : i32
      %broadcast_in_dim3A_372 = vector.broadcast %jit3A_371 : i32 to vector<16xi32>
      %select_n3A_373 = arith.select %eq3A_370, %get3A_213, %broadcast_in_dim3A_372 : vector<16xi1>, vector<16xi32>
      %reduce_sum3A_374 = arith.constant true
      %reduce_sum3A_375 = vector.broadcast %reduce_sum3A_374 : i1 to vector<16xi1>
      %reduce_sum3A_376 = tpu.scan <sum>, %select_n3A_373 masked %reduce_sum3A_375 : vector<16xi32>, vector<16xi1> -> vector<16xi32>
      %reduce_sum3A_377 = vector.extract %reduce_sum3A_376[15] : i32 from vector<16xi32>
      %mul3A_378 = arith.constant 16 : i32
      %mul3A_379 = arith.muli %scan3A_210, %mul3A_378 : i32
      %add3A_380 = arith.constant 10 : i32
      %add3A_381 = arith.addi %mul3A_379, %add3A_380 : i32
      %swap3A_382 = arith.index_cast %add3A_381 : i32 to index
      %swap3A_383 = memref.load %arg9[%swap3A_382] : memref<128xi32, #tpu.memory_space<smem>>
      memref.store %reduce_sum3A_377, %arg9[%swap3A_382] : memref<128xi32, #tpu.memory_space<smem>>
      %eq3A_384 = arith.constant 11 : i32
      %eq3A_385 = vector.broadcast %eq3A_384 : i32 to vector<16xi32>
      %eq3A_386 = arith.cmpi eq, %iota3A, %eq3A_385 : vector<16xi32>
      %jit3A_387 = arith.constant 0 : i32
      %broadcast_in_dim3A_388 = vector.broadcast %jit3A_387 : i32 to vector<16xi32>
      %select_n3A_389 = arith.select %eq3A_386, %get3A_213, %broadcast_in_dim3A_388 : vector<16xi1>, vector<16xi32>
      %reduce_sum3A_390 = arith.constant true
      %reduce_sum3A_391 = vector.broadcast %reduce_sum3A_390 : i1 to vector<16xi1>
      %reduce_sum3A_392 = tpu.scan <sum>, %select_n3A_389 masked %reduce_sum3A_391 : vector<16xi32>, vector<16xi1> -> vector<16xi32>
      %reduce_sum3A_393 = vector.extract %reduce_sum3A_392[15] : i32 from vector<16xi32>
      %mul3A_394 = arith.constant 16 : i32
      %mul3A_395 = arith.muli %scan3A_210, %mul3A_394 : i32
      %add3A_396 = arith.constant 11 : i32
      %add3A_397 = arith.addi %mul3A_395, %add3A_396 : i32
      %swap3A_398 = arith.index_cast %add3A_397 : i32 to index
      %swap3A_399 = memref.load %arg9[%swap3A_398] : memref<128xi32, #tpu.memory_space<smem>>
      memref.store %reduce_sum3A_393, %arg9[%swap3A_398] : memref<128xi32, #tpu.memory_space<smem>>
      %eq3A_400 = arith.constant 12 : i32
      %eq3A_401 = vector.broadcast %eq3A_400 : i32 to vector<16xi32>
      %eq3A_402 = arith.cmpi eq, %iota3A, %eq3A_401 : vector<16xi32>
      %jit3A_403 = arith.constant 0 : i32
      %broadcast_in_dim3A_404 = vector.broadcast %jit3A_403 : i32 to vector<16xi32>
      %select_n3A_405 = arith.select %eq3A_402, %get3A_213, %broadcast_in_dim3A_404 : vector<16xi1>, vector<16xi32>
      %reduce_sum3A_406 = arith.constant true
      %reduce_sum3A_407 = vector.broadcast %reduce_sum3A_406 : i1 to vector<16xi1>
      %reduce_sum3A_408 = tpu.scan <sum>, %select_n3A_405 masked %reduce_sum3A_407 : vector<16xi32>, vector<16xi1> -> vector<16xi32>
      %reduce_sum3A_409 = vector.extract %reduce_sum3A_408[15] : i32 from vector<16xi32>
      %mul3A_410 = arith.constant 16 : i32
      %mul3A_411 = arith.muli %scan3A_210, %mul3A_410 : i32
      %add3A_412 = arith.constant 12 : i32
      %add3A_413 = arith.addi %mul3A_411, %add3A_412 : i32
      %swap3A_414 = arith.index_cast %add3A_413 : i32 to index
      %swap3A_415 = memref.load %arg9[%swap3A_414] : memref<128xi32, #tpu.memory_space<smem>>
      memref.store %reduce_sum3A_409, %arg9[%swap3A_414] : memref<128xi32, #tpu.memory_space<smem>>
      %eq3A_416 = arith.constant 13 : i32
      %eq3A_417 = vector.broadcast %eq3A_416 : i32 to vector<16xi32>
      %eq3A_418 = arith.cmpi eq, %iota3A, %eq3A_417 : vector<16xi32>
      %jit3A_419 = arith.constant 0 : i32
      %broadcast_in_dim3A_420 = vector.broadcast %jit3A_419 : i32 to vector<16xi32>
      %select_n3A_421 = arith.select %eq3A_418, %get3A_213, %broadcast_in_dim3A_420 : vector<16xi1>, vector<16xi32>
      %reduce_sum3A_422 = arith.constant true
      %reduce_sum3A_423 = vector.broadcast %reduce_sum3A_422 : i1 to vector<16xi1>
      %reduce_sum3A_424 = tpu.scan <sum>, %select_n3A_421 masked %reduce_sum3A_423 : vector<16xi32>, vector<16xi1> -> vector<16xi32>
      %reduce_sum3A_425 = vector.extract %reduce_sum3A_424[15] : i32 from vector<16xi32>
      %mul3A_426 = arith.constant 16 : i32
      %mul3A_427 = arith.muli %scan3A_210, %mul3A_426 : i32
      %add3A_428 = arith.constant 13 : i32
      %add3A_429 = arith.addi %mul3A_427, %add3A_428 : i32
      %swap3A_430 = arith.index_cast %add3A_429 : i32 to index
      %swap3A_431 = memref.load %arg9[%swap3A_430] : memref<128xi32, #tpu.memory_space<smem>>
      memref.store %reduce_sum3A_425, %arg9[%swap3A_430] : memref<128xi32, #tpu.memory_space<smem>>
      %eq3A_432 = arith.constant 14 : i32
      %eq3A_433 = vector.broadcast %eq3A_432 : i32 to vector<16xi32>
      %eq3A_434 = arith.cmpi eq, %iota3A, %eq3A_433 : vector<16xi32>
      %jit3A_435 = arith.constant 0 : i32
      %broadcast_in_dim3A_436 = vector.broadcast %jit3A_435 : i32 to vector<16xi32>
      %select_n3A_437 = arith.select %eq3A_434, %get3A_213, %broadcast_in_dim3A_436 : vector<16xi1>, vector<16xi32>
      %reduce_sum3A_438 = arith.constant true
      %reduce_sum3A_439 = vector.broadcast %reduce_sum3A_438 : i1 to vector<16xi1>
      %reduce_sum3A_440 = tpu.scan <sum>, %select_n3A_437 masked %reduce_sum3A_439 : vector<16xi32>, vector<16xi1> -> vector<16xi32>
      %reduce_sum3A_441 = vector.extract %reduce_sum3A_440[15] : i32 from vector<16xi32>
      %mul3A_442 = arith.constant 16 : i32
      %mul3A_443 = arith.muli %scan3A_210, %mul3A_442 : i32
      %add3A_444 = arith.constant 14 : i32
      %add3A_445 = arith.addi %mul3A_443, %add3A_444 : i32
      %swap3A_446 = arith.index_cast %add3A_445 : i32 to index
      %swap3A_447 = memref.load %arg9[%swap3A_446] : memref<128xi32, #tpu.memory_space<smem>>
      memref.store %reduce_sum3A_441, %arg9[%swap3A_446] : memref<128xi32, #tpu.memory_space<smem>>
      %eq3A_448 = arith.constant 15 : i32
      %eq3A_449 = vector.broadcast %eq3A_448 : i32 to vector<16xi32>
      %eq3A_450 = arith.cmpi eq, %iota3A, %eq3A_449 : vector<16xi32>
      %jit3A_451 = arith.constant 0 : i32
      %broadcast_in_dim3A_452 = vector.broadcast %jit3A_451 : i32 to vector<16xi32>
      %select_n3A_453 = arith.select %eq3A_450, %get3A_213, %broadcast_in_dim3A_452 : vector<16xi1>, vector<16xi32>
      %reduce_sum3A_454 = arith.constant true
      %reduce_sum3A_455 = vector.broadcast %reduce_sum3A_454 : i1 to vector<16xi1>
      %reduce_sum3A_456 = tpu.scan <sum>, %select_n3A_453 masked %reduce_sum3A_455 : vector<16xi32>, vector<16xi1> -> vector<16xi32>
      %reduce_sum3A_457 = vector.extract %reduce_sum3A_456[15] : i32 from vector<16xi32>
      %mul3A_458 = arith.constant 16 : i32
      %mul3A_459 = arith.muli %scan3A_210, %mul3A_458 : i32
      %add3A_460 = arith.constant 15 : i32
      %add3A_461 = arith.addi %mul3A_459, %add3A_460 : i32
      %swap3A_462 = arith.index_cast %add3A_461 : i32 to index
      %swap3A_463 = memref.load %arg9[%swap3A_462] : memref<128xi32, #tpu.memory_space<smem>>
      memref.store %reduce_sum3A_457, %arg9[%swap3A_462] : memref<128xi32, #tpu.memory_space<smem>>
    }
    %scan3A_79 = arith.constant 8 : i32
    %scan3A_80 = arith.constant 0 : i32
    %scan3A_81 = arith.constant 0 : i32
    %scan3A_82 = arith.constant 40 : i32
    %scan3A_83 = arith.addi %scan3A_81, %scan3A_82 : i32
    %scan3A_84 = arith.constant 1 : i32
    scf.for %scan3A_210 = %scan3A_81 to %scan3A_83 step %scan3A_84  : i32 {
      %mul3A_211 = arith.constant 16 : i32
      %mul3A_212 = arith.muli %scan3A_210, %mul3A_211 : i32
      %get3A = arith.index_cast %mul3A_212 : i32 to index
      %get3A_213 = tpu.vector_load %arg8[%get3A] {strides = array<i32>} : memref<640xi32, #tpu.memory_space<vmem>>, vector<16xi32>,
      %eq3A = arith.constant 0 : i32
      %eq3A_214 = vector.broadcast %eq3A : i32 to vector<16xi32>
      %eq3A_215 = arith.cmpi eq, %iota3A, %eq3A_214 : vector<16xi32>
      %jit3A = arith.constant 0 : i32
      %broadcast_in_dim3A = vector.broadcast %jit3A : i32 to vector<16xi32>
      %select_n3A = arith.select %eq3A_215, %get3A_213, %broadcast_in_dim3A : vector<16xi1>, vector<16xi32>
      %reduce_sum3A = arith.constant true
      %reduce_sum3A_216 = vector.broadcast %reduce_sum3A : i1 to vector<16xi1>
      %reduce_sum3A_217 = tpu.scan <sum>, %select_n3A masked %reduce_sum3A_216 : vector<16xi32>, vector<16xi1> -> vector<16xi32>
      %reduce_sum3A_218 = vector.extract %reduce_sum3A_217[15] : i32 from vector<16xi32>
      %mul3A_219 = arith.constant 16 : i32
      %mul3A_220 = arith.muli %scan3A_210, %mul3A_219 : i32
      %add3A_221 = arith.constant 0 : i32
      %add3A_222 = arith.addi %mul3A_220, %add3A_221 : i32
      %swap3A = arith.index_cast %add3A_222 : i32 to index
      %swap3A_223 = memref.load %arg10[%swap3A] : memref<640xi32, #tpu.memory_space<smem>>
      memref.store %reduce_sum3A_218, %arg10[%swap3A] : memref<640xi32, #tpu.memory_space<smem>>
      %eq3A_224 = arith.constant 1 : i32
      %eq3A_225 = vector.broadcast %eq3A_224 : i32 to vector<16xi32>
      %eq3A_226 = arith.cmpi eq, %iota3A, %eq3A_225 : vector<16xi32>
      %jit3A_227 = arith.constant 0 : i32
      %broadcast_in_dim3A_228 = vector.broadcast %jit3A_227 : i32 to vector<16xi32>
      %select_n3A_229 = arith.select %eq3A_226, %get3A_213, %broadcast_in_dim3A_228 : vector<16xi1>, vector<16xi32>
      %reduce_sum3A_230 = arith.constant true
      %reduce_sum3A_231 = vector.broadcast %reduce_sum3A_230 : i1 to vector<16xi1>
      %reduce_sum3A_232 = tpu.scan <sum>, %select_n3A_229 masked %reduce_sum3A_231 : vector<16xi32>, vector<16xi1> -> vector<16xi32>
      %reduce_sum3A_233 = vector.extract %reduce_sum3A_232[15] : i32 from vector<16xi32>
      %mul3A_234 = arith.constant 16 : i32
      %mul3A_235 = arith.muli %scan3A_210, %mul3A_234 : i32
      %add3A_236 = arith.constant 1 : i32
      %add3A_237 = arith.addi %mul3A_235, %add3A_236 : i32
      %swap3A_238 = arith.index_cast %add3A_237 : i32 to index
      %swap3A_239 = memref.load %arg10[%swap3A_238] : memref<640xi32, #tpu.memory_space<smem>>
      memref.store %reduce_sum3A_233, %arg10[%swap3A_238] : memref<640xi32, #tpu.memory_space<smem>>
      %eq3A_240 = arith.constant 2 : i32
      %eq3A_241 = vector.broadcast %eq3A_240 : i32 to vector<16xi32>
      %eq3A_242 = arith.cmpi eq, %iota3A, %eq3A_241 : vector<16xi32>
      %jit3A_243 = arith.constant 0 : i32
      %broadcast_in_dim3A_244 = vector.broadcast %jit3A_243 : i32 to vector<16xi32>
      %select_n3A_245 = arith.select %eq3A_242, %get3A_213, %broadcast_in_dim3A_244 : vector<16xi1>, vector<16xi32>
      %reduce_sum3A_246 = arith.constant true
      %reduce_sum3A_247 = vector.broadcast %reduce_sum3A_246 : i1 to vector<16xi1>
      %reduce_sum3A_248 = tpu.scan <sum>, %select_n3A_245 masked %reduce_sum3A_247 : vector<16xi32>, vector<16xi1> -> vector<16xi32>
      %reduce_sum3A_249 = vector.extract %reduce_sum3A_248[15] : i32 from vector<16xi32>
      %mul3A_250 = arith.constant 16 : i32
      %mul3A_251 = arith.muli %scan3A_210, %mul3A_250 : i32
      %add3A_252 = arith.constant 2 : i32
      %add3A_253 = arith.addi %mul3A_251, %add3A_252 : i32
      %swap3A_254 = arith.index_cast %add3A_253 : i32 to index
      %swap3A_255 = memref.load %arg10[%swap3A_254] : memref<640xi32, #tpu.memory_space<smem>>
      memref.store %reduce_sum3A_249, %arg10[%swap3A_254] : memref<640xi32, #tpu.memory_space<smem>>
      %eq3A_256 = arith.constant 3 : i32
      %eq3A_257 = vector.broadcast %eq3A_256 : i32 to vector<16xi32>
      %eq3A_258 = arith.cmpi eq, %iota3A, %eq3A_257 : vector<16xi32>
      %jit3A_259 = arith.constant 0 : i32
      %broadcast_in_dim3A_260 = vector.broadcast %jit3A_259 : i32 to vector<16xi32>
      %select_n3A_261 = arith.select %eq3A_258, %get3A_213, %broadcast_in_dim3A_260 : vector<16xi1>, vector<16xi32>
      %reduce_sum3A_262 = arith.constant true
      %reduce_sum3A_263 = vector.broadcast %reduce_sum3A_262 : i1 to vector<16xi1>
      %reduce_sum3A_264 = tpu.scan <sum>, %select_n3A_261 masked %reduce_sum3A_263 : vector<16xi32>, vector<16xi1> -> vector<16xi32>
      %reduce_sum3A_265 = vector.extract %reduce_sum3A_264[15] : i32 from vector<16xi32>
      %mul3A_266 = arith.constant 16 : i32
      %mul3A_267 = arith.muli %scan3A_210, %mul3A_266 : i32
      %add3A_268 = arith.constant 3 : i32
      %add3A_269 = arith.addi %mul3A_267, %add3A_268 : i32
      %swap3A_270 = arith.index_cast %add3A_269 : i32 to index
      %swap3A_271 = memref.load %arg10[%swap3A_270] : memref<640xi32, #tpu.memory_space<smem>>
      memref.store %reduce_sum3A_265, %arg10[%swap3A_270] : memref<640xi32, #tpu.memory_space<smem>>
      %eq3A_272 = arith.constant 4 : i32
      %eq3A_273 = vector.broadcast %eq3A_272 : i32 to vector<16xi32>
      %eq3A_274 = arith.cmpi eq, %iota3A, %eq3A_273 : vector<16xi32>
      %jit3A_275 = arith.constant 0 : i32
      %broadcast_in_dim3A_276 = vector.broadcast %jit3A_275 : i32 to vector<16xi32>
      %select_n3A_277 = arith.select %eq3A_274, %get3A_213, %broadcast_in_dim3A_276 : vector<16xi1>, vector<16xi32>
      %reduce_sum3A_278 = arith.constant true
      %reduce_sum3A_279 = vector.broadcast %reduce_sum3A_278 : i1 to vector<16xi1>
      %reduce_sum3A_280 = tpu.scan <sum>, %select_n3A_277 masked %reduce_sum3A_279 : vector<16xi32>, vector<16xi1> -> vector<16xi32>
      %reduce_sum3A_281 = vector.extract %reduce_sum3A_280[15] : i32 from vector<16xi32>
      %mul3A_282 = arith.constant 16 : i32
      %mul3A_283 = arith.muli %scan3A_210, %mul3A_282 : i32
      %add3A_284 = arith.constant 4 : i32
      %add3A_285 = arith.addi %mul3A_283, %add3A_284 : i32
      %swap3A_286 = arith.index_cast %add3A_285 : i32 to index
      %swap3A_287 = memref.load %arg10[%swap3A_286] : memref<640xi32, #tpu.memory_space<smem>>
      memref.store %reduce_sum3A_281, %arg10[%swap3A_286] : memref<640xi32, #tpu.memory_space<smem>>
      %eq3A_288 = arith.constant 5 : i32
      %eq3A_289 = vector.broadcast %eq3A_288 : i32 to vector<16xi32>
      %eq3A_290 = arith.cmpi eq, %iota3A, %eq3A_289 : vector<16xi32>
      %jit3A_291 = arith.constant 0 : i32
      %broadcast_in_dim3A_292 = vector.broadcast %jit3A_291 : i32 to vector<16xi32>
      %select_n3A_293 = arith.select %eq3A_290, %get3A_213, %broadcast_in_dim3A_292 : vector<16xi1>, vector<16xi32>
      %reduce_sum3A_294 = arith.constant true
      %reduce_sum3A_295 = vector.broadcast %reduce_sum3A_294 : i1 to vector<16xi1>
      %reduce_sum3A_296 = tpu.scan <sum>, %select_n3A_293 masked %reduce_sum3A_295 : vector<16xi32>, vector<16xi1> -> vector<16xi32>
      %reduce_sum3A_297 = vector.extract %reduce_sum3A_296[15] : i32 from vector<16xi32>
      %mul3A_298 = arith.constant 16 : i32
      %mul3A_299 = arith.muli %scan3A_210, %mul3A_298 : i32
      %add3A_300 = arith.constant 5 : i32
      %add3A_301 = arith.addi %mul3A_299, %add3A_300 : i32
      %swap3A_302 = arith.index_cast %add3A_301 : i32 to index
      %swap3A_303 = memref.load %arg10[%swap3A_302] : memref<640xi32, #tpu.memory_space<smem>>
      memref.store %reduce_sum3A_297, %arg10[%swap3A_302] : memref<640xi32, #tpu.memory_space<smem>>
      %eq3A_304 = arith.constant 6 : i32
      %eq3A_305 = vector.broadcast %eq3A_304 : i32 to vector<16xi32>
      %eq3A_306 = arith.cmpi eq, %iota3A, %eq3A_305 : vector<16xi32>
      %jit3A_307 = arith.constant 0 : i32
      %broadcast_in_dim3A_308 = vector.broadcast %jit3A_307 : i32 to vector<16xi32>
      %select_n3A_309 = arith.select %eq3A_306, %get3A_213, %broadcast_in_dim3A_308 : vector<16xi1>, vector<16xi32>
      %reduce_sum3A_310 = arith.constant true
      %reduce_sum3A_311 = vector.broadcast %reduce_sum3A_310 : i1 to vector<16xi1>
      %reduce_sum3A_312 = tpu.scan <sum>, %select_n3A_309 masked %reduce_sum3A_311 : vector<16xi32>, vector<16xi1> -> vector<16xi32>
      %reduce_sum3A_313 = vector.extract %reduce_sum3A_312[15] : i32 from vector<16xi32>
      %mul3A_314 = arith.constant 16 : i32
      %mul3A_315 = arith.muli %scan3A_210, %mul3A_314 : i32
      %add3A_316 = arith.constant 6 : i32
      %add3A_317 = arith.addi %mul3A_315, %add3A_316 : i32
      %swap3A_318 = arith.index_cast %add3A_317 : i32 to index
      %swap3A_319 = memref.load %arg10[%swap3A_318] : memref<640xi32, #tpu.memory_space<smem>>
      memref.store %reduce_sum3A_313, %arg10[%swap3A_318] : memref<640xi32, #tpu.memory_space<smem>>
      %eq3A_320 = arith.constant 7 : i32
      %eq3A_321 = vector.broadcast %eq3A_320 : i32 to vector<16xi32>
      %eq3A_322 = arith.cmpi eq, %iota3A, %eq3A_321 : vector<16xi32>
      %jit3A_323 = arith.constant 0 : i32
      %broadcast_in_dim3A_324 = vector.broadcast %jit3A_323 : i32 to vector<16xi32>
      %select_n3A_325 = arith.select %eq3A_322, %get3A_213, %broadcast_in_dim3A_324 : vector<16xi1>, vector<16xi32>
      %reduce_sum3A_326 = arith.constant true
      %reduce_sum3A_327 = vector.broadcast %reduce_sum3A_326 : i1 to vector<16xi1>
      %reduce_sum3A_328 = tpu.scan <sum>, %select_n3A_325 masked %reduce_sum3A_327 : vector<16xi32>, vector<16xi1> -> vector<16xi32>
      %reduce_sum3A_329 = vector.extract %reduce_sum3A_328[15] : i32 from vector<16xi32>
      %mul3A_330 = arith.constant 16 : i32
      %mul3A_331 = arith.muli %scan3A_210, %mul3A_330 : i32
      %add3A_332 = arith.constant 7 : i32
      %add3A_333 = arith.addi %mul3A_331, %add3A_332 : i32
      %swap3A_334 = arith.index_cast %add3A_333 : i32 to index
      %swap3A_335 = memref.load %arg10[%swap3A_334] : memref<640xi32, #tpu.memory_space<smem>>
      memref.store %reduce_sum3A_329, %arg10[%swap3A_334] : memref<640xi32, #tpu.memory_space<smem>>
      %eq3A_336 = arith.constant 8 : i32
      %eq3A_337 = vector.broadcast %eq3A_336 : i32 to vector<16xi32>
      %eq3A_338 = arith.cmpi eq, %iota3A, %eq3A_337 : vector<16xi32>
      %jit3A_339 = arith.constant 0 : i32
      %broadcast_in_dim3A_340 = vector.broadcast %jit3A_339 : i32 to vector<16xi32>
      %select_n3A_341 = arith.select %eq3A_338, %get3A_213, %broadcast_in_dim3A_340 : vector<16xi1>, vector<16xi32>
      %reduce_sum3A_342 = arith.constant true
      %reduce_sum3A_343 = vector.broadcast %reduce_sum3A_342 : i1 to vector<16xi1>
      %reduce_sum3A_344 = tpu.scan <sum>, %select_n3A_341 masked %reduce_sum3A_343 : vector<16xi32>, vector<16xi1> -> vector<16xi32>
      %reduce_sum3A_345 = vector.extract %reduce_sum3A_344[15] : i32 from vector<16xi32>
      %mul3A_346 = arith.constant 16 : i32
      %mul3A_347 = arith.muli %scan3A_210, %mul3A_346 : i32
      %add3A_348 = arith.constant 8 : i32
      %add3A_349 = arith.addi %mul3A_347, %add3A_348 : i32
      %swap3A_350 = arith.index_cast %add3A_349 : i32 to index
      %swap3A_351 = memref.load %arg10[%swap3A_350] : memref<640xi32, #tpu.memory_space<smem>>
      memref.store %reduce_sum3A_345, %arg10[%swap3A_350] : memref<640xi32, #tpu.memory_space<smem>>
      %eq3A_352 = arith.constant 9 : i32
      %eq3A_353 = vector.broadcast %eq3A_352 : i32 to vector<16xi32>
      %eq3A_354 = arith.cmpi eq, %iota3A, %eq3A_353 : vector<16xi32>
      %jit3A_355 = arith.constant 0 : i32
      %broadcast_in_dim3A_356 = vector.broadcast %jit3A_355 : i32 to vector<16xi32>
      %select_n3A_357 = arith.select %eq3A_354, %get3A_213, %broadcast_in_dim3A_356 : vector<16xi1>, vector<16xi32>
      %reduce_sum3A_358 = arith.constant true
      %reduce_sum3A_359 = vector.broadcast %reduce_sum3A_358 : i1 to vector<16xi1>
      %reduce_sum3A_360 = tpu.scan <sum>, %select_n3A_357 masked %reduce_sum3A_359 : vector<16xi32>, vector<16xi1> -> vector<16xi32>
      %reduce_sum3A_361 = vector.extract %reduce_sum3A_360[15] : i32 from vector<16xi32>
      %mul3A_362 = arith.constant 16 : i32
      %mul3A_363 = arith.muli %scan3A_210, %mul3A_362 : i32
      %add3A_364 = arith.constant 9 : i32
      %add3A_365 = arith.addi %mul3A_363, %add3A_364 : i32
      %swap3A_366 = arith.index_cast %add3A_365 : i32 to index
      %swap3A_367 = memref.load %arg10[%swap3A_366] : memref<640xi32, #tpu.memory_space<smem>>
      memref.store %reduce_sum3A_361, %arg10[%swap3A_366] : memref<640xi32, #tpu.memory_space<smem>>
      %eq3A_368 = arith.constant 10 : i32
      %eq3A_369 = vector.broadcast %eq3A_368 : i32 to vector<16xi32>
      %eq3A_370 = arith.cmpi eq, %iota3A, %eq3A_369 : vector<16xi32>
      %jit3A_371 = arith.constant 0 : i32
      %broadcast_in_dim3A_372 = vector.broadcast %jit3A_371 : i32 to vector<16xi32>
      %select_n3A_373 = arith.select %eq3A_370, %get3A_213, %broadcast_in_dim3A_372 : vector<16xi1>, vector<16xi32>
      %reduce_sum3A_374 = arith.constant true
      %reduce_sum3A_375 = vector.broadcast %reduce_sum3A_374 : i1 to vector<16xi1>
      %reduce_sum3A_376 = tpu.scan <sum>, %select_n3A_373 masked %reduce_sum3A_375 : vector<16xi32>, vector<16xi1> -> vector<16xi32>
      %reduce_sum3A_377 = vector.extract %reduce_sum3A_376[15] : i32 from vector<16xi32>
      %mul3A_378 = arith.constant 16 : i32
      %mul3A_379 = arith.muli %scan3A_210, %mul3A_378 : i32
      %add3A_380 = arith.constant 10 : i32
      %add3A_381 = arith.addi %mul3A_379, %add3A_380 : i32
      %swap3A_382 = arith.index_cast %add3A_381 : i32 to index
      %swap3A_383 = memref.load %arg10[%swap3A_382] : memref<640xi32, #tpu.memory_space<smem>>
      memref.store %reduce_sum3A_377, %arg10[%swap3A_382] : memref<640xi32, #tpu.memory_space<smem>>
      %eq3A_384 = arith.constant 11 : i32
      %eq3A_385 = vector.broadcast %eq3A_384 : i32 to vector<16xi32>
      %eq3A_386 = arith.cmpi eq, %iota3A, %eq3A_385 : vector<16xi32>
      %jit3A_387 = arith.constant 0 : i32
      %broadcast_in_dim3A_388 = vector.broadcast %jit3A_387 : i32 to vector<16xi32>
      %select_n3A_389 = arith.select %eq3A_386, %get3A_213, %broadcast_in_dim3A_388 : vector<16xi1>, vector<16xi32>
      %reduce_sum3A_390 = arith.constant true
      %reduce_sum3A_391 = vector.broadcast %reduce_sum3A_390 : i1 to vector<16xi1>
      %reduce_sum3A_392 = tpu.scan <sum>, %select_n3A_389 masked %reduce_sum3A_391 : vector<16xi32>, vector<16xi1> -> vector<16xi32>
      %reduce_sum3A_393 = vector.extract %reduce_sum3A_392[15] : i32 from vector<16xi32>
      %mul3A_394 = arith.constant 16 : i32
      %mul3A_395 = arith.muli %scan3A_210, %mul3A_394 : i32
      %add3A_396 = arith.constant 11 : i32
      %add3A_397 = arith.addi %mul3A_395, %add3A_396 : i32
      %swap3A_398 = arith.index_cast %add3A_397 : i32 to index
      %swap3A_399 = memref.load %arg10[%swap3A_398] : memref<640xi32, #tpu.memory_space<smem>>
      memref.store %reduce_sum3A_393, %arg10[%swap3A_398] : memref<640xi32, #tpu.memory_space<smem>>
      %eq3A_400 = arith.constant 12 : i32
      %eq3A_401 = vector.broadcast %eq3A_400 : i32 to vector<16xi32>
      %eq3A_402 = arith.cmpi eq, %iota3A, %eq3A_401 : vector<16xi32>
      %jit3A_403 = arith.constant 0 : i32
      %broadcast_in_dim3A_404 = vector.broadcast %jit3A_403 : i32 to vector<16xi32>
      %select_n3A_405 = arith.select %eq3A_402, %get3A_213, %broadcast_in_dim3A_404 : vector<16xi1>, vector<16xi32>
      %reduce_sum3A_406 = arith.constant true
      %reduce_sum3A_407 = vector.broadcast %reduce_sum3A_406 : i1 to vector<16xi1>
      %reduce_sum3A_408 = tpu.scan <sum>, %select_n3A_405 masked %reduce_sum3A_407 : vector<16xi32>, vector<16xi1> -> vector<16xi32>
      %reduce_sum3A_409 = vector.extract %reduce_sum3A_408[15] : i32 from vector<16xi32>
      %mul3A_410 = arith.constant 16 : i32
      %mul3A_411 = arith.muli %scan3A_210, %mul3A_410 : i32
      %add3A_412 = arith.constant 12 : i32
      %add3A_413 = arith.addi %mul3A_411, %add3A_412 : i32
      %swap3A_414 = arith.index_cast %add3A_413 : i32 to index
      %swap3A_415 = memref.load %arg10[%swap3A_414] : memref<640xi32, #tpu.memory_space<smem>>
      memref.store %reduce_sum3A_409, %arg10[%swap3A_414] : memref<640xi32, #tpu.memory_space<smem>>
      %eq3A_416 = arith.constant 13 : i32
      %eq3A_417 = vector.broadcast %eq3A_416 : i32 to vector<16xi32>
      %eq3A_418 = arith.cmpi eq, %iota3A, %eq3A_417 : vector<16xi32>
      %jit3A_419 = arith.constant 0 : i32
      %broadcast_in_dim3A_420 = vector.broadcast %jit3A_419 : i32 to vector<16xi32>
      %select_n3A_421 = arith.select %eq3A_418, %get3A_213, %broadcast_in_dim3A_420 : vector<16xi1>, vector<16xi32>
      %reduce_sum3A_422 = arith.constant true
      %reduce_sum3A_423 = vector.broadcast %reduce_sum3A_422 : i1 to vector<16xi1>
      %reduce_sum3A_424 = tpu.scan <sum>, %select_n3A_421 masked %reduce_sum3A_423 : vector<16xi32>, vector<16xi1> -> vector<16xi32>
      %reduce_sum3A_425 = vector.extract %reduce_sum3A_424[15] : i32 from vector<16xi32>
      %mul3A_426 = arith.constant 16 : i32
      %mul3A_427 = arith.muli %scan3A_210, %mul3A_426 : i32
      %add3A_428 = arith.constant 13 : i32
      %add3A_429 = arith.addi %mul3A_427, %add3A_428 : i32
      %swap3A_430 = arith.index_cast %add3A_429 : i32 to index
      %swap3A_431 = memref.load %arg10[%swap3A_430] : memref<640xi32, #tpu.memory_space<smem>>
      memref.store %reduce_sum3A_425, %arg10[%swap3A_430] : memref<640xi32, #tpu.memory_space<smem>>
      %eq3A_432 = arith.constant 14 : i32
      %eq3A_433 = vector.broadcast %eq3A_432 : i32 to vector<16xi32>
      %eq3A_434 = arith.cmpi eq, %iota3A, %eq3A_433 : vector<16xi32>
      %jit3A_435 = arith.constant 0 : i32
      %broadcast_in_dim3A_436 = vector.broadcast %jit3A_435 : i32 to vector<16xi32>
      %select_n3A_437 = arith.select %eq3A_434, %get3A_213, %broadcast_in_dim3A_436 : vector<16xi1>, vector<16xi32>
      %reduce_sum3A_438 = arith.constant true
      %reduce_sum3A_439 = vector.broadcast %reduce_sum3A_438 : i1 to vector<16xi1>
      %reduce_sum3A_440 = tpu.scan <sum>, %select_n3A_437 masked %reduce_sum3A_439 : vector<16xi32>, vector<16xi1> -> vector<16xi32>
      %reduce_sum3A_441 = vector.extract %reduce_sum3A_440[15] : i32 from vector<16xi32>
      %mul3A_442 = arith.constant 16 : i32
      %mul3A_443 = arith.muli %scan3A_210, %mul3A_442 : i32
      %add3A_444 = arith.constant 14 : i32
      %add3A_445 = arith.addi %mul3A_443, %add3A_444 : i32
      %swap3A_446 = arith.index_cast %add3A_445 : i32 to index
      %swap3A_447 = memref.load %arg10[%swap3A_446] : memref<640xi32, #tpu.memory_space<smem>>
      memref.store %reduce_sum3A_441, %arg10[%swap3A_446] : memref<640xi32, #tpu.memory_space<smem>>
      %eq3A_448 = arith.constant 15 : i32
      %eq3A_449 = vector.broadcast %eq3A_448 : i32 to vector<16xi32>
      %eq3A_450 = arith.cmpi eq, %iota3A, %eq3A_449 : vector<16xi32>
      %jit3A_451 = arith.constant 0 : i32
      %broadcast_in_dim3A_452 = vector.broadcast %jit3A_451 : i32 to vector<16xi32>
      %select_n3A_453 = arith.select %eq3A_450, %get3A_213, %broadcast_in_dim3A_452 : vector<16xi1>, vector<16xi32>
      %reduce_sum3A_454 = arith.constant true
      %reduce_sum3A_455 = vector.broadcast %reduce_sum3A_454 : i1 to vector<16xi1>
      %reduce_sum3A_456 = tpu.scan <sum>, %select_n3A_453 masked %reduce_sum3A_455 : vector<16xi32>, vector<16xi1> -> vector<16xi32>
      %reduce_sum3A_457 = vector.extract %reduce_sum3A_456[15] : i32 from vector<16xi32>
      %mul3A_458 = arith.constant 16 : i32
      %mul3A_459 = arith.muli %scan3A_210, %mul3A_458 : i32
      %add3A_460 = arith.constant 15 : i32
      %add3A_461 = arith.addi %mul3A_459, %add3A_460 : i32
      %swap3A_462 = arith.index_cast %add3A_461 : i32 to index
      %swap3A_463 = memref.load %arg10[%swap3A_462] : memref<640xi32, #tpu.memory_space<smem>>
      memref.store %reduce_sum3A_457, %arg10[%swap3A_462] : memref<640xi32, #tpu.memory_space<smem>>
    }
    %scan3A_85 = arith.constant 40 : i32
    %scan3A_86 = arith.constant 0 : i32
    %scan3A_87 = arith.constant 0 : i32
    %scan3A_88 = arith.constant 128 : i32
    %scan3A_89 = arith.addi %scan3A_87, %scan3A_88 : i32
    %scan3A_90 = arith.constant 1 : i32
    scf.for %scan3A_210 = %scan3A_87 to %scan3A_89 step %scan3A_90  : i32 {
      %get3A = arith.index_cast %scan3A_210 : i32 to index
      %get3A_211 = memref.load %arg9[%get3A] : memref<128xi32, #tpu.memory_space<smem>>
      %dma_start3A_212 = arith.constant 0 : i32
      %dma_start3A_213 = tpu.memref_slice %arg11[%scan3A_210, %dma_start3A_212] : memref<128x64xf32, #tpu.memory_space<vmem>> -> memref<1x64xf32, #tpu.memory_space<vmem>>
      %dma_start3A_214 = tpu.memref_squeeze %dma_start3A_213 : memref<1x64xf32, #tpu.memory_space<vmem>> -> memref<64xf32, #tpu.memory_space<vmem>>
      %dma_start3A_215 = arith.constant 0 : i32
      %dma_start3A_216 = tpu.memref_slice %arg4[%get3A_211, %dma_start3A_215] : memref<100000x64xf32, #tpu.memory_space<hbm>> -> memref<1x64xf32, #tpu.memory_space<hbm>>
      %dma_start3A_217 = tpu.memref_squeeze %dma_start3A_216 : memref<1x64xf32, #tpu.memory_space<hbm>> -> memref<64xf32, #tpu.memory_space<hbm>>
      %dma_start3A_218 = arith.constant 0 : i32
      %dma_start3A_219 = tpu.memref_slice %arg11[%scan3A_210, %dma_start3A_218] : memref<128x64xf32, #tpu.memory_space<vmem>> -> memref<1x64xf32, #tpu.memory_space<vmem>>
      %dma_start3A_220 = tpu.memref_squeeze %dma_start3A_219 : memref<1x64xf32, #tpu.memory_space<vmem>> -> memref<64xf32, #tpu.memory_space<vmem>>
      %dma_start3A_221 = arith.constant 0 : i32
      %dma_start3A_222 = tpu.memref_slice %arg4[%get3A_211, %dma_start3A_221] : memref<100000x64xf32, #tpu.memory_space<hbm>> -> memref<1x64xf32, #tpu.memory_space<hbm>>
      %dma_start3A_223 = tpu.memref_squeeze %dma_start3A_222 : memref<1x64xf32, #tpu.memory_space<hbm>> -> memref<64xf32, #tpu.memory_space<hbm>>
      tpu.enqueue_dma source(%dma_start3A_223 : memref<64xf32, #tpu.memory_space<hbm>>) target(%dma_start3A_220 : memref<64xf32, #tpu.memory_space<vmem>>) target_semaphore(%arg15 : memref<!tpu.dma_semaphore, #tpu.memory_space<semaphore_mem>>)
      %add3A_224 = arith.constant 0 : i32
      %add3A_225 = arith.addi %add3A_224, %scan3A_210 : i32
      %get3A_226 = arith.index_cast %add3A_225 : i32 to index
      %get3A_227 = memref.load %arg10[%get3A_226] : memref<640xi32, #tpu.memory_space<smem>>
      %mul3A_228 = arith.constant 5 : i32
      %mul3A_229 = arith.muli %scan3A_210, %mul3A_228 : i32
      %add3A_230 = arith.constant 0 : i32
      %add3A_231 = arith.addi %mul3A_229, %add3A_230 : i32
      %dma_start3A_232 = arith.constant 0 : i32
      %dma_start3A_233 = tpu.memref_slice %arg12[%add3A_231, %dma_start3A_232] : memref<640x64xf32, #tpu.memory_space<vmem>> -> memref<1x64xf32, #tpu.memory_space<vmem>>
      %dma_start3A_234 = tpu.memref_squeeze %dma_start3A_233 : memref<1x64xf32, #tpu.memory_space<vmem>> -> memref<64xf32, #tpu.memory_space<vmem>>
      %dma_start3A_235 = arith.constant 0 : i32
      %dma_start3A_236 = tpu.memref_slice %arg5[%get3A_227, %dma_start3A_235] : memref<100000x64xf32, #tpu.memory_space<hbm>> -> memref<1x64xf32, #tpu.memory_space<hbm>>
      %dma_start3A_237 = tpu.memref_squeeze %dma_start3A_236 : memref<1x64xf32, #tpu.memory_space<hbm>> -> memref<64xf32, #tpu.memory_space<hbm>>
      %dma_start3A_238 = arith.constant 0 : i32
      %dma_start3A_239 = tpu.memref_slice %arg12[%add3A_231, %dma_start3A_238] : memref<640x64xf32, #tpu.memory_space<vmem>> -> memref<1x64xf32, #tpu.memory_space<vmem>>
      %dma_start3A_240 = tpu.memref_squeeze %dma_start3A_239 : memref<1x64xf32, #tpu.memory_space<vmem>> -> memref<64xf32, #tpu.memory_space<vmem>>
      %dma_start3A_241 = arith.constant 0 : i32
      %dma_start3A_242 = tpu.memref_slice %arg5[%get3A_227, %dma_start3A_241] : memref<100000x64xf32, #tpu.memory_space<hbm>> -> memref<1x64xf32, #tpu.memory_space<hbm>>
      %dma_start3A_243 = tpu.memref_squeeze %dma_start3A_242 : memref<1x64xf32, #tpu.memory_space<hbm>> -> memref<64xf32, #tpu.memory_space<hbm>>
      tpu.enqueue_dma source(%dma_start3A_243 : memref<64xf32, #tpu.memory_space<hbm>>) target(%dma_start3A_240 : memref<64xf32, #tpu.memory_space<vmem>>) target_semaphore(%arg15 : memref<!tpu.dma_semaphore, #tpu.memory_space<semaphore_mem>>)
      %add3A_244 = arith.constant 128 : i32
      %add3A_245 = arith.addi %add3A_244, %scan3A_210 : i32
      %get3A_246 = arith.index_cast %add3A_245 : i32 to index
      %get3A_247 = memref.load %arg10[%get3A_246] : memref<640xi32, #tpu.memory_space<smem>>
      %mul3A_248 = arith.constant 5 : i32
      %mul3A_249 = arith.muli %scan3A_210, %mul3A_248 : i32
      %add3A_250 = arith.constant 1 : i32
      %add3A_251 = arith.addi %mul3A_249, %add3A_250 : i32
      %dma_start3A_252 = arith.constant 0 : i32
      %dma_start3A_253 = tpu.memref_slice %arg12[%add3A_251, %dma_start3A_252] : memref<640x64xf32, #tpu.memory_space<vmem>> -> memref<1x64xf32, #tpu.memory_space<vmem>>
      %dma_start3A_254 = tpu.memref_squeeze %dma_start3A_253 : memref<1x64xf32, #tpu.memory_space<vmem>> -> memref<64xf32, #tpu.memory_space<vmem>>
      %dma_start3A_255 = arith.constant 0 : i32
      %dma_start3A_256 = tpu.memref_slice %arg5[%get3A_247, %dma_start3A_255] : memref<100000x64xf32, #tpu.memory_space<hbm>> -> memref<1x64xf32, #tpu.memory_space<hbm>>
      %dma_start3A_257 = tpu.memref_squeeze %dma_start3A_256 : memref<1x64xf32, #tpu.memory_space<hbm>> -> memref<64xf32, #tpu.memory_space<hbm>>
      %dma_start3A_258 = arith.constant 0 : i32
      %dma_start3A_259 = tpu.memref_slice %arg12[%add3A_251, %dma_start3A_258] : memref<640x64xf32, #tpu.memory_space<vmem>> -> memref<1x64xf32, #tpu.memory_space<vmem>>
      %dma_start3A_260 = tpu.memref_squeeze %dma_start3A_259 : memref<1x64xf32, #tpu.memory_space<vmem>> -> memref<64xf32, #tpu.memory_space<vmem>>
      %dma_start3A_261 = arith.constant 0 : i32
      %dma_start3A_262 = tpu.memref_slice %arg5[%get3A_247, %dma_start3A_261] : memref<100000x64xf32, #tpu.memory_space<hbm>> -> memref<1x64xf32, #tpu.memory_space<hbm>>
      %dma_start3A_263 = tpu.memref_squeeze %dma_start3A_262 : memref<1x64xf32, #tpu.memory_space<hbm>> -> memref<64xf32, #tpu.memory_space<hbm>>
      tpu.enqueue_dma source(%dma_start3A_263 : memref<64xf32, #tpu.memory_space<hbm>>) target(%dma_start3A_260 : memref<64xf32, #tpu.memory_space<vmem>>) target_semaphore(%arg15 : memref<!tpu.dma_semaphore, #tpu.memory_space<semaphore_mem>>)
      %add3A_264 = arith.constant 256 : i32
      %add3A_265 = arith.addi %add3A_264, %scan3A_210 : i32
      %get3A_266 = arith.index_cast %add3A_265 : i32 to index
      %get3A_267 = memref.load %arg10[%get3A_266] : memref<640xi32, #tpu.memory_space<smem>>
      %mul3A_268 = arith.constant 5 : i32
      %mul3A_269 = arith.muli %scan3A_210, %mul3A_268 : i32
      %add3A_270 = arith.constant 2 : i32
      %add3A_271 = arith.addi %mul3A_269, %add3A_270 : i32
      %dma_start3A_272 = arith.constant 0 : i32
      %dma_start3A_273 = tpu.memref_slice %arg12[%add3A_271, %dma_start3A_272] : memref<640x64xf32, #tpu.memory_space<vmem>> -> memref<1x64xf32, #tpu.memory_space<vmem>>
      %dma_start3A_274 = tpu.memref_squeeze %dma_start3A_273 : memref<1x64xf32, #tpu.memory_space<vmem>> -> memref<64xf32, #tpu.memory_space<vmem>>
      %dma_start3A_275 = arith.constant 0 : i32
      %dma_start3A_276 = tpu.memref_slice %arg5[%get3A_267, %dma_start3A_275] : memref<100000x64xf32, #tpu.memory_space<hbm>> -> memref<1x64xf32, #tpu.memory_space<hbm>>
      %dma_start3A_277 = tpu.memref_squeeze %dma_start3A_276 : memref<1x64xf32, #tpu.memory_space<hbm>> -> memref<64xf32, #tpu.memory_space<hbm>>
      %dma_start3A_278 = arith.constant 0 : i32
      %dma_start3A_279 = tpu.memref_slice %arg12[%add3A_271, %dma_start3A_278] : memref<640x64xf32, #tpu.memory_space<vmem>> -> memref<1x64xf32, #tpu.memory_space<vmem>>
      %dma_start3A_280 = tpu.memref_squeeze %dma_start3A_279 : memref<1x64xf32, #tpu.memory_space<vmem>> -> memref<64xf32, #tpu.memory_space<vmem>>
      %dma_start3A_281 = arith.constant 0 : i32
      %dma_start3A_282 = tpu.memref_slice %arg5[%get3A_267, %dma_start3A_281] : memref<100000x64xf32, #tpu.memory_space<hbm>> -> memref<1x64xf32, #tpu.memory_space<hbm>>
      %dma_start3A_283 = tpu.memref_squeeze %dma_start3A_282 : memref<1x64xf32, #tpu.memory_space<hbm>> -> memref<64xf32, #tpu.memory_space<hbm>>
      tpu.enqueue_dma source(%dma_start3A_283 : memref<64xf32, #tpu.memory_space<hbm>>) target(%dma_start3A_280 : memref<64xf32, #tpu.memory_space<vmem>>) target_semaphore(%arg15 : memref<!tpu.dma_semaphore, #tpu.memory_space<semaphore_mem>>)
      %add3A_284 = arith.constant 384 : i32
      %add3A_285 = arith.addi %add3A_284, %scan3A_210 : i32
      %get3A_286 = arith.index_cast %add3A_285 : i32 to index
      %get3A_287 = memref.load %arg10[%get3A_286] : memref<640xi32, #tpu.memory_space<smem>>
      %mul3A_288 = arith.constant 5 : i32
      %mul3A_289 = arith.muli %scan3A_210, %mul3A_288 : i32
      %add3A_290 = arith.constant 3 : i32
      %add3A_291 = arith.addi %mul3A_289, %add3A_290 : i32
      %dma_start3A_292 = arith.constant 0 : i32
      %dma_start3A_293 = tpu.memref_slice %arg12[%add3A_291, %dma_start3A_292] : memref<640x64xf32, #tpu.memory_space<vmem>> -> memref<1x64xf32, #tpu.memory_space<vmem>>
      %dma_start3A_294 = tpu.memref_squeeze %dma_start3A_293 : memref<1x64xf32, #tpu.memory_space<vmem>> -> memref<64xf32, #tpu.memory_space<vmem>>
      %dma_start3A_295 = arith.constant 0 : i32
      %dma_start3A_296 = tpu.memref_slice %arg5[%get3A_287, %dma_start3A_295] : memref<100000x64xf32, #tpu.memory_space<hbm>> -> memref<1x64xf32, #tpu.memory_space<hbm>>
      %dma_start3A_297 = tpu.memref_squeeze %dma_start3A_296 : memref<1x64xf32, #tpu.memory_space<hbm>> -> memref<64xf32, #tpu.memory_space<hbm>>
      %dma_start3A_298 = arith.constant 0 : i32
      %dma_start3A_299 = tpu.memref_slice %arg12[%add3A_291, %dma_start3A_298] : memref<640x64xf32, #tpu.memory_space<vmem>> -> memref<1x64xf32, #tpu.memory_space<vmem>>
      %dma_start3A_300 = tpu.memref_squeeze %dma_start3A_299 : memref<1x64xf32, #tpu.memory_space<vmem>> -> memref<64xf32, #tpu.memory_space<vmem>>
      %dma_start3A_301 = arith.constant 0 : i32
      %dma_start3A_302 = tpu.memref_slice %arg5[%get3A_287, %dma_start3A_301] : memref<100000x64xf32, #tpu.memory_space<hbm>> -> memref<1x64xf32, #tpu.memory_space<hbm>>
      %dma_start3A_303 = tpu.memref_squeeze %dma_start3A_302 : memref<1x64xf32, #tpu.memory_space<hbm>> -> memref<64xf32, #tpu.memory_space<hbm>>
      tpu.enqueue_dma source(%dma_start3A_303 : memref<64xf32, #tpu.memory_space<hbm>>) target(%dma_start3A_300 : memref<64xf32, #tpu.memory_space<vmem>>) target_semaphore(%arg15 : memref<!tpu.dma_semaphore, #tpu.memory_space<semaphore_mem>>)
      %add3A_304 = arith.constant 512 : i32
      %add3A_305 = arith.addi %add3A_304, %scan3A_210 : i32
      %get3A_306 = arith.index_cast %add3A_305 : i32 to index
      %get3A_307 = memref.load %arg10[%get3A_306] : memref<640xi32, #tpu.memory_space<smem>>
      %mul3A_308 = arith.constant 5 : i32
      %mul3A_309 = arith.muli %scan3A_210, %mul3A_308 : i32
      %add3A_310 = arith.constant 4 : i32
      %add3A_311 = arith.addi %mul3A_309, %add3A_310 : i32
      %dma_start3A_312 = arith.constant 0 : i32
      %dma_start3A_313 = tpu.memref_slice %arg12[%add3A_311, %dma_start3A_312] : memref<640x64xf32, #tpu.memory_space<vmem>> -> memref<1x64xf32, #tpu.memory_space<vmem>>
      %dma_start3A_314 = tpu.memref_squeeze %dma_start3A_313 : memref<1x64xf32, #tpu.memory_space<vmem>> -> memref<64xf32, #tpu.memory_space<vmem>>
      %dma_start3A_315 = arith.constant 0 : i32
      %dma_start3A_316 = tpu.memref_slice %arg5[%get3A_307, %dma_start3A_315] : memref<100000x64xf32, #tpu.memory_space<hbm>> -> memref<1x64xf32, #tpu.memory_space<hbm>>
      %dma_start3A_317 = tpu.memref_squeeze %dma_start3A_316 : memref<1x64xf32, #tpu.memory_space<hbm>> -> memref<64xf32, #tpu.memory_space<hbm>>
      %dma_start3A_318 = arith.constant 0 : i32
      %dma_start3A_319 = tpu.memref_slice %arg12[%add3A_311, %dma_start3A_318] : memref<640x64xf32, #tpu.memory_space<vmem>> -> memref<1x64xf32, #tpu.memory_space<vmem>>
      %dma_start3A_320 = tpu.memref_squeeze %dma_start3A_319 : memref<1x64xf32, #tpu.memory_space<vmem>> -> memref<64xf32, #tpu.memory_space<vmem>>
      %dma_start3A_321 = arith.constant 0 : i32
      %dma_start3A_322 = tpu.memref_slice %arg5[%get3A_307, %dma_start3A_321] : memref<100000x64xf32, #tpu.memory_space<hbm>> -> memref<1x64xf32, #tpu.memory_space<hbm>>
      %dma_start3A_323 = tpu.memref_squeeze %dma_start3A_322 : memref<1x64xf32, #tpu.memory_space<hbm>> -> memref<64xf32, #tpu.memory_space<hbm>>
      tpu.enqueue_dma source(%dma_start3A_323 : memref<64xf32, #tpu.memory_space<hbm>>) target(%dma_start3A_320 : memref<64xf32, #tpu.memory_space<vmem>>) target_semaphore(%arg15 : memref<!tpu.dma_semaphore, #tpu.memory_space<semaphore_mem>>)
    }
    %scan3A_91 = arith.constant 128 : i32
    %dma_wait3A_92 = arith.constant 0 : i32
    %dma_wait3A_93 = arith.constant 0 : i32
    %dma_wait3A_94 = tpu.memref_slice %arg4[%dma_wait3A_92, %dma_wait3A_93] : memref<100000x64xf32, #tpu.memory_space<hbm>> -> memref<128x64xf32, #tpu.memory_space<hbm>>
    %dma_wait3A_95 = arith.constant 0 : i32
    %dma_wait3A_96 = arith.constant 0 : i32
    %dma_wait3A_97 = tpu.memref_slice %arg4[%dma_wait3A_95, %dma_wait3A_96] : memref<100000x64xf32, #tpu.memory_space<hbm>> -> memref<128x64xf32, #tpu.memory_space<hbm>>
    tpu.wait_dma2 semaphore(%arg15 : memref<!tpu.dma_semaphore, #tpu.memory_space<semaphore_mem>>) src(%dma_wait3A_97 : memref<128x64xf32, #tpu.memory_space<hbm>>) dst(%arg11 : memref<128x64xf32, #tpu.memory_space<vmem>>)
    %dma_wait3A_98 = arith.constant 0 : i32
    %dma_wait3A_99 = arith.constant 0 : i32
    %dma_wait3A_100 = tpu.memref_slice %arg5[%dma_wait3A_98, %dma_wait3A_99] : memref<100000x64xf32, #tpu.memory_space<hbm>> -> memref<640x64xf32, #tpu.memory_space<hbm>>
    %dma_wait3A_101 = arith.constant 0 : i32
    %dma_wait3A_102 = arith.constant 0 : i32
    %dma_wait3A_103 = tpu.memref_slice %arg5[%dma_wait3A_101, %dma_wait3A_102] : memref<100000x64xf32, #tpu.memory_space<hbm>> -> memref<640x64xf32, #tpu.memory_space<hbm>>
    tpu.wait_dma2 semaphore(%arg15 : memref<!tpu.dma_semaphore, #tpu.memory_space<semaphore_mem>>) src(%dma_wait3A_103 : memref<640x64xf32, #tpu.memory_space<hbm>>) dst(%arg12 : memref<640x64xf32, #tpu.memory_space<vmem>>)
    %scan3A_104 = arith.constant 0 : i32
    %scan3A_105 = arith.constant 0 : i32
    %scan3A_106 = arith.constant 8 : i32
    %scan3A_107 = arith.addi %scan3A_105, %scan3A_106 : i32
    %scan3A_108 = arith.constant 1 : i32
    scf.for %scan3A_210 = %scan3A_105 to %scan3A_107 step %scan3A_108  : i32 {
      %mul3A_211 = arith.constant 16 : i32
      %mul3A_212 = arith.muli %scan3A_210, %mul3A_211 : i32
      %add3A_213 = arith.constant 0 : i32
      %add3A_214 = arith.addi %mul3A_212, %add3A_213 : i32
      %get3A = arith.index_cast %add3A_214 : i32 to index
      %get3A_215 = arith.constant 0 : index
      %get3A_216 = tpu.vector_load %arg11[%get3A, %get3A_215] {strides = array<i32>} : memref<128x64xf32, #tpu.memory_space<vmem>>, vector<16xf32>,
      %get3A_217 = arith.index_cast %add3A_214 : i32 to index
      %get3A_218 = arith.constant 16 : index
      %get3A_219 = tpu.vector_load %arg11[%get3A_217, %get3A_218] {strides = array<i32>} : memref<128x64xf32, #tpu.memory_space<vmem>>, vector<16xf32>,
      %get3A_220 = arith.index_cast %add3A_214 : i32 to index
      %get3A_221 = arith.constant 32 : index
      %get3A_222 = tpu.vector_load %arg11[%get3A_220, %get3A_221] {strides = array<i32>} : memref<128x64xf32, #tpu.memory_space<vmem>>, vector<16xf32>,
      %get3A_223 = arith.index_cast %add3A_214 : i32 to index
      %get3A_224 = arith.constant 48 : index
      %get3A_225 = tpu.vector_load %arg11[%get3A_223, %get3A_224] {strides = array<i32>} : memref<128x64xf32, #tpu.memory_space<vmem>>, vector<16xf32>,
      %mul3A_226 = arith.constant 5 : i32
      %mul3A_227 = arith.muli %add3A_214, %mul3A_226 : i32
      %add3A_228 = arith.constant 0 : i32
      %add3A_229 = arith.addi %mul3A_227, %add3A_228 : i32
      %get3A_230 = arith.index_cast %add3A_229 : i32 to index
      %get3A_231 = arith.constant 0 : index
      %get3A_232 = tpu.vector_load %arg12[%get3A_230, %get3A_231] {strides = array<i32>} : memref<640x64xf32, #tpu.memory_space<vmem>>, vector<16xf32>,
      %mul3A_233 = arith.mulf %get3A_216, %get3A_232 : vector<16xf32>
      %get3A_234 = arith.index_cast %add3A_229 : i32 to index
      %get3A_235 = arith.constant 16 : index
      %get3A_236 = tpu.vector_load %arg12[%get3A_234, %get3A_235] {strides = array<i32>} : memref<640x64xf32, #tpu.memory_space<vmem>>, vector<16xf32>,
      %mul3A_237 = arith.mulf %get3A_219, %get3A_236 : vector<16xf32>
      %add3A_238 = arith.addf %mul3A_233, %mul3A_237 : vector<16xf32>
      %get3A_239 = arith.index_cast %add3A_229 : i32 to index
      %get3A_240 = arith.constant 32 : index
      %get3A_241 = tpu.vector_load %arg12[%get3A_239, %get3A_240] {strides = array<i32>} : memref<640x64xf32, #tpu.memory_space<vmem>>, vector<16xf32>,
      %mul3A_242 = arith.mulf %get3A_222, %get3A_241 : vector<16xf32>
      %add3A_243 = arith.addf %add3A_238, %mul3A_242 : vector<16xf32>
      %get3A_244 = arith.index_cast %add3A_229 : i32 to index
      %get3A_245 = arith.constant 48 : index
      %get3A_246 = tpu.vector_load %arg12[%get3A_244, %get3A_245] {strides = array<i32>} : memref<640x64xf32, #tpu.memory_space<vmem>>, vector<16xf32>,
      %mul3A_247 = arith.mulf %get3A_225, %get3A_246 : vector<16xf32>
      %add3A_248 = arith.addf %add3A_243, %mul3A_247 : vector<16xf32>
      %swap3A = arith.constant 0 : index
      %swap3A_249 = tpu.vector_load %arg14[%swap3A] {strides = array<i32>} : memref<1360xf32, #tpu.memory_space<vmem>>, vector<16xf32>,
      tpu.vector_store %arg14[%swap3A], %add3A_248 {strides = array<i32>} : memref<1360xf32, #tpu.memory_space<vmem>>, vector<16xf32>,
      %mul3A_250 = arith.constant 5 : i32
      %mul3A_251 = arith.muli %add3A_214, %mul3A_250 : i32
      %add3A_252 = arith.constant 1 : i32
      %add3A_253 = arith.addi %mul3A_251, %add3A_252 : i32
      %get3A_254 = arith.index_cast %add3A_253 : i32 to index
      %get3A_255 = arith.constant 0 : index
      %get3A_256 = tpu.vector_load %arg12[%get3A_254, %get3A_255] {strides = array<i32>} : memref<640x64xf32, #tpu.memory_space<vmem>>, vector<16xf32>,
      %mul3A_257 = arith.mulf %get3A_216, %get3A_256 : vector<16xf32>
      %get3A_258 = arith.index_cast %add3A_253 : i32 to index
      %get3A_259 = arith.constant 16 : index
      %get3A_260 = tpu.vector_load %arg12[%get3A_258, %get3A_259] {strides = array<i32>} : memref<640x64xf32, #tpu.memory_space<vmem>>, vector<16xf32>,
      %mul3A_261 = arith.mulf %get3A_219, %get3A_260 : vector<16xf32>
      %add3A_262 = arith.addf %mul3A_257, %mul3A_261 : vector<16xf32>
      %get3A_263 = arith.index_cast %add3A_253 : i32 to index
      %get3A_264 = arith.constant 32 : index
      %get3A_265 = tpu.vector_load %arg12[%get3A_263, %get3A_264] {strides = array<i32>} : memref<640x64xf32, #tpu.memory_space<vmem>>, vector<16xf32>,
      %mul3A_266 = arith.mulf %get3A_222, %get3A_265 : vector<16xf32>
      %add3A_267 = arith.addf %add3A_262, %mul3A_266 : vector<16xf32>
      %get3A_268 = arith.index_cast %add3A_253 : i32 to index
      %get3A_269 = arith.constant 48 : index
      %get3A_270 = tpu.vector_load %arg12[%get3A_268, %get3A_269] {strides = array<i32>} : memref<640x64xf32, #tpu.memory_space<vmem>>, vector<16xf32>,
      %mul3A_271 = arith.mulf %get3A_225, %get3A_270 : vector<16xf32>
      %add3A_272 = arith.addf %add3A_267, %mul3A_271 : vector<16xf32>
      %swap3A_273 = arith.constant 17 : index
      %swap3A_274 = tpu.vector_load %arg14[%swap3A_273] {strides = array<i32>} : memref<1360xf32, #tpu.memory_space<vmem>>, vector<16xf32>,
      tpu.vector_store %arg14[%swap3A_273], %add3A_272 {strides = array<i32>} : memref<1360xf32, #tpu.memory_space<vmem>>, vector<16xf32>,
      %mul3A_275 = arith.constant 5 : i32
      %mul3A_276 = arith.muli %add3A_214, %mul3A_275 : i32
      %add3A_277 = arith.constant 2 : i32
      %add3A_278 = arith.addi %mul3A_276, %add3A_277 : i32
      %get3A_279 = arith.index_cast %add3A_278 : i32 to index
      %get3A_280 = arith.constant 0 : index
      %get3A_281 = tpu.vector_load %arg12[%get3A_279, %get3A_280] {strides = array<i32>} : memref<640x64xf32, #tpu.memory_space<vmem>>, vector<16xf32>,
      %mul3A_282 = arith.mulf %get3A_216, %get3A_281 : vector<16xf32>
      %get3A_283 = arith.index_cast %add3A_278 : i32 to index
      %get3A_284 = arith.constant 16 : index
      %get3A_285 = tpu.vector_load %arg12[%get3A_283, %get3A_284] {strides = array<i32>} : memref<640x64xf32, #tpu.memory_space<vmem>>, vector<16xf32>,
      %mul3A_286 = arith.mulf %get3A_219, %get3A_285 : vector<16xf32>
      %add3A_287 = arith.addf %mul3A_282, %mul3A_286 : vector<16xf32>
      %get3A_288 = arith.index_cast %add3A_278 : i32 to index
      %get3A_289 = arith.constant 32 : index
      %get3A_290 = tpu.vector_load %arg12[%get3A_288, %get3A_289] {strides = array<i32>} : memref<640x64xf32, #tpu.memory_space<vmem>>, vector<16xf32>,
      %mul3A_291 = arith.mulf %get3A_222, %get3A_290 : vector<16xf32>
      %add3A_292 = arith.addf %add3A_287, %mul3A_291 : vector<16xf32>
      %get3A_293 = arith.index_cast %add3A_278 : i32 to index
      %get3A_294 = arith.constant 48 : index
      %get3A_295 = tpu.vector_load %arg12[%get3A_293, %get3A_294] {strides = array<i32>} : memref<640x64xf32, #tpu.memory_space<vmem>>, vector<16xf32>,
      %mul3A_296 = arith.mulf %get3A_225, %get3A_295 : vector<16xf32>
      %add3A_297 = arith.addf %add3A_292, %mul3A_296 : vector<16xf32>
      %swap3A_298 = arith.constant 34 : index
      %swap3A_299 = tpu.vector_load %arg14[%swap3A_298] {strides = array<i32>} : memref<1360xf32, #tpu.memory_space<vmem>>, vector<16xf32>,
      tpu.vector_store %arg14[%swap3A_298], %add3A_297 {strides = array<i32>} : memref<1360xf32, #tpu.memory_space<vmem>>, vector<16xf32>,
      %mul3A_300 = arith.constant 5 : i32
      %mul3A_301 = arith.muli %add3A_214, %mul3A_300 : i32
      %add3A_302 = arith.constant 3 : i32
      %add3A_303 = arith.addi %mul3A_301, %add3A_302 : i32
      %get3A_304 = arith.index_cast %add3A_303 : i32 to index
      %get3A_305 = arith.constant 0 : index
      %get3A_306 = tpu.vector_load %arg12[%get3A_304, %get3A_305] {strides = array<i32>} : memref<640x64xf32, #tpu.memory_space<vmem>>, vector<16xf32>,
      %mul3A_307 = arith.mulf %get3A_216, %get3A_306 : vector<16xf32>
      %get3A_308 = arith.index_cast %add3A_303 : i32 to index
      %get3A_309 = arith.constant 16 : index
      %get3A_310 = tpu.vector_load %arg12[%get3A_308, %get3A_309] {strides = array<i32>} : memref<640x64xf32, #tpu.memory_space<vmem>>, vector<16xf32>,
      %mul3A_311 = arith.mulf %get3A_219, %get3A_310 : vector<16xf32>
      %add3A_312 = arith.addf %mul3A_307, %mul3A_311 : vector<16xf32>
      %get3A_313 = arith.index_cast %add3A_303 : i32 to index
      %get3A_314 = arith.constant 32 : index
      %get3A_315 = tpu.vector_load %arg12[%get3A_313, %get3A_314] {strides = array<i32>} : memref<640x64xf32, #tpu.memory_space<vmem>>, vector<16xf32>,
      %mul3A_316 = arith.mulf %get3A_222, %get3A_315 : vector<16xf32>
      %add3A_317 = arith.addf %add3A_312, %mul3A_316 : vector<16xf32>
      %get3A_318 = arith.index_cast %add3A_303 : i32 to index
      %get3A_319 = arith.constant 48 : index
      %get3A_320 = tpu.vector_load %arg12[%get3A_318, %get3A_319] {strides = array<i32>} : memref<640x64xf32, #tpu.memory_space<vmem>>, vector<16xf32>,
      %mul3A_321 = arith.mulf %get3A_225, %get3A_320 : vector<16xf32>
      %add3A_322 = arith.addf %add3A_317, %mul3A_321 : vector<16xf32>
      %swap3A_323 = arith.constant 51 : index
      %swap3A_324 = tpu.vector_load %arg14[%swap3A_323] {strides = array<i32>} : memref<1360xf32, #tpu.memory_space<vmem>>, vector<16xf32>,
      tpu.vector_store %arg14[%swap3A_323], %add3A_322 {strides = array<i32>} : memref<1360xf32, #tpu.memory_space<vmem>>, vector<16xf32>,
      %mul3A_325 = arith.constant 5 : i32
      %mul3A_326 = arith.muli %add3A_214, %mul3A_325 : i32
      %add3A_327 = arith.constant 4 : i32
      %add3A_328 = arith.addi %mul3A_326, %add3A_327 : i32
      %get3A_329 = arith.index_cast %add3A_328 : i32 to index
      %get3A_330 = arith.constant 0 : index
      %get3A_331 = tpu.vector_load %arg12[%get3A_329, %get3A_330] {strides = array<i32>} : memref<640x64xf32, #tpu.memory_space<vmem>>, vector<16xf32>,
      %mul3A_332 = arith.mulf %get3A_216, %get3A_331 : vector<16xf32>
      %get3A_333 = arith.index_cast %add3A_328 : i32 to index
      %get3A_334 = arith.constant 16 : index
      %get3A_335 = tpu.vector_load %arg12[%get3A_333, %get3A_334] {strides = array<i32>} : memref<640x64xf32, #tpu.memory_space<vmem>>, vector<16xf32>,
      %mul3A_336 = arith.mulf %get3A_219, %get3A_335 : vector<16xf32>
      %add3A_337 = arith.addf %mul3A_332, %mul3A_336 : vector<16xf32>
      %get3A_338 = arith.index_cast %add3A_328 : i32 to index
      %get3A_339 = arith.constant 32 : index
      %get3A_340 = tpu.vector_load %arg12[%get3A_338, %get3A_339] {strides = array<i32>} : memref<640x64xf32, #tpu.memory_space<vmem>>, vector<16xf32>,
      %mul3A_341 = arith.mulf %get3A_222, %get3A_340 : vector<16xf32>
      %add3A_342 = arith.addf %add3A_337, %mul3A_341 : vector<16xf32>
      %get3A_343 = arith.index_cast %add3A_328 : i32 to index
      %get3A_344 = arith.constant 48 : index
      %get3A_345 = tpu.vector_load %arg12[%get3A_343, %get3A_344] {strides = array<i32>} : memref<640x64xf32, #tpu.memory_space<vmem>>, vector<16xf32>,
      %mul3A_346 = arith.mulf %get3A_225, %get3A_345 : vector<16xf32>
      %add3A_347 = arith.addf %add3A_342, %mul3A_346 : vector<16xf32>
      %swap3A_348 = arith.constant 68 : index
      %swap3A_349 = tpu.vector_load %arg14[%swap3A_348] {strides = array<i32>} : memref<1360xf32, #tpu.memory_space<vmem>>, vector<16xf32>,
      tpu.vector_store %arg14[%swap3A_348], %add3A_347 {strides = array<i32>} : memref<1360xf32, #tpu.memory_space<vmem>>, vector<16xf32>,
      %add3A_350 = arith.constant 1 : i32
      %add3A_351 = arith.addi %mul3A_212, %add3A_350 : i32
      %get3A_352 = arith.index_cast %add3A_351 : i32 to index
      %get3A_353 = arith.constant 0 : index
      %get3A_354 = tpu.vector_load %arg11[%get3A_352, %get3A_353] {strides = array<i32>} : memref<128x64xf32, #tpu.memory_space<vmem>>, vector<16xf32>,
      %get3A_355 = arith.index_cast %add3A_351 : i32 to index
      %get3A_356 = arith.constant 16 : index
      %get3A_357 = tpu.vector_load %arg11[%get3A_355, %get3A_356] {strides = array<i32>} : memref<128x64xf32, #tpu.memory_space<vmem>>, vector<16xf32>,
      %get3A_358 = arith.index_cast %add3A_351 : i32 to index
      %get3A_359 = arith.constant 32 : index
      %get3A_360 = tpu.vector_load %arg11[%get3A_358, %get3A_359] {strides = array<i32>} : memref<128x64xf32, #tpu.memory_space<vmem>>, vector<16xf32>,
      %get3A_361 = arith.index_cast %add3A_351 : i32 to index
      %get3A_362 = arith.constant 48 : index
      %get3A_363 = tpu.vector_load %arg11[%get3A_361, %get3A_362] {strides = array<i32>} : memref<128x64xf32, #tpu.memory_space<vmem>>, vector<16xf32>,
      %mul3A_364 = arith.constant 5 : i32
      %mul3A_365 = arith.muli %add3A_351, %mul3A_364 : i32
      %add3A_366 = arith.constant 0 : i32
      %add3A_367 = arith.addi %mul3A_365, %add3A_366 : i32
      %get3A_368 = arith.index_cast %add3A_367 : i32 to index
      %get3A_369 = arith.constant 0 : index
      %get3A_370 = tpu.vector_load %arg12[%get3A_368, %get3A_369] {strides = array<i32>} : memref<640x64xf32, #tpu.memory_space<vmem>>, vector<16xf32>,
      %mul3A_371 = arith.mulf %get3A_354, %get3A_370 : vector<16xf32>
      %get3A_372 = arith.index_cast %add3A_367 : i32 to index
      %get3A_373 = arith.constant 16 : index
      %get3A_374 = tpu.vector_load %arg12[%get3A_372, %get3A_373] {strides = array<i32>} : memref<640x64xf32, #tpu.memory_space<vmem>>, vector<16xf32>,
      %mul3A_375 = arith.mulf %get3A_357, %get3A_374 : vector<16xf32>
      %add3A_376 = arith.addf %mul3A_371, %mul3A_375 : vector<16xf32>
      %get3A_377 = arith.index_cast %add3A_367 : i32 to index
      %get3A_378 = arith.constant 32 : index
      %get3A_379 = tpu.vector_load %arg12[%get3A_377, %get3A_378] {strides = array<i32>} : memref<640x64xf32, #tpu.memory_space<vmem>>, vector<16xf32>,
      %mul3A_380 = arith.mulf %get3A_360, %get3A_379 : vector<16xf32>
      %add3A_381 = arith.addf %add3A_376, %mul3A_380 : vector<16xf32>
      %get3A_382 = arith.index_cast %add3A_367 : i32 to index
      %get3A_383 = arith.constant 48 : index
      %get3A_384 = tpu.vector_load %arg12[%get3A_382, %get3A_383] {strides = array<i32>} : memref<640x64xf32, #tpu.memory_space<vmem>>, vector<16xf32>,
      %mul3A_385 = arith.mulf %get3A_363, %get3A_384 : vector<16xf32>
      %add3A_386 = arith.addf %add3A_381, %mul3A_385 : vector<16xf32>
      %swap3A_387 = arith.constant 85 : index
      %swap3A_388 = tpu.vector_load %arg14[%swap3A_387] {strides = array<i32>} : memref<1360xf32, #tpu.memory_space<vmem>>, vector<16xf32>,
      tpu.vector_store %arg14[%swap3A_387], %add3A_386 {strides = array<i32>} : memref<1360xf32, #tpu.memory_space<vmem>>, vector<16xf32>,
      %mul3A_389 = arith.constant 5 : i32
      %mul3A_390 = arith.muli %add3A_351, %mul3A_389 : i32
      %add3A_391 = arith.constant 1 : i32
      %add3A_392 = arith.addi %mul3A_390, %add3A_391 : i32
      %get3A_393 = arith.index_cast %add3A_392 : i32 to index
      %get3A_394 = arith.constant 0 : index
      %get3A_395 = tpu.vector_load %arg12[%get3A_393, %get3A_394] {strides = array<i32>} : memref<640x64xf32, #tpu.memory_space<vmem>>, vector<16xf32>,
      %mul3A_396 = arith.mulf %get3A_354, %get3A_395 : vector<16xf32>
      %get3A_397 = arith.index_cast %add3A_392 : i32 to index
      %get3A_398 = arith.constant 16 : index
      %get3A_399 = tpu.vector_load %arg12[%get3A_397, %get3A_398] {strides = array<i32>} : memref<640x64xf32, #tpu.memory_space<vmem>>, vector<16xf32>,
      %mul3A_400 = arith.mulf %get3A_357, %get3A_399 : vector<16xf32>
      %add3A_401 = arith.addf %mul3A_396, %mul3A_400 : vector<16xf32>
      %get3A_402 = arith.index_cast %add3A_392 : i32 to index
      %get3A_403 = arith.constant 32 : index
      %get3A_404 = tpu.vector_load %arg12[%get3A_402, %get3A_403] {strides = array<i32>} : memref<640x64xf32, #tpu.memory_space<vmem>>, vector<16xf32>,
      %mul3A_405 = arith.mulf %get3A_360, %get3A_404 : vector<16xf32>
      %add3A_406 = arith.addf %add3A_401, %mul3A_405 : vector<16xf32>
      %get3A_407 = arith.index_cast %add3A_392 : i32 to index
      %get3A_408 = arith.constant 48 : index
      %get3A_409 = tpu.vector_load %arg12[%get3A_407, %get3A_408] {strides = array<i32>} : memref<640x64xf32, #tpu.memory_space<vmem>>, vector<16xf32>,
      %mul3A_410 = arith.mulf %get3A_363, %get3A_409 : vector<16xf32>
      %add3A_411 = arith.addf %add3A_406, %mul3A_410 : vector<16xf32>
      %swap3A_412 = arith.constant 102 : index
      %swap3A_413 = tpu.vector_load %arg14[%swap3A_412] {strides = array<i32>} : memref<1360xf32, #tpu.memory_space<vmem>>, vector<16xf32>,
      tpu.vector_store %arg14[%swap3A_412], %add3A_411 {strides = array<i32>} : memref<1360xf32, #tpu.memory_space<vmem>>, vector<16xf32>,
      %mul3A_414 = arith.constant 5 : i32
      %mul3A_415 = arith.muli %add3A_351, %mul3A_414 : i32
      %add3A_416 = arith.constant 2 : i32
      %add3A_417 = arith.addi %mul3A_415, %add3A_416 : i32
      %get3A_418 = arith.index_cast %add3A_417 : i32 to index
      %get3A_419 = arith.constant 0 : index
      %get3A_420 = tpu.vector_load %arg12[%get3A_418, %get3A_419] {strides = array<i32>} : memref<640x64xf32, #tpu.memory_space<vmem>>, vector<16xf32>,
      %mul3A_421 = arith.mulf %get3A_354, %get3A_420 : vector<16xf32>
      %get3A_422 = arith.index_cast %add3A_417 : i32 to index
      %get3A_423 = arith.constant 16 : index
      %get3A_424 = tpu.vector_load %arg12[%get3A_422, %get3A_423] {strides = array<i32>} : memref<640x64xf32, #tpu.memory_space<vmem>>, vector<16xf32>,
      %mul3A_425 = arith.mulf %get3A_357, %get3A_424 : vector<16xf32>
      %add3A_426 = arith.addf %mul3A_421, %mul3A_425 : vector<16xf32>
      %get3A_427 = arith.index_cast %add3A_417 : i32 to index
      %get3A_428 = arith.constant 32 : index
      %get3A_429 = tpu.vector_load %arg12[%get3A_427, %get3A_428] {strides = array<i32>} : memref<640x64xf32, #tpu.memory_space<vmem>>, vector<16xf32>,
      %mul3A_430 = arith.mulf %get3A_360, %get3A_429 : vector<16xf32>
      %add3A_431 = arith.addf %add3A_426, %mul3A_430 : vector<16xf32>
      %get3A_432 = arith.index_cast %add3A_417 : i32 to index
      %get3A_433 = arith.constant 48 : index
      %get3A_434 = tpu.vector_load %arg12[%get3A_432, %get3A_433] {strides = array<i32>} : memref<640x64xf32, #tpu.memory_space<vmem>>, vector<16xf32>,
      %mul3A_435 = arith.mulf %get3A_363, %get3A_434 : vector<16xf32>
      %add3A_436 = arith.addf %add3A_431, %mul3A_435 : vector<16xf32>
      %swap3A_437 = arith.constant 119 : index
      %swap3A_438 = tpu.vector_load %arg14[%swap3A_437] {strides = array<i32>} : memref<1360xf32, #tpu.memory_space<vmem>>, vector<16xf32>,
      tpu.vector_store %arg14[%swap3A_437], %add3A_436 {strides = array<i32>} : memref<1360xf32, #tpu.memory_space<vmem>>, vector<16xf32>,
      %mul3A_439 = arith.constant 5 : i32
      %mul3A_440 = arith.muli %add3A_351, %mul3A_439 : i32
      %add3A_441 = arith.constant 3 : i32
      %add3A_442 = arith.addi %mul3A_440, %add3A_441 : i32
      %get3A_443 = arith.index_cast %add3A_442 : i32 to index
      %get3A_444 = arith.constant 0 : index
      %get3A_445 = tpu.vector_load %arg12[%get3A_443, %get3A_444] {strides = array<i32>} : memref<640x64xf32, #tpu.memory_space<vmem>>, vector<16xf32>,
      %mul3A_446 = arith.mulf %get3A_354, %get3A_445 : vector<16xf32>
      %get3A_447 = arith.index_cast %add3A_442 : i32 to index
      %get3A_448 = arith.constant 16 : index
      %get3A_449 = tpu.vector_load %arg12[%get3A_447, %get3A_448] {strides = array<i32>} : memref<640x64xf32, #tpu.memory_space<vmem>>, vector<16xf32>,
      %mul3A_450 = arith.mulf %get3A_357, %get3A_449 : vector<16xf32>
      %add3A_451 = arith.addf %mul3A_446, %mul3A_450 : vector<16xf32>
      %get3A_452 = arith.index_cast %add3A_442 : i32 to index
      %get3A_453 = arith.constant 32 : index
      %get3A_454 = tpu.vector_load %arg12[%get3A_452, %get3A_453] {strides = array<i32>} : memref<640x64xf32, #tpu.memory_space<vmem>>, vector<16xf32>,
      %mul3A_455 = arith.mulf %get3A_360, %get3A_454 : vector<16xf32>
      %add3A_456 = arith.addf %add3A_451, %mul3A_455 : vector<16xf32>
      %get3A_457 = arith.index_cast %add3A_442 : i32 to index
      %get3A_458 = arith.constant 48 : index
      %get3A_459 = tpu.vector_load %arg12[%get3A_457, %get3A_458] {strides = array<i32>} : memref<640x64xf32, #tpu.memory_space<vmem>>, vector<16xf32>,
      %mul3A_460 = arith.mulf %get3A_363, %get3A_459 : vector<16xf32>
      %add3A_461 = arith.addf %add3A_456, %mul3A_460 : vector<16xf32>
      %swap3A_462 = arith.constant 136 : index
      %swap3A_463 = tpu.vector_load %arg14[%swap3A_462] {strides = array<i32>} : memref<1360xf32, #tpu.memory_space<vmem>>, vector<16xf32>,
      tpu.vector_store %arg14[%swap3A_462], %add3A_461 {strides = array<i32>} : memref<1360xf32, #tpu.memory_space<vmem>>, vector<16xf32>,
      %mul3A_464 = arith.constant 5 : i32
      %mul3A_465 = arith.muli %add3A_351, %mul3A_464 : i32
      %add3A_466 = arith.constant 4 : i32
      %add3A_467 = arith.addi %mul3A_465, %add3A_466 : i32
      %get3A_468 = arith.index_cast %add3A_467 : i32 to index
      %get3A_469 = arith.constant 0 : index
      %get3A_470 = tpu.vector_load %arg12[%get3A_468, %get3A_469] {strides = array<i32>} : memref<640x64xf32, #tpu.memory_space<vmem>>, vector<16xf32>,
      %mul3A_471 = arith.mulf %get3A_354, %get3A_470 : vector<16xf32>
      %get3A_472 = arith.index_cast %add3A_467 : i32 to index
      %get3A_473 = arith.constant 16 : index
      %get3A_474 = tpu.vector_load %arg12[%get3A_472, %get3A_473] {strides = array<i32>} : memref<640x64xf32, #tpu.memory_space<vmem>>, vector<16xf32>,
      %mul3A_475 = arith.mulf %get3A_357, %get3A_474 : vector<16xf32>
      %add3A_476 = arith.addf %mul3A_471, %mul3A_475 : vector<16xf32>
      %get3A_477 = arith.index_cast %add3A_467 : i32 to index
      %get3A_478 = arith.constant 32 : index
      %get3A_479 = tpu.vector_load %arg12[%get3A_477, %get3A_478] {strides = array<i32>} : memref<640x64xf32, #tpu.memory_space<vmem>>, vector<16xf32>,
      %mul3A_480 = arith.mulf %get3A_360, %get3A_479 : vector<16xf32>
      %add3A_481 = arith.addf %add3A_476, %mul3A_480 : vector<16xf32>
      %get3A_482 = arith.index_cast %add3A_467 : i32 to index
      %get3A_483 = arith.constant 48 : index
      %get3A_484 = tpu.vector_load %arg12[%get3A_482, %get3A_483] {strides = array<i32>} : memref<640x64xf32, #tpu.memory_space<vmem>>, vector<16xf32>,
      %mul3A_485 = arith.mulf %get3A_363, %get3A_484 : vector<16xf32>
      %add3A_486 = arith.addf %add3A_481, %mul3A_485 : vector<16xf32>
      %swap3A_487 = arith.constant 153 : index
      %swap3A_488 = tpu.vector_load %arg14[%swap3A_487] {strides = array<i32>} : memref<1360xf32, #tpu.memory_space<vmem>>, vector<16xf32>,
      tpu.vector_store %arg14[%swap3A_487], %add3A_486 {strides = array<i32>} : memref<1360xf32, #tpu.memory_space<vmem>>, vector<16xf32>,
      %add3A_489 = arith.constant 2 : i32
      %add3A_490 = arith.addi %mul3A_212, %add3A_489 : i32
      %get3A_491 = arith.index_cast %add3A_490 : i32 to index
      %get3A_492 = arith.constant 0 : index
      %get3A_493 = tpu.vector_load %arg11[%get3A_491, %get3A_492] {strides = array<i32>} : memref<128x64xf32, #tpu.memory_space<vmem>>, vector<16xf32>,
      %get3A_494 = arith.index_cast %add3A_490 : i32 to index
      %get3A_495 = arith.constant 16 : index
      %get3A_496 = tpu.vector_load %arg11[%get3A_494, %get3A_495] {strides = array<i32>} : memref<128x64xf32, #tpu.memory_space<vmem>>, vector<16xf32>,
      %get3A_497 = arith.index_cast %add3A_490 : i32 to index
      %get3A_498 = arith.constant 32 : index
      %get3A_499 = tpu.vector_load %arg11[%get3A_497, %get3A_498] {strides = array<i32>} : memref<128x64xf32, #tpu.memory_space<vmem>>, vector<16xf32>,
      %get3A_500 = arith.index_cast %add3A_490 : i32 to index
      %get3A_501 = arith.constant 48 : index
      %get3A_502 = tpu.vector_load %arg11[%get3A_500, %get3A_501] {strides = array<i32>} : memref<128x64xf32, #tpu.memory_space<vmem>>, vector<16xf32>,
      %mul3A_503 = arith.constant 5 : i32
      %mul3A_504 = arith.muli %add3A_490, %mul3A_503 : i32
      %add3A_505 = arith.constant 0 : i32
      %add3A_506 = arith.addi %mul3A_504, %add3A_505 : i32
      %get3A_507 = arith.index_cast %add3A_506 : i32 to index
      %get3A_508 = arith.constant 0 : index
      %get3A_509 = tpu.vector_load %arg12[%get3A_507, %get3A_508] {strides = array<i32>} : memref<640x64xf32, #tpu.memory_space<vmem>>, vector<16xf32>,
      %mul3A_510 = arith.mulf %get3A_493, %get3A_509 : vector<16xf32>
      %get3A_511 = arith.index_cast %add3A_506 : i32 to index
      %get3A_512 = arith.constant 16 : index
      %get3A_513 = tpu.vector_load %arg12[%get3A_511, %get3A_512] {strides = array<i32>} : memref<640x64xf32, #tpu.memory_space<vmem>>, vector<16xf32>,
      %mul3A_514 = arith.mulf %get3A_496, %get3A_513 : vector<16xf32>
      %add3A_515 = arith.addf %mul3A_510, %mul3A_514 : vector<16xf32>
      %get3A_516 = arith.index_cast %add3A_506 : i32 to index
      %get3A_517 = arith.constant 32 : index
      %get3A_518 = tpu.vector_load %arg12[%get3A_516, %get3A_517] {strides = array<i32>} : memref<640x64xf32, #tpu.memory_space<vmem>>, vector<16xf32>,
      %mul3A_519 = arith.mulf %get3A_499, %get3A_518 : vector<16xf32>
      %add3A_520 = arith.addf %add3A_515, %mul3A_519 : vector<16xf32>
      %get3A_521 = arith.index_cast %add3A_506 : i32 to index
      %get3A_522 = arith.constant 48 : index
      %get3A_523 = tpu.vector_load %arg12[%get3A_521, %get3A_522] {strides = array<i32>} : memref<640x64xf32, #tpu.memory_space<vmem>>, vector<16xf32>,
      %mul3A_524 = arith.mulf %get3A_502, %get3A_523 : vector<16xf32>
      %add3A_525 = arith.addf %add3A_520, %mul3A_524 : vector<16xf32>
      %swap3A_526 = arith.constant 170 : index
      %swap3A_527 = tpu.vector_load %arg14[%swap3A_526] {strides = array<i32>} : memref<1360xf32, #tpu.memory_space<vmem>>, vector<16xf32>,
      tpu.vector_store %arg14[%swap3A_526], %add3A_525 {strides = array<i32>} : memref<1360xf32, #tpu.memory_space<vmem>>, vector<16xf32>,
      %mul3A_528 = arith.constant 5 : i32
      %mul3A_529 = arith.muli %add3A_490, %mul3A_528 : i32
      %add3A_530 = arith.constant 1 : i32
      %add3A_531 = arith.addi %mul3A_529, %add3A_530 : i32
      %get3A_532 = arith.index_cast %add3A_531 : i32 to index
      %get3A_533 = arith.constant 0 : index
      %get3A_534 = tpu.vector_load %arg12[%get3A_532, %get3A_533] {strides = array<i32>} : memref<640x64xf32, #tpu.memory_space<vmem>>, vector<16xf32>,
      %mul3A_535 = arith.mulf %get3A_493, %get3A_534 : vector<16xf32>
      %get3A_536 = arith.index_cast %add3A_531 : i32 to index
      %get3A_537 = arith.constant 16 : index
      %get3A_538 = tpu.vector_load %arg12[%get3A_536, %get3A_537] {strides = array<i32>} : memref<640x64xf32, #tpu.memory_space<vmem>>, vector<16xf32>,
      %mul3A_539 = arith.mulf %get3A_496, %get3A_538 : vector<16xf32>
      %add3A_540 = arith.addf %mul3A_535, %mul3A_539 : vector<16xf32>
      %get3A_541 = arith.index_cast %add3A_531 : i32 to index
      %get3A_542 = arith.constant 32 : index
      %get3A_543 = tpu.vector_load %arg12[%get3A_541, %get3A_542] {strides = array<i32>} : memref<640x64xf32, #tpu.memory_space<vmem>>, vector<16xf32>,
      %mul3A_544 = arith.mulf %get3A_499, %get3A_543 : vector<16xf32>
      %add3A_545 = arith.addf %add3A_540, %mul3A_544 : vector<16xf32>
      %get3A_546 = arith.index_cast %add3A_531 : i32 to index
      %get3A_547 = arith.constant 48 : index
      %get3A_548 = tpu.vector_load %arg12[%get3A_546, %get3A_547] {strides = array<i32>} : memref<640x64xf32, #tpu.memory_space<vmem>>, vector<16xf32>,
      %mul3A_549 = arith.mulf %get3A_502, %get3A_548 : vector<16xf32>
      %add3A_550 = arith.addf %add3A_545, %mul3A_549 : vector<16xf32>
      %swap3A_551 = arith.constant 187 : index
      %swap3A_552 = tpu.vector_load %arg14[%swap3A_551] {strides = array<i32>} : memref<1360xf32, #tpu.memory_space<vmem>>, vector<16xf32>,
      tpu.vector_store %arg14[%swap3A_551], %add3A_550 {strides = array<i32>} : memref<1360xf32, #tpu.memory_space<vmem>>, vector<16xf32>,
      %mul3A_553 = arith.constant 5 : i32
      %mul3A_554 = arith.muli %add3A_490, %mul3A_553 : i32
      %add3A_555 = arith.constant 2 : i32
      %add3A_556 = arith.addi %mul3A_554, %add3A_555 : i32
      %get3A_557 = arith.index_cast %add3A_556 : i32 to index
      %get3A_558 = arith.constant 0 : index
      %get3A_559 = tpu.vector_load %arg12[%get3A_557, %get3A_558] {strides = array<i32>} : memref<640x64xf32, #tpu.memory_space<vmem>>, vector<16xf32>,
      %mul3A_560 = arith.mulf %get3A_493, %get3A_559 : vector<16xf32>
      %get3A_561 = arith.index_cast %add3A_556 : i32 to index
      %get3A_562 = arith.constant 16 : index
      %get3A_563 = tpu.vector_load %arg12[%get3A_561, %get3A_562] {strides = array<i32>} : memref<640x64xf32, #tpu.memory_space<vmem>>, vector<16xf32>,
      %mul3A_564 = arith.mulf %get3A_496, %get3A_563 : vector<16xf32>
      %add3A_565 = arith.addf %mul3A_560, %mul3A_564 : vector<16xf32>
      %get3A_566 = arith.index_cast %add3A_556 : i32 to index
      %get3A_567 = arith.constant 32 : index
      %get3A_568 = tpu.vector_load %arg12[%get3A_566, %get3A_567] {strides = array<i32>} : memref<640x64xf32, #tpu.memory_space<vmem>>, vector<16xf32>,
      %mul3A_569 = arith.mulf %get3A_499, %get3A_568 : vector<16xf32>
      %add3A_570 = arith.addf %add3A_565, %mul3A_569 : vector<16xf32>
      %get3A_571 = arith.index_cast %add3A_556 : i32 to index
      %get3A_572 = arith.constant 48 : index
      %get3A_573 = tpu.vector_load %arg12[%get3A_571, %get3A_572] {strides = array<i32>} : memref<640x64xf32, #tpu.memory_space<vmem>>, vector<16xf32>,
      %mul3A_574 = arith.mulf %get3A_502, %get3A_573 : vector<16xf32>
      %add3A_575 = arith.addf %add3A_570, %mul3A_574 : vector<16xf32>
      %swap3A_576 = arith.constant 204 : index
      %swap3A_577 = tpu.vector_load %arg14[%swap3A_576] {strides = array<i32>} : memref<1360xf32, #tpu.memory_space<vmem>>, vector<16xf32>,
      tpu.vector_store %arg14[%swap3A_576], %add3A_575 {strides = array<i32>} : memref<1360xf32, #tpu.memory_space<vmem>>, vector<16xf32>,
      %mul3A_578 = arith.constant 5 : i32
      %mul3A_579 = arith.muli %add3A_490, %mul3A_578 : i32
      %add3A_580 = arith.constant 3 : i32
      %add3A_581 = arith.addi %mul3A_579, %add3A_580 : i32
      %get3A_582 = arith.index_cast %add3A_581 : i32 to index
      %get3A_583 = arith.constant 0 : index
      %get3A_584 = tpu.vector_load %arg12[%get3A_582, %get3A_583] {strides = array<i32>} : memref<640x64xf32, #tpu.memory_space<vmem>>, vector<16xf32>,
      %mul3A_585 = arith.mulf %get3A_493, %get3A_584 : vector<16xf32>
      %get3A_586 = arith.index_cast %add3A_581 : i32 to index
      %get3A_587 = arith.constant 16 : index
      %get3A_588 = tpu.vector_load %arg12[%get3A_586, %get3A_587] {strides = array<i32>} : memref<640x64xf32, #tpu.memory_space<vmem>>, vector<16xf32>,
      %mul3A_589 = arith.mulf %get3A_496, %get3A_588 : vector<16xf32>
      %add3A_590 = arith.addf %mul3A_585, %mul3A_589 : vector<16xf32>
      %get3A_591 = arith.index_cast %add3A_581 : i32 to index
      %get3A_592 = arith.constant 32 : index
      %get3A_593 = tpu.vector_load %arg12[%get3A_591, %get3A_592] {strides = array<i32>} : memref<640x64xf32, #tpu.memory_space<vmem>>, vector<16xf32>,
      %mul3A_594 = arith.mulf %get3A_499, %get3A_593 : vector<16xf32>
      %add3A_595 = arith.addf %add3A_590, %mul3A_594 : vector<16xf32>
      %get3A_596 = arith.index_cast %add3A_581 : i32 to index
      %get3A_597 = arith.constant 48 : index
      %get3A_598 = tpu.vector_load %arg12[%get3A_596, %get3A_597] {strides = array<i32>} : memref<640x64xf32, #tpu.memory_space<vmem>>, vector<16xf32>,
      %mul3A_599 = arith.mulf %get3A_502, %get3A_598 : vector<16xf32>
      %add3A_600 = arith.addf %add3A_595, %mul3A_599 : vector<16xf32>
      %swap3A_601 = arith.constant 221 : index
      %swap3A_602 = tpu.vector_load %arg14[%swap3A_601] {strides = array<i32>} : memref<1360xf32, #tpu.memory_space<vmem>>, vector<16xf32>,
      tpu.vector_store %arg14[%swap3A_601], %add3A_600 {strides = array<i32>} : memref<1360xf32, #tpu.memory_space<vmem>>, vector<16xf32>,
      %mul3A_603 = arith.constant 5 : i32
      %mul3A_604 = arith.muli %add3A_490, %mul3A_603 : i32
      %add3A_605 = arith.constant 4 : i32
      %add3A_606 = arith.addi %mul3A_604, %add3A_605 : i32
      %get3A_607 = arith.index_cast %add3A_606 : i32 to index
      %get3A_608 = arith.constant 0 : index
      %get3A_609 = tpu.vector_load %arg12[%get3A_607, %get3A_608] {strides = array<i32>} : memref<640x64xf32, #tpu.memory_space<vmem>>, vector<16xf32>,
      %mul3A_610 = arith.mulf %get3A_493, %get3A_609 : vector<16xf32>
      %get3A_611 = arith.index_cast %add3A_606 : i32 to index
      %get3A_612 = arith.constant 16 : index
      %get3A_613 = tpu.vector_load %arg12[%get3A_611, %get3A_612] {strides = array<i32>} : memref<640x64xf32, #tpu.memory_space<vmem>>, vector<16xf32>,
      %mul3A_614 = arith.mulf %get3A_496, %get3A_613 : vector<16xf32>
      %add3A_615 = arith.addf %mul3A_610, %mul3A_614 : vector<16xf32>
      %get3A_616 = arith.index_cast %add3A_606 : i32 to index
      %get3A_617 = arith.constant 32 : index
      %get3A_618 = tpu.vector_load %arg12[%get3A_616, %get3A_617] {strides = array<i32>} : memref<640x64xf32, #tpu.memory_space<vmem>>, vector<16xf32>,
      %mul3A_619 = arith.mulf %get3A_499, %get3A_618 : vector<16xf32>
      %add3A_620 = arith.addf %add3A_615, %mul3A_619 : vector<16xf32>
      %get3A_621 = arith.index_cast %add3A_606 : i32 to index
      %get3A_622 = arith.constant 48 : index
      %get3A_623 = tpu.vector_load %arg12[%get3A_621, %get3A_622] {strides = array<i32>} : memref<640x64xf32, #tpu.memory_space<vmem>>, vector<16xf32>,
      %mul3A_624 = arith.mulf %get3A_502, %get3A_623 : vector<16xf32>
      %add3A_625 = arith.addf %add3A_620, %mul3A_624 : vector<16xf32>
      %swap3A_626 = arith.constant 238 : index
      %swap3A_627 = tpu.vector_load %arg14[%swap3A_626] {strides = array<i32>} : memref<1360xf32, #tpu.memory_space<vmem>>, vector<16xf32>,
      tpu.vector_store %arg14[%swap3A_626], %add3A_625 {strides = array<i32>} : memref<1360xf32, #tpu.memory_space<vmem>>, vector<16xf32>,
      %add3A_628 = arith.constant 3 : i32
      %add3A_629 = arith.addi %mul3A_212, %add3A_628 : i32
      %get3A_630 = arith.index_cast %add3A_629 : i32 to index
      %get3A_631 = arith.constant 0 : index
      %get3A_632 = tpu.vector_load %arg11[%get3A_630, %get3A_631] {strides = array<i32>} : memref<128x64xf32, #tpu.memory_space<vmem>>, vector<16xf32>,
      %get3A_633 = arith.index_cast %add3A_629 : i32 to index
      %get3A_634 = arith.constant 16 : index
      %get3A_635 = tpu.vector_load %arg11[%get3A_633, %get3A_634] {strides = array<i32>} : memref<128x64xf32, #tpu.memory_space<vmem>>, vector<16xf32>,
      %get3A_636 = arith.index_cast %add3A_629 : i32 to index
      %get3A_637 = arith.constant 32 : index
      %get3A_638 = tpu.vector_load %arg11[%get3A_636, %get3A_637] {strides = array<i32>} : memref<128x64xf32, #tpu.memory_space<vmem>>, vector<16xf32>,
      %get3A_639 = arith.index_cast %add3A_629 : i32 to index
      %get3A_640 = arith.constant 48 : index
      %get3A_641 = tpu.vector_load %arg11[%get3A_639, %get3A_640] {strides = array<i32>} : memref<128x64xf32, #tpu.memory_space<vmem>>, vector<16xf32>,
      %mul3A_642 = arith.constant 5 : i32
      %mul3A_643 = arith.muli %add3A_629, %mul3A_642 : i32
      %add3A_644 = arith.constant 0 : i32
      %add3A_645 = arith.addi %mul3A_643, %add3A_644 : i32
      %get3A_646 = arith.index_cast %add3A_645 : i32 to index
      %get3A_647 = arith.constant 0 : index
      %get3A_648 = tpu.vector_load %arg12[%get3A_646, %get3A_647] {strides = array<i32>} : memref<640x64xf32, #tpu.memory_space<vmem>>, vector<16xf32>,
      %mul3A_649 = arith.mulf %get3A_632, %get3A_648 : vector<16xf32>
      %get3A_650 = arith.index_cast %add3A_645 : i32 to index
      %get3A_651 = arith.constant 16 : index
      %get3A_652 = tpu.vector_load %arg12[%get3A_650, %get3A_651] {strides = array<i32>} : memref<640x64xf32, #tpu.memory_space<vmem>>, vector<16xf32>,
      %mul3A_653 = arith.mulf %get3A_635, %get3A_652 : vector<16xf32>
      %add3A_654 = arith.addf %mul3A_649, %mul3A_653 : vector<16xf32>
      %get3A_655 = arith.index_cast %add3A_645 : i32 to index
      %get3A_656 = arith.constant 32 : index
      %get3A_657 = tpu.vector_load %arg12[%get3A_655, %get3A_656] {strides = array<i32>} : memref<640x64xf32, #tpu.memory_space<vmem>>, vector<16xf32>,
      %mul3A_658 = arith.mulf %get3A_638, %get3A_657 : vector<16xf32>
      %add3A_659 = arith.addf %add3A_654, %mul3A_658 : vector<16xf32>
      %get3A_660 = arith.index_cast %add3A_645 : i32 to index
      %get3A_661 = arith.constant 48 : index
      %get3A_662 = tpu.vector_load %arg12[%get3A_660, %get3A_661] {strides = array<i32>} : memref<640x64xf32, #tpu.memory_space<vmem>>, vector<16xf32>,
      %mul3A_663 = arith.mulf %get3A_641, %get3A_662 : vector<16xf32>
      %add3A_664 = arith.addf %add3A_659, %mul3A_663 : vector<16xf32>
      %swap3A_665 = arith.constant 255 : index
      %swap3A_666 = tpu.vector_load %arg14[%swap3A_665] {strides = array<i32>} : memref<1360xf32, #tpu.memory_space<vmem>>, vector<16xf32>,
      tpu.vector_store %arg14[%swap3A_665], %add3A_664 {strides = array<i32>} : memref<1360xf32, #tpu.memory_space<vmem>>, vector<16xf32>,
      %mul3A_667 = arith.constant 5 : i32
      %mul3A_668 = arith.muli %add3A_629, %mul3A_667 : i32
      %add3A_669 = arith.constant 1 : i32
      %add3A_670 = arith.addi %mul3A_668, %add3A_669 : i32
      %get3A_671 = arith.index_cast %add3A_670 : i32 to index
      %get3A_672 = arith.constant 0 : index
      %get3A_673 = tpu.vector_load %arg12[%get3A_671, %get3A_672] {strides = array<i32>} : memref<640x64xf32, #tpu.memory_space<vmem>>, vector<16xf32>,
      %mul3A_674 = arith.mulf %get3A_632, %get3A_673 : vector<16xf32>
      %get3A_675 = arith.index_cast %add3A_670 : i32 to index
      %get3A_676 = arith.constant 16 : index
      %get3A_677 = tpu.vector_load %arg12[%get3A_675, %get3A_676] {strides = array<i32>} : memref<640x64xf32, #tpu.memory_space<vmem>>, vector<16xf32>,
      %mul3A_678 = arith.mulf %get3A_635, %get3A_677 : vector<16xf32>
      %add3A_679 = arith.addf %mul3A_674, %mul3A_678 : vector<16xf32>
      %get3A_680 = arith.index_cast %add3A_670 : i32 to index
      %get3A_681 = arith.constant 32 : index
      %get3A_682 = tpu.vector_load %arg12[%get3A_680, %get3A_681] {strides = array<i32>} : memref<640x64xf32, #tpu.memory_space<vmem>>, vector<16xf32>,
      %mul3A_683 = arith.mulf %get3A_638, %get3A_682 : vector<16xf32>
      %add3A_684 = arith.addf %add3A_679, %mul3A_683 : vector<16xf32>
      %get3A_685 = arith.index_cast %add3A_670 : i32 to index
      %get3A_686 = arith.constant 48 : index
      %get3A_687 = tpu.vector_load %arg12[%get3A_685, %get3A_686] {strides = array<i32>} : memref<640x64xf32, #tpu.memory_space<vmem>>, vector<16xf32>,
      %mul3A_688 = arith.mulf %get3A_641, %get3A_687 : vector<16xf32>
      %add3A_689 = arith.addf %add3A_684, %mul3A_688 : vector<16xf32>
      %swap3A_690 = arith.constant 272 : index
      %swap3A_691 = tpu.vector_load %arg14[%swap3A_690] {strides = array<i32>} : memref<1360xf32, #tpu.memory_space<vmem>>, vector<16xf32>,
      tpu.vector_store %arg14[%swap3A_690], %add3A_689 {strides = array<i32>} : memref<1360xf32, #tpu.memory_space<vmem>>, vector<16xf32>,
      %mul3A_692 = arith.constant 5 : i32
      %mul3A_693 = arith.muli %add3A_629, %mul3A_692 : i32
      %add3A_694 = arith.constant 2 : i32
      %add3A_695 = arith.addi %mul3A_693, %add3A_694 : i32
      %get3A_696 = arith.index_cast %add3A_695 : i32 to index
      %get3A_697 = arith.constant 0 : index
      %get3A_698 = tpu.vector_load %arg12[%get3A_696, %get3A_697] {strides = array<i32>} : memref<640x64xf32, #tpu.memory_space<vmem>>, vector<16xf32>,
      %mul3A_699 = arith.mulf %get3A_632, %get3A_698 : vector<16xf32>
      %get3A_700 = arith.index_cast %add3A_695 : i32 to index
      %get3A_701 = arith.constant 16 : index
      %get3A_702 = tpu.vector_load %arg12[%get3A_700, %get3A_701] {strides = array<i32>} : memref<640x64xf32, #tpu.memory_space<vmem>>, vector<16xf32>,
      %mul3A_703 = arith.mulf %get3A_635, %get3A_702 : vector<16xf32>
      %add3A_704 = arith.addf %mul3A_699, %mul3A_703 : vector<16xf32>
      %get3A_705 = arith.index_cast %add3A_695 : i32 to index
      %get3A_706 = arith.constant 32 : index
      %get3A_707 = tpu.vector_load %arg12[%get3A_705, %get3A_706] {strides = array<i32>} : memref<640x64xf32, #tpu.memory_space<vmem>>, vector<16xf32>,
      %mul3A_708 = arith.mulf %get3A_638, %get3A_707 : vector<16xf32>
      %add3A_709 = arith.addf %add3A_704, %mul3A_708 : vector<16xf32>
      %get3A_710 = arith.index_cast %add3A_695 : i32 to index
      %get3A_711 = arith.constant 48 : index
      %get3A_712 = tpu.vector_load %arg12[%get3A_710, %get3A_711] {strides = array<i32>} : memref<640x64xf32, #tpu.memory_space<vmem>>, vector<16xf32>,
      %mul3A_713 = arith.mulf %get3A_641, %get3A_712 : vector<16xf32>
      %add3A_714 = arith.addf %add3A_709, %mul3A_713 : vector<16xf32>
      %swap3A_715 = arith.constant 289 : index
      %swap3A_716 = tpu.vector_load %arg14[%swap3A_715] {strides = array<i32>} : memref<1360xf32, #tpu.memory_space<vmem>>, vector<16xf32>,
      tpu.vector_store %arg14[%swap3A_715], %add3A_714 {strides = array<i32>} : memref<1360xf32, #tpu.memory_space<vmem>>, vector<16xf32>,
      %mul3A_717 = arith.constant 5 : i32
      %mul3A_718 = arith.muli %add3A_629, %mul3A_717 : i32
      %add3A_719 = arith.constant 3 : i32
      %add3A_720 = arith.addi %mul3A_718, %add3A_719 : i32
      %get3A_721 = arith.index_cast %add3A_720 : i32 to index
      %get3A_722 = arith.constant 0 : index
      %get3A_723 = tpu.vector_load %arg12[%get3A_721, %get3A_722] {strides = array<i32>} : memref<640x64xf32, #tpu.memory_space<vmem>>, vector<16xf32>,
      %mul3A_724 = arith.mulf %get3A_632, %get3A_723 : vector<16xf32>
      %get3A_725 = arith.index_cast %add3A_720 : i32 to index
      %get3A_726 = arith.constant 16 : index
      %get3A_727 = tpu.vector_load %arg12[%get3A_725, %get3A_726] {strides = array<i32>} : memref<640x64xf32, #tpu.memory_space<vmem>>, vector<16xf32>,
      %mul3A_728 = arith.mulf %get3A_635, %get3A_727 : vector<16xf32>
      %add3A_729 = arith.addf %mul3A_724, %mul3A_728 : vector<16xf32>
      %get3A_730 = arith.index_cast %add3A_720 : i32 to index
      %get3A_731 = arith.constant 32 : index
      %get3A_732 = tpu.vector_load %arg12[%get3A_730, %get3A_731] {strides = array<i32>} : memref<640x64xf32, #tpu.memory_space<vmem>>, vector<16xf32>,
      %mul3A_733 = arith.mulf %get3A_638, %get3A_732 : vector<16xf32>
      %add3A_734 = arith.addf %add3A_729, %mul3A_733 : vector<16xf32>
      %get3A_735 = arith.index_cast %add3A_720 : i32 to index
      %get3A_736 = arith.constant 48 : index
      %get3A_737 = tpu.vector_load %arg12[%get3A_735, %get3A_736] {strides = array<i32>} : memref<640x64xf32, #tpu.memory_space<vmem>>, vector<16xf32>,
      %mul3A_738 = arith.mulf %get3A_641, %get3A_737 : vector<16xf32>
      %add3A_739 = arith.addf %add3A_734, %mul3A_738 : vector<16xf32>
      %swap3A_740 = arith.constant 306 : index
      %swap3A_741 = tpu.vector_load %arg14[%swap3A_740] {strides = array<i32>} : memref<1360xf32, #tpu.memory_space<vmem>>, vector<16xf32>,
      tpu.vector_store %arg14[%swap3A_740], %add3A_739 {strides = array<i32>} : memref<1360xf32, #tpu.memory_space<vmem>>, vector<16xf32>,
      %mul3A_742 = arith.constant 5 : i32
      %mul3A_743 = arith.muli %add3A_629, %mul3A_742 : i32
      %add3A_744 = arith.constant 4 : i32
      %add3A_745 = arith.addi %mul3A_743, %add3A_744 : i32
      %get3A_746 = arith.index_cast %add3A_745 : i32 to index
      %get3A_747 = arith.constant 0 : index
      %get3A_748 = tpu.vector_load %arg12[%get3A_746, %get3A_747] {strides = array<i32>} : memref<640x64xf32, #tpu.memory_space<vmem>>, vector<16xf32>,
      %mul3A_749 = arith.mulf %get3A_632, %get3A_748 : vector<16xf32>
      %get3A_750 = arith.index_cast %add3A_745 : i32 to index
      %get3A_751 = arith.constant 16 : index
      %get3A_752 = tpu.vector_load %arg12[%get3A_750, %get3A_751] {strides = array<i32>} : memref<640x64xf32, #tpu.memory_space<vmem>>, vector<16xf32>,
      %mul3A_753 = arith.mulf %get3A_635, %get3A_752 : vector<16xf32>
      %add3A_754 = arith.addf %mul3A_749, %mul3A_753 : vector<16xf32>
      %get3A_755 = arith.index_cast %add3A_745 : i32 to index
      %get3A_756 = arith.constant 32 : index
      %get3A_757 = tpu.vector_load %arg12[%get3A_755, %get3A_756] {strides = array<i32>} : memref<640x64xf32, #tpu.memory_space<vmem>>, vector<16xf32>,
      %mul3A_758 = arith.mulf %get3A_638, %get3A_757 : vector<16xf32>
      %add3A_759 = arith.addf %add3A_754, %mul3A_758 : vector<16xf32>
      %get3A_760 = arith.index_cast %add3A_745 : i32 to index
      %get3A_761 = arith.constant 48 : index
      %get3A_762 = tpu.vector_load %arg12[%get3A_760, %get3A_761] {strides = array<i32>} : memref<640x64xf32, #tpu.memory_space<vmem>>, vector<16xf32>,
      %mul3A_763 = arith.mulf %get3A_641, %get3A_762 : vector<16xf32>
      %add3A_764 = arith.addf %add3A_759, %mul3A_763 : vector<16xf32>
      %swap3A_765 = arith.constant 323 : index
      %swap3A_766 = tpu.vector_load %arg14[%swap3A_765] {strides = array<i32>} : memref<1360xf32, #tpu.memory_space<vmem>>, vector<16xf32>,
      tpu.vector_store %arg14[%swap3A_765], %add3A_764 {strides = array<i32>} : memref<1360xf32, #tpu.memory_space<vmem>>, vector<16xf32>,
      %add3A_767 = arith.constant 4 : i32
      %add3A_768 = arith.addi %mul3A_212, %add3A_767 : i32
      %get3A_769 = arith.index_cast %add3A_768 : i32 to index
      %get3A_770 = arith.constant 0 : index
      %get3A_771 = tpu.vector_load %arg11[%get3A_769, %get3A_770] {strides = array<i32>} : memref<128x64xf32, #tpu.memory_space<vmem>>, vector<16xf32>,
      %get3A_772 = arith.index_cast %add3A_768 : i32 to index
      %get3A_773 = arith.constant 16 : index
      %get3A_774 = tpu.vector_load %arg11[%get3A_772, %get3A_773] {strides = array<i32>} : memref<128x64xf32, #tpu.memory_space<vmem>>, vector<16xf32>,
      %get3A_775 = arith.index_cast %add3A_768 : i32 to index
      %get3A_776 = arith.constant 32 : index
      %get3A_777 = tpu.vector_load %arg11[%get3A_775, %get3A_776] {strides = array<i32>} : memref<128x64xf32, #tpu.memory_space<vmem>>, vector<16xf32>,
      %get3A_778 = arith.index_cast %add3A_768 : i32 to index
      %get3A_779 = arith.constant 48 : index
      %get3A_780 = tpu.vector_load %arg11[%get3A_778, %get3A_779] {strides = array<i32>} : memref<128x64xf32, #tpu.memory_space<vmem>>, vector<16xf32>,
      %mul3A_781 = arith.constant 5 : i32
      %mul3A_782 = arith.muli %add3A_768, %mul3A_781 : i32
      %add3A_783 = arith.constant 0 : i32
      %add3A_784 = arith.addi %mul3A_782, %add3A_783 : i32
      %get3A_785 = arith.index_cast %add3A_784 : i32 to index
      %get3A_786 = arith.constant 0 : index
      %get3A_787 = tpu.vector_load %arg12[%get3A_785, %get3A_786] {strides = array<i32>} : memref<640x64xf32, #tpu.memory_space<vmem>>, vector<16xf32>,
      %mul3A_788 = arith.mulf %get3A_771, %get3A_787 : vector<16xf32>
      %get3A_789 = arith.index_cast %add3A_784 : i32 to index
      %get3A_790 = arith.constant 16 : index
      %get3A_791 = tpu.vector_load %arg12[%get3A_789, %get3A_790] {strides = array<i32>} : memref<640x64xf32, #tpu.memory_space<vmem>>, vector<16xf32>,
      %mul3A_792 = arith.mulf %get3A_774, %get3A_791 : vector<16xf32>
      %add3A_793 = arith.addf %mul3A_788, %mul3A_792 : vector<16xf32>
      %get3A_794 = arith.index_cast %add3A_784 : i32 to index
      %get3A_795 = arith.constant 32 : index
      %get3A_796 = tpu.vector_load %arg12[%get3A_794, %get3A_795] {strides = array<i32>} : memref<640x64xf32, #tpu.memory_space<vmem>>, vector<16xf32>,
      %mul3A_797 = arith.mulf %get3A_777, %get3A_796 : vector<16xf32>
      %add3A_798 = arith.addf %add3A_793, %mul3A_797 : vector<16xf32>
      %get3A_799 = arith.index_cast %add3A_784 : i32 to index
      %get3A_800 = arith.constant 48 : index
      %get3A_801 = tpu.vector_load %arg12[%get3A_799, %get3A_800] {strides = array<i32>} : memref<640x64xf32, #tpu.memory_space<vmem>>, vector<16xf32>,
      %mul3A_802 = arith.mulf %get3A_780, %get3A_801 : vector<16xf32>
      %add3A_803 = arith.addf %add3A_798, %mul3A_802 : vector<16xf32>
      %swap3A_804 = arith.constant 340 : index
      %swap3A_805 = tpu.vector_load %arg14[%swap3A_804] {strides = array<i32>} : memref<1360xf32, #tpu.memory_space<vmem>>, vector<16xf32>,
      tpu.vector_store %arg14[%swap3A_804], %add3A_803 {strides = array<i32>} : memref<1360xf32, #tpu.memory_space<vmem>>, vector<16xf32>,
      %mul3A_806 = arith.constant 5 : i32
      %mul3A_807 = arith.muli %add3A_768, %mul3A_806 : i32
      %add3A_808 = arith.constant 1 : i32
      %add3A_809 = arith.addi %mul3A_807, %add3A_808 : i32
      %get3A_810 = arith.index_cast %add3A_809 : i32 to index
      %get3A_811 = arith.constant 0 : index
      %get3A_812 = tpu.vector_load %arg12[%get3A_810, %get3A_811] {strides = array<i32>} : memref<640x64xf32, #tpu.memory_space<vmem>>, vector<16xf32>,
      %mul3A_813 = arith.mulf %get3A_771, %get3A_812 : vector<16xf32>
      %get3A_814 = arith.index_cast %add3A_809 : i32 to index
      %get3A_815 = arith.constant 16 : index
      %get3A_816 = tpu.vector_load %arg12[%get3A_814, %get3A_815] {strides = array<i32>} : memref<640x64xf32, #tpu.memory_space<vmem>>, vector<16xf32>,
      %mul3A_817 = arith.mulf %get3A_774, %get3A_816 : vector<16xf32>
      %add3A_818 = arith.addf %mul3A_813, %mul3A_817 : vector<16xf32>
      %get3A_819 = arith.index_cast %add3A_809 : i32 to index
      %get3A_820 = arith.constant 32 : index
      %get3A_821 = tpu.vector_load %arg12[%get3A_819, %get3A_820] {strides = array<i32>} : memref<640x64xf32, #tpu.memory_space<vmem>>, vector<16xf32>,
      %mul3A_822 = arith.mulf %get3A_777, %get3A_821 : vector<16xf32>
      %add3A_823 = arith.addf %add3A_818, %mul3A_822 : vector<16xf32>
      %get3A_824 = arith.index_cast %add3A_809 : i32 to index
      %get3A_825 = arith.constant 48 : index
      %get3A_826 = tpu.vector_load %arg12[%get3A_824, %get3A_825] {strides = array<i32>} : memref<640x64xf32, #tpu.memory_space<vmem>>, vector<16xf32>,
      %mul3A_827 = arith.mulf %get3A_780, %get3A_826 : vector<16xf32>
      %add3A_828 = arith.addf %add3A_823, %mul3A_827 : vector<16xf32>
      %swap3A_829 = arith.constant 357 : index
      %swap3A_830 = tpu.vector_load %arg14[%swap3A_829] {strides = array<i32>} : memref<1360xf32, #tpu.memory_space<vmem>>, vector<16xf32>,
      tpu.vector_store %arg14[%swap3A_829], %add3A_828 {strides = array<i32>} : memref<1360xf32, #tpu.memory_space<vmem>>, vector<16xf32>,
      %mul3A_831 = arith.constant 5 : i32
      %mul3A_832 = arith.muli %add3A_768, %mul3A_831 : i32
      %add3A_833 = arith.constant 2 : i32
      %add3A_834 = arith.addi %mul3A_832, %add3A_833 : i32
      %get3A_835 = arith.index_cast %add3A_834 : i32 to index
      %get3A_836 = arith.constant 0 : index
      %get3A_837 = tpu.vector_load %arg12[%get3A_835, %get3A_836] {strides = array<i32>} : memref<640x64xf32, #tpu.memory_space<vmem>>, vector<16xf32>,
      %mul3A_838 = arith.mulf %get3A_771, %get3A_837 : vector<16xf32>
      %get3A_839 = arith.index_cast %add3A_834 : i32 to index
      %get3A_840 = arith.constant 16 : index
      %get3A_841 = tpu.vector_load %arg12[%get3A_839, %get3A_840] {strides = array<i32>} : memref<640x64xf32, #tpu.memory_space<vmem>>, vector<16xf32>,
      %mul3A_842 = arith.mulf %get3A_774, %get3A_841 : vector<16xf32>
      %add3A_843 = arith.addf %mul3A_838, %mul3A_842 : vector<16xf32>
      %get3A_844 = arith.index_cast %add3A_834 : i32 to index
      %get3A_845 = arith.constant 32 : index
      %get3A_846 = tpu.vector_load %arg12[%get3A_844, %get3A_845] {strides = array<i32>} : memref<640x64xf32, #tpu.memory_space<vmem>>, vector<16xf32>,
      %mul3A_847 = arith.mulf %get3A_777, %get3A_846 : vector<16xf32>
      %add3A_848 = arith.addf %add3A_843, %mul3A_847 : vector<16xf32>
      %get3A_849 = arith.index_cast %add3A_834 : i32 to index
      %get3A_850 = arith.constant 48 : index
      %get3A_851 = tpu.vector_load %arg12[%get3A_849, %get3A_850] {strides = array<i32>} : memref<640x64xf32, #tpu.memory_space<vmem>>, vector<16xf32>,
      %mul3A_852 = arith.mulf %get3A_780, %get3A_851 : vector<16xf32>
      %add3A_853 = arith.addf %add3A_848, %mul3A_852 : vector<16xf32>
      %swap3A_854 = arith.constant 374 : index
      %swap3A_855 = tpu.vector_load %arg14[%swap3A_854] {strides = array<i32>} : memref<1360xf32, #tpu.memory_space<vmem>>, vector<16xf32>,
      tpu.vector_store %arg14[%swap3A_854], %add3A_853 {strides = array<i32>} : memref<1360xf32, #tpu.memory_space<vmem>>, vector<16xf32>,
      %mul3A_856 = arith.constant 5 : i32
      %mul3A_857 = arith.muli %add3A_768, %mul3A_856 : i32
      %add3A_858 = arith.constant 3 : i32
      %add3A_859 = arith.addi %mul3A_857, %add3A_858 : i32
      %get3A_860 = arith.index_cast %add3A_859 : i32 to index
      %get3A_861 = arith.constant 0 : index
      %get3A_862 = tpu.vector_load %arg12[%get3A_860, %get3A_861] {strides = array<i32>} : memref<640x64xf32, #tpu.memory_space<vmem>>, vector<16xf32>,
      %mul3A_863 = arith.mulf %get3A_771, %get3A_862 : vector<16xf32>
      %get3A_864 = arith.index_cast %add3A_859 : i32 to index
      %get3A_865 = arith.constant 16 : index
      %get3A_866 = tpu.vector_load %arg12[%get3A_864, %get3A_865] {strides = array<i32>} : memref<640x64xf32, #tpu.memory_space<vmem>>, vector<16xf32>,
      %mul3A_867 = arith.mulf %get3A_774, %get3A_866 : vector<16xf32>
      %add3A_868 = arith.addf %mul3A_863, %mul3A_867 : vector<16xf32>
      %get3A_869 = arith.index_cast %add3A_859 : i32 to index
      %get3A_870 = arith.constant 32 : index
      %get3A_871 = tpu.vector_load %arg12[%get3A_869, %get3A_870] {strides = array<i32>} : memref<640x64xf32, #tpu.memory_space<vmem>>, vector<16xf32>,
      %mul3A_872 = arith.mulf %get3A_777, %get3A_871 : vector<16xf32>
      %add3A_873 = arith.addf %add3A_868, %mul3A_872 : vector<16xf32>
      %get3A_874 = arith.index_cast %add3A_859 : i32 to index
      %get3A_875 = arith.constant 48 : index
      %get3A_876 = tpu.vector_load %arg12[%get3A_874, %get3A_875] {strides = array<i32>} : memref<640x64xf32, #tpu.memory_space<vmem>>, vector<16xf32>,
      %mul3A_877 = arith.mulf %get3A_780, %get3A_876 : vector<16xf32>
      %add3A_878 = arith.addf %add3A_873, %mul3A_877 : vector<16xf32>
      %swap3A_879 = arith.constant 391 : index
      %swap3A_880 = tpu.vector_load %arg14[%swap3A_879] {strides = array<i32>} : memref<1360xf32, #tpu.memory_space<vmem>>, vector<16xf32>,
      tpu.vector_store %arg14[%swap3A_879], %add3A_878 {strides = array<i32>} : memref<1360xf32, #tpu.memory_space<vmem>>, vector<16xf32>,
      %mul3A_881 = arith.constant 5 : i32
      %mul3A_882 = arith.muli %add3A_768, %mul3A_881 : i32
      %add3A_883 = arith.constant 4 : i32
      %add3A_884 = arith.addi %mul3A_882, %add3A_883 : i32
      %get3A_885 = arith.index_cast %add3A_884 : i32 to index
      %get3A_886 = arith.constant 0 : index
      %get3A_887 = tpu.vector_load %arg12[%get3A_885, %get3A_886] {strides = array<i32>} : memref<640x64xf32, #tpu.memory_space<vmem>>, vector<16xf32>,
      %mul3A_888 = arith.mulf %get3A_771, %get3A_887 : vector<16xf32>
      %get3A_889 = arith.index_cast %add3A_884 : i32 to index
      %get3A_890 = arith.constant 16 : index
      %get3A_891 = tpu.vector_load %arg12[%get3A_889, %get3A_890] {strides = array<i32>} : memref<640x64xf32, #tpu.memory_space<vmem>>, vector<16xf32>,
      %mul3A_892 = arith.mulf %get3A_774, %get3A_891 : vector<16xf32>
      %add3A_893 = arith.addf %mul3A_888, %mul3A_892 : vector<16xf32>
      %get3A_894 = arith.index_cast %add3A_884 : i32 to index
      %get3A_895 = arith.constant 32 : index
      %get3A_896 = tpu.vector_load %arg12[%get3A_894, %get3A_895] {strides = array<i32>} : memref<640x64xf32, #tpu.memory_space<vmem>>, vector<16xf32>,
      %mul3A_897 = arith.mulf %get3A_777, %get3A_896 : vector<16xf32>
      %add3A_898 = arith.addf %add3A_893, %mul3A_897 : vector<16xf32>
      %get3A_899 = arith.index_cast %add3A_884 : i32 to index
      %get3A_900 = arith.constant 48 : index
      %get3A_901 = tpu.vector_load %arg12[%get3A_899, %get3A_900] {strides = array<i32>} : memref<640x64xf32, #tpu.memory_space<vmem>>, vector<16xf32>,
      %mul3A_902 = arith.mulf %get3A_780, %get3A_901 : vector<16xf32>
      %add3A_903 = arith.addf %add3A_898, %mul3A_902 : vector<16xf32>
      %swap3A_904 = arith.constant 408 : index
      %swap3A_905 = tpu.vector_load %arg14[%swap3A_904] {strides = array<i32>} : memref<1360xf32, #tpu.memory_space<vmem>>, vector<16xf32>,
      tpu.vector_store %arg14[%swap3A_904], %add3A_903 {strides = array<i32>} : memref<1360xf32, #tpu.memory_space<vmem>>, vector<16xf32>,
      %add3A_906 = arith.constant 5 : i32
      %add3A_907 = arith.addi %mul3A_212, %add3A_906 : i32
      %get3A_908 = arith.index_cast %add3A_907 : i32 to index
      %get3A_909 = arith.constant 0 : index
      %get3A_910 = tpu.vector_load %arg11[%get3A_908, %get3A_909] {strides = array<i32>} : memref<128x64xf32, #tpu.memory_space<vmem>>, vector<16xf32>,
      %get3A_911 = arith.index_cast %add3A_907 : i32 to index
      %get3A_912 = arith.constant 16 : index
      %get3A_913 = tpu.vector_load %arg11[%get3A_911, %get3A_912] {strides = array<i32>} : memref<128x64xf32, #tpu.memory_space<vmem>>, vector<16xf32>,
      %get3A_914 = arith.index_cast %add3A_907 : i32 to index
      %get3A_915 = arith.constant 32 : index
      %get3A_916 = tpu.vector_load %arg11[%get3A_914, %get3A_915] {strides = array<i32>} : memref<128x64xf32, #tpu.memory_space<vmem>>, vector<16xf32>,
      %get3A_917 = arith.index_cast %add3A_907 : i32 to index
      %get3A_918 = arith.constant 48 : index
      %get3A_919 = tpu.vector_load %arg11[%get3A_917, %get3A_918] {strides = array<i32>} : memref<128x64xf32, #tpu.memory_space<vmem>>, vector<16xf32>,
      %mul3A_920 = arith.constant 5 : i32
      %mul3A_921 = arith.muli %add3A_907, %mul3A_920 : i32
      %add3A_922 = arith.constant 0 : i32
      %add3A_923 = arith.addi %mul3A_921, %add3A_922 : i32
      %get3A_924 = arith.index_cast %add3A_923 : i32 to index
      %get3A_925 = arith.constant 0 : index
      %get3A_926 = tpu.vector_load %arg12[%get3A_924, %get3A_925] {strides = array<i32>} : memref<640x64xf32, #tpu.memory_space<vmem>>, vector<16xf32>,
      %mul3A_927 = arith.mulf %get3A_910, %get3A_926 : vector<16xf32>
      %get3A_928 = arith.index_cast %add3A_923 : i32 to index
      %get3A_929 = arith.constant 16 : index
      %get3A_930 = tpu.vector_load %arg12[%get3A_928, %get3A_929] {strides = array<i32>} : memref<640x64xf32, #tpu.memory_space<vmem>>, vector<16xf32>,
      %mul3A_931 = arith.mulf %get3A_913, %get3A_930 : vector<16xf32>
      %add3A_932 = arith.addf %mul3A_927, %mul3A_931 : vector<16xf32>
      %get3A_933 = arith.index_cast %add3A_923 : i32 to index
      %get3A_934 = arith.constant 32 : index
      %get3A_935 = tpu.vector_load %arg12[%get3A_933, %get3A_934] {strides = array<i32>} : memref<640x64xf32, #tpu.memory_space<vmem>>, vector<16xf32>,
      %mul3A_936 = arith.mulf %get3A_916, %get3A_935 : vector<16xf32>
      %add3A_937 = arith.addf %add3A_932, %mul3A_936 : vector<16xf32>
      %get3A_938 = arith.index_cast %add3A_923 : i32 to index
      %get3A_939 = arith.constant 48 : index
      %get3A_940 = tpu.vector_load %arg12[%get3A_938, %get3A_939] {strides = array<i32>} : memref<640x64xf32, #tpu.memory_space<vmem>>, vector<16xf32>,
      %mul3A_941 = arith.mulf %get3A_919, %get3A_940 : vector<16xf32>
      %add3A_942 = arith.addf %add3A_937, %mul3A_941 : vector<16xf32>
      %swap3A_943 = arith.constant 425 : index
      %swap3A_944 = tpu.vector_load %arg14[%swap3A_943] {strides = array<i32>} : memref<1360xf32, #tpu.memory_space<vmem>>, vector<16xf32>,
      tpu.vector_store %arg14[%swap3A_943], %add3A_942 {strides = array<i32>} : memref<1360xf32, #tpu.memory_space<vmem>>, vector<16xf32>,
      %mul3A_945 = arith.constant 5 : i32
      %mul3A_946 = arith.muli %add3A_907, %mul3A_945 : i32
      %add3A_947 = arith.constant 1 : i32
      %add3A_948 = arith.addi %mul3A_946, %add3A_947 : i32
      %get3A_949 = arith.index_cast %add3A_948 : i32 to index
      %get3A_950 = arith.constant 0 : index
      %get3A_951 = tpu.vector_load %arg12[%get3A_949, %get3A_950] {strides = array<i32>} : memref<640x64xf32, #tpu.memory_space<vmem>>, vector<16xf32>,
      %mul3A_952 = arith.mulf %get3A_910, %get3A_951 : vector<16xf32>
      %get3A_953 = arith.index_cast %add3A_948 : i32 to index
      %get3A_954 = arith.constant 16 : index
      %get3A_955 = tpu.vector_load %arg12[%get3A_953, %get3A_954] {strides = array<i32>} : memref<640x64xf32, #tpu.memory_space<vmem>>, vector<16xf32>,
      %mul3A_956 = arith.mulf %get3A_913, %get3A_955 : vector<16xf32>
      %add3A_957 = arith.addf %mul3A_952, %mul3A_956 : vector<16xf32>
      %get3A_958 = arith.index_cast %add3A_948 : i32 to index
      %get3A_959 = arith.constant 32 : index
      %get3A_960 = tpu.vector_load %arg12[%get3A_958, %get3A_959] {strides = array<i32>} : memref<640x64xf32, #tpu.memory_space<vmem>>, vector<16xf32>,
      %mul3A_961 = arith.mulf %get3A_916, %get3A_960 : vector<16xf32>
      %add3A_962 = arith.addf %add3A_957, %mul3A_961 : vector<16xf32>
      %get3A_963 = arith.index_cast %add3A_948 : i32 to index
      %get3A_964 = arith.constant 48 : index
      %get3A_965 = tpu.vector_load %arg12[%get3A_963, %get3A_964] {strides = array<i32>} : memref<640x64xf32, #tpu.memory_space<vmem>>, vector<16xf32>,
      %mul3A_966 = arith.mulf %get3A_919, %get3A_965 : vector<16xf32>
      %add3A_967 = arith.addf %add3A_962, %mul3A_966 : vector<16xf32>
      %swap3A_968 = arith.constant 442 : index
      %swap3A_969 = tpu.vector_load %arg14[%swap3A_968] {strides = array<i32>} : memref<1360xf32, #tpu.memory_space<vmem>>, vector<16xf32>,
      tpu.vector_store %arg14[%swap3A_968], %add3A_967 {strides = array<i32>} : memref<1360xf32, #tpu.memory_space<vmem>>, vector<16xf32>,
      %mul3A_970 = arith.constant 5 : i32
      %mul3A_971 = arith.muli %add3A_907, %mul3A_970 : i32
      %add3A_972 = arith.constant 2 : i32
      %add3A_973 = arith.addi %mul3A_971, %add3A_972 : i32
      %get3A_974 = arith.index_cast %add3A_973 : i32 to index
      %get3A_975 = arith.constant 0 : index
      %get3A_976 = tpu.vector_load %arg12[%get3A_974, %get3A_975] {strides = array<i32>} : memref<640x64xf32, #tpu.memory_space<vmem>>, vector<16xf32>,
      %mul3A_977 = arith.mulf %get3A_910, %get3A_976 : vector<16xf32>
      %get3A_978 = arith.index_cast %add3A_973 : i32 to index
      %get3A_979 = arith.constant 16 : index
      %get3A_980 = tpu.vector_load %arg12[%get3A_978, %get3A_979] {strides = array<i32>} : memref<640x64xf32, #tpu.memory_space<vmem>>, vector<16xf32>,
      %mul3A_981 = arith.mulf %get3A_913, %get3A_980 : vector<16xf32>
      %add3A_982 = arith.addf %mul3A_977, %mul3A_981 : vector<16xf32>
      %get3A_983 = arith.index_cast %add3A_973 : i32 to index
      %get3A_984 = arith.constant 32 : index
      %get3A_985 = tpu.vector_load %arg12[%get3A_983, %get3A_984] {strides = array<i32>} : memref<640x64xf32, #tpu.memory_space<vmem>>, vector<16xf32>,
      %mul3A_986 = arith.mulf %get3A_916, %get3A_985 : vector<16xf32>
      %add3A_987 = arith.addf %add3A_982, %mul3A_986 : vector<16xf32>
      %get3A_988 = arith.index_cast %add3A_973 : i32 to index
      %get3A_989 = arith.constant 48 : index
      %get3A_990 = tpu.vector_load %arg12[%get3A_988, %get3A_989] {strides = array<i32>} : memref<640x64xf32, #tpu.memory_space<vmem>>, vector<16xf32>,
      %mul3A_991 = arith.mulf %get3A_919, %get3A_990 : vector<16xf32>
      %add3A_992 = arith.addf %add3A_987, %mul3A_991 : vector<16xf32>
      %swap3A_993 = arith.constant 459 : index
      %swap3A_994 = tpu.vector_load %arg14[%swap3A_993] {strides = array<i32>} : memref<1360xf32, #tpu.memory_space<vmem>>, vector<16xf32>,
      tpu.vector_store %arg14[%swap3A_993], %add3A_992 {strides = array<i32>} : memref<1360xf32, #tpu.memory_space<vmem>>, vector<16xf32>,
      %mul3A_995 = arith.constant 5 : i32
      %mul3A_996 = arith.muli %add3A_907, %mul3A_995 : i32
      %add3A_997 = arith.constant 3 : i32
      %add3A_998 = arith.addi %mul3A_996, %add3A_997 : i32
      %get3A_999 = arith.index_cast %add3A_998 : i32 to index
      %get3A_1000 = arith.constant 0 : index
      %get3A_1001 = tpu.vector_load %arg12[%get3A_999, %get3A_1000] {strides = array<i32>} : memref<640x64xf32, #tpu.memory_space<vmem>>, vector<16xf32>,
      %mul3A_1002 = arith.mulf %get3A_910, %get3A_1001 : vector<16xf32>
      %get3A_1003 = arith.index_cast %add3A_998 : i32 to index
      %get3A_1004 = arith.constant 16 : index
      %get3A_1005 = tpu.vector_load %arg12[%get3A_1003, %get3A_1004] {strides = array<i32>} : memref<640x64xf32, #tpu.memory_space<vmem>>, vector<16xf32>,
      %mul3A_1006 = arith.mulf %get3A_913, %get3A_1005 : vector<16xf32>
      %add3A_1007 = arith.addf %mul3A_1002, %mul3A_1006 : vector<16xf32>
      %get3A_1008 = arith.index_cast %add3A_998 : i32 to index
      %get3A_1009 = arith.constant 32 : index
      %get3A_1010 = tpu.vector_load %arg12[%get3A_1008, %get3A_1009] {strides = array<i32>} : memref<640x64xf32, #tpu.memory_space<vmem>>, vector<16xf32>,
      %mul3A_1011 = arith.mulf %get3A_916, %get3A_1010 : vector<16xf32>
      %add3A_1012 = arith.addf %add3A_1007, %mul3A_1011 : vector<16xf32>
      %get3A_1013 = arith.index_cast %add3A_998 : i32 to index
      %get3A_1014 = arith.constant 48 : index
      %get3A_1015 = tpu.vector_load %arg12[%get3A_1013, %get3A_1014] {strides = array<i32>} : memref<640x64xf32, #tpu.memory_space<vmem>>, vector<16xf32>,
      %mul3A_1016 = arith.mulf %get3A_919, %get3A_1015 : vector<16xf32>
      %add3A_1017 = arith.addf %add3A_1012, %mul3A_1016 : vector<16xf32>
      %swap3A_1018 = arith.constant 476 : index
      %swap3A_1019 = tpu.vector_load %arg14[%swap3A_1018] {strides = array<i32>} : memref<1360xf32, #tpu.memory_space<vmem>>, vector<16xf32>,
      tpu.vector_store %arg14[%swap3A_1018], %add3A_1017 {strides = array<i32>} : memref<1360xf32, #tpu.memory_space<vmem>>, vector<16xf32>,
      %mul3A_1020 = arith.constant 5 : i32
      %mul3A_1021 = arith.muli %add3A_907, %mul3A_1020 : i32
      %add3A_1022 = arith.constant 4 : i32
      %add3A_1023 = arith.addi %mul3A_1021, %add3A_1022 : i32
      %get3A_1024 = arith.index_cast %add3A_1023 : i32 to index
      %get3A_1025 = arith.constant 0 : index
      %get3A_1026 = tpu.vector_load %arg12[%get3A_1024, %get3A_1025] {strides = array<i32>} : memref<640x64xf32, #tpu.memory_space<vmem>>, vector<16xf32>,
      %mul3A_1027 = arith.mulf %get3A_910, %get3A_1026 : vector<16xf32>
      %get3A_1028 = arith.index_cast %add3A_1023 : i32 to index
      %get3A_1029 = arith.constant 16 : index
      %get3A_1030 = tpu.vector_load %arg12[%get3A_1028, %get3A_1029] {strides = array<i32>} : memref<640x64xf32, #tpu.memory_space<vmem>>, vector<16xf32>,
      %mul3A_1031 = arith.mulf %get3A_913, %get3A_1030 : vector<16xf32>
      %add3A_1032 = arith.addf %mul3A_1027, %mul3A_1031 : vector<16xf32>
      %get3A_1033 = arith.index_cast %add3A_1023 : i32 to index
      %get3A_1034 = arith.constant 32 : index
      %get3A_1035 = tpu.vector_load %arg12[%get3A_1033, %get3A_1034] {strides = array<i32>} : memref<640x64xf32, #tpu.memory_space<vmem>>, vector<16xf32>,
      %mul3A_1036 = arith.mulf %get3A_916, %get3A_1035 : vector<16xf32>
      %add3A_1037 = arith.addf %add3A_1032, %mul3A_1036 : vector<16xf32>
      %get3A_1038 = arith.index_cast %add3A_1023 : i32 to index
      %get3A_1039 = arith.constant 48 : index
      %get3A_1040 = tpu.vector_load %arg12[%get3A_1038, %get3A_1039] {strides = array<i32>} : memref<640x64xf32, #tpu.memory_space<vmem>>, vector<16xf32>,
      %mul3A_1041 = arith.mulf %get3A_919, %get3A_1040 : vector<16xf32>
      %add3A_1042 = arith.addf %add3A_1037, %mul3A_1041 : vector<16xf32>
      %swap3A_1043 = arith.constant 493 : index
      %swap3A_1044 = tpu.vector_load %arg14[%swap3A_1043] {strides = array<i32>} : memref<1360xf32, #tpu.memory_space<vmem>>, vector<16xf32>,
      tpu.vector_store %arg14[%swap3A_1043], %add3A_1042 {strides = array<i32>} : memref<1360xf32, #tpu.memory_space<vmem>>, vector<16xf32>,
      %add3A_1045 = arith.constant 6 : i32
      %add3A_1046 = arith.addi %mul3A_212, %add3A_1045 : i32
      %get3A_1047 = arith.index_cast %add3A_1046 : i32 to index
      %get3A_1048 = arith.constant 0 : index
      %get3A_1049 = tpu.vector_load %arg11[%get3A_1047, %get3A_1048] {strides = array<i32>} : memref<128x64xf32, #tpu.memory_space<vmem>>, vector<16xf32>,
      %get3A_1050 = arith.index_cast %add3A_1046 : i32 to index
      %get3A_1051 = arith.constant 16 : index
      %get3A_1052 = tpu.vector_load %arg11[%get3A_1050, %get3A_1051] {strides = array<i32>} : memref<128x64xf32, #tpu.memory_space<vmem>>, vector<16xf32>,
      %get3A_1053 = arith.index_cast %add3A_1046 : i32 to index
      %get3A_1054 = arith.constant 32 : index
      %get3A_1055 = tpu.vector_load %arg11[%get3A_1053, %get3A_1054] {strides = array<i32>} : memref<128x64xf32, #tpu.memory_space<vmem>>, vector<16xf32>,
      %get3A_1056 = arith.index_cast %add3A_1046 : i32 to index
      %get3A_1057 = arith.constant 48 : index
      %get3A_1058 = tpu.vector_load %arg11[%get3A_1056, %get3A_1057] {strides = array<i32>} : memref<128x64xf32, #tpu.memory_space<vmem>>, vector<16xf32>,
      %mul3A_1059 = arith.constant 5 : i32
      %mul3A_1060 = arith.muli %add3A_1046, %mul3A_1059 : i32
      %add3A_1061 = arith.constant 0 : i32
      %add3A_1062 = arith.addi %mul3A_1060, %add3A_1061 : i32
      %get3A_1063 = arith.index_cast %add3A_1062 : i32 to index
      %get3A_1064 = arith.constant 0 : index
      %get3A_1065 = tpu.vector_load %arg12[%get3A_1063, %get3A_1064] {strides = array<i32>} : memref<640x64xf32, #tpu.memory_space<vmem>>, vector<16xf32>,
      %mul3A_1066 = arith.mulf %get3A_1049, %get3A_1065 : vector<16xf32>
      %get3A_1067 = arith.index_cast %add3A_1062 : i32 to index
      %get3A_1068 = arith.constant 16 : index
      %get3A_1069 = tpu.vector_load %arg12[%get3A_1067, %get3A_1068] {strides = array<i32>} : memref<640x64xf32, #tpu.memory_space<vmem>>, vector<16xf32>,
      %mul3A_1070 = arith.mulf %get3A_1052, %get3A_1069 : vector<16xf32>
      %add3A_1071 = arith.addf %mul3A_1066, %mul3A_1070 : vector<16xf32>
      %get3A_1072 = arith.index_cast %add3A_1062 : i32 to index
      %get3A_1073 = arith.constant 32 : index
      %get3A_1074 = tpu.vector_load %arg12[%get3A_1072, %get3A_1073] {strides = array<i32>} : memref<640x64xf32, #tpu.memory_space<vmem>>, vector<16xf32>,
      %mul3A_1075 = arith.mulf %get3A_1055, %get3A_1074 : vector<16xf32>
      %add3A_1076 = arith.addf %add3A_1071, %mul3A_1075 : vector<16xf32>
      %get3A_1077 = arith.index_cast %add3A_1062 : i32 to index
      %get3A_1078 = arith.constant 48 : index
      %get3A_1079 = tpu.vector_load %arg12[%get3A_1077, %get3A_1078] {strides = array<i32>} : memref<640x64xf32, #tpu.memory_space<vmem>>, vector<16xf32>,
      %mul3A_1080 = arith.mulf %get3A_1058, %get3A_1079 : vector<16xf32>
      %add3A_1081 = arith.addf %add3A_1076, %mul3A_1080 : vector<16xf32>
      %swap3A_1082 = arith.constant 510 : index
      %swap3A_1083 = tpu.vector_load %arg14[%swap3A_1082] {strides = array<i32>} : memref<1360xf32, #tpu.memory_space<vmem>>, vector<16xf32>,
      tpu.vector_store %arg14[%swap3A_1082], %add3A_1081 {strides = array<i32>} : memref<1360xf32, #tpu.memory_space<vmem>>, vector<16xf32>,
      %mul3A_1084 = arith.constant 5 : i32
      %mul3A_1085 = arith.muli %add3A_1046, %mul3A_1084 : i32
      %add3A_1086 = arith.constant 1 : i32
      %add3A_1087 = arith.addi %mul3A_1085, %add3A_1086 : i32
      %get3A_1088 = arith.index_cast %add3A_1087 : i32 to index
      %get3A_1089 = arith.constant 0 : index
      %get3A_1090 = tpu.vector_load %arg12[%get3A_1088, %get3A_1089] {strides = array<i32>} : memref<640x64xf32, #tpu.memory_space<vmem>>, vector<16xf32>,
      %mul3A_1091 = arith.mulf %get3A_1049, %get3A_1090 : vector<16xf32>
      %get3A_1092 = arith.index_cast %add3A_1087 : i32 to index
      %get3A_1093 = arith.constant 16 : index
      %get3A_1094 = tpu.vector_load %arg12[%get3A_1092, %get3A_1093] {strides = array<i32>} : memref<640x64xf32, #tpu.memory_space<vmem>>, vector<16xf32>,
      %mul3A_1095 = arith.mulf %get3A_1052, %get3A_1094 : vector<16xf32>
      %add3A_1096 = arith.addf %mul3A_1091, %mul3A_1095 : vector<16xf32>
      %get3A_1097 = arith.index_cast %add3A_1087 : i32 to index
      %get3A_1098 = arith.constant 32 : index
      %get3A_1099 = tpu.vector_load %arg12[%get3A_1097, %get3A_1098] {strides = array<i32>} : memref<640x64xf32, #tpu.memory_space<vmem>>, vector<16xf32>,
      %mul3A_1100 = arith.mulf %get3A_1055, %get3A_1099 : vector<16xf32>
      %add3A_1101 = arith.addf %add3A_1096, %mul3A_1100 : vector<16xf32>
      %get3A_1102 = arith.index_cast %add3A_1087 : i32 to index
      %get3A_1103 = arith.constant 48 : index
      %get3A_1104 = tpu.vector_load %arg12[%get3A_1102, %get3A_1103] {strides = array<i32>} : memref<640x64xf32, #tpu.memory_space<vmem>>, vector<16xf32>,
      %mul3A_1105 = arith.mulf %get3A_1058, %get3A_1104 : vector<16xf32>
      %add3A_1106 = arith.addf %add3A_1101, %mul3A_1105 : vector<16xf32>
      %swap3A_1107 = arith.constant 527 : index
      %swap3A_1108 = tpu.vector_load %arg14[%swap3A_1107] {strides = array<i32>} : memref<1360xf32, #tpu.memory_space<vmem>>, vector<16xf32>,
      tpu.vector_store %arg14[%swap3A_1107], %add3A_1106 {strides = array<i32>} : memref<1360xf32, #tpu.memory_space<vmem>>, vector<16xf32>,
      %mul3A_1109 = arith.constant 5 : i32
      %mul3A_1110 = arith.muli %add3A_1046, %mul3A_1109 : i32
      %add3A_1111 = arith.constant 2 : i32
      %add3A_1112 = arith.addi %mul3A_1110, %add3A_1111 : i32
      %get3A_1113 = arith.index_cast %add3A_1112 : i32 to index
      %get3A_1114 = arith.constant 0 : index
      %get3A_1115 = tpu.vector_load %arg12[%get3A_1113, %get3A_1114] {strides = array<i32>} : memref<640x64xf32, #tpu.memory_space<vmem>>, vector<16xf32>,
      %mul3A_1116 = arith.mulf %get3A_1049, %get3A_1115 : vector<16xf32>
      %get3A_1117 = arith.index_cast %add3A_1112 : i32 to index
      %get3A_1118 = arith.constant 16 : index
      %get3A_1119 = tpu.vector_load %arg12[%get3A_1117, %get3A_1118] {strides = array<i32>} : memref<640x64xf32, #tpu.memory_space<vmem>>, vector<16xf32>,
      %mul3A_1120 = arith.mulf %get3A_1052, %get3A_1119 : vector<16xf32>
      %add3A_1121 = arith.addf %mul3A_1116, %mul3A_1120 : vector<16xf32>
      %get3A_1122 = arith.index_cast %add3A_1112 : i32 to index
      %get3A_1123 = arith.constant 32 : index
      %get3A_1124 = tpu.vector_load %arg12[%get3A_1122, %get3A_1123] {strides = array<i32>} : memref<640x64xf32, #tpu.memory_space<vmem>>, vector<16xf32>,
      %mul3A_1125 = arith.mulf %get3A_1055, %get3A_1124 : vector<16xf32>
      %add3A_1126 = arith.addf %add3A_1121, %mul3A_1125 : vector<16xf32>
      %get3A_1127 = arith.index_cast %add3A_1112 : i32 to index
      %get3A_1128 = arith.constant 48 : index
      %get3A_1129 = tpu.vector_load %arg12[%get3A_1127, %get3A_1128] {strides = array<i32>} : memref<640x64xf32, #tpu.memory_space<vmem>>, vector<16xf32>,
      %mul3A_1130 = arith.mulf %get3A_1058, %get3A_1129 : vector<16xf32>
      %add3A_1131 = arith.addf %add3A_1126, %mul3A_1130 : vector<16xf32>
      %swap3A_1132 = arith.constant 544 : index
      %swap3A_1133 = tpu.vector_load %arg14[%swap3A_1132] {strides = array<i32>} : memref<1360xf32, #tpu.memory_space<vmem>>, vector<16xf32>,
      tpu.vector_store %arg14[%swap3A_1132], %add3A_1131 {strides = array<i32>} : memref<1360xf32, #tpu.memory_space<vmem>>, vector<16xf32>,
      %mul3A_1134 = arith.constant 5 : i32
      %mul3A_1135 = arith.muli %add3A_1046, %mul3A_1134 : i32
      %add3A_1136 = arith.constant 3 : i32
      %add3A_1137 = arith.addi %mul3A_1135, %add3A_1136 : i32
      %get3A_1138 = arith.index_cast %add3A_1137 : i32 to index
      %get3A_1139 = arith.constant 0 : index
      %get3A_1140 = tpu.vector_load %arg12[%get3A_1138, %get3A_1139] {strides = array<i32>} : memref<640x64xf32, #tpu.memory_space<vmem>>, vector<16xf32>,
      %mul3A_1141 = arith.mulf %get3A_1049, %get3A_1140 : vector<16xf32>
      %get3A_1142 = arith.index_cast %add3A_1137 : i32 to index
      %get3A_1143 = arith.constant 16 : index
      %get3A_1144 = tpu.vector_load %arg12[%get3A_1142, %get3A_1143] {strides = array<i32>} : memref<640x64xf32, #tpu.memory_space<vmem>>, vector<16xf32>,
      %mul3A_1145 = arith.mulf %get3A_1052, %get3A_1144 : vector<16xf32>
      %add3A_1146 = arith.addf %mul3A_1141, %mul3A_1145 : vector<16xf32>
      %get3A_1147 = arith.index_cast %add3A_1137 : i32 to index
      %get3A_1148 = arith.constant 32 : index
      %get3A_1149 = tpu.vector_load %arg12[%get3A_1147, %get3A_1148] {strides = array<i32>} : memref<640x64xf32, #tpu.memory_space<vmem>>, vector<16xf32>,
      %mul3A_1150 = arith.mulf %get3A_1055, %get3A_1149 : vector<16xf32>
      %add3A_1151 = arith.addf %add3A_1146, %mul3A_1150 : vector<16xf32>
      %get3A_1152 = arith.index_cast %add3A_1137 : i32 to index
      %get3A_1153 = arith.constant 48 : index
      %get3A_1154 = tpu.vector_load %arg12[%get3A_1152, %get3A_1153] {strides = array<i32>} : memref<640x64xf32, #tpu.memory_space<vmem>>, vector<16xf32>,
      %mul3A_1155 = arith.mulf %get3A_1058, %get3A_1154 : vector<16xf32>
      %add3A_1156 = arith.addf %add3A_1151, %mul3A_1155 : vector<16xf32>
      %swap3A_1157 = arith.constant 561 : index
      %swap3A_1158 = tpu.vector_load %arg14[%swap3A_1157] {strides = array<i32>} : memref<1360xf32, #tpu.memory_space<vmem>>, vector<16xf32>,
      tpu.vector_store %arg14[%swap3A_1157], %add3A_1156 {strides = array<i32>} : memref<1360xf32, #tpu.memory_space<vmem>>, vector<16xf32>,
      %mul3A_1159 = arith.constant 5 : i32
      %mul3A_1160 = arith.muli %add3A_1046, %mul3A_1159 : i32
      %add3A_1161 = arith.constant 4 : i32
      %add3A_1162 = arith.addi %mul3A_1160, %add3A_1161 : i32
      %get3A_1163 = arith.index_cast %add3A_1162 : i32 to index
      %get3A_1164 = arith.constant 0 : index
      %get3A_1165 = tpu.vector_load %arg12[%get3A_1163, %get3A_1164] {strides = array<i32>} : memref<640x64xf32, #tpu.memory_space<vmem>>, vector<16xf32>,
      %mul3A_1166 = arith.mulf %get3A_1049, %get3A_1165 : vector<16xf32>
      %get3A_1167 = arith.index_cast %add3A_1162 : i32 to index
      %get3A_1168 = arith.constant 16 : index
      %get3A_1169 = tpu.vector_load %arg12[%get3A_1167, %get3A_1168] {strides = array<i32>} : memref<640x64xf32, #tpu.memory_space<vmem>>, vector<16xf32>,
      %mul3A_1170 = arith.mulf %get3A_1052, %get3A_1169 : vector<16xf32>
      %add3A_1171 = arith.addf %mul3A_1166, %mul3A_1170 : vector<16xf32>
      %get3A_1172 = arith.index_cast %add3A_1162 : i32 to index
      %get3A_1173 = arith.constant 32 : index
      %get3A_1174 = tpu.vector_load %arg12[%get3A_1172, %get3A_1173] {strides = array<i32>} : memref<640x64xf32, #tpu.memory_space<vmem>>, vector<16xf32>,
      %mul3A_1175 = arith.mulf %get3A_1055, %get3A_1174 : vector<16xf32>
      %add3A_1176 = arith.addf %add3A_1171, %mul3A_1175 : vector<16xf32>
      %get3A_1177 = arith.index_cast %add3A_1162 : i32 to index
      %get3A_1178 = arith.constant 48 : index
      %get3A_1179 = tpu.vector_load %arg12[%get3A_1177, %get3A_1178] {strides = array<i32>} : memref<640x64xf32, #tpu.memory_space<vmem>>, vector<16xf32>,
      %mul3A_1180 = arith.mulf %get3A_1058, %get3A_1179 : vector<16xf32>
      %add3A_1181 = arith.addf %add3A_1176, %mul3A_1180 : vector<16xf32>
      %swap3A_1182 = arith.constant 578 : index
      %swap3A_1183 = tpu.vector_load %arg14[%swap3A_1182] {strides = array<i32>} : memref<1360xf32, #tpu.memory_space<vmem>>, vector<16xf32>,
      tpu.vector_store %arg14[%swap3A_1182], %add3A_1181 {strides = array<i32>} : memref<1360xf32, #tpu.memory_space<vmem>>, vector<16xf32>,
      %add3A_1184 = arith.constant 7 : i32
      %add3A_1185 = arith.addi %mul3A_212, %add3A_1184 : i32
      %get3A_1186 = arith.index_cast %add3A_1185 : i32 to index
      %get3A_1187 = arith.constant 0 : index
      %get3A_1188 = tpu.vector_load %arg11[%get3A_1186, %get3A_1187] {strides = array<i32>} : memref<128x64xf32, #tpu.memory_space<vmem>>, vector<16xf32>,
      %get3A_1189 = arith.index_cast %add3A_1185 : i32 to index
      %get3A_1190 = arith.constant 16 : index
      %get3A_1191 = tpu.vector_load %arg11[%get3A_1189, %get3A_1190] {strides = array<i32>} : memref<128x64xf32, #tpu.memory_space<vmem>>, vector<16xf32>,
      %get3A_1192 = arith.index_cast %add3A_1185 : i32 to index
      %get3A_1193 = arith.constant 32 : index
      %get3A_1194 = tpu.vector_load %arg11[%get3A_1192, %get3A_1193] {strides = array<i32>} : memref<128x64xf32, #tpu.memory_space<vmem>>, vector<16xf32>,
      %get3A_1195 = arith.index_cast %add3A_1185 : i32 to index
      %get3A_1196 = arith.constant 48 : index
      %get3A_1197 = tpu.vector_load %arg11[%get3A_1195, %get3A_1196] {strides = array<i32>} : memref<128x64xf32, #tpu.memory_space<vmem>>, vector<16xf32>,
      %mul3A_1198 = arith.constant 5 : i32
      %mul3A_1199 = arith.muli %add3A_1185, %mul3A_1198 : i32
      %add3A_1200 = arith.constant 0 : i32
      %add3A_1201 = arith.addi %mul3A_1199, %add3A_1200 : i32
      %get3A_1202 = arith.index_cast %add3A_1201 : i32 to index
      %get3A_1203 = arith.constant 0 : index
      %get3A_1204 = tpu.vector_load %arg12[%get3A_1202, %get3A_1203] {strides = array<i32>} : memref<640x64xf32, #tpu.memory_space<vmem>>, vector<16xf32>,
      %mul3A_1205 = arith.mulf %get3A_1188, %get3A_1204 : vector<16xf32>
      %get3A_1206 = arith.index_cast %add3A_1201 : i32 to index
      %get3A_1207 = arith.constant 16 : index
      %get3A_1208 = tpu.vector_load %arg12[%get3A_1206, %get3A_1207] {strides = array<i32>} : memref<640x64xf32, #tpu.memory_space<vmem>>, vector<16xf32>,
      %mul3A_1209 = arith.mulf %get3A_1191, %get3A_1208 : vector<16xf32>
      %add3A_1210 = arith.addf %mul3A_1205, %mul3A_1209 : vector<16xf32>
      %get3A_1211 = arith.index_cast %add3A_1201 : i32 to index
      %get3A_1212 = arith.constant 32 : index
      %get3A_1213 = tpu.vector_load %arg12[%get3A_1211, %get3A_1212] {strides = array<i32>} : memref<640x64xf32, #tpu.memory_space<vmem>>, vector<16xf32>,
      %mul3A_1214 = arith.mulf %get3A_1194, %get3A_1213 : vector<16xf32>
      %add3A_1215 = arith.addf %add3A_1210, %mul3A_1214 : vector<16xf32>
      %get3A_1216 = arith.index_cast %add3A_1201 : i32 to index
      %get3A_1217 = arith.constant 48 : index
      %get3A_1218 = tpu.vector_load %arg12[%get3A_1216, %get3A_1217] {strides = array<i32>} : memref<640x64xf32, #tpu.memory_space<vmem>>, vector<16xf32>,
      %mul3A_1219 = arith.mulf %get3A_1197, %get3A_1218 : vector<16xf32>
      %add3A_1220 = arith.addf %add3A_1215, %mul3A_1219 : vector<16xf32>
      %swap3A_1221 = arith.constant 595 : index
      %swap3A_1222 = tpu.vector_load %arg14[%swap3A_1221] {strides = array<i32>} : memref<1360xf32, #tpu.memory_space<vmem>>, vector<16xf32>,
      tpu.vector_store %arg14[%swap3A_1221], %add3A_1220 {strides = array<i32>} : memref<1360xf32, #tpu.memory_space<vmem>>, vector<16xf32>,
      %mul3A_1223 = arith.constant 5 : i32
      %mul3A_1224 = arith.muli %add3A_1185, %mul3A_1223 : i32
      %add3A_1225 = arith.constant 1 : i32
      %add3A_1226 = arith.addi %mul3A_1224, %add3A_1225 : i32
      %get3A_1227 = arith.index_cast %add3A_1226 : i32 to index
      %get3A_1228 = arith.constant 0 : index
      %get3A_1229 = tpu.vector_load %arg12[%get3A_1227, %get3A_1228] {strides = array<i32>} : memref<640x64xf32, #tpu.memory_space<vmem>>, vector<16xf32>,
      %mul3A_1230 = arith.mulf %get3A_1188, %get3A_1229 : vector<16xf32>
      %get3A_1231 = arith.index_cast %add3A_1226 : i32 to index
      %get3A_1232 = arith.constant 16 : index
      %get3A_1233 = tpu.vector_load %arg12[%get3A_1231, %get3A_1232] {strides = array<i32>} : memref<640x64xf32, #tpu.memory_space<vmem>>, vector<16xf32>,
      %mul3A_1234 = arith.mulf %get3A_1191, %get3A_1233 : vector<16xf32>
      %add3A_1235 = arith.addf %mul3A_1230, %mul3A_1234 : vector<16xf32>
      %get3A_1236 = arith.index_cast %add3A_1226 : i32 to index
      %get3A_1237 = arith.constant 32 : index
      %get3A_1238 = tpu.vector_load %arg12[%get3A_1236, %get3A_1237] {strides = array<i32>} : memref<640x64xf32, #tpu.memory_space<vmem>>, vector<16xf32>,
      %mul3A_1239 = arith.mulf %get3A_1194, %get3A_1238 : vector<16xf32>
      %add3A_1240 = arith.addf %add3A_1235, %mul3A_1239 : vector<16xf32>
      %get3A_1241 = arith.index_cast %add3A_1226 : i32 to index
      %get3A_1242 = arith.constant 48 : index
      %get3A_1243 = tpu.vector_load %arg12[%get3A_1241, %get3A_1242] {strides = array<i32>} : memref<640x64xf32, #tpu.memory_space<vmem>>, vector<16xf32>,
      %mul3A_1244 = arith.mulf %get3A_1197, %get3A_1243 : vector<16xf32>
      %add3A_1245 = arith.addf %add3A_1240, %mul3A_1244 : vector<16xf32>
      %swap3A_1246 = arith.constant 612 : index
      %swap3A_1247 = tpu.vector_load %arg14[%swap3A_1246] {strides = array<i32>} : memref<1360xf32, #tpu.memory_space<vmem>>, vector<16xf32>,
      tpu.vector_store %arg14[%swap3A_1246], %add3A_1245 {strides = array<i32>} : memref<1360xf32, #tpu.memory_space<vmem>>, vector<16xf32>,
      %mul3A_1248 = arith.constant 5 : i32
      %mul3A_1249 = arith.muli %add3A_1185, %mul3A_1248 : i32
      %add3A_1250 = arith.constant 2 : i32
      %add3A_1251 = arith.addi %mul3A_1249, %add3A_1250 : i32
      %get3A_1252 = arith.index_cast %add3A_1251 : i32 to index
      %get3A_1253 = arith.constant 0 : index
      %get3A_1254 = tpu.vector_load %arg12[%get3A_1252, %get3A_1253] {strides = array<i32>} : memref<640x64xf32, #tpu.memory_space<vmem>>, vector<16xf32>,
      %mul3A_1255 = arith.mulf %get3A_1188, %get3A_1254 : vector<16xf32>
      %get3A_1256 = arith.index_cast %add3A_1251 : i32 to index
      %get3A_1257 = arith.constant 16 : index
      %get3A_1258 = tpu.vector_load %arg12[%get3A_1256, %get3A_1257] {strides = array<i32>} : memref<640x64xf32, #tpu.memory_space<vmem>>, vector<16xf32>,
      %mul3A_1259 = arith.mulf %get3A_1191, %get3A_1258 : vector<16xf32>
      %add3A_1260 = arith.addf %mul3A_1255, %mul3A_1259 : vector<16xf32>
      %get3A_1261 = arith.index_cast %add3A_1251 : i32 to index
      %get3A_1262 = arith.constant 32 : index
      %get3A_1263 = tpu.vector_load %arg12[%get3A_1261, %get3A_1262] {strides = array<i32>} : memref<640x64xf32, #tpu.memory_space<vmem>>, vector<16xf32>,
      %mul3A_1264 = arith.mulf %get3A_1194, %get3A_1263 : vector<16xf32>
      %add3A_1265 = arith.addf %add3A_1260, %mul3A_1264 : vector<16xf32>
      %get3A_1266 = arith.index_cast %add3A_1251 : i32 to index
      %get3A_1267 = arith.constant 48 : index
      %get3A_1268 = tpu.vector_load %arg12[%get3A_1266, %get3A_1267] {strides = array<i32>} : memref<640x64xf32, #tpu.memory_space<vmem>>, vector<16xf32>,
      %mul3A_1269 = arith.mulf %get3A_1197, %get3A_1268 : vector<16xf32>
      %add3A_1270 = arith.addf %add3A_1265, %mul3A_1269 : vector<16xf32>
      %swap3A_1271 = arith.constant 629 : index
      %swap3A_1272 = tpu.vector_load %arg14[%swap3A_1271] {strides = array<i32>} : memref<1360xf32, #tpu.memory_space<vmem>>, vector<16xf32>,
      tpu.vector_store %arg14[%swap3A_1271], %add3A_1270 {strides = array<i32>} : memref<1360xf32, #tpu.memory_space<vmem>>, vector<16xf32>,
      %mul3A_1273 = arith.constant 5 : i32
      %mul3A_1274 = arith.muli %add3A_1185, %mul3A_1273 : i32
      %add3A_1275 = arith.constant 3 : i32
      %add3A_1276 = arith.addi %mul3A_1274, %add3A_1275 : i32
      %get3A_1277 = arith.index_cast %add3A_1276 : i32 to index
      %get3A_1278 = arith.constant 0 : index
      %get3A_1279 = tpu.vector_load %arg12[%get3A_1277, %get3A_1278] {strides = array<i32>} : memref<640x64xf32, #tpu.memory_space<vmem>>, vector<16xf32>,
      %mul3A_1280 = arith.mulf %get3A_1188, %get3A_1279 : vector<16xf32>
      %get3A_1281 = arith.index_cast %add3A_1276 : i32 to index
      %get3A_1282 = arith.constant 16 : index
      %get3A_1283 = tpu.vector_load %arg12[%get3A_1281, %get3A_1282] {strides = array<i32>} : memref<640x64xf32, #tpu.memory_space<vmem>>, vector<16xf32>,
      %mul3A_1284 = arith.mulf %get3A_1191, %get3A_1283 : vector<16xf32>
      %add3A_1285 = arith.addf %mul3A_1280, %mul3A_1284 : vector<16xf32>
      %get3A_1286 = arith.index_cast %add3A_1276 : i32 to index
      %get3A_1287 = arith.constant 32 : index
      %get3A_1288 = tpu.vector_load %arg12[%get3A_1286, %get3A_1287] {strides = array<i32>} : memref<640x64xf32, #tpu.memory_space<vmem>>, vector<16xf32>,
      %mul3A_1289 = arith.mulf %get3A_1194, %get3A_1288 : vector<16xf32>
      %add3A_1290 = arith.addf %add3A_1285, %mul3A_1289 : vector<16xf32>
      %get3A_1291 = arith.index_cast %add3A_1276 : i32 to index
      %get3A_1292 = arith.constant 48 : index
      %get3A_1293 = tpu.vector_load %arg12[%get3A_1291, %get3A_1292] {strides = array<i32>} : memref<640x64xf32, #tpu.memory_space<vmem>>, vector<16xf32>,
      %mul3A_1294 = arith.mulf %get3A_1197, %get3A_1293 : vector<16xf32>
      %add3A_1295 = arith.addf %add3A_1290, %mul3A_1294 : vector<16xf32>
      %swap3A_1296 = arith.constant 646 : index
      %swap3A_1297 = tpu.vector_load %arg14[%swap3A_1296] {strides = array<i32>} : memref<1360xf32, #tpu.memory_space<vmem>>, vector<16xf32>,
      tpu.vector_store %arg14[%swap3A_1296], %add3A_1295 {strides = array<i32>} : memref<1360xf32, #tpu.memory_space<vmem>>, vector<16xf32>,
      %mul3A_1298 = arith.constant 5 : i32
      %mul3A_1299 = arith.muli %add3A_1185, %mul3A_1298 : i32
      %add3A_1300 = arith.constant 4 : i32
      %add3A_1301 = arith.addi %mul3A_1299, %add3A_1300 : i32
      %get3A_1302 = arith.index_cast %add3A_1301 : i32 to index
      %get3A_1303 = arith.constant 0 : index
      %get3A_1304 = tpu.vector_load %arg12[%get3A_1302, %get3A_1303] {strides = array<i32>} : memref<640x64xf32, #tpu.memory_space<vmem>>, vector<16xf32>,
      %mul3A_1305 = arith.mulf %get3A_1188, %get3A_1304 : vector<16xf32>
      %get3A_1306 = arith.index_cast %add3A_1301 : i32 to index
      %get3A_1307 = arith.constant 16 : index
      %get3A_1308 = tpu.vector_load %arg12[%get3A_1306, %get3A_1307] {strides = array<i32>} : memref<640x64xf32, #tpu.memory_space<vmem>>, vector<16xf32>,
      %mul3A_1309 = arith.mulf %get3A_1191, %get3A_1308 : vector<16xf32>
      %add3A_1310 = arith.addf %mul3A_1305, %mul3A_1309 : vector<16xf32>
      %get3A_1311 = arith.index_cast %add3A_1301 : i32 to index
      %get3A_1312 = arith.constant 32 : index
      %get3A_1313 = tpu.vector_load %arg12[%get3A_1311, %get3A_1312] {strides = array<i32>} : memref<640x64xf32, #tpu.memory_space<vmem>>, vector<16xf32>,
      %mul3A_1314 = arith.mulf %get3A_1194, %get3A_1313 : vector<16xf32>
      %add3A_1315 = arith.addf %add3A_1310, %mul3A_1314 : vector<16xf32>
      %get3A_1316 = arith.index_cast %add3A_1301 : i32 to index
      %get3A_1317 = arith.constant 48 : index
      %get3A_1318 = tpu.vector_load %arg12[%get3A_1316, %get3A_1317] {strides = array<i32>} : memref<640x64xf32, #tpu.memory_space<vmem>>, vector<16xf32>,
      %mul3A_1319 = arith.mulf %get3A_1197, %get3A_1318 : vector<16xf32>
      %add3A_1320 = arith.addf %add3A_1315, %mul3A_1319 : vector<16xf32>
      %swap3A_1321 = arith.constant 663 : index
      %swap3A_1322 = tpu.vector_load %arg14[%swap3A_1321] {strides = array<i32>} : memref<1360xf32, #tpu.memory_space<vmem>>, vector<16xf32>,
      tpu.vector_store %arg14[%swap3A_1321], %add3A_1320 {strides = array<i32>} : memref<1360xf32, #tpu.memory_space<vmem>>, vector<16xf32>,
      %add3A_1323 = arith.constant 8 : i32
      %add3A_1324 = arith.addi %mul3A_212, %add3A_1323 : i32
      %get3A_1325 = arith.index_cast %add3A_1324 : i32 to index
      %get3A_1326 = arith.constant 0 : index
      %get3A_1327 = tpu.vector_load %arg11[%get3A_1325, %get3A_1326] {strides = array<i32>} : memref<128x64xf32, #tpu.memory_space<vmem>>, vector<16xf32>,
      %get3A_1328 = arith.index_cast %add3A_1324 : i32 to index
      %get3A_1329 = arith.constant 16 : index
      %get3A_1330 = tpu.vector_load %arg11[%get3A_1328, %get3A_1329] {strides = array<i32>} : memref<128x64xf32, #tpu.memory_space<vmem>>, vector<16xf32>,
      %get3A_1331 = arith.index_cast %add3A_1324 : i32 to index
      %get3A_1332 = arith.constant 32 : index
      %get3A_1333 = tpu.vector_load %arg11[%get3A_1331, %get3A_1332] {strides = array<i32>} : memref<128x64xf32, #tpu.memory_space<vmem>>, vector<16xf32>,
      %get3A_1334 = arith.index_cast %add3A_1324 : i32 to index
      %get3A_1335 = arith.constant 48 : index
      %get3A_1336 = tpu.vector_load %arg11[%get3A_1334, %get3A_1335] {strides = array<i32>} : memref<128x64xf32, #tpu.memory_space<vmem>>, vector<16xf32>,
      %mul3A_1337 = arith.constant 5 : i32
      %mul3A_1338 = arith.muli %add3A_1324, %mul3A_1337 : i32
      %add3A_1339 = arith.constant 0 : i32
      %add3A_1340 = arith.addi %mul3A_1338, %add3A_1339 : i32
      %get3A_1341 = arith.index_cast %add3A_1340 : i32 to index
      %get3A_1342 = arith.constant 0 : index
      %get3A_1343 = tpu.vector_load %arg12[%get3A_1341, %get3A_1342] {strides = array<i32>} : memref<640x64xf32, #tpu.memory_space<vmem>>, vector<16xf32>,
      %mul3A_1344 = arith.mulf %get3A_1327, %get3A_1343 : vector<16xf32>
      %get3A_1345 = arith.index_cast %add3A_1340 : i32 to index
      %get3A_1346 = arith.constant 16 : index
      %get3A_1347 = tpu.vector_load %arg12[%get3A_1345, %get3A_1346] {strides = array<i32>} : memref<640x64xf32, #tpu.memory_space<vmem>>, vector<16xf32>,
      %mul3A_1348 = arith.mulf %get3A_1330, %get3A_1347 : vector<16xf32>
      %add3A_1349 = arith.addf %mul3A_1344, %mul3A_1348 : vector<16xf32>
      %get3A_1350 = arith.index_cast %add3A_1340 : i32 to index
      %get3A_1351 = arith.constant 32 : index
      %get3A_1352 = tpu.vector_load %arg12[%get3A_1350, %get3A_1351] {strides = array<i32>} : memref<640x64xf32, #tpu.memory_space<vmem>>, vector<16xf32>,
      %mul3A_1353 = arith.mulf %get3A_1333, %get3A_1352 : vector<16xf32>
      %add3A_1354 = arith.addf %add3A_1349, %mul3A_1353 : vector<16xf32>
      %get3A_1355 = arith.index_cast %add3A_1340 : i32 to index
      %get3A_1356 = arith.constant 48 : index
      %get3A_1357 = tpu.vector_load %arg12[%get3A_1355, %get3A_1356] {strides = array<i32>} : memref<640x64xf32, #tpu.memory_space<vmem>>, vector<16xf32>,
      %mul3A_1358 = arith.mulf %get3A_1336, %get3A_1357 : vector<16xf32>
      %add3A_1359 = arith.addf %add3A_1354, %mul3A_1358 : vector<16xf32>
      %swap3A_1360 = arith.constant 680 : index
      %swap3A_1361 = tpu.vector_load %arg14[%swap3A_1360] {strides = array<i32>} : memref<1360xf32, #tpu.memory_space<vmem>>, vector<16xf32>,
      tpu.vector_store %arg14[%swap3A_1360], %add3A_1359 {strides = array<i32>} : memref<1360xf32, #tpu.memory_space<vmem>>, vector<16xf32>,
      %mul3A_1362 = arith.constant 5 : i32
      %mul3A_1363 = arith.muli %add3A_1324, %mul3A_1362 : i32
      %add3A_1364 = arith.constant 1 : i32
      %add3A_1365 = arith.addi %mul3A_1363, %add3A_1364 : i32
      %get3A_1366 = arith.index_cast %add3A_1365 : i32 to index
      %get3A_1367 = arith.constant 0 : index
      %get3A_1368 = tpu.vector_load %arg12[%get3A_1366, %get3A_1367] {strides = array<i32>} : memref<640x64xf32, #tpu.memory_space<vmem>>, vector<16xf32>,
      %mul3A_1369 = arith.mulf %get3A_1327, %get3A_1368 : vector<16xf32>
      %get3A_1370 = arith.index_cast %add3A_1365 : i32 to index
      %get3A_1371 = arith.constant 16 : index
      %get3A_1372 = tpu.vector_load %arg12[%get3A_1370, %get3A_1371] {strides = array<i32>} : memref<640x64xf32, #tpu.memory_space<vmem>>, vector<16xf32>,
      %mul3A_1373 = arith.mulf %get3A_1330, %get3A_1372 : vector<16xf32>
      %add3A_1374 = arith.addf %mul3A_1369, %mul3A_1373 : vector<16xf32>
      %get3A_1375 = arith.index_cast %add3A_1365 : i32 to index
      %get3A_1376 = arith.constant 32 : index
      %get3A_1377 = tpu.vector_load %arg12[%get3A_1375, %get3A_1376] {strides = array<i32>} : memref<640x64xf32, #tpu.memory_space<vmem>>, vector<16xf32>,
      %mul3A_1378 = arith.mulf %get3A_1333, %get3A_1377 : vector<16xf32>
      %add3A_1379 = arith.addf %add3A_1374, %mul3A_1378 : vector<16xf32>
      %get3A_1380 = arith.index_cast %add3A_1365 : i32 to index
      %get3A_1381 = arith.constant 48 : index
      %get3A_1382 = tpu.vector_load %arg12[%get3A_1380, %get3A_1381] {strides = array<i32>} : memref<640x64xf32, #tpu.memory_space<vmem>>, vector<16xf32>,
      %mul3A_1383 = arith.mulf %get3A_1336, %get3A_1382 : vector<16xf32>
      %add3A_1384 = arith.addf %add3A_1379, %mul3A_1383 : vector<16xf32>
      %swap3A_1385 = arith.constant 697 : index
      %swap3A_1386 = tpu.vector_load %arg14[%swap3A_1385] {strides = array<i32>} : memref<1360xf32, #tpu.memory_space<vmem>>, vector<16xf32>,
      tpu.vector_store %arg14[%swap3A_1385], %add3A_1384 {strides = array<i32>} : memref<1360xf32, #tpu.memory_space<vmem>>, vector<16xf32>,
      %mul3A_1387 = arith.constant 5 : i32
      %mul3A_1388 = arith.muli %add3A_1324, %mul3A_1387 : i32
      %add3A_1389 = arith.constant 2 : i32
      %add3A_1390 = arith.addi %mul3A_1388, %add3A_1389 : i32
      %get3A_1391 = arith.index_cast %add3A_1390 : i32 to index
      %get3A_1392 = arith.constant 0 : index
      %get3A_1393 = tpu.vector_load %arg12[%get3A_1391, %get3A_1392] {strides = array<i32>} : memref<640x64xf32, #tpu.memory_space<vmem>>, vector<16xf32>,
      %mul3A_1394 = arith.mulf %get3A_1327, %get3A_1393 : vector<16xf32>
      %get3A_1395 = arith.index_cast %add3A_1390 : i32 to index
      %get3A_1396 = arith.constant 16 : index
      %get3A_1397 = tpu.vector_load %arg12[%get3A_1395, %get3A_1396] {strides = array<i32>} : memref<640x64xf32, #tpu.memory_space<vmem>>, vector<16xf32>,
      %mul3A_1398 = arith.mulf %get3A_1330, %get3A_1397 : vector<16xf32>
      %add3A_1399 = arith.addf %mul3A_1394, %mul3A_1398 : vector<16xf32>
      %get3A_1400 = arith.index_cast %add3A_1390 : i32 to index
      %get3A_1401 = arith.constant 32 : index
      %get3A_1402 = tpu.vector_load %arg12[%get3A_1400, %get3A_1401] {strides = array<i32>} : memref<640x64xf32, #tpu.memory_space<vmem>>, vector<16xf32>,
      %mul3A_1403 = arith.mulf %get3A_1333, %get3A_1402 : vector<16xf32>
      %add3A_1404 = arith.addf %add3A_1399, %mul3A_1403 : vector<16xf32>
      %get3A_1405 = arith.index_cast %add3A_1390 : i32 to index
      %get3A_1406 = arith.constant 48 : index
      %get3A_1407 = tpu.vector_load %arg12[%get3A_1405, %get3A_1406] {strides = array<i32>} : memref<640x64xf32, #tpu.memory_space<vmem>>, vector<16xf32>,
      %mul3A_1408 = arith.mulf %get3A_1336, %get3A_1407 : vector<16xf32>
      %add3A_1409 = arith.addf %add3A_1404, %mul3A_1408 : vector<16xf32>
      %swap3A_1410 = arith.constant 714 : index
      %swap3A_1411 = tpu.vector_load %arg14[%swap3A_1410] {strides = array<i32>} : memref<1360xf32, #tpu.memory_space<vmem>>, vector<16xf32>,
      tpu.vector_store %arg14[%swap3A_1410], %add3A_1409 {strides = array<i32>} : memref<1360xf32, #tpu.memory_space<vmem>>, vector<16xf32>,
      %mul3A_1412 = arith.constant 5 : i32
      %mul3A_1413 = arith.muli %add3A_1324, %mul3A_1412 : i32
      %add3A_1414 = arith.constant 3 : i32
      %add3A_1415 = arith.addi %mul3A_1413, %add3A_1414 : i32
      %get3A_1416 = arith.index_cast %add3A_1415 : i32 to index
      %get3A_1417 = arith.constant 0 : index
      %get3A_1418 = tpu.vector_load %arg12[%get3A_1416, %get3A_1417] {strides = array<i32>} : memref<640x64xf32, #tpu.memory_space<vmem>>, vector<16xf32>,
      %mul3A_1419 = arith.mulf %get3A_1327, %get3A_1418 : vector<16xf32>
      %get3A_1420 = arith.index_cast %add3A_1415 : i32 to index
      %get3A_1421 = arith.constant 16 : index
      %get3A_1422 = tpu.vector_load %arg12[%get3A_1420, %get3A_1421] {strides = array<i32>} : memref<640x64xf32, #tpu.memory_space<vmem>>, vector<16xf32>,
      %mul3A_1423 = arith.mulf %get3A_1330, %get3A_1422 : vector<16xf32>
      %add3A_1424 = arith.addf %mul3A_1419, %mul3A_1423 : vector<16xf32>
      %get3A_1425 = arith.index_cast %add3A_1415 : i32 to index
      %get3A_1426 = arith.constant 32 : index
      %get3A_1427 = tpu.vector_load %arg12[%get3A_1425, %get3A_1426] {strides = array<i32>} : memref<640x64xf32, #tpu.memory_space<vmem>>, vector<16xf32>,
      %mul3A_1428 = arith.mulf %get3A_1333, %get3A_1427 : vector<16xf32>
      %add3A_1429 = arith.addf %add3A_1424, %mul3A_1428 : vector<16xf32>
      %get3A_1430 = arith.index_cast %add3A_1415 : i32 to index
      %get3A_1431 = arith.constant 48 : index
      %get3A_1432 = tpu.vector_load %arg12[%get3A_1430, %get3A_1431] {strides = array<i32>} : memref<640x64xf32, #tpu.memory_space<vmem>>, vector<16xf32>,
      %mul3A_1433 = arith.mulf %get3A_1336, %get3A_1432 : vector<16xf32>
      %add3A_1434 = arith.addf %add3A_1429, %mul3A_1433 : vector<16xf32>
      %swap3A_1435 = arith.constant 731 : index
      %swap3A_1436 = tpu.vector_load %arg14[%swap3A_1435] {strides = array<i32>} : memref<1360xf32, #tpu.memory_space<vmem>>, vector<16xf32>,
      tpu.vector_store %arg14[%swap3A_1435], %add3A_1434 {strides = array<i32>} : memref<1360xf32, #tpu.memory_space<vmem>>, vector<16xf32>,
      %mul3A_1437 = arith.constant 5 : i32
      %mul3A_1438 = arith.muli %add3A_1324, %mul3A_1437 : i32
      %add3A_1439 = arith.constant 4 : i32
      %add3A_1440 = arith.addi %mul3A_1438, %add3A_1439 : i32
      %get3A_1441 = arith.index_cast %add3A_1440 : i32 to index
      %get3A_1442 = arith.constant 0 : index
      %get3A_1443 = tpu.vector_load %arg12[%get3A_1441, %get3A_1442] {strides = array<i32>} : memref<640x64xf32, #tpu.memory_space<vmem>>, vector<16xf32>,
      %mul3A_1444 = arith.mulf %get3A_1327, %get3A_1443 : vector<16xf32>
      %get3A_1445 = arith.index_cast %add3A_1440 : i32 to index
      %get3A_1446 = arith.constant 16 : index
      %get3A_1447 = tpu.vector_load %arg12[%get3A_1445, %get3A_1446] {strides = array<i32>} : memref<640x64xf32, #tpu.memory_space<vmem>>, vector<16xf32>,
      %mul3A_1448 = arith.mulf %get3A_1330, %get3A_1447 : vector<16xf32>
      %add3A_1449 = arith.addf %mul3A_1444, %mul3A_1448 : vector<16xf32>
      %get3A_1450 = arith.index_cast %add3A_1440 : i32 to index
      %get3A_1451 = arith.constant 32 : index
      %get3A_1452 = tpu.vector_load %arg12[%get3A_1450, %get3A_1451] {strides = array<i32>} : memref<640x64xf32, #tpu.memory_space<vmem>>, vector<16xf32>,
      %mul3A_1453 = arith.mulf %get3A_1333, %get3A_1452 : vector<16xf32>
      %add3A_1454 = arith.addf %add3A_1449, %mul3A_1453 : vector<16xf32>
      %get3A_1455 = arith.index_cast %add3A_1440 : i32 to index
      %get3A_1456 = arith.constant 48 : index
      %get3A_1457 = tpu.vector_load %arg12[%get3A_1455, %get3A_1456] {strides = array<i32>} : memref<640x64xf32, #tpu.memory_space<vmem>>, vector<16xf32>,
      %mul3A_1458 = arith.mulf %get3A_1336, %get3A_1457 : vector<16xf32>
      %add3A_1459 = arith.addf %add3A_1454, %mul3A_1458 : vector<16xf32>
      %swap3A_1460 = arith.constant 748 : index
      %swap3A_1461 = tpu.vector_load %arg14[%swap3A_1460] {strides = array<i32>} : memref<1360xf32, #tpu.memory_space<vmem>>, vector<16xf32>,
      tpu.vector_store %arg14[%swap3A_1460], %add3A_1459 {strides = array<i32>} : memref<1360xf32, #tpu.memory_space<vmem>>, vector<16xf32>,
      %add3A_1462 = arith.constant 9 : i32
      %add3A_1463 = arith.addi %mul3A_212, %add3A_1462 : i32
      %get3A_1464 = arith.index_cast %add3A_1463 : i32 to index
      %get3A_1465 = arith.constant 0 : index
      %get3A_1466 = tpu.vector_load %arg11[%get3A_1464, %get3A_1465] {strides = array<i32>} : memref<128x64xf32, #tpu.memory_space<vmem>>, vector<16xf32>,
      %get3A_1467 = arith.index_cast %add3A_1463 : i32 to index
      %get3A_1468 = arith.constant 16 : index
      %get3A_1469 = tpu.vector_load %arg11[%get3A_1467, %get3A_1468] {strides = array<i32>} : memref<128x64xf32, #tpu.memory_space<vmem>>, vector<16xf32>,
      %get3A_1470 = arith.index_cast %add3A_1463 : i32 to index
      %get3A_1471 = arith.constant 32 : index
      %get3A_1472 = tpu.vector_load %arg11[%get3A_1470, %get3A_1471] {strides = array<i32>} : memref<128x64xf32, #tpu.memory_space<vmem>>, vector<16xf32>,
      %get3A_1473 = arith.index_cast %add3A_1463 : i32 to index
      %get3A_1474 = arith.constant 48 : index
      %get3A_1475 = tpu.vector_load %arg11[%get3A_1473, %get3A_1474] {strides = array<i32>} : memref<128x64xf32, #tpu.memory_space<vmem>>, vector<16xf32>,
      %mul3A_1476 = arith.constant 5 : i32
      %mul3A_1477 = arith.muli %add3A_1463, %mul3A_1476 : i32
      %add3A_1478 = arith.constant 0 : i32
      %add3A_1479 = arith.addi %mul3A_1477, %add3A_1478 : i32
      %get3A_1480 = arith.index_cast %add3A_1479 : i32 to index
      %get3A_1481 = arith.constant 0 : index
      %get3A_1482 = tpu.vector_load %arg12[%get3A_1480, %get3A_1481] {strides = array<i32>} : memref<640x64xf32, #tpu.memory_space<vmem>>, vector<16xf32>,
      %mul3A_1483 = arith.mulf %get3A_1466, %get3A_1482 : vector<16xf32>
      %get3A_1484 = arith.index_cast %add3A_1479 : i32 to index
      %get3A_1485 = arith.constant 16 : index
      %get3A_1486 = tpu.vector_load %arg12[%get3A_1484, %get3A_1485] {strides = array<i32>} : memref<640x64xf32, #tpu.memory_space<vmem>>, vector<16xf32>,
      %mul3A_1487 = arith.mulf %get3A_1469, %get3A_1486 : vector<16xf32>
      %add3A_1488 = arith.addf %mul3A_1483, %mul3A_1487 : vector<16xf32>
      %get3A_1489 = arith.index_cast %add3A_1479 : i32 to index
      %get3A_1490 = arith.constant 32 : index
      %get3A_1491 = tpu.vector_load %arg12[%get3A_1489, %get3A_1490] {strides = array<i32>} : memref<640x64xf32, #tpu.memory_space<vmem>>, vector<16xf32>,
      %mul3A_1492 = arith.mulf %get3A_1472, %get3A_1491 : vector<16xf32>
      %add3A_1493 = arith.addf %add3A_1488, %mul3A_1492 : vector<16xf32>
      %get3A_1494 = arith.index_cast %add3A_1479 : i32 to index
      %get3A_1495 = arith.constant 48 : index
      %get3A_1496 = tpu.vector_load %arg12[%get3A_1494, %get3A_1495] {strides = array<i32>} : memref<640x64xf32, #tpu.memory_space<vmem>>, vector<16xf32>,
      %mul3A_1497 = arith.mulf %get3A_1475, %get3A_1496 : vector<16xf32>
      %add3A_1498 = arith.addf %add3A_1493, %mul3A_1497 : vector<16xf32>
      %swap3A_1499 = arith.constant 765 : index
      %swap3A_1500 = tpu.vector_load %arg14[%swap3A_1499] {strides = array<i32>} : memref<1360xf32, #tpu.memory_space<vmem>>, vector<16xf32>,
      tpu.vector_store %arg14[%swap3A_1499], %add3A_1498 {strides = array<i32>} : memref<1360xf32, #tpu.memory_space<vmem>>, vector<16xf32>,
      %mul3A_1501 = arith.constant 5 : i32
      %mul3A_1502 = arith.muli %add3A_1463, %mul3A_1501 : i32
      %add3A_1503 = arith.constant 1 : i32
      %add3A_1504 = arith.addi %mul3A_1502, %add3A_1503 : i32
      %get3A_1505 = arith.index_cast %add3A_1504 : i32 to index
      %get3A_1506 = arith.constant 0 : index
      %get3A_1507 = tpu.vector_load %arg12[%get3A_1505, %get3A_1506] {strides = array<i32>} : memref<640x64xf32, #tpu.memory_space<vmem>>, vector<16xf32>,
      %mul3A_1508 = arith.mulf %get3A_1466, %get3A_1507 : vector<16xf32>
      %get3A_1509 = arith.index_cast %add3A_1504 : i32 to index
      %get3A_1510 = arith.constant 16 : index
      %get3A_1511 = tpu.vector_load %arg12[%get3A_1509, %get3A_1510] {strides = array<i32>} : memref<640x64xf32, #tpu.memory_space<vmem>>, vector<16xf32>,
      %mul3A_1512 = arith.mulf %get3A_1469, %get3A_1511 : vector<16xf32>
      %add3A_1513 = arith.addf %mul3A_1508, %mul3A_1512 : vector<16xf32>
      %get3A_1514 = arith.index_cast %add3A_1504 : i32 to index
      %get3A_1515 = arith.constant 32 : index
      %get3A_1516 = tpu.vector_load %arg12[%get3A_1514, %get3A_1515] {strides = array<i32>} : memref<640x64xf32, #tpu.memory_space<vmem>>, vector<16xf32>,
      %mul3A_1517 = arith.mulf %get3A_1472, %get3A_1516 : vector<16xf32>
      %add3A_1518 = arith.addf %add3A_1513, %mul3A_1517 : vector<16xf32>
      %get3A_1519 = arith.index_cast %add3A_1504 : i32 to index
      %get3A_1520 = arith.constant 48 : index
      %get3A_1521 = tpu.vector_load %arg12[%get3A_1519, %get3A_1520] {strides = array<i32>} : memref<640x64xf32, #tpu.memory_space<vmem>>, vector<16xf32>,
      %mul3A_1522 = arith.mulf %get3A_1475, %get3A_1521 : vector<16xf32>
      %add3A_1523 = arith.addf %add3A_1518, %mul3A_1522 : vector<16xf32>
      %swap3A_1524 = arith.constant 782 : index
      %swap3A_1525 = tpu.vector_load %arg14[%swap3A_1524] {strides = array<i32>} : memref<1360xf32, #tpu.memory_space<vmem>>, vector<16xf32>,
      tpu.vector_store %arg14[%swap3A_1524], %add3A_1523 {strides = array<i32>} : memref<1360xf32, #tpu.memory_space<vmem>>, vector<16xf32>,
      %mul3A_1526 = arith.constant 5 : i32
      %mul3A_1527 = arith.muli %add3A_1463, %mul3A_1526 : i32
      %add3A_1528 = arith.constant 2 : i32
      %add3A_1529 = arith.addi %mul3A_1527, %add3A_1528 : i32
      %get3A_1530 = arith.index_cast %add3A_1529 : i32 to index
      %get3A_1531 = arith.constant 0 : index
      %get3A_1532 = tpu.vector_load %arg12[%get3A_1530, %get3A_1531] {strides = array<i32>} : memref<640x64xf32, #tpu.memory_space<vmem>>, vector<16xf32>,
      %mul3A_1533 = arith.mulf %get3A_1466, %get3A_1532 : vector<16xf32>
      %get3A_1534 = arith.index_cast %add3A_1529 : i32 to index
      %get3A_1535 = arith.constant 16 : index
      %get3A_1536 = tpu.vector_load %arg12[%get3A_1534, %get3A_1535] {strides = array<i32>} : memref<640x64xf32, #tpu.memory_space<vmem>>, vector<16xf32>,
      %mul3A_1537 = arith.mulf %get3A_1469, %get3A_1536 : vector<16xf32>
      %add3A_1538 = arith.addf %mul3A_1533, %mul3A_1537 : vector<16xf32>
      %get3A_1539 = arith.index_cast %add3A_1529 : i32 to index
      %get3A_1540 = arith.constant 32 : index
      %get3A_1541 = tpu.vector_load %arg12[%get3A_1539, %get3A_1540] {strides = array<i32>} : memref<640x64xf32, #tpu.memory_space<vmem>>, vector<16xf32>,
      %mul3A_1542 = arith.mulf %get3A_1472, %get3A_1541 : vector<16xf32>
      %add3A_1543 = arith.addf %add3A_1538, %mul3A_1542 : vector<16xf32>
      %get3A_1544 = arith.index_cast %add3A_1529 : i32 to index
      %get3A_1545 = arith.constant 48 : index
      %get3A_1546 = tpu.vector_load %arg12[%get3A_1544, %get3A_1545] {strides = array<i32>} : memref<640x64xf32, #tpu.memory_space<vmem>>, vector<16xf32>,
      %mul3A_1547 = arith.mulf %get3A_1475, %get3A_1546 : vector<16xf32>
      %add3A_1548 = arith.addf %add3A_1543, %mul3A_1547 : vector<16xf32>
      %swap3A_1549 = arith.constant 799 : index
      %swap3A_1550 = tpu.vector_load %arg14[%swap3A_1549] {strides = array<i32>} : memref<1360xf32, #tpu.memory_space<vmem>>, vector<16xf32>,
      tpu.vector_store %arg14[%swap3A_1549], %add3A_1548 {strides = array<i32>} : memref<1360xf32, #tpu.memory_space<vmem>>, vector<16xf32>,
      %mul3A_1551 = arith.constant 5 : i32
      %mul3A_1552 = arith.muli %add3A_1463, %mul3A_1551 : i32
      %add3A_1553 = arith.constant 3 : i32
      %add3A_1554 = arith.addi %mul3A_1552, %add3A_1553 : i32
      %get3A_1555 = arith.index_cast %add3A_1554 : i32 to index
      %get3A_1556 = arith.constant 0 : index
      %get3A_1557 = tpu.vector_load %arg12[%get3A_1555, %get3A_1556] {strides = array<i32>} : memref<640x64xf32, #tpu.memory_space<vmem>>, vector<16xf32>,
      %mul3A_1558 = arith.mulf %get3A_1466, %get3A_1557 : vector<16xf32>
      %get3A_1559 = arith.index_cast %add3A_1554 : i32 to index
      %get3A_1560 = arith.constant 16 : index
      %get3A_1561 = tpu.vector_load %arg12[%get3A_1559, %get3A_1560] {strides = array<i32>} : memref<640x64xf32, #tpu.memory_space<vmem>>, vector<16xf32>,
      %mul3A_1562 = arith.mulf %get3A_1469, %get3A_1561 : vector<16xf32>
      %add3A_1563 = arith.addf %mul3A_1558, %mul3A_1562 : vector<16xf32>
      %get3A_1564 = arith.index_cast %add3A_1554 : i32 to index
      %get3A_1565 = arith.constant 32 : index
      %get3A_1566 = tpu.vector_load %arg12[%get3A_1564, %get3A_1565] {strides = array<i32>} : memref<640x64xf32, #tpu.memory_space<vmem>>, vector<16xf32>,
      %mul3A_1567 = arith.mulf %get3A_1472, %get3A_1566 : vector<16xf32>
      %add3A_1568 = arith.addf %add3A_1563, %mul3A_1567 : vector<16xf32>
      %get3A_1569 = arith.index_cast %add3A_1554 : i32 to index
      %get3A_1570 = arith.constant 48 : index
      %get3A_1571 = tpu.vector_load %arg12[%get3A_1569, %get3A_1570] {strides = array<i32>} : memref<640x64xf32, #tpu.memory_space<vmem>>, vector<16xf32>,
      %mul3A_1572 = arith.mulf %get3A_1475, %get3A_1571 : vector<16xf32>
      %add3A_1573 = arith.addf %add3A_1568, %mul3A_1572 : vector<16xf32>
      %swap3A_1574 = arith.constant 816 : index
      %swap3A_1575 = tpu.vector_load %arg14[%swap3A_1574] {strides = array<i32>} : memref<1360xf32, #tpu.memory_space<vmem>>, vector<16xf32>,
      tpu.vector_store %arg14[%swap3A_1574], %add3A_1573 {strides = array<i32>} : memref<1360xf32, #tpu.memory_space<vmem>>, vector<16xf32>,
      %mul3A_1576 = arith.constant 5 : i32
      %mul3A_1577 = arith.muli %add3A_1463, %mul3A_1576 : i32
      %add3A_1578 = arith.constant 4 : i32
      %add3A_1579 = arith.addi %mul3A_1577, %add3A_1578 : i32
      %get3A_1580 = arith.index_cast %add3A_1579 : i32 to index
      %get3A_1581 = arith.constant 0 : index
      %get3A_1582 = tpu.vector_load %arg12[%get3A_1580, %get3A_1581] {strides = array<i32>} : memref<640x64xf32, #tpu.memory_space<vmem>>, vector<16xf32>,
      %mul3A_1583 = arith.mulf %get3A_1466, %get3A_1582 : vector<16xf32>
      %get3A_1584 = arith.index_cast %add3A_1579 : i32 to index
      %get3A_1585 = arith.constant 16 : index
      %get3A_1586 = tpu.vector_load %arg12[%get3A_1584, %get3A_1585] {strides = array<i32>} : memref<640x64xf32, #tpu.memory_space<vmem>>, vector<16xf32>,
      %mul3A_1587 = arith.mulf %get3A_1469, %get3A_1586 : vector<16xf32>
      %add3A_1588 = arith.addf %mul3A_1583, %mul3A_1587 : vector<16xf32>
      %get3A_1589 = arith.index_cast %add3A_1579 : i32 to index
      %get3A_1590 = arith.constant 32 : index
      %get3A_1591 = tpu.vector_load %arg12[%get3A_1589, %get3A_1590] {strides = array<i32>} : memref<640x64xf32, #tpu.memory_space<vmem>>, vector<16xf32>,
      %mul3A_1592 = arith.mulf %get3A_1472, %get3A_1591 : vector<16xf32>
      %add3A_1593 = arith.addf %add3A_1588, %mul3A_1592 : vector<16xf32>
      %get3A_1594 = arith.index_cast %add3A_1579 : i32 to index
      %get3A_1595 = arith.constant 48 : index
      %get3A_1596 = tpu.vector_load %arg12[%get3A_1594, %get3A_1595] {strides = array<i32>} : memref<640x64xf32, #tpu.memory_space<vmem>>, vector<16xf32>,
      %mul3A_1597 = arith.mulf %get3A_1475, %get3A_1596 : vector<16xf32>
      %add3A_1598 = arith.addf %add3A_1593, %mul3A_1597 : vector<16xf32>
      %swap3A_1599 = arith.constant 833 : index
      %swap3A_1600 = tpu.vector_load %arg14[%swap3A_1599] {strides = array<i32>} : memref<1360xf32, #tpu.memory_space<vmem>>, vector<16xf32>,
      tpu.vector_store %arg14[%swap3A_1599], %add3A_1598 {strides = array<i32>} : memref<1360xf32, #tpu.memory_space<vmem>>, vector<16xf32>,
      %add3A_1601 = arith.constant 10 : i32
      %add3A_1602 = arith.addi %mul3A_212, %add3A_1601 : i32
      %get3A_1603 = arith.index_cast %add3A_1602 : i32 to index
      %get3A_1604 = arith.constant 0 : index
      %get3A_1605 = tpu.vector_load %arg11[%get3A_1603, %get3A_1604] {strides = array<i32>} : memref<128x64xf32, #tpu.memory_space<vmem>>, vector<16xf32>,
      %get3A_1606 = arith.index_cast %add3A_1602 : i32 to index
      %get3A_1607 = arith.constant 16 : index
      %get3A_1608 = tpu.vector_load %arg11[%get3A_1606, %get3A_1607] {strides = array<i32>} : memref<128x64xf32, #tpu.memory_space<vmem>>, vector<16xf32>,
      %get3A_1609 = arith.index_cast %add3A_1602 : i32 to index
      %get3A_1610 = arith.constant 32 : index
      %get3A_1611 = tpu.vector_load %arg11[%get3A_1609, %get3A_1610] {strides = array<i32>} : memref<128x64xf32, #tpu.memory_space<vmem>>, vector<16xf32>,
      %get3A_1612 = arith.index_cast %add3A_1602 : i32 to index
      %get3A_1613 = arith.constant 48 : index
      %get3A_1614 = tpu.vector_load %arg11[%get3A_1612, %get3A_1613] {strides = array<i32>} : memref<128x64xf32, #tpu.memory_space<vmem>>, vector<16xf32>,
      %mul3A_1615 = arith.constant 5 : i32
      %mul3A_1616 = arith.muli %add3A_1602, %mul3A_1615 : i32
      %add3A_1617 = arith.constant 0 : i32
      %add3A_1618 = arith.addi %mul3A_1616, %add3A_1617 : i32
      %get3A_1619 = arith.index_cast %add3A_1618 : i32 to index
      %get3A_1620 = arith.constant 0 : index
      %get3A_1621 = tpu.vector_load %arg12[%get3A_1619, %get3A_1620] {strides = array<i32>} : memref<640x64xf32, #tpu.memory_space<vmem>>, vector<16xf32>,
      %mul3A_1622 = arith.mulf %get3A_1605, %get3A_1621 : vector<16xf32>
      %get3A_1623 = arith.index_cast %add3A_1618 : i32 to index
      %get3A_1624 = arith.constant 16 : index
      %get3A_1625 = tpu.vector_load %arg12[%get3A_1623, %get3A_1624] {strides = array<i32>} : memref<640x64xf32, #tpu.memory_space<vmem>>, vector<16xf32>,
      %mul3A_1626 = arith.mulf %get3A_1608, %get3A_1625 : vector<16xf32>
      %add3A_1627 = arith.addf %mul3A_1622, %mul3A_1626 : vector<16xf32>
      %get3A_1628 = arith.index_cast %add3A_1618 : i32 to index
      %get3A_1629 = arith.constant 32 : index
      %get3A_1630 = tpu.vector_load %arg12[%get3A_1628, %get3A_1629] {strides = array<i32>} : memref<640x64xf32, #tpu.memory_space<vmem>>, vector<16xf32>,
      %mul3A_1631 = arith.mulf %get3A_1611, %get3A_1630 : vector<16xf32>
      %add3A_1632 = arith.addf %add3A_1627, %mul3A_1631 : vector<16xf32>
      %get3A_1633 = arith.index_cast %add3A_1618 : i32 to index
      %get3A_1634 = arith.constant 48 : index
      %get3A_1635 = tpu.vector_load %arg12[%get3A_1633, %get3A_1634] {strides = array<i32>} : memref<640x64xf32, #tpu.memory_space<vmem>>, vector<16xf32>,
      %mul3A_1636 = arith.mulf %get3A_1614, %get3A_1635 : vector<16xf32>
      %add3A_1637 = arith.addf %add3A_1632, %mul3A_1636 : vector<16xf32>
      %swap3A_1638 = arith.constant 850 : index
      %swap3A_1639 = tpu.vector_load %arg14[%swap3A_1638] {strides = array<i32>} : memref<1360xf32, #tpu.memory_space<vmem>>, vector<16xf32>,
      tpu.vector_store %arg14[%swap3A_1638], %add3A_1637 {strides = array<i32>} : memref<1360xf32, #tpu.memory_space<vmem>>, vector<16xf32>,
      %mul3A_1640 = arith.constant 5 : i32
      %mul3A_1641 = arith.muli %add3A_1602, %mul3A_1640 : i32
      %add3A_1642 = arith.constant 1 : i32
      %add3A_1643 = arith.addi %mul3A_1641, %add3A_1642 : i32
      %get3A_1644 = arith.index_cast %add3A_1643 : i32 to index
      %get3A_1645 = arith.constant 0 : index
      %get3A_1646 = tpu.vector_load %arg12[%get3A_1644, %get3A_1645] {strides = array<i32>} : memref<640x64xf32, #tpu.memory_space<vmem>>, vector<16xf32>,
      %mul3A_1647 = arith.mulf %get3A_1605, %get3A_1646 : vector<16xf32>
      %get3A_1648 = arith.index_cast %add3A_1643 : i32 to index
      %get3A_1649 = arith.constant 16 : index
      %get3A_1650 = tpu.vector_load %arg12[%get3A_1648, %get3A_1649] {strides = array<i32>} : memref<640x64xf32, #tpu.memory_space<vmem>>, vector<16xf32>,
      %mul3A_1651 = arith.mulf %get3A_1608, %get3A_1650 : vector<16xf32>
      %add3A_1652 = arith.addf %mul3A_1647, %mul3A_1651 : vector<16xf32>
      %get3A_1653 = arith.index_cast %add3A_1643 : i32 to index
      %get3A_1654 = arith.constant 32 : index
      %get3A_1655 = tpu.vector_load %arg12[%get3A_1653, %get3A_1654] {strides = array<i32>} : memref<640x64xf32, #tpu.memory_space<vmem>>, vector<16xf32>,
      %mul3A_1656 = arith.mulf %get3A_1611, %get3A_1655 : vector<16xf32>
      %add3A_1657 = arith.addf %add3A_1652, %mul3A_1656 : vector<16xf32>
      %get3A_1658 = arith.index_cast %add3A_1643 : i32 to index
      %get3A_1659 = arith.constant 48 : index
      %get3A_1660 = tpu.vector_load %arg12[%get3A_1658, %get3A_1659] {strides = array<i32>} : memref<640x64xf32, #tpu.memory_space<vmem>>, vector<16xf32>,
      %mul3A_1661 = arith.mulf %get3A_1614, %get3A_1660 : vector<16xf32>
      %add3A_1662 = arith.addf %add3A_1657, %mul3A_1661 : vector<16xf32>
      %swap3A_1663 = arith.constant 867 : index
      %swap3A_1664 = tpu.vector_load %arg14[%swap3A_1663] {strides = array<i32>} : memref<1360xf32, #tpu.memory_space<vmem>>, vector<16xf32>,
      tpu.vector_store %arg14[%swap3A_1663], %add3A_1662 {strides = array<i32>} : memref<1360xf32, #tpu.memory_space<vmem>>, vector<16xf32>,
      %mul3A_1665 = arith.constant 5 : i32
      %mul3A_1666 = arith.muli %add3A_1602, %mul3A_1665 : i32
      %add3A_1667 = arith.constant 2 : i32
      %add3A_1668 = arith.addi %mul3A_1666, %add3A_1667 : i32
      %get3A_1669 = arith.index_cast %add3A_1668 : i32 to index
      %get3A_1670 = arith.constant 0 : index
      %get3A_1671 = tpu.vector_load %arg12[%get3A_1669, %get3A_1670] {strides = array<i32>} : memref<640x64xf32, #tpu.memory_space<vmem>>, vector<16xf32>,
      %mul3A_1672 = arith.mulf %get3A_1605, %get3A_1671 : vector<16xf32>
      %get3A_1673 = arith.index_cast %add3A_1668 : i32 to index
      %get3A_1674 = arith.constant 16 : index
      %get3A_1675 = tpu.vector_load %arg12[%get3A_1673, %get3A_1674] {strides = array<i32>} : memref<640x64xf32, #tpu.memory_space<vmem>>, vector<16xf32>,
      %mul3A_1676 = arith.mulf %get3A_1608, %get3A_1675 : vector<16xf32>
      %add3A_1677 = arith.addf %mul3A_1672, %mul3A_1676 : vector<16xf32>
      %get3A_1678 = arith.index_cast %add3A_1668 : i32 to index
      %get3A_1679 = arith.constant 32 : index
      %get3A_1680 = tpu.vector_load %arg12[%get3A_1678, %get3A_1679] {strides = array<i32>} : memref<640x64xf32, #tpu.memory_space<vmem>>, vector<16xf32>,
      %mul3A_1681 = arith.mulf %get3A_1611, %get3A_1680 : vector<16xf32>
      %add3A_1682 = arith.addf %add3A_1677, %mul3A_1681 : vector<16xf32>
      %get3A_1683 = arith.index_cast %add3A_1668 : i32 to index
      %get3A_1684 = arith.constant 48 : index
      %get3A_1685 = tpu.vector_load %arg12[%get3A_1683, %get3A_1684] {strides = array<i32>} : memref<640x64xf32, #tpu.memory_space<vmem>>, vector<16xf32>,
      %mul3A_1686 = arith.mulf %get3A_1614, %get3A_1685 : vector<16xf32>
      %add3A_1687 = arith.addf %add3A_1682, %mul3A_1686 : vector<16xf32>
      %swap3A_1688 = arith.constant 884 : index
      %swap3A_1689 = tpu.vector_load %arg14[%swap3A_1688] {strides = array<i32>} : memref<1360xf32, #tpu.memory_space<vmem>>, vector<16xf32>,
      tpu.vector_store %arg14[%swap3A_1688], %add3A_1687 {strides = array<i32>} : memref<1360xf32, #tpu.memory_space<vmem>>, vector<16xf32>,
      %mul3A_1690 = arith.constant 5 : i32
      %mul3A_1691 = arith.muli %add3A_1602, %mul3A_1690 : i32
      %add3A_1692 = arith.constant 3 : i32
      %add3A_1693 = arith.addi %mul3A_1691, %add3A_1692 : i32
      %get3A_1694 = arith.index_cast %add3A_1693 : i32 to index
      %get3A_1695 = arith.constant 0 : index
      %get3A_1696 = tpu.vector_load %arg12[%get3A_1694, %get3A_1695] {strides = array<i32>} : memref<640x64xf32, #tpu.memory_space<vmem>>, vector<16xf32>,
      %mul3A_1697 = arith.mulf %get3A_1605, %get3A_1696 : vector<16xf32>
      %get3A_1698 = arith.index_cast %add3A_1693 : i32 to index
      %get3A_1699 = arith.constant 16 : index
      %get3A_1700 = tpu.vector_load %arg12[%get3A_1698, %get3A_1699] {strides = array<i32>} : memref<640x64xf32, #tpu.memory_space<vmem>>, vector<16xf32>,
      %mul3A_1701 = arith.mulf %get3A_1608, %get3A_1700 : vector<16xf32>
      %add3A_1702 = arith.addf %mul3A_1697, %mul3A_1701 : vector<16xf32>
      %get3A_1703 = arith.index_cast %add3A_1693 : i32 to index
      %get3A_1704 = arith.constant 32 : index
      %get3A_1705 = tpu.vector_load %arg12[%get3A_1703, %get3A_1704] {strides = array<i32>} : memref<640x64xf32, #tpu.memory_space<vmem>>, vector<16xf32>,
      %mul3A_1706 = arith.mulf %get3A_1611, %get3A_1705 : vector<16xf32>
      %add3A_1707 = arith.addf %add3A_1702, %mul3A_1706 : vector<16xf32>
      %get3A_1708 = arith.index_cast %add3A_1693 : i32 to index
      %get3A_1709 = arith.constant 48 : index
      %get3A_1710 = tpu.vector_load %arg12[%get3A_1708, %get3A_1709] {strides = array<i32>} : memref<640x64xf32, #tpu.memory_space<vmem>>, vector<16xf32>,
      %mul3A_1711 = arith.mulf %get3A_1614, %get3A_1710 : vector<16xf32>
      %add3A_1712 = arith.addf %add3A_1707, %mul3A_1711 : vector<16xf32>
      %swap3A_1713 = arith.constant 901 : index
      %swap3A_1714 = tpu.vector_load %arg14[%swap3A_1713] {strides = array<i32>} : memref<1360xf32, #tpu.memory_space<vmem>>, vector<16xf32>,
      tpu.vector_store %arg14[%swap3A_1713], %add3A_1712 {strides = array<i32>} : memref<1360xf32, #tpu.memory_space<vmem>>, vector<16xf32>,
      %mul3A_1715 = arith.constant 5 : i32
      %mul3A_1716 = arith.muli %add3A_1602, %mul3A_1715 : i32
      %add3A_1717 = arith.constant 4 : i32
      %add3A_1718 = arith.addi %mul3A_1716, %add3A_1717 : i32
      %get3A_1719 = arith.index_cast %add3A_1718 : i32 to index
      %get3A_1720 = arith.constant 0 : index
      %get3A_1721 = tpu.vector_load %arg12[%get3A_1719, %get3A_1720] {strides = array<i32>} : memref<640x64xf32, #tpu.memory_space<vmem>>, vector<16xf32>,
      %mul3A_1722 = arith.mulf %get3A_1605, %get3A_1721 : vector<16xf32>
      %get3A_1723 = arith.index_cast %add3A_1718 : i32 to index
      %get3A_1724 = arith.constant 16 : index
      %get3A_1725 = tpu.vector_load %arg12[%get3A_1723, %get3A_1724] {strides = array<i32>} : memref<640x64xf32, #tpu.memory_space<vmem>>, vector<16xf32>,
      %mul3A_1726 = arith.mulf %get3A_1608, %get3A_1725 : vector<16xf32>
      %add3A_1727 = arith.addf %mul3A_1722, %mul3A_1726 : vector<16xf32>
      %get3A_1728 = arith.index_cast %add3A_1718 : i32 to index
      %get3A_1729 = arith.constant 32 : index
      %get3A_1730 = tpu.vector_load %arg12[%get3A_1728, %get3A_1729] {strides = array<i32>} : memref<640x64xf32, #tpu.memory_space<vmem>>, vector<16xf32>,
      %mul3A_1731 = arith.mulf %get3A_1611, %get3A_1730 : vector<16xf32>
      %add3A_1732 = arith.addf %add3A_1727, %mul3A_1731 : vector<16xf32>
      %get3A_1733 = arith.index_cast %add3A_1718 : i32 to index
      %get3A_1734 = arith.constant 48 : index
      %get3A_1735 = tpu.vector_load %arg12[%get3A_1733, %get3A_1734] {strides = array<i32>} : memref<640x64xf32, #tpu.memory_space<vmem>>, vector<16xf32>,
      %mul3A_1736 = arith.mulf %get3A_1614, %get3A_1735 : vector<16xf32>
      %add3A_1737 = arith.addf %add3A_1732, %mul3A_1736 : vector<16xf32>
      %swap3A_1738 = arith.constant 918 : index
      %swap3A_1739 = tpu.vector_load %arg14[%swap3A_1738] {strides = array<i32>} : memref<1360xf32, #tpu.memory_space<vmem>>, vector<16xf32>,
      tpu.vector_store %arg14[%swap3A_1738], %add3A_1737 {strides = array<i32>} : memref<1360xf32, #tpu.memory_space<vmem>>, vector<16xf32>,
      %add3A_1740 = arith.constant 11 : i32
      %add3A_1741 = arith.addi %mul3A_212, %add3A_1740 : i32
      %get3A_1742 = arith.index_cast %add3A_1741 : i32 to index
      %get3A_1743 = arith.constant 0 : index
      %get3A_1744 = tpu.vector_load %arg11[%get3A_1742, %get3A_1743] {strides = array<i32>} : memref<128x64xf32, #tpu.memory_space<vmem>>, vector<16xf32>,
      %get3A_1745 = arith.index_cast %add3A_1741 : i32 to index
      %get3A_1746 = arith.constant 16 : index
      %get3A_1747 = tpu.vector_load %arg11[%get3A_1745, %get3A_1746] {strides = array<i32>} : memref<128x64xf32, #tpu.memory_space<vmem>>, vector<16xf32>,
      %get3A_1748 = arith.index_cast %add3A_1741 : i32 to index
      %get3A_1749 = arith.constant 32 : index
      %get3A_1750 = tpu.vector_load %arg11[%get3A_1748, %get3A_1749] {strides = array<i32>} : memref<128x64xf32, #tpu.memory_space<vmem>>, vector<16xf32>,
      %get3A_1751 = arith.index_cast %add3A_1741 : i32 to index
      %get3A_1752 = arith.constant 48 : index
      %get3A_1753 = tpu.vector_load %arg11[%get3A_1751, %get3A_1752] {strides = array<i32>} : memref<128x64xf32, #tpu.memory_space<vmem>>, vector<16xf32>,
      %mul3A_1754 = arith.constant 5 : i32
      %mul3A_1755 = arith.muli %add3A_1741, %mul3A_1754 : i32
      %add3A_1756 = arith.constant 0 : i32
      %add3A_1757 = arith.addi %mul3A_1755, %add3A_1756 : i32
      %get3A_1758 = arith.index_cast %add3A_1757 : i32 to index
      %get3A_1759 = arith.constant 0 : index
      %get3A_1760 = tpu.vector_load %arg12[%get3A_1758, %get3A_1759] {strides = array<i32>} : memref<640x64xf32, #tpu.memory_space<vmem>>, vector<16xf32>,
      %mul3A_1761 = arith.mulf %get3A_1744, %get3A_1760 : vector<16xf32>
      %get3A_1762 = arith.index_cast %add3A_1757 : i32 to index
      %get3A_1763 = arith.constant 16 : index
      %get3A_1764 = tpu.vector_load %arg12[%get3A_1762, %get3A_1763] {strides = array<i32>} : memref<640x64xf32, #tpu.memory_space<vmem>>, vector<16xf32>,
      %mul3A_1765 = arith.mulf %get3A_1747, %get3A_1764 : vector<16xf32>
      %add3A_1766 = arith.addf %mul3A_1761, %mul3A_1765 : vector<16xf32>
      %get3A_1767 = arith.index_cast %add3A_1757 : i32 to index
      %get3A_1768 = arith.constant 32 : index
      %get3A_1769 = tpu.vector_load %arg12[%get3A_1767, %get3A_1768] {strides = array<i32>} : memref<640x64xf32, #tpu.memory_space<vmem>>, vector<16xf32>,
      %mul3A_1770 = arith.mulf %get3A_1750, %get3A_1769 : vector<16xf32>
      %add3A_1771 = arith.addf %add3A_1766, %mul3A_1770 : vector<16xf32>
      %get3A_1772 = arith.index_cast %add3A_1757 : i32 to index
      %get3A_1773 = arith.constant 48 : index
      %get3A_1774 = tpu.vector_load %arg12[%get3A_1772, %get3A_1773] {strides = array<i32>} : memref<640x64xf32, #tpu.memory_space<vmem>>, vector<16xf32>,
      %mul3A_1775 = arith.mulf %get3A_1753, %get3A_1774 : vector<16xf32>
      %add3A_1776 = arith.addf %add3A_1771, %mul3A_1775 : vector<16xf32>
      %swap3A_1777 = arith.constant 935 : index
      %swap3A_1778 = tpu.vector_load %arg14[%swap3A_1777] {strides = array<i32>} : memref<1360xf32, #tpu.memory_space<vmem>>, vector<16xf32>,
      tpu.vector_store %arg14[%swap3A_1777], %add3A_1776 {strides = array<i32>} : memref<1360xf32, #tpu.memory_space<vmem>>, vector<16xf32>,
      %mul3A_1779 = arith.constant 5 : i32
      %mul3A_1780 = arith.muli %add3A_1741, %mul3A_1779 : i32
      %add3A_1781 = arith.constant 1 : i32
      %add3A_1782 = arith.addi %mul3A_1780, %add3A_1781 : i32
      %get3A_1783 = arith.index_cast %add3A_1782 : i32 to index
      %get3A_1784 = arith.constant 0 : index
      %get3A_1785 = tpu.vector_load %arg12[%get3A_1783, %get3A_1784] {strides = array<i32>} : memref<640x64xf32, #tpu.memory_space<vmem>>, vector<16xf32>,
      %mul3A_1786 = arith.mulf %get3A_1744, %get3A_1785 : vector<16xf32>
      %get3A_1787 = arith.index_cast %add3A_1782 : i32 to index
      %get3A_1788 = arith.constant 16 : index
      %get3A_1789 = tpu.vector_load %arg12[%get3A_1787, %get3A_1788] {strides = array<i32>} : memref<640x64xf32, #tpu.memory_space<vmem>>, vector<16xf32>,
      %mul3A_1790 = arith.mulf %get3A_1747, %get3A_1789 : vector<16xf32>
      %add3A_1791 = arith.addf %mul3A_1786, %mul3A_1790 : vector<16xf32>
      %get3A_1792 = arith.index_cast %add3A_1782 : i32 to index
      %get3A_1793 = arith.constant 32 : index
      %get3A_1794 = tpu.vector_load %arg12[%get3A_1792, %get3A_1793] {strides = array<i32>} : memref<640x64xf32, #tpu.memory_space<vmem>>, vector<16xf32>,
      %mul3A_1795 = arith.mulf %get3A_1750, %get3A_1794 : vector<16xf32>
      %add3A_1796 = arith.addf %add3A_1791, %mul3A_1795 : vector<16xf32>
      %get3A_1797 = arith.index_cast %add3A_1782 : i32 to index
      %get3A_1798 = arith.constant 48 : index
      %get3A_1799 = tpu.vector_load %arg12[%get3A_1797, %get3A_1798] {strides = array<i32>} : memref<640x64xf32, #tpu.memory_space<vmem>>, vector<16xf32>,
      %mul3A_1800 = arith.mulf %get3A_1753, %get3A_1799 : vector<16xf32>
      %add3A_1801 = arith.addf %add3A_1796, %mul3A_1800 : vector<16xf32>
      %swap3A_1802 = arith.constant 952 : index
      %swap3A_1803 = tpu.vector_load %arg14[%swap3A_1802] {strides = array<i32>} : memref<1360xf32, #tpu.memory_space<vmem>>, vector<16xf32>,
      tpu.vector_store %arg14[%swap3A_1802], %add3A_1801 {strides = array<i32>} : memref<1360xf32, #tpu.memory_space<vmem>>, vector<16xf32>,
      %mul3A_1804 = arith.constant 5 : i32
      %mul3A_1805 = arith.muli %add3A_1741, %mul3A_1804 : i32
      %add3A_1806 = arith.constant 2 : i32
      %add3A_1807 = arith.addi %mul3A_1805, %add3A_1806 : i32
      %get3A_1808 = arith.index_cast %add3A_1807 : i32 to index
      %get3A_1809 = arith.constant 0 : index
      %get3A_1810 = tpu.vector_load %arg12[%get3A_1808, %get3A_1809] {strides = array<i32>} : memref<640x64xf32, #tpu.memory_space<vmem>>, vector<16xf32>,
      %mul3A_1811 = arith.mulf %get3A_1744, %get3A_1810 : vector<16xf32>
      %get3A_1812 = arith.index_cast %add3A_1807 : i32 to index
      %get3A_1813 = arith.constant 16 : index
      %get3A_1814 = tpu.vector_load %arg12[%get3A_1812, %get3A_1813] {strides = array<i32>} : memref<640x64xf32, #tpu.memory_space<vmem>>, vector<16xf32>,
      %mul3A_1815 = arith.mulf %get3A_1747, %get3A_1814 : vector<16xf32>
      %add3A_1816 = arith.addf %mul3A_1811, %mul3A_1815 : vector<16xf32>
      %get3A_1817 = arith.index_cast %add3A_1807 : i32 to index
      %get3A_1818 = arith.constant 32 : index
      %get3A_1819 = tpu.vector_load %arg12[%get3A_1817, %get3A_1818] {strides = array<i32>} : memref<640x64xf32, #tpu.memory_space<vmem>>, vector<16xf32>,
      %mul3A_1820 = arith.mulf %get3A_1750, %get3A_1819 : vector<16xf32>
      %add3A_1821 = arith.addf %add3A_1816, %mul3A_1820 : vector<16xf32>
      %get3A_1822 = arith.index_cast %add3A_1807 : i32 to index
      %get3A_1823 = arith.constant 48 : index
      %get3A_1824 = tpu.vector_load %arg12[%get3A_1822, %get3A_1823] {strides = array<i32>} : memref<640x64xf32, #tpu.memory_space<vmem>>, vector<16xf32>,
      %mul3A_1825 = arith.mulf %get3A_1753, %get3A_1824 : vector<16xf32>
      %add3A_1826 = arith.addf %add3A_1821, %mul3A_1825 : vector<16xf32>
      %swap3A_1827 = arith.constant 969 : index
      %swap3A_1828 = tpu.vector_load %arg14[%swap3A_1827] {strides = array<i32>} : memref<1360xf32, #tpu.memory_space<vmem>>, vector<16xf32>,
      tpu.vector_store %arg14[%swap3A_1827], %add3A_1826 {strides = array<i32>} : memref<1360xf32, #tpu.memory_space<vmem>>, vector<16xf32>,
      %mul3A_1829 = arith.constant 5 : i32
      %mul3A_1830 = arith.muli %add3A_1741, %mul3A_1829 : i32
      %add3A_1831 = arith.constant 3 : i32
      %add3A_1832 = arith.addi %mul3A_1830, %add3A_1831 : i32
      %get3A_1833 = arith.index_cast %add3A_1832 : i32 to index
      %get3A_1834 = arith.constant 0 : index
      %get3A_1835 = tpu.vector_load %arg12[%get3A_1833, %get3A_1834] {strides = array<i32>} : memref<640x64xf32, #tpu.memory_space<vmem>>, vector<16xf32>,
      %mul3A_1836 = arith.mulf %get3A_1744, %get3A_1835 : vector<16xf32>
      %get3A_1837 = arith.index_cast %add3A_1832 : i32 to index
      %get3A_1838 = arith.constant 16 : index
      %get3A_1839 = tpu.vector_load %arg12[%get3A_1837, %get3A_1838] {strides = array<i32>} : memref<640x64xf32, #tpu.memory_space<vmem>>, vector<16xf32>,
      %mul3A_1840 = arith.mulf %get3A_1747, %get3A_1839 : vector<16xf32>
      %add3A_1841 = arith.addf %mul3A_1836, %mul3A_1840 : vector<16xf32>
      %get3A_1842 = arith.index_cast %add3A_1832 : i32 to index
      %get3A_1843 = arith.constant 32 : index
      %get3A_1844 = tpu.vector_load %arg12[%get3A_1842, %get3A_1843] {strides = array<i32>} : memref<640x64xf32, #tpu.memory_space<vmem>>, vector<16xf32>,
      %mul3A_1845 = arith.mulf %get3A_1750, %get3A_1844 : vector<16xf32>
      %add3A_1846 = arith.addf %add3A_1841, %mul3A_1845 : vector<16xf32>
      %get3A_1847 = arith.index_cast %add3A_1832 : i32 to index
      %get3A_1848 = arith.constant 48 : index
      %get3A_1849 = tpu.vector_load %arg12[%get3A_1847, %get3A_1848] {strides = array<i32>} : memref<640x64xf32, #tpu.memory_space<vmem>>, vector<16xf32>,
      %mul3A_1850 = arith.mulf %get3A_1753, %get3A_1849 : vector<16xf32>
      %add3A_1851 = arith.addf %add3A_1846, %mul3A_1850 : vector<16xf32>
      %swap3A_1852 = arith.constant 986 : index
      %swap3A_1853 = tpu.vector_load %arg14[%swap3A_1852] {strides = array<i32>} : memref<1360xf32, #tpu.memory_space<vmem>>, vector<16xf32>,
      tpu.vector_store %arg14[%swap3A_1852], %add3A_1851 {strides = array<i32>} : memref<1360xf32, #tpu.memory_space<vmem>>, vector<16xf32>,
      %mul3A_1854 = arith.constant 5 : i32
      %mul3A_1855 = arith.muli %add3A_1741, %mul3A_1854 : i32
      %add3A_1856 = arith.constant 4 : i32
      %add3A_1857 = arith.addi %mul3A_1855, %add3A_1856 : i32
      %get3A_1858 = arith.index_cast %add3A_1857 : i32 to index
      %get3A_1859 = arith.constant 0 : index
      %get3A_1860 = tpu.vector_load %arg12[%get3A_1858, %get3A_1859] {strides = array<i32>} : memref<640x64xf32, #tpu.memory_space<vmem>>, vector<16xf32>,
      %mul3A_1861 = arith.mulf %get3A_1744, %get3A_1860 : vector<16xf32>
      %get3A_1862 = arith.index_cast %add3A_1857 : i32 to index
      %get3A_1863 = arith.constant 16 : index
      %get3A_1864 = tpu.vector_load %arg12[%get3A_1862, %get3A_1863] {strides = array<i32>} : memref<640x64xf32, #tpu.memory_space<vmem>>, vector<16xf32>,
      %mul3A_1865 = arith.mulf %get3A_1747, %get3A_1864 : vector<16xf32>
      %add3A_1866 = arith.addf %mul3A_1861, %mul3A_1865 : vector<16xf32>
      %get3A_1867 = arith.index_cast %add3A_1857 : i32 to index
      %get3A_1868 = arith.constant 32 : index
      %get3A_1869 = tpu.vector_load %arg12[%get3A_1867, %get3A_1868] {strides = array<i32>} : memref<640x64xf32, #tpu.memory_space<vmem>>, vector<16xf32>,
      %mul3A_1870 = arith.mulf %get3A_1750, %get3A_1869 : vector<16xf32>
      %add3A_1871 = arith.addf %add3A_1866, %mul3A_1870 : vector<16xf32>
      %get3A_1872 = arith.index_cast %add3A_1857 : i32 to index
      %get3A_1873 = arith.constant 48 : index
      %get3A_1874 = tpu.vector_load %arg12[%get3A_1872, %get3A_1873] {strides = array<i32>} : memref<640x64xf32, #tpu.memory_space<vmem>>, vector<16xf32>,
      %mul3A_1875 = arith.mulf %get3A_1753, %get3A_1874 : vector<16xf32>
      %add3A_1876 = arith.addf %add3A_1871, %mul3A_1875 : vector<16xf32>
      %swap3A_1877 = arith.constant 1003 : index
      %swap3A_1878 = tpu.vector_load %arg14[%swap3A_1877] {strides = array<i32>} : memref<1360xf32, #tpu.memory_space<vmem>>, vector<16xf32>,
      tpu.vector_store %arg14[%swap3A_1877], %add3A_1876 {strides = array<i32>} : memref<1360xf32, #tpu.memory_space<vmem>>, vector<16xf32>,
      %add3A_1879 = arith.constant 12 : i32
      %add3A_1880 = arith.addi %mul3A_212, %add3A_1879 : i32
      %get3A_1881 = arith.index_cast %add3A_1880 : i32 to index
      %get3A_1882 = arith.constant 0 : index
      %get3A_1883 = tpu.vector_load %arg11[%get3A_1881, %get3A_1882] {strides = array<i32>} : memref<128x64xf32, #tpu.memory_space<vmem>>, vector<16xf32>,
      %get3A_1884 = arith.index_cast %add3A_1880 : i32 to index
      %get3A_1885 = arith.constant 16 : index
      %get3A_1886 = tpu.vector_load %arg11[%get3A_1884, %get3A_1885] {strides = array<i32>} : memref<128x64xf32, #tpu.memory_space<vmem>>, vector<16xf32>,
      %get3A_1887 = arith.index_cast %add3A_1880 : i32 to index
      %get3A_1888 = arith.constant 32 : index
      %get3A_1889 = tpu.vector_load %arg11[%get3A_1887, %get3A_1888] {strides = array<i32>} : memref<128x64xf32, #tpu.memory_space<vmem>>, vector<16xf32>,
      %get3A_1890 = arith.index_cast %add3A_1880 : i32 to index
      %get3A_1891 = arith.constant 48 : index
      %get3A_1892 = tpu.vector_load %arg11[%get3A_1890, %get3A_1891] {strides = array<i32>} : memref<128x64xf32, #tpu.memory_space<vmem>>, vector<16xf32>,
      %mul3A_1893 = arith.constant 5 : i32
      %mul3A_1894 = arith.muli %add3A_1880, %mul3A_1893 : i32
      %add3A_1895 = arith.constant 0 : i32
      %add3A_1896 = arith.addi %mul3A_1894, %add3A_1895 : i32
      %get3A_1897 = arith.index_cast %add3A_1896 : i32 to index
      %get3A_1898 = arith.constant 0 : index
      %get3A_1899 = tpu.vector_load %arg12[%get3A_1897, %get3A_1898] {strides = array<i32>} : memref<640x64xf32, #tpu.memory_space<vmem>>, vector<16xf32>,
      %mul3A_1900 = arith.mulf %get3A_1883, %get3A_1899 : vector<16xf32>
      %get3A_1901 = arith.index_cast %add3A_1896 : i32 to index
      %get3A_1902 = arith.constant 16 : index
      %get3A_1903 = tpu.vector_load %arg12[%get3A_1901, %get3A_1902] {strides = array<i32>} : memref<640x64xf32, #tpu.memory_space<vmem>>, vector<16xf32>,
      %mul3A_1904 = arith.mulf %get3A_1886, %get3A_1903 : vector<16xf32>
      %add3A_1905 = arith.addf %mul3A_1900, %mul3A_1904 : vector<16xf32>
      %get3A_1906 = arith.index_cast %add3A_1896 : i32 to index
      %get3A_1907 = arith.constant 32 : index
      %get3A_1908 = tpu.vector_load %arg12[%get3A_1906, %get3A_1907] {strides = array<i32>} : memref<640x64xf32, #tpu.memory_space<vmem>>, vector<16xf32>,
      %mul3A_1909 = arith.mulf %get3A_1889, %get3A_1908 : vector<16xf32>
      %add3A_1910 = arith.addf %add3A_1905, %mul3A_1909 : vector<16xf32>
      %get3A_1911 = arith.index_cast %add3A_1896 : i32 to index
      %get3A_1912 = arith.constant 48 : index
      %get3A_1913 = tpu.vector_load %arg12[%get3A_1911, %get3A_1912] {strides = array<i32>} : memref<640x64xf32, #tpu.memory_space<vmem>>, vector<16xf32>,
      %mul3A_1914 = arith.mulf %get3A_1892, %get3A_1913 : vector<16xf32>
      %add3A_1915 = arith.addf %add3A_1910, %mul3A_1914 : vector<16xf32>
      %swap3A_1916 = arith.constant 1020 : index
      %swap3A_1917 = tpu.vector_load %arg14[%swap3A_1916] {strides = array<i32>} : memref<1360xf32, #tpu.memory_space<vmem>>, vector<16xf32>,
      tpu.vector_store %arg14[%swap3A_1916], %add3A_1915 {strides = array<i32>} : memref<1360xf32, #tpu.memory_space<vmem>>, vector<16xf32>,
      %mul3A_1918 = arith.constant 5 : i32
      %mul3A_1919 = arith.muli %add3A_1880, %mul3A_1918 : i32
      %add3A_1920 = arith.constant 1 : i32
      %add3A_1921 = arith.addi %mul3A_1919, %add3A_1920 : i32
      %get3A_1922 = arith.index_cast %add3A_1921 : i32 to index
      %get3A_1923 = arith.constant 0 : index
      %get3A_1924 = tpu.vector_load %arg12[%get3A_1922, %get3A_1923] {strides = array<i32>} : memref<640x64xf32, #tpu.memory_space<vmem>>, vector<16xf32>,
      %mul3A_1925 = arith.mulf %get3A_1883, %get3A_1924 : vector<16xf32>
      %get3A_1926 = arith.index_cast %add3A_1921 : i32 to index
      %get3A_1927 = arith.constant 16 : index
      %get3A_1928 = tpu.vector_load %arg12[%get3A_1926, %get3A_1927] {strides = array<i32>} : memref<640x64xf32, #tpu.memory_space<vmem>>, vector<16xf32>,
      %mul3A_1929 = arith.mulf %get3A_1886, %get3A_1928 : vector<16xf32>
      %add3A_1930 = arith.addf %mul3A_1925, %mul3A_1929 : vector<16xf32>
      %get3A_1931 = arith.index_cast %add3A_1921 : i32 to index
      %get3A_1932 = arith.constant 32 : index
      %get3A_1933 = tpu.vector_load %arg12[%get3A_1931, %get3A_1932] {strides = array<i32>} : memref<640x64xf32, #tpu.memory_space<vmem>>, vector<16xf32>,
      %mul3A_1934 = arith.mulf %get3A_1889, %get3A_1933 : vector<16xf32>
      %add3A_1935 = arith.addf %add3A_1930, %mul3A_1934 : vector<16xf32>
      %get3A_1936 = arith.index_cast %add3A_1921 : i32 to index
      %get3A_1937 = arith.constant 48 : index
      %get3A_1938 = tpu.vector_load %arg12[%get3A_1936, %get3A_1937] {strides = array<i32>} : memref<640x64xf32, #tpu.memory_space<vmem>>, vector<16xf32>,
      %mul3A_1939 = arith.mulf %get3A_1892, %get3A_1938 : vector<16xf32>
      %add3A_1940 = arith.addf %add3A_1935, %mul3A_1939 : vector<16xf32>
      %swap3A_1941 = arith.constant 1037 : index
      %swap3A_1942 = tpu.vector_load %arg14[%swap3A_1941] {strides = array<i32>} : memref<1360xf32, #tpu.memory_space<vmem>>, vector<16xf32>,
      tpu.vector_store %arg14[%swap3A_1941], %add3A_1940 {strides = array<i32>} : memref<1360xf32, #tpu.memory_space<vmem>>, vector<16xf32>,
      %mul3A_1943 = arith.constant 5 : i32
      %mul3A_1944 = arith.muli %add3A_1880, %mul3A_1943 : i32
      %add3A_1945 = arith.constant 2 : i32
      %add3A_1946 = arith.addi %mul3A_1944, %add3A_1945 : i32
      %get3A_1947 = arith.index_cast %add3A_1946 : i32 to index
      %get3A_1948 = arith.constant 0 : index
      %get3A_1949 = tpu.vector_load %arg12[%get3A_1947, %get3A_1948] {strides = array<i32>} : memref<640x64xf32, #tpu.memory_space<vmem>>, vector<16xf32>,
      %mul3A_1950 = arith.mulf %get3A_1883, %get3A_1949 : vector<16xf32>
      %get3A_1951 = arith.index_cast %add3A_1946 : i32 to index
      %get3A_1952 = arith.constant 16 : index
      %get3A_1953 = tpu.vector_load %arg12[%get3A_1951, %get3A_1952] {strides = array<i32>} : memref<640x64xf32, #tpu.memory_space<vmem>>, vector<16xf32>,
      %mul3A_1954 = arith.mulf %get3A_1886, %get3A_1953 : vector<16xf32>
      %add3A_1955 = arith.addf %mul3A_1950, %mul3A_1954 : vector<16xf32>
      %get3A_1956 = arith.index_cast %add3A_1946 : i32 to index
      %get3A_1957 = arith.constant 32 : index
      %get3A_1958 = tpu.vector_load %arg12[%get3A_1956, %get3A_1957] {strides = array<i32>} : memref<640x64xf32, #tpu.memory_space<vmem>>, vector<16xf32>,
      %mul3A_1959 = arith.mulf %get3A_1889, %get3A_1958 : vector<16xf32>
      %add3A_1960 = arith.addf %add3A_1955, %mul3A_1959 : vector<16xf32>
      %get3A_1961 = arith.index_cast %add3A_1946 : i32 to index
      %get3A_1962 = arith.constant 48 : index
      %get3A_1963 = tpu.vector_load %arg12[%get3A_1961, %get3A_1962] {strides = array<i32>} : memref<640x64xf32, #tpu.memory_space<vmem>>, vector<16xf32>,
      %mul3A_1964 = arith.mulf %get3A_1892, %get3A_1963 : vector<16xf32>
      %add3A_1965 = arith.addf %add3A_1960, %mul3A_1964 : vector<16xf32>
      %swap3A_1966 = arith.constant 1054 : index
      %swap3A_1967 = tpu.vector_load %arg14[%swap3A_1966] {strides = array<i32>} : memref<1360xf32, #tpu.memory_space<vmem>>, vector<16xf32>,
      tpu.vector_store %arg14[%swap3A_1966], %add3A_1965 {strides = array<i32>} : memref<1360xf32, #tpu.memory_space<vmem>>, vector<16xf32>,
      %mul3A_1968 = arith.constant 5 : i32
      %mul3A_1969 = arith.muli %add3A_1880, %mul3A_1968 : i32
      %add3A_1970 = arith.constant 3 : i32
      %add3A_1971 = arith.addi %mul3A_1969, %add3A_1970 : i32
      %get3A_1972 = arith.index_cast %add3A_1971 : i32 to index
      %get3A_1973 = arith.constant 0 : index
      %get3A_1974 = tpu.vector_load %arg12[%get3A_1972, %get3A_1973] {strides = array<i32>} : memref<640x64xf32, #tpu.memory_space<vmem>>, vector<16xf32>,
      %mul3A_1975 = arith.mulf %get3A_1883, %get3A_1974 : vector<16xf32>
      %get3A_1976 = arith.index_cast %add3A_1971 : i32 to index
      %get3A_1977 = arith.constant 16 : index
      %get3A_1978 = tpu.vector_load %arg12[%get3A_1976, %get3A_1977] {strides = array<i32>} : memref<640x64xf32, #tpu.memory_space<vmem>>, vector<16xf32>,
      %mul3A_1979 = arith.mulf %get3A_1886, %get3A_1978 : vector<16xf32>
      %add3A_1980 = arith.addf %mul3A_1975, %mul3A_1979 : vector<16xf32>
      %get3A_1981 = arith.index_cast %add3A_1971 : i32 to index
      %get3A_1982 = arith.constant 32 : index
      %get3A_1983 = tpu.vector_load %arg12[%get3A_1981, %get3A_1982] {strides = array<i32>} : memref<640x64xf32, #tpu.memory_space<vmem>>, vector<16xf32>,
      %mul3A_1984 = arith.mulf %get3A_1889, %get3A_1983 : vector<16xf32>
      %add3A_1985 = arith.addf %add3A_1980, %mul3A_1984 : vector<16xf32>
      %get3A_1986 = arith.index_cast %add3A_1971 : i32 to index
      %get3A_1987 = arith.constant 48 : index
      %get3A_1988 = tpu.vector_load %arg12[%get3A_1986, %get3A_1987] {strides = array<i32>} : memref<640x64xf32, #tpu.memory_space<vmem>>, vector<16xf32>,
      %mul3A_1989 = arith.mulf %get3A_1892, %get3A_1988 : vector<16xf32>
      %add3A_1990 = arith.addf %add3A_1985, %mul3A_1989 : vector<16xf32>
      %swap3A_1991 = arith.constant 1071 : index
      %swap3A_1992 = tpu.vector_load %arg14[%swap3A_1991] {strides = array<i32>} : memref<1360xf32, #tpu.memory_space<vmem>>, vector<16xf32>,
      tpu.vector_store %arg14[%swap3A_1991], %add3A_1990 {strides = array<i32>} : memref<1360xf32, #tpu.memory_space<vmem>>, vector<16xf32>,
      %mul3A_1993 = arith.constant 5 : i32
      %mul3A_1994 = arith.muli %add3A_1880, %mul3A_1993 : i32
      %add3A_1995 = arith.constant 4 : i32
      %add3A_1996 = arith.addi %mul3A_1994, %add3A_1995 : i32
      %get3A_1997 = arith.index_cast %add3A_1996 : i32 to index
      %get3A_1998 = arith.constant 0 : index
      %get3A_1999 = tpu.vector_load %arg12[%get3A_1997, %get3A_1998] {strides = array<i32>} : memref<640x64xf32, #tpu.memory_space<vmem>>, vector<16xf32>,
      %mul3A_2000 = arith.mulf %get3A_1883, %get3A_1999 : vector<16xf32>
      %get3A_2001 = arith.index_cast %add3A_1996 : i32 to index
      %get3A_2002 = arith.constant 16 : index
      %get3A_2003 = tpu.vector_load %arg12[%get3A_2001, %get3A_2002] {strides = array<i32>} : memref<640x64xf32, #tpu.memory_space<vmem>>, vector<16xf32>,
      %mul3A_2004 = arith.mulf %get3A_1886, %get3A_2003 : vector<16xf32>
      %add3A_2005 = arith.addf %mul3A_2000, %mul3A_2004 : vector<16xf32>
      %get3A_2006 = arith.index_cast %add3A_1996 : i32 to index
      %get3A_2007 = arith.constant 32 : index
      %get3A_2008 = tpu.vector_load %arg12[%get3A_2006, %get3A_2007] {strides = array<i32>} : memref<640x64xf32, #tpu.memory_space<vmem>>, vector<16xf32>,
      %mul3A_2009 = arith.mulf %get3A_1889, %get3A_2008 : vector<16xf32>
      %add3A_2010 = arith.addf %add3A_2005, %mul3A_2009 : vector<16xf32>
      %get3A_2011 = arith.index_cast %add3A_1996 : i32 to index
      %get3A_2012 = arith.constant 48 : index
      %get3A_2013 = tpu.vector_load %arg12[%get3A_2011, %get3A_2012] {strides = array<i32>} : memref<640x64xf32, #tpu.memory_space<vmem>>, vector<16xf32>,
      %mul3A_2014 = arith.mulf %get3A_1892, %get3A_2013 : vector<16xf32>
      %add3A_2015 = arith.addf %add3A_2010, %mul3A_2014 : vector<16xf32>
      %swap3A_2016 = arith.constant 1088 : index
      %swap3A_2017 = tpu.vector_load %arg14[%swap3A_2016] {strides = array<i32>} : memref<1360xf32, #tpu.memory_space<vmem>>, vector<16xf32>,
      tpu.vector_store %arg14[%swap3A_2016], %add3A_2015 {strides = array<i32>} : memref<1360xf32, #tpu.memory_space<vmem>>, vector<16xf32>,
      %add3A_2018 = arith.constant 13 : i32
      %add3A_2019 = arith.addi %mul3A_212, %add3A_2018 : i32
      %get3A_2020 = arith.index_cast %add3A_2019 : i32 to index
      %get3A_2021 = arith.constant 0 : index
      %get3A_2022 = tpu.vector_load %arg11[%get3A_2020, %get3A_2021] {strides = array<i32>} : memref<128x64xf32, #tpu.memory_space<vmem>>, vector<16xf32>,
      %get3A_2023 = arith.index_cast %add3A_2019 : i32 to index
      %get3A_2024 = arith.constant 16 : index
      %get3A_2025 = tpu.vector_load %arg11[%get3A_2023, %get3A_2024] {strides = array<i32>} : memref<128x64xf32, #tpu.memory_space<vmem>>, vector<16xf32>,
      %get3A_2026 = arith.index_cast %add3A_2019 : i32 to index
      %get3A_2027 = arith.constant 32 : index
      %get3A_2028 = tpu.vector_load %arg11[%get3A_2026, %get3A_2027] {strides = array<i32>} : memref<128x64xf32, #tpu.memory_space<vmem>>, vector<16xf32>,
      %get3A_2029 = arith.index_cast %add3A_2019 : i32 to index
      %get3A_2030 = arith.constant 48 : index
      %get3A_2031 = tpu.vector_load %arg11[%get3A_2029, %get3A_2030] {strides = array<i32>} : memref<128x64xf32, #tpu.memory_space<vmem>>, vector<16xf32>,
      %mul3A_2032 = arith.constant 5 : i32
      %mul3A_2033 = arith.muli %add3A_2019, %mul3A_2032 : i32
      %add3A_2034 = arith.constant 0 : i32
      %add3A_2035 = arith.addi %mul3A_2033, %add3A_2034 : i32
      %get3A_2036 = arith.index_cast %add3A_2035 : i32 to index
      %get3A_2037 = arith.constant 0 : index
      %get3A_2038 = tpu.vector_load %arg12[%get3A_2036, %get3A_2037] {strides = array<i32>} : memref<640x64xf32, #tpu.memory_space<vmem>>, vector<16xf32>,
      %mul3A_2039 = arith.mulf %get3A_2022, %get3A_2038 : vector<16xf32>
      %get3A_2040 = arith.index_cast %add3A_2035 : i32 to index
      %get3A_2041 = arith.constant 16 : index
      %get3A_2042 = tpu.vector_load %arg12[%get3A_2040, %get3A_2041] {strides = array<i32>} : memref<640x64xf32, #tpu.memory_space<vmem>>, vector<16xf32>,
      %mul3A_2043 = arith.mulf %get3A_2025, %get3A_2042 : vector<16xf32>
      %add3A_2044 = arith.addf %mul3A_2039, %mul3A_2043 : vector<16xf32>
      %get3A_2045 = arith.index_cast %add3A_2035 : i32 to index
      %get3A_2046 = arith.constant 32 : index
      %get3A_2047 = tpu.vector_load %arg12[%get3A_2045, %get3A_2046] {strides = array<i32>} : memref<640x64xf32, #tpu.memory_space<vmem>>, vector<16xf32>,
      %mul3A_2048 = arith.mulf %get3A_2028, %get3A_2047 : vector<16xf32>
      %add3A_2049 = arith.addf %add3A_2044, %mul3A_2048 : vector<16xf32>
      %get3A_2050 = arith.index_cast %add3A_2035 : i32 to index
      %get3A_2051 = arith.constant 48 : index
      %get3A_2052 = tpu.vector_load %arg12[%get3A_2050, %get3A_2051] {strides = array<i32>} : memref<640x64xf32, #tpu.memory_space<vmem>>, vector<16xf32>,
      %mul3A_2053 = arith.mulf %get3A_2031, %get3A_2052 : vector<16xf32>
      %add3A_2054 = arith.addf %add3A_2049, %mul3A_2053 : vector<16xf32>
      %swap3A_2055 = arith.constant 1105 : index
      %swap3A_2056 = tpu.vector_load %arg14[%swap3A_2055] {strides = array<i32>} : memref<1360xf32, #tpu.memory_space<vmem>>, vector<16xf32>,
      tpu.vector_store %arg14[%swap3A_2055], %add3A_2054 {strides = array<i32>} : memref<1360xf32, #tpu.memory_space<vmem>>, vector<16xf32>,
      %mul3A_2057 = arith.constant 5 : i32
      %mul3A_2058 = arith.muli %add3A_2019, %mul3A_2057 : i32
      %add3A_2059 = arith.constant 1 : i32
      %add3A_2060 = arith.addi %mul3A_2058, %add3A_2059 : i32
      %get3A_2061 = arith.index_cast %add3A_2060 : i32 to index
      %get3A_2062 = arith.constant 0 : index
      %get3A_2063 = tpu.vector_load %arg12[%get3A_2061, %get3A_2062] {strides = array<i32>} : memref<640x64xf32, #tpu.memory_space<vmem>>, vector<16xf32>,
      %mul3A_2064 = arith.mulf %get3A_2022, %get3A_2063 : vector<16xf32>
      %get3A_2065 = arith.index_cast %add3A_2060 : i32 to index
      %get3A_2066 = arith.constant 16 : index
      %get3A_2067 = tpu.vector_load %arg12[%get3A_2065, %get3A_2066] {strides = array<i32>} : memref<640x64xf32, #tpu.memory_space<vmem>>, vector<16xf32>,
      %mul3A_2068 = arith.mulf %get3A_2025, %get3A_2067 : vector<16xf32>
      %add3A_2069 = arith.addf %mul3A_2064, %mul3A_2068 : vector<16xf32>
      %get3A_2070 = arith.index_cast %add3A_2060 : i32 to index
      %get3A_2071 = arith.constant 32 : index
      %get3A_2072 = tpu.vector_load %arg12[%get3A_2070, %get3A_2071] {strides = array<i32>} : memref<640x64xf32, #tpu.memory_space<vmem>>, vector<16xf32>,
      %mul3A_2073 = arith.mulf %get3A_2028, %get3A_2072 : vector<16xf32>
      %add3A_2074 = arith.addf %add3A_2069, %mul3A_2073 : vector<16xf32>
      %get3A_2075 = arith.index_cast %add3A_2060 : i32 to index
      %get3A_2076 = arith.constant 48 : index
      %get3A_2077 = tpu.vector_load %arg12[%get3A_2075, %get3A_2076] {strides = array<i32>} : memref<640x64xf32, #tpu.memory_space<vmem>>, vector<16xf32>,
      %mul3A_2078 = arith.mulf %get3A_2031, %get3A_2077 : vector<16xf32>
      %add3A_2079 = arith.addf %add3A_2074, %mul3A_2078 : vector<16xf32>
      %swap3A_2080 = arith.constant 1122 : index
      %swap3A_2081 = tpu.vector_load %arg14[%swap3A_2080] {strides = array<i32>} : memref<1360xf32, #tpu.memory_space<vmem>>, vector<16xf32>,
      tpu.vector_store %arg14[%swap3A_2080], %add3A_2079 {strides = array<i32>} : memref<1360xf32, #tpu.memory_space<vmem>>, vector<16xf32>,
      %mul3A_2082 = arith.constant 5 : i32
      %mul3A_2083 = arith.muli %add3A_2019, %mul3A_2082 : i32
      %add3A_2084 = arith.constant 2 : i32
      %add3A_2085 = arith.addi %mul3A_2083, %add3A_2084 : i32
      %get3A_2086 = arith.index_cast %add3A_2085 : i32 to index
      %get3A_2087 = arith.constant 0 : index
      %get3A_2088 = tpu.vector_load %arg12[%get3A_2086, %get3A_2087] {strides = array<i32>} : memref<640x64xf32, #tpu.memory_space<vmem>>, vector<16xf32>,
      %mul3A_2089 = arith.mulf %get3A_2022, %get3A_2088 : vector<16xf32>
      %get3A_2090 = arith.index_cast %add3A_2085 : i32 to index
      %get3A_2091 = arith.constant 16 : index
      %get3A_2092 = tpu.vector_load %arg12[%get3A_2090, %get3A_2091] {strides = array<i32>} : memref<640x64xf32, #tpu.memory_space<vmem>>, vector<16xf32>,
      %mul3A_2093 = arith.mulf %get3A_2025, %get3A_2092 : vector<16xf32>
      %add3A_2094 = arith.addf %mul3A_2089, %mul3A_2093 : vector<16xf32>
      %get3A_2095 = arith.index_cast %add3A_2085 : i32 to index
      %get3A_2096 = arith.constant 32 : index
      %get3A_2097 = tpu.vector_load %arg12[%get3A_2095, %get3A_2096] {strides = array<i32>} : memref<640x64xf32, #tpu.memory_space<vmem>>, vector<16xf32>,
      %mul3A_2098 = arith.mulf %get3A_2028, %get3A_2097 : vector<16xf32>
      %add3A_2099 = arith.addf %add3A_2094, %mul3A_2098 : vector<16xf32>
      %get3A_2100 = arith.index_cast %add3A_2085 : i32 to index
      %get3A_2101 = arith.constant 48 : index
      %get3A_2102 = tpu.vector_load %arg12[%get3A_2100, %get3A_2101] {strides = array<i32>} : memref<640x64xf32, #tpu.memory_space<vmem>>, vector<16xf32>,
      %mul3A_2103 = arith.mulf %get3A_2031, %get3A_2102 : vector<16xf32>
      %add3A_2104 = arith.addf %add3A_2099, %mul3A_2103 : vector<16xf32>
      %swap3A_2105 = arith.constant 1139 : index
      %swap3A_2106 = tpu.vector_load %arg14[%swap3A_2105] {strides = array<i32>} : memref<1360xf32, #tpu.memory_space<vmem>>, vector<16xf32>,
      tpu.vector_store %arg14[%swap3A_2105], %add3A_2104 {strides = array<i32>} : memref<1360xf32, #tpu.memory_space<vmem>>, vector<16xf32>,
      %mul3A_2107 = arith.constant 5 : i32
      %mul3A_2108 = arith.muli %add3A_2019, %mul3A_2107 : i32
      %add3A_2109 = arith.constant 3 : i32
      %add3A_2110 = arith.addi %mul3A_2108, %add3A_2109 : i32
      %get3A_2111 = arith.index_cast %add3A_2110 : i32 to index
      %get3A_2112 = arith.constant 0 : index
      %get3A_2113 = tpu.vector_load %arg12[%get3A_2111, %get3A_2112] {strides = array<i32>} : memref<640x64xf32, #tpu.memory_space<vmem>>, vector<16xf32>,
      %mul3A_2114 = arith.mulf %get3A_2022, %get3A_2113 : vector<16xf32>
      %get3A_2115 = arith.index_cast %add3A_2110 : i32 to index
      %get3A_2116 = arith.constant 16 : index
      %get3A_2117 = tpu.vector_load %arg12[%get3A_2115, %get3A_2116] {strides = array<i32>} : memref<640x64xf32, #tpu.memory_space<vmem>>, vector<16xf32>,
      %mul3A_2118 = arith.mulf %get3A_2025, %get3A_2117 : vector<16xf32>
      %add3A_2119 = arith.addf %mul3A_2114, %mul3A_2118 : vector<16xf32>
      %get3A_2120 = arith.index_cast %add3A_2110 : i32 to index
      %get3A_2121 = arith.constant 32 : index
      %get3A_2122 = tpu.vector_load %arg12[%get3A_2120, %get3A_2121] {strides = array<i32>} : memref<640x64xf32, #tpu.memory_space<vmem>>, vector<16xf32>,
      %mul3A_2123 = arith.mulf %get3A_2028, %get3A_2122 : vector<16xf32>
      %add3A_2124 = arith.addf %add3A_2119, %mul3A_2123 : vector<16xf32>
      %get3A_2125 = arith.index_cast %add3A_2110 : i32 to index
      %get3A_2126 = arith.constant 48 : index
      %get3A_2127 = tpu.vector_load %arg12[%get3A_2125, %get3A_2126] {strides = array<i32>} : memref<640x64xf32, #tpu.memory_space<vmem>>, vector<16xf32>,
      %mul3A_2128 = arith.mulf %get3A_2031, %get3A_2127 : vector<16xf32>
      %add3A_2129 = arith.addf %add3A_2124, %mul3A_2128 : vector<16xf32>
      %swap3A_2130 = arith.constant 1156 : index
      %swap3A_2131 = tpu.vector_load %arg14[%swap3A_2130] {strides = array<i32>} : memref<1360xf32, #tpu.memory_space<vmem>>, vector<16xf32>,
      tpu.vector_store %arg14[%swap3A_2130], %add3A_2129 {strides = array<i32>} : memref<1360xf32, #tpu.memory_space<vmem>>, vector<16xf32>,
      %mul3A_2132 = arith.constant 5 : i32
      %mul3A_2133 = arith.muli %add3A_2019, %mul3A_2132 : i32
      %add3A_2134 = arith.constant 4 : i32
      %add3A_2135 = arith.addi %mul3A_2133, %add3A_2134 : i32
      %get3A_2136 = arith.index_cast %add3A_2135 : i32 to index
      %get3A_2137 = arith.constant 0 : index
      %get3A_2138 = tpu.vector_load %arg12[%get3A_2136, %get3A_2137] {strides = array<i32>} : memref<640x64xf32, #tpu.memory_space<vmem>>, vector<16xf32>,
      %mul3A_2139 = arith.mulf %get3A_2022, %get3A_2138 : vector<16xf32>
      %get3A_2140 = arith.index_cast %add3A_2135 : i32 to index
      %get3A_2141 = arith.constant 16 : index
      %get3A_2142 = tpu.vector_load %arg12[%get3A_2140, %get3A_2141] {strides = array<i32>} : memref<640x64xf32, #tpu.memory_space<vmem>>, vector<16xf32>,
      %mul3A_2143 = arith.mulf %get3A_2025, %get3A_2142 : vector<16xf32>
      %add3A_2144 = arith.addf %mul3A_2139, %mul3A_2143 : vector<16xf32>
      %get3A_2145 = arith.index_cast %add3A_2135 : i32 to index
      %get3A_2146 = arith.constant 32 : index
      %get3A_2147 = tpu.vector_load %arg12[%get3A_2145, %get3A_2146] {strides = array<i32>} : memref<640x64xf32, #tpu.memory_space<vmem>>, vector<16xf32>,
      %mul3A_2148 = arith.mulf %get3A_2028, %get3A_2147 : vector<16xf32>
      %add3A_2149 = arith.addf %add3A_2144, %mul3A_2148 : vector<16xf32>
      %get3A_2150 = arith.index_cast %add3A_2135 : i32 to index
      %get3A_2151 = arith.constant 48 : index
      %get3A_2152 = tpu.vector_load %arg12[%get3A_2150, %get3A_2151] {strides = array<i32>} : memref<640x64xf32, #tpu.memory_space<vmem>>, vector<16xf32>,
      %mul3A_2153 = arith.mulf %get3A_2031, %get3A_2152 : vector<16xf32>
      %add3A_2154 = arith.addf %add3A_2149, %mul3A_2153 : vector<16xf32>
      %swap3A_2155 = arith.constant 1173 : index
      %swap3A_2156 = tpu.vector_load %arg14[%swap3A_2155] {strides = array<i32>} : memref<1360xf32, #tpu.memory_space<vmem>>, vector<16xf32>,
      tpu.vector_store %arg14[%swap3A_2155], %add3A_2154 {strides = array<i32>} : memref<1360xf32, #tpu.memory_space<vmem>>, vector<16xf32>,
      %add3A_2157 = arith.constant 14 : i32
      %add3A_2158 = arith.addi %mul3A_212, %add3A_2157 : i32
      %get3A_2159 = arith.index_cast %add3A_2158 : i32 to index
      %get3A_2160 = arith.constant 0 : index
      %get3A_2161 = tpu.vector_load %arg11[%get3A_2159, %get3A_2160] {strides = array<i32>} : memref<128x64xf32, #tpu.memory_space<vmem>>, vector<16xf32>,
      %get3A_2162 = arith.index_cast %add3A_2158 : i32 to index
      %get3A_2163 = arith.constant 16 : index
      %get3A_2164 = tpu.vector_load %arg11[%get3A_2162, %get3A_2163] {strides = array<i32>} : memref<128x64xf32, #tpu.memory_space<vmem>>, vector<16xf32>,
      %get3A_2165 = arith.index_cast %add3A_2158 : i32 to index
      %get3A_2166 = arith.constant 32 : index
      %get3A_2167 = tpu.vector_load %arg11[%get3A_2165, %get3A_2166] {strides = array<i32>} : memref<128x64xf32, #tpu.memory_space<vmem>>, vector<16xf32>,
      %get3A_2168 = arith.index_cast %add3A_2158 : i32 to index
      %get3A_2169 = arith.constant 48 : index
      %get3A_2170 = tpu.vector_load %arg11[%get3A_2168, %get3A_2169] {strides = array<i32>} : memref<128x64xf32, #tpu.memory_space<vmem>>, vector<16xf32>,
      %mul3A_2171 = arith.constant 5 : i32
      %mul3A_2172 = arith.muli %add3A_2158, %mul3A_2171 : i32
      %add3A_2173 = arith.constant 0 : i32
      %add3A_2174 = arith.addi %mul3A_2172, %add3A_2173 : i32
      %get3A_2175 = arith.index_cast %add3A_2174 : i32 to index
      %get3A_2176 = arith.constant 0 : index
      %get3A_2177 = tpu.vector_load %arg12[%get3A_2175, %get3A_2176] {strides = array<i32>} : memref<640x64xf32, #tpu.memory_space<vmem>>, vector<16xf32>,
      %mul3A_2178 = arith.mulf %get3A_2161, %get3A_2177 : vector<16xf32>
      %get3A_2179 = arith.index_cast %add3A_2174 : i32 to index
      %get3A_2180 = arith.constant 16 : index
      %get3A_2181 = tpu.vector_load %arg12[%get3A_2179, %get3A_2180] {strides = array<i32>} : memref<640x64xf32, #tpu.memory_space<vmem>>, vector<16xf32>,
      %mul3A_2182 = arith.mulf %get3A_2164, %get3A_2181 : vector<16xf32>
      %add3A_2183 = arith.addf %mul3A_2178, %mul3A_2182 : vector<16xf32>
      %get3A_2184 = arith.index_cast %add3A_2174 : i32 to index
      %get3A_2185 = arith.constant 32 : index
      %get3A_2186 = tpu.vector_load %arg12[%get3A_2184, %get3A_2185] {strides = array<i32>} : memref<640x64xf32, #tpu.memory_space<vmem>>, vector<16xf32>,
      %mul3A_2187 = arith.mulf %get3A_2167, %get3A_2186 : vector<16xf32>
      %add3A_2188 = arith.addf %add3A_2183, %mul3A_2187 : vector<16xf32>
      %get3A_2189 = arith.index_cast %add3A_2174 : i32 to index
      %get3A_2190 = arith.constant 48 : index
      %get3A_2191 = tpu.vector_load %arg12[%get3A_2189, %get3A_2190] {strides = array<i32>} : memref<640x64xf32, #tpu.memory_space<vmem>>, vector<16xf32>,
      %mul3A_2192 = arith.mulf %get3A_2170, %get3A_2191 : vector<16xf32>
      %add3A_2193 = arith.addf %add3A_2188, %mul3A_2192 : vector<16xf32>
      %swap3A_2194 = arith.constant 1190 : index
      %swap3A_2195 = tpu.vector_load %arg14[%swap3A_2194] {strides = array<i32>} : memref<1360xf32, #tpu.memory_space<vmem>>, vector<16xf32>,
      tpu.vector_store %arg14[%swap3A_2194], %add3A_2193 {strides = array<i32>} : memref<1360xf32, #tpu.memory_space<vmem>>, vector<16xf32>,
      %mul3A_2196 = arith.constant 5 : i32
      %mul3A_2197 = arith.muli %add3A_2158, %mul3A_2196 : i32
      %add3A_2198 = arith.constant 1 : i32
      %add3A_2199 = arith.addi %mul3A_2197, %add3A_2198 : i32
      %get3A_2200 = arith.index_cast %add3A_2199 : i32 to index
      %get3A_2201 = arith.constant 0 : index
      %get3A_2202 = tpu.vector_load %arg12[%get3A_2200, %get3A_2201] {strides = array<i32>} : memref<640x64xf32, #tpu.memory_space<vmem>>, vector<16xf32>,
      %mul3A_2203 = arith.mulf %get3A_2161, %get3A_2202 : vector<16xf32>
      %get3A_2204 = arith.index_cast %add3A_2199 : i32 to index
      %get3A_2205 = arith.constant 16 : index
      %get3A_2206 = tpu.vector_load %arg12[%get3A_2204, %get3A_2205] {strides = array<i32>} : memref<640x64xf32, #tpu.memory_space<vmem>>, vector<16xf32>,
      %mul3A_2207 = arith.mulf %get3A_2164, %get3A_2206 : vector<16xf32>
      %add3A_2208 = arith.addf %mul3A_2203, %mul3A_2207 : vector<16xf32>
      %get3A_2209 = arith.index_cast %add3A_2199 : i32 to index
      %get3A_2210 = arith.constant 32 : index
      %get3A_2211 = tpu.vector_load %arg12[%get3A_2209, %get3A_2210] {strides = array<i32>} : memref<640x64xf32, #tpu.memory_space<vmem>>, vector<16xf32>,
      %mul3A_2212 = arith.mulf %get3A_2167, %get3A_2211 : vector<16xf32>
      %add3A_2213 = arith.addf %add3A_2208, %mul3A_2212 : vector<16xf32>
      %get3A_2214 = arith.index_cast %add3A_2199 : i32 to index
      %get3A_2215 = arith.constant 48 : index
      %get3A_2216 = tpu.vector_load %arg12[%get3A_2214, %get3A_2215] {strides = array<i32>} : memref<640x64xf32, #tpu.memory_space<vmem>>, vector<16xf32>,
      %mul3A_2217 = arith.mulf %get3A_2170, %get3A_2216 : vector<16xf32>
      %add3A_2218 = arith.addf %add3A_2213, %mul3A_2217 : vector<16xf32>
      %swap3A_2219 = arith.constant 1207 : index
      %swap3A_2220 = tpu.vector_load %arg14[%swap3A_2219] {strides = array<i32>} : memref<1360xf32, #tpu.memory_space<vmem>>, vector<16xf32>,
      tpu.vector_store %arg14[%swap3A_2219], %add3A_2218 {strides = array<i32>} : memref<1360xf32, #tpu.memory_space<vmem>>, vector<16xf32>,
      %mul3A_2221 = arith.constant 5 : i32
      %mul3A_2222 = arith.muli %add3A_2158, %mul3A_2221 : i32
      %add3A_2223 = arith.constant 2 : i32
      %add3A_2224 = arith.addi %mul3A_2222, %add3A_2223 : i32
      %get3A_2225 = arith.index_cast %add3A_2224 : i32 to index
      %get3A_2226 = arith.constant 0 : index
      %get3A_2227 = tpu.vector_load %arg12[%get3A_2225, %get3A_2226] {strides = array<i32>} : memref<640x64xf32, #tpu.memory_space<vmem>>, vector<16xf32>,
      %mul3A_2228 = arith.mulf %get3A_2161, %get3A_2227 : vector<16xf32>
      %get3A_2229 = arith.index_cast %add3A_2224 : i32 to index
      %get3A_2230 = arith.constant 16 : index
      %get3A_2231 = tpu.vector_load %arg12[%get3A_2229, %get3A_2230] {strides = array<i32>} : memref<640x64xf32, #tpu.memory_space<vmem>>, vector<16xf32>,
      %mul3A_2232 = arith.mulf %get3A_2164, %get3A_2231 : vector<16xf32>
      %add3A_2233 = arith.addf %mul3A_2228, %mul3A_2232 : vector<16xf32>
      %get3A_2234 = arith.index_cast %add3A_2224 : i32 to index
      %get3A_2235 = arith.constant 32 : index
      %get3A_2236 = tpu.vector_load %arg12[%get3A_2234, %get3A_2235] {strides = array<i32>} : memref<640x64xf32, #tpu.memory_space<vmem>>, vector<16xf32>,
      %mul3A_2237 = arith.mulf %get3A_2167, %get3A_2236 : vector<16xf32>
      %add3A_2238 = arith.addf %add3A_2233, %mul3A_2237 : vector<16xf32>
      %get3A_2239 = arith.index_cast %add3A_2224 : i32 to index
      %get3A_2240 = arith.constant 48 : index
      %get3A_2241 = tpu.vector_load %arg12[%get3A_2239, %get3A_2240] {strides = array<i32>} : memref<640x64xf32, #tpu.memory_space<vmem>>, vector<16xf32>,
      %mul3A_2242 = arith.mulf %get3A_2170, %get3A_2241 : vector<16xf32>
      %add3A_2243 = arith.addf %add3A_2238, %mul3A_2242 : vector<16xf32>
      %swap3A_2244 = arith.constant 1224 : index
      %swap3A_2245 = tpu.vector_load %arg14[%swap3A_2244] {strides = array<i32>} : memref<1360xf32, #tpu.memory_space<vmem>>, vector<16xf32>,
      tpu.vector_store %arg14[%swap3A_2244], %add3A_2243 {strides = array<i32>} : memref<1360xf32, #tpu.memory_space<vmem>>, vector<16xf32>,
      %mul3A_2246 = arith.constant 5 : i32
      %mul3A_2247 = arith.muli %add3A_2158, %mul3A_2246 : i32
      %add3A_2248 = arith.constant 3 : i32
      %add3A_2249 = arith.addi %mul3A_2247, %add3A_2248 : i32
      %get3A_2250 = arith.index_cast %add3A_2249 : i32 to index
      %get3A_2251 = arith.constant 0 : index
      %get3A_2252 = tpu.vector_load %arg12[%get3A_2250, %get3A_2251] {strides = array<i32>} : memref<640x64xf32, #tpu.memory_space<vmem>>, vector<16xf32>,
      %mul3A_2253 = arith.mulf %get3A_2161, %get3A_2252 : vector<16xf32>
      %get3A_2254 = arith.index_cast %add3A_2249 : i32 to index
      %get3A_2255 = arith.constant 16 : index
      %get3A_2256 = tpu.vector_load %arg12[%get3A_2254, %get3A_2255] {strides = array<i32>} : memref<640x64xf32, #tpu.memory_space<vmem>>, vector<16xf32>,
      %mul3A_2257 = arith.mulf %get3A_2164, %get3A_2256 : vector<16xf32>
      %add3A_2258 = arith.addf %mul3A_2253, %mul3A_2257 : vector<16xf32>
      %get3A_2259 = arith.index_cast %add3A_2249 : i32 to index
      %get3A_2260 = arith.constant 32 : index
      %get3A_2261 = tpu.vector_load %arg12[%get3A_2259, %get3A_2260] {strides = array<i32>} : memref<640x64xf32, #tpu.memory_space<vmem>>, vector<16xf32>,
      %mul3A_2262 = arith.mulf %get3A_2167, %get3A_2261 : vector<16xf32>
      %add3A_2263 = arith.addf %add3A_2258, %mul3A_2262 : vector<16xf32>
      %get3A_2264 = arith.index_cast %add3A_2249 : i32 to index
      %get3A_2265 = arith.constant 48 : index
      %get3A_2266 = tpu.vector_load %arg12[%get3A_2264, %get3A_2265] {strides = array<i32>} : memref<640x64xf32, #tpu.memory_space<vmem>>, vector<16xf32>,
      %mul3A_2267 = arith.mulf %get3A_2170, %get3A_2266 : vector<16xf32>
      %add3A_2268 = arith.addf %add3A_2263, %mul3A_2267 : vector<16xf32>
      %swap3A_2269 = arith.constant 1241 : index
      %swap3A_2270 = tpu.vector_load %arg14[%swap3A_2269] {strides = array<i32>} : memref<1360xf32, #tpu.memory_space<vmem>>, vector<16xf32>,
      tpu.vector_store %arg14[%swap3A_2269], %add3A_2268 {strides = array<i32>} : memref<1360xf32, #tpu.memory_space<vmem>>, vector<16xf32>,
      %mul3A_2271 = arith.constant 5 : i32
      %mul3A_2272 = arith.muli %add3A_2158, %mul3A_2271 : i32
      %add3A_2273 = arith.constant 4 : i32
      %add3A_2274 = arith.addi %mul3A_2272, %add3A_2273 : i32
      %get3A_2275 = arith.index_cast %add3A_2274 : i32 to index
      %get3A_2276 = arith.constant 0 : index
      %get3A_2277 = tpu.vector_load %arg12[%get3A_2275, %get3A_2276] {strides = array<i32>} : memref<640x64xf32, #tpu.memory_space<vmem>>, vector<16xf32>,
      %mul3A_2278 = arith.mulf %get3A_2161, %get3A_2277 : vector<16xf32>
      %get3A_2279 = arith.index_cast %add3A_2274 : i32 to index
      %get3A_2280 = arith.constant 16 : index
      %get3A_2281 = tpu.vector_load %arg12[%get3A_2279, %get3A_2280] {strides = array<i32>} : memref<640x64xf32, #tpu.memory_space<vmem>>, vector<16xf32>,
      %mul3A_2282 = arith.mulf %get3A_2164, %get3A_2281 : vector<16xf32>
      %add3A_2283 = arith.addf %mul3A_2278, %mul3A_2282 : vector<16xf32>
      %get3A_2284 = arith.index_cast %add3A_2274 : i32 to index
      %get3A_2285 = arith.constant 32 : index
      %get3A_2286 = tpu.vector_load %arg12[%get3A_2284, %get3A_2285] {strides = array<i32>} : memref<640x64xf32, #tpu.memory_space<vmem>>, vector<16xf32>,
      %mul3A_2287 = arith.mulf %get3A_2167, %get3A_2286 : vector<16xf32>
      %add3A_2288 = arith.addf %add3A_2283, %mul3A_2287 : vector<16xf32>
      %get3A_2289 = arith.index_cast %add3A_2274 : i32 to index
      %get3A_2290 = arith.constant 48 : index
      %get3A_2291 = tpu.vector_load %arg12[%get3A_2289, %get3A_2290] {strides = array<i32>} : memref<640x64xf32, #tpu.memory_space<vmem>>, vector<16xf32>,
      %mul3A_2292 = arith.mulf %get3A_2170, %get3A_2291 : vector<16xf32>
      %add3A_2293 = arith.addf %add3A_2288, %mul3A_2292 : vector<16xf32>
      %swap3A_2294 = arith.constant 1258 : index
      %swap3A_2295 = tpu.vector_load %arg14[%swap3A_2294] {strides = array<i32>} : memref<1360xf32, #tpu.memory_space<vmem>>, vector<16xf32>,
      tpu.vector_store %arg14[%swap3A_2294], %add3A_2293 {strides = array<i32>} : memref<1360xf32, #tpu.memory_space<vmem>>, vector<16xf32>,
      %add3A_2296 = arith.constant 15 : i32
      %add3A_2297 = arith.addi %mul3A_212, %add3A_2296 : i32
      %get3A_2298 = arith.index_cast %add3A_2297 : i32 to index
      %get3A_2299 = arith.constant 0 : index
      %get3A_2300 = tpu.vector_load %arg11[%get3A_2298, %get3A_2299] {strides = array<i32>} : memref<128x64xf32, #tpu.memory_space<vmem>>, vector<16xf32>,
      %get3A_2301 = arith.index_cast %add3A_2297 : i32 to index
      %get3A_2302 = arith.constant 16 : index
      %get3A_2303 = tpu.vector_load %arg11[%get3A_2301, %get3A_2302] {strides = array<i32>} : memref<128x64xf32, #tpu.memory_space<vmem>>, vector<16xf32>,
      %get3A_2304 = arith.index_cast %add3A_2297 : i32 to index
      %get3A_2305 = arith.constant 32 : index
      %get3A_2306 = tpu.vector_load %arg11[%get3A_2304, %get3A_2305] {strides = array<i32>} : memref<128x64xf32, #tpu.memory_space<vmem>>, vector<16xf32>,
      %get3A_2307 = arith.index_cast %add3A_2297 : i32 to index
      %get3A_2308 = arith.constant 48 : index
      %get3A_2309 = tpu.vector_load %arg11[%get3A_2307, %get3A_2308] {strides = array<i32>} : memref<128x64xf32, #tpu.memory_space<vmem>>, vector<16xf32>,
      %mul3A_2310 = arith.constant 5 : i32
      %mul3A_2311 = arith.muli %add3A_2297, %mul3A_2310 : i32
      %add3A_2312 = arith.constant 0 : i32
      %add3A_2313 = arith.addi %mul3A_2311, %add3A_2312 : i32
      %get3A_2314 = arith.index_cast %add3A_2313 : i32 to index
      %get3A_2315 = arith.constant 0 : index
      %get3A_2316 = tpu.vector_load %arg12[%get3A_2314, %get3A_2315] {strides = array<i32>} : memref<640x64xf32, #tpu.memory_space<vmem>>, vector<16xf32>,
      %mul3A_2317 = arith.mulf %get3A_2300, %get3A_2316 : vector<16xf32>
      %get3A_2318 = arith.index_cast %add3A_2313 : i32 to index
      %get3A_2319 = arith.constant 16 : index
      %get3A_2320 = tpu.vector_load %arg12[%get3A_2318, %get3A_2319] {strides = array<i32>} : memref<640x64xf32, #tpu.memory_space<vmem>>, vector<16xf32>,
      %mul3A_2321 = arith.mulf %get3A_2303, %get3A_2320 : vector<16xf32>
      %add3A_2322 = arith.addf %mul3A_2317, %mul3A_2321 : vector<16xf32>
      %get3A_2323 = arith.index_cast %add3A_2313 : i32 to index
      %get3A_2324 = arith.constant 32 : index
      %get3A_2325 = tpu.vector_load %arg12[%get3A_2323, %get3A_2324] {strides = array<i32>} : memref<640x64xf32, #tpu.memory_space<vmem>>, vector<16xf32>,
      %mul3A_2326 = arith.mulf %get3A_2306, %get3A_2325 : vector<16xf32>
      %add3A_2327 = arith.addf %add3A_2322, %mul3A_2326 : vector<16xf32>
      %get3A_2328 = arith.index_cast %add3A_2313 : i32 to index
      %get3A_2329 = arith.constant 48 : index
      %get3A_2330 = tpu.vector_load %arg12[%get3A_2328, %get3A_2329] {strides = array<i32>} : memref<640x64xf32, #tpu.memory_space<vmem>>, vector<16xf32>,
      %mul3A_2331 = arith.mulf %get3A_2309, %get3A_2330 : vector<16xf32>
      %add3A_2332 = arith.addf %add3A_2327, %mul3A_2331 : vector<16xf32>
      %swap3A_2333 = arith.constant 1275 : index
      %swap3A_2334 = tpu.vector_load %arg14[%swap3A_2333] {strides = array<i32>} : memref<1360xf32, #tpu.memory_space<vmem>>, vector<16xf32>,
      tpu.vector_store %arg14[%swap3A_2333], %add3A_2332 {strides = array<i32>} : memref<1360xf32, #tpu.memory_space<vmem>>, vector<16xf32>,
      %mul3A_2335 = arith.constant 5 : i32
      %mul3A_2336 = arith.muli %add3A_2297, %mul3A_2335 : i32
      %add3A_2337 = arith.constant 1 : i32
      %add3A_2338 = arith.addi %mul3A_2336, %add3A_2337 : i32
      %get3A_2339 = arith.index_cast %add3A_2338 : i32 to index
      %get3A_2340 = arith.constant 0 : index
      %get3A_2341 = tpu.vector_load %arg12[%get3A_2339, %get3A_2340] {strides = array<i32>} : memref<640x64xf32, #tpu.memory_space<vmem>>, vector<16xf32>,
      %mul3A_2342 = arith.mulf %get3A_2300, %get3A_2341 : vector<16xf32>
      %get3A_2343 = arith.index_cast %add3A_2338 : i32 to index
      %get3A_2344 = arith.constant 16 : index
      %get3A_2345 = tpu.vector_load %arg12[%get3A_2343, %get3A_2344] {strides = array<i32>} : memref<640x64xf32, #tpu.memory_space<vmem>>, vector<16xf32>,
      %mul3A_2346 = arith.mulf %get3A_2303, %get3A_2345 : vector<16xf32>
      %add3A_2347 = arith.addf %mul3A_2342, %mul3A_2346 : vector<16xf32>
      %get3A_2348 = arith.index_cast %add3A_2338 : i32 to index
      %get3A_2349 = arith.constant 32 : index
      %get3A_2350 = tpu.vector_load %arg12[%get3A_2348, %get3A_2349] {strides = array<i32>} : memref<640x64xf32, #tpu.memory_space<vmem>>, vector<16xf32>,
      %mul3A_2351 = arith.mulf %get3A_2306, %get3A_2350 : vector<16xf32>
      %add3A_2352 = arith.addf %add3A_2347, %mul3A_2351 : vector<16xf32>
      %get3A_2353 = arith.index_cast %add3A_2338 : i32 to index
      %get3A_2354 = arith.constant 48 : index
      %get3A_2355 = tpu.vector_load %arg12[%get3A_2353, %get3A_2354] {strides = array<i32>} : memref<640x64xf32, #tpu.memory_space<vmem>>, vector<16xf32>,
      %mul3A_2356 = arith.mulf %get3A_2309, %get3A_2355 : vector<16xf32>
      %add3A_2357 = arith.addf %add3A_2352, %mul3A_2356 : vector<16xf32>
      %swap3A_2358 = arith.constant 1292 : index
      %swap3A_2359 = tpu.vector_load %arg14[%swap3A_2358] {strides = array<i32>} : memref<1360xf32, #tpu.memory_space<vmem>>, vector<16xf32>,
      tpu.vector_store %arg14[%swap3A_2358], %add3A_2357 {strides = array<i32>} : memref<1360xf32, #tpu.memory_space<vmem>>, vector<16xf32>,
      %mul3A_2360 = arith.constant 5 : i32
      %mul3A_2361 = arith.muli %add3A_2297, %mul3A_2360 : i32
      %add3A_2362 = arith.constant 2 : i32
      %add3A_2363 = arith.addi %mul3A_2361, %add3A_2362 : i32
      %get3A_2364 = arith.index_cast %add3A_2363 : i32 to index
      %get3A_2365 = arith.constant 0 : index
      %get3A_2366 = tpu.vector_load %arg12[%get3A_2364, %get3A_2365] {strides = array<i32>} : memref<640x64xf32, #tpu.memory_space<vmem>>, vector<16xf32>,
      %mul3A_2367 = arith.mulf %get3A_2300, %get3A_2366 : vector<16xf32>
      %get3A_2368 = arith.index_cast %add3A_2363 : i32 to index
      %get3A_2369 = arith.constant 16 : index
      %get3A_2370 = tpu.vector_load %arg12[%get3A_2368, %get3A_2369] {strides = array<i32>} : memref<640x64xf32, #tpu.memory_space<vmem>>, vector<16xf32>,
      %mul3A_2371 = arith.mulf %get3A_2303, %get3A_2370 : vector<16xf32>
      %add3A_2372 = arith.addf %mul3A_2367, %mul3A_2371 : vector<16xf32>
      %get3A_2373 = arith.index_cast %add3A_2363 : i32 to index
      %get3A_2374 = arith.constant 32 : index
      %get3A_2375 = tpu.vector_load %arg12[%get3A_2373, %get3A_2374] {strides = array<i32>} : memref<640x64xf32, #tpu.memory_space<vmem>>, vector<16xf32>,
      %mul3A_2376 = arith.mulf %get3A_2306, %get3A_2375 : vector<16xf32>
      %add3A_2377 = arith.addf %add3A_2372, %mul3A_2376 : vector<16xf32>
      %get3A_2378 = arith.index_cast %add3A_2363 : i32 to index
      %get3A_2379 = arith.constant 48 : index
      %get3A_2380 = tpu.vector_load %arg12[%get3A_2378, %get3A_2379] {strides = array<i32>} : memref<640x64xf32, #tpu.memory_space<vmem>>, vector<16xf32>,
      %mul3A_2381 = arith.mulf %get3A_2309, %get3A_2380 : vector<16xf32>
      %add3A_2382 = arith.addf %add3A_2377, %mul3A_2381 : vector<16xf32>
      %swap3A_2383 = arith.constant 1309 : index
      %swap3A_2384 = tpu.vector_load %arg14[%swap3A_2383] {strides = array<i32>} : memref<1360xf32, #tpu.memory_space<vmem>>, vector<16xf32>,
      tpu.vector_store %arg14[%swap3A_2383], %add3A_2382 {strides = array<i32>} : memref<1360xf32, #tpu.memory_space<vmem>>, vector<16xf32>,
      %mul3A_2385 = arith.constant 5 : i32
      %mul3A_2386 = arith.muli %add3A_2297, %mul3A_2385 : i32
      %add3A_2387 = arith.constant 3 : i32
      %add3A_2388 = arith.addi %mul3A_2386, %add3A_2387 : i32
      %get3A_2389 = arith.index_cast %add3A_2388 : i32 to index
      %get3A_2390 = arith.constant 0 : index
      %get3A_2391 = tpu.vector_load %arg12[%get3A_2389, %get3A_2390] {strides = array<i32>} : memref<640x64xf32, #tpu.memory_space<vmem>>, vector<16xf32>,
      %mul3A_2392 = arith.mulf %get3A_2300, %get3A_2391 : vector<16xf32>
      %get3A_2393 = arith.index_cast %add3A_2388 : i32 to index
      %get3A_2394 = arith.constant 16 : index
      %get3A_2395 = tpu.vector_load %arg12[%get3A_2393, %get3A_2394] {strides = array<i32>} : memref<640x64xf32, #tpu.memory_space<vmem>>, vector<16xf32>,
      %mul3A_2396 = arith.mulf %get3A_2303, %get3A_2395 : vector<16xf32>
      %add3A_2397 = arith.addf %mul3A_2392, %mul3A_2396 : vector<16xf32>
      %get3A_2398 = arith.index_cast %add3A_2388 : i32 to index
      %get3A_2399 = arith.constant 32 : index
      %get3A_2400 = tpu.vector_load %arg12[%get3A_2398, %get3A_2399] {strides = array<i32>} : memref<640x64xf32, #tpu.memory_space<vmem>>, vector<16xf32>,
      %mul3A_2401 = arith.mulf %get3A_2306, %get3A_2400 : vector<16xf32>
      %add3A_2402 = arith.addf %add3A_2397, %mul3A_2401 : vector<16xf32>
      %get3A_2403 = arith.index_cast %add3A_2388 : i32 to index
      %get3A_2404 = arith.constant 48 : index
      %get3A_2405 = tpu.vector_load %arg12[%get3A_2403, %get3A_2404] {strides = array<i32>} : memref<640x64xf32, #tpu.memory_space<vmem>>, vector<16xf32>,
      %mul3A_2406 = arith.mulf %get3A_2309, %get3A_2405 : vector<16xf32>
      %add3A_2407 = arith.addf %add3A_2402, %mul3A_2406 : vector<16xf32>
      %swap3A_2408 = arith.constant 1326 : index
      %swap3A_2409 = tpu.vector_load %arg14[%swap3A_2408] {strides = array<i32>} : memref<1360xf32, #tpu.memory_space<vmem>>, vector<16xf32>,
      tpu.vector_store %arg14[%swap3A_2408], %add3A_2407 {strides = array<i32>} : memref<1360xf32, #tpu.memory_space<vmem>>, vector<16xf32>,
      %mul3A_2410 = arith.constant 5 : i32
      %mul3A_2411 = arith.muli %add3A_2297, %mul3A_2410 : i32
      %add3A_2412 = arith.constant 4 : i32
      %add3A_2413 = arith.addi %mul3A_2411, %add3A_2412 : i32
      %get3A_2414 = arith.index_cast %add3A_2413 : i32 to index
      %get3A_2415 = arith.constant 0 : index
      %get3A_2416 = tpu.vector_load %arg12[%get3A_2414, %get3A_2415] {strides = array<i32>} : memref<640x64xf32, #tpu.memory_space<vmem>>, vector<16xf32>,
      %mul3A_2417 = arith.mulf %get3A_2300, %get3A_2416 : vector<16xf32>
      %get3A_2418 = arith.index_cast %add3A_2413 : i32 to index
      %get3A_2419 = arith.constant 16 : index
      %get3A_2420 = tpu.vector_load %arg12[%get3A_2418, %get3A_2419] {strides = array<i32>} : memref<640x64xf32, #tpu.memory_space<vmem>>, vector<16xf32>,
      %mul3A_2421 = arith.mulf %get3A_2303, %get3A_2420 : vector<16xf32>
      %add3A_2422 = arith.addf %mul3A_2417, %mul3A_2421 : vector<16xf32>
      %get3A_2423 = arith.index_cast %add3A_2413 : i32 to index
      %get3A_2424 = arith.constant 32 : index
      %get3A_2425 = tpu.vector_load %arg12[%get3A_2423, %get3A_2424] {strides = array<i32>} : memref<640x64xf32, #tpu.memory_space<vmem>>, vector<16xf32>,
      %mul3A_2426 = arith.mulf %get3A_2306, %get3A_2425 : vector<16xf32>
      %add3A_2427 = arith.addf %add3A_2422, %mul3A_2426 : vector<16xf32>
      %get3A_2428 = arith.index_cast %add3A_2413 : i32 to index
      %get3A_2429 = arith.constant 48 : index
      %get3A_2430 = tpu.vector_load %arg12[%get3A_2428, %get3A_2429] {strides = array<i32>} : memref<640x64xf32, #tpu.memory_space<vmem>>, vector<16xf32>,
      %mul3A_2431 = arith.mulf %get3A_2309, %get3A_2430 : vector<16xf32>
      %add3A_2432 = arith.addf %add3A_2427, %mul3A_2431 : vector<16xf32>
      %swap3A_2433 = arith.constant 1343 : index
      %swap3A_2434 = tpu.vector_load %arg14[%swap3A_2433] {strides = array<i32>} : memref<1360xf32, #tpu.memory_space<vmem>>, vector<16xf32>,
      tpu.vector_store %arg14[%swap3A_2433], %add3A_2432 {strides = array<i32>} : memref<1360xf32, #tpu.memory_space<vmem>>, vector<16xf32>,
      %mul3A_2435 = arith.constant 5 : i32
      %mul3A_2436 = vector.broadcast %mul3A_2435 : i32 to vector<16xi32>
      %mul3A_2437 = arith.muli %iota3A, %mul3A_2436 : vector<16xi32>
      %add3A_2438 = arith.constant 0 : i32
      %add3A_2439 = vector.broadcast %add3A_2438 : i32 to vector<16xi32>
      %add3A_2440 = arith.addi %mul3A_2437, %add3A_2439 : vector<16xi32>
      %mul3A_2441 = arith.constant 17 : i32
      %mul3A_2442 = vector.broadcast %mul3A_2441 : i32 to vector<16xi32>
      %mul3A_2443 = arith.muli %add3A_2440, %mul3A_2442 : vector<16xi32>
      %gather3A = tpu.vector_load_idx %arg14[%mul3A_2443] : memref<1360xf32, #tpu.memory_space<vmem>>[vector<16xi32>], vector<16xf32>,
      %add3A_2444 = arith.constant 1 : i32
      %add3A_2445 = vector.broadcast %add3A_2444 : i32 to vector<16xi32>
      %add3A_2446 = arith.addi %mul3A_2443, %add3A_2445 : vector<16xi32>
      %gather3A_2447 = tpu.vector_load_idx %arg14[%add3A_2446] : memref<1360xf32, #tpu.memory_space<vmem>>[vector<16xi32>], vector<16xf32>,
      %add3A_2448 = arith.addf %gather3A, %gather3A_2447 : vector<16xf32>
      %add3A_2449 = arith.constant 2 : i32
      %add3A_2450 = vector.broadcast %add3A_2449 : i32 to vector<16xi32>
      %add3A_2451 = arith.addi %mul3A_2443, %add3A_2450 : vector<16xi32>
      %gather3A_2452 = tpu.vector_load_idx %arg14[%add3A_2451] : memref<1360xf32, #tpu.memory_space<vmem>>[vector<16xi32>], vector<16xf32>,
      %add3A_2453 = arith.addf %add3A_2448, %gather3A_2452 : vector<16xf32>
      %add3A_2454 = arith.constant 3 : i32
      %add3A_2455 = vector.broadcast %add3A_2454 : i32 to vector<16xi32>
      %add3A_2456 = arith.addi %mul3A_2443, %add3A_2455 : vector<16xi32>
      %gather3A_2457 = tpu.vector_load_idx %arg14[%add3A_2456] : memref<1360xf32, #tpu.memory_space<vmem>>[vector<16xi32>], vector<16xf32>,
      %add3A_2458 = arith.addf %add3A_2453, %gather3A_2457 : vector<16xf32>
      %add3A_2459 = arith.constant 4 : i32
      %add3A_2460 = vector.broadcast %add3A_2459 : i32 to vector<16xi32>
      %add3A_2461 = arith.addi %mul3A_2443, %add3A_2460 : vector<16xi32>
      %gather3A_2462 = tpu.vector_load_idx %arg14[%add3A_2461] : memref<1360xf32, #tpu.memory_space<vmem>>[vector<16xi32>], vector<16xf32>,
      %add3A_2463 = arith.addf %add3A_2458, %gather3A_2462 : vector<16xf32>
      %add3A_2464 = arith.constant 5 : i32
      %add3A_2465 = vector.broadcast %add3A_2464 : i32 to vector<16xi32>
      %add3A_2466 = arith.addi %mul3A_2443, %add3A_2465 : vector<16xi32>
      %gather3A_2467 = tpu.vector_load_idx %arg14[%add3A_2466] : memref<1360xf32, #tpu.memory_space<vmem>>[vector<16xi32>], vector<16xf32>,
      %add3A_2468 = arith.addf %add3A_2463, %gather3A_2467 : vector<16xf32>
      %add3A_2469 = arith.constant 6 : i32
      %add3A_2470 = vector.broadcast %add3A_2469 : i32 to vector<16xi32>
      %add3A_2471 = arith.addi %mul3A_2443, %add3A_2470 : vector<16xi32>
      %gather3A_2472 = tpu.vector_load_idx %arg14[%add3A_2471] : memref<1360xf32, #tpu.memory_space<vmem>>[vector<16xi32>], vector<16xf32>,
      %add3A_2473 = arith.addf %add3A_2468, %gather3A_2472 : vector<16xf32>
      %add3A_2474 = arith.constant 7 : i32
      %add3A_2475 = vector.broadcast %add3A_2474 : i32 to vector<16xi32>
      %add3A_2476 = arith.addi %mul3A_2443, %add3A_2475 : vector<16xi32>
      %gather3A_2477 = tpu.vector_load_idx %arg14[%add3A_2476] : memref<1360xf32, #tpu.memory_space<vmem>>[vector<16xi32>], vector<16xf32>,
      %add3A_2478 = arith.addf %add3A_2473, %gather3A_2477 : vector<16xf32>
      %add3A_2479 = arith.constant 8 : i32
      %add3A_2480 = vector.broadcast %add3A_2479 : i32 to vector<16xi32>
      %add3A_2481 = arith.addi %mul3A_2443, %add3A_2480 : vector<16xi32>
      %gather3A_2482 = tpu.vector_load_idx %arg14[%add3A_2481] : memref<1360xf32, #tpu.memory_space<vmem>>[vector<16xi32>], vector<16xf32>,
      %add3A_2483 = arith.addf %add3A_2478, %gather3A_2482 : vector<16xf32>
      %add3A_2484 = arith.constant 9 : i32
      %add3A_2485 = vector.broadcast %add3A_2484 : i32 to vector<16xi32>
      %add3A_2486 = arith.addi %mul3A_2443, %add3A_2485 : vector<16xi32>
      %gather3A_2487 = tpu.vector_load_idx %arg14[%add3A_2486] : memref<1360xf32, #tpu.memory_space<vmem>>[vector<16xi32>], vector<16xf32>,
      %add3A_2488 = arith.addf %add3A_2483, %gather3A_2487 : vector<16xf32>
      %add3A_2489 = arith.constant 10 : i32
      %add3A_2490 = vector.broadcast %add3A_2489 : i32 to vector<16xi32>
      %add3A_2491 = arith.addi %mul3A_2443, %add3A_2490 : vector<16xi32>
      %gather3A_2492 = tpu.vector_load_idx %arg14[%add3A_2491] : memref<1360xf32, #tpu.memory_space<vmem>>[vector<16xi32>], vector<16xf32>,
      %add3A_2493 = arith.addf %add3A_2488, %gather3A_2492 : vector<16xf32>
      %add3A_2494 = arith.constant 11 : i32
      %add3A_2495 = vector.broadcast %add3A_2494 : i32 to vector<16xi32>
      %add3A_2496 = arith.addi %mul3A_2443, %add3A_2495 : vector<16xi32>
      %gather3A_2497 = tpu.vector_load_idx %arg14[%add3A_2496] : memref<1360xf32, #tpu.memory_space<vmem>>[vector<16xi32>], vector<16xf32>,
      %add3A_2498 = arith.addf %add3A_2493, %gather3A_2497 : vector<16xf32>
      %add3A_2499 = arith.constant 12 : i32
      %add3A_2500 = vector.broadcast %add3A_2499 : i32 to vector<16xi32>
      %add3A_2501 = arith.addi %mul3A_2443, %add3A_2500 : vector<16xi32>
      %gather3A_2502 = tpu.vector_load_idx %arg14[%add3A_2501] : memref<1360xf32, #tpu.memory_space<vmem>>[vector<16xi32>], vector<16xf32>,
      %add3A_2503 = arith.addf %add3A_2498, %gather3A_2502 : vector<16xf32>
      %add3A_2504 = arith.constant 13 : i32
      %add3A_2505 = vector.broadcast %add3A_2504 : i32 to vector<16xi32>
      %add3A_2506 = arith.addi %mul3A_2443, %add3A_2505 : vector<16xi32>
      %gather3A_2507 = tpu.vector_load_idx %arg14[%add3A_2506] : memref<1360xf32, #tpu.memory_space<vmem>>[vector<16xi32>], vector<16xf32>,
      %add3A_2508 = arith.addf %add3A_2503, %gather3A_2507 : vector<16xf32>
      %add3A_2509 = arith.constant 14 : i32
      %add3A_2510 = vector.broadcast %add3A_2509 : i32 to vector<16xi32>
      %add3A_2511 = arith.addi %mul3A_2443, %add3A_2510 : vector<16xi32>
      %gather3A_2512 = tpu.vector_load_idx %arg14[%add3A_2511] : memref<1360xf32, #tpu.memory_space<vmem>>[vector<16xi32>], vector<16xf32>,
      %add3A_2513 = arith.addf %add3A_2508, %gather3A_2512 : vector<16xf32>
      %add3A_2514 = arith.constant 15 : i32
      %add3A_2515 = vector.broadcast %add3A_2514 : i32 to vector<16xi32>
      %add3A_2516 = arith.addi %mul3A_2443, %add3A_2515 : vector<16xi32>
      %gather3A_2517 = tpu.vector_load_idx %arg14[%add3A_2516] : memref<1360xf32, #tpu.memory_space<vmem>>[vector<16xi32>], vector<16xf32>,
      %add3A_2518 = arith.addf %add3A_2513, %gather3A_2517 : vector<16xf32>
      %swap3A_2519 = arith.constant 0 : i32
      %swap3A_2520 = arith.index_cast %swap3A_2519 : i32 to index
      %swap3A_2521 = arith.index_cast %mul3A_212 : i32 to index
      %swap3A_2522 = tpu.vector_load %arg13[%swap3A_2520, %swap3A_2521] {strides = array<i32>} : memref<5x128xf32, #tpu.memory_space<vmem>>, vector<16xf32>,
      tpu.vector_store %arg13[%swap3A_2520, %swap3A_2521], %add3A_2518 {strides = array<i32>} : memref<5x128xf32, #tpu.memory_space<vmem>>, vector<16xf32>,
      %mul3A_2523 = arith.constant 5 : i32
      %mul3A_2524 = vector.broadcast %mul3A_2523 : i32 to vector<16xi32>
      %mul3A_2525 = arith.muli %iota3A, %mul3A_2524 : vector<16xi32>
      %add3A_2526 = arith.constant 1 : i32
      %add3A_2527 = vector.broadcast %add3A_2526 : i32 to vector<16xi32>
      %add3A_2528 = arith.addi %mul3A_2525, %add3A_2527 : vector<16xi32>
      %mul3A_2529 = arith.constant 17 : i32
      %mul3A_2530 = vector.broadcast %mul3A_2529 : i32 to vector<16xi32>
      %mul3A_2531 = arith.muli %add3A_2528, %mul3A_2530 : vector<16xi32>
      %gather3A_2532 = tpu.vector_load_idx %arg14[%mul3A_2531] : memref<1360xf32, #tpu.memory_space<vmem>>[vector<16xi32>], vector<16xf32>,
      %add3A_2533 = arith.constant 1 : i32
      %add3A_2534 = vector.broadcast %add3A_2533 : i32 to vector<16xi32>
      %add3A_2535 = arith.addi %mul3A_2531, %add3A_2534 : vector<16xi32>
      %gather3A_2536 = tpu.vector_load_idx %arg14[%add3A_2535] : memref<1360xf32, #tpu.memory_space<vmem>>[vector<16xi32>], vector<16xf32>,
      %add3A_2537 = arith.addf %gather3A_2532, %gather3A_2536 : vector<16xf32>
      %add3A_2538 = arith.constant 2 : i32
      %add3A_2539 = vector.broadcast %add3A_2538 : i32 to vector<16xi32>
      %add3A_2540 = arith.addi %mul3A_2531, %add3A_2539 : vector<16xi32>
      %gather3A_2541 = tpu.vector_load_idx %arg14[%add3A_2540] : memref<1360xf32, #tpu.memory_space<vmem>>[vector<16xi32>], vector<16xf32>,
      %add3A_2542 = arith.addf %add3A_2537, %gather3A_2541 : vector<16xf32>
      %add3A_2543 = arith.constant 3 : i32
      %add3A_2544 = vector.broadcast %add3A_2543 : i32 to vector<16xi32>
      %add3A_2545 = arith.addi %mul3A_2531, %add3A_2544 : vector<16xi32>
      %gather3A_2546 = tpu.vector_load_idx %arg14[%add3A_2545] : memref<1360xf32, #tpu.memory_space<vmem>>[vector<16xi32>], vector<16xf32>,
      %add3A_2547 = arith.addf %add3A_2542, %gather3A_2546 : vector<16xf32>
      %add3A_2548 = arith.constant 4 : i32
      %add3A_2549 = vector.broadcast %add3A_2548 : i32 to vector<16xi32>
      %add3A_2550 = arith.addi %mul3A_2531, %add3A_2549 : vector<16xi32>
      %gather3A_2551 = tpu.vector_load_idx %arg14[%add3A_2550] : memref<1360xf32, #tpu.memory_space<vmem>>[vector<16xi32>], vector<16xf32>,
      %add3A_2552 = arith.addf %add3A_2547, %gather3A_2551 : vector<16xf32>
      %add3A_2553 = arith.constant 5 : i32
      %add3A_2554 = vector.broadcast %add3A_2553 : i32 to vector<16xi32>
      %add3A_2555 = arith.addi %mul3A_2531, %add3A_2554 : vector<16xi32>
      %gather3A_2556 = tpu.vector_load_idx %arg14[%add3A_2555] : memref<1360xf32, #tpu.memory_space<vmem>>[vector<16xi32>], vector<16xf32>,
      %add3A_2557 = arith.addf %add3A_2552, %gather3A_2556 : vector<16xf32>
      %add3A_2558 = arith.constant 6 : i32
      %add3A_2559 = vector.broadcast %add3A_2558 : i32 to vector<16xi32>
      %add3A_2560 = arith.addi %mul3A_2531, %add3A_2559 : vector<16xi32>
      %gather3A_2561 = tpu.vector_load_idx %arg14[%add3A_2560] : memref<1360xf32, #tpu.memory_space<vmem>>[vector<16xi32>], vector<16xf32>,
      %add3A_2562 = arith.addf %add3A_2557, %gather3A_2561 : vector<16xf32>
      %add3A_2563 = arith.constant 7 : i32
      %add3A_2564 = vector.broadcast %add3A_2563 : i32 to vector<16xi32>
      %add3A_2565 = arith.addi %mul3A_2531, %add3A_2564 : vector<16xi32>
      %gather3A_2566 = tpu.vector_load_idx %arg14[%add3A_2565] : memref<1360xf32, #tpu.memory_space<vmem>>[vector<16xi32>], vector<16xf32>,
      %add3A_2567 = arith.addf %add3A_2562, %gather3A_2566 : vector<16xf32>
      %add3A_2568 = arith.constant 8 : i32
      %add3A_2569 = vector.broadcast %add3A_2568 : i32 to vector<16xi32>
      %add3A_2570 = arith.addi %mul3A_2531, %add3A_2569 : vector<16xi32>
      %gather3A_2571 = tpu.vector_load_idx %arg14[%add3A_2570] : memref<1360xf32, #tpu.memory_space<vmem>>[vector<16xi32>], vector<16xf32>,
      %add3A_2572 = arith.addf %add3A_2567, %gather3A_2571 : vector<16xf32>
      %add3A_2573 = arith.constant 9 : i32
      %add3A_2574 = vector.broadcast %add3A_2573 : i32 to vector<16xi32>
      %add3A_2575 = arith.addi %mul3A_2531, %add3A_2574 : vector<16xi32>
      %gather3A_2576 = tpu.vector_load_idx %arg14[%add3A_2575] : memref<1360xf32, #tpu.memory_space<vmem>>[vector<16xi32>], vector<16xf32>,
      %add3A_2577 = arith.addf %add3A_2572, %gather3A_2576 : vector<16xf32>
      %add3A_2578 = arith.constant 10 : i32
      %add3A_2579 = vector.broadcast %add3A_2578 : i32 to vector<16xi32>
      %add3A_2580 = arith.addi %mul3A_2531, %add3A_2579 : vector<16xi32>
      %gather3A_2581 = tpu.vector_load_idx %arg14[%add3A_2580] : memref<1360xf32, #tpu.memory_space<vmem>>[vector<16xi32>], vector<16xf32>,
      %add3A_2582 = arith.addf %add3A_2577, %gather3A_2581 : vector<16xf32>
      %add3A_2583 = arith.constant 11 : i32
      %add3A_2584 = vector.broadcast %add3A_2583 : i32 to vector<16xi32>
      %add3A_2585 = arith.addi %mul3A_2531, %add3A_2584 : vector<16xi32>
      %gather3A_2586 = tpu.vector_load_idx %arg14[%add3A_2585] : memref<1360xf32, #tpu.memory_space<vmem>>[vector<16xi32>], vector<16xf32>,
      %add3A_2587 = arith.addf %add3A_2582, %gather3A_2586 : vector<16xf32>
      %add3A_2588 = arith.constant 12 : i32
      %add3A_2589 = vector.broadcast %add3A_2588 : i32 to vector<16xi32>
      %add3A_2590 = arith.addi %mul3A_2531, %add3A_2589 : vector<16xi32>
      %gather3A_2591 = tpu.vector_load_idx %arg14[%add3A_2590] : memref<1360xf32, #tpu.memory_space<vmem>>[vector<16xi32>], vector<16xf32>,
      %add3A_2592 = arith.addf %add3A_2587, %gather3A_2591 : vector<16xf32>
      %add3A_2593 = arith.constant 13 : i32
      %add3A_2594 = vector.broadcast %add3A_2593 : i32 to vector<16xi32>
      %add3A_2595 = arith.addi %mul3A_2531, %add3A_2594 : vector<16xi32>
      %gather3A_2596 = tpu.vector_load_idx %arg14[%add3A_2595] : memref<1360xf32, #tpu.memory_space<vmem>>[vector<16xi32>], vector<16xf32>,
      %add3A_2597 = arith.addf %add3A_2592, %gather3A_2596 : vector<16xf32>
      %add3A_2598 = arith.constant 14 : i32
      %add3A_2599 = vector.broadcast %add3A_2598 : i32 to vector<16xi32>
      %add3A_2600 = arith.addi %mul3A_2531, %add3A_2599 : vector<16xi32>
      %gather3A_2601 = tpu.vector_load_idx %arg14[%add3A_2600] : memref<1360xf32, #tpu.memory_space<vmem>>[vector<16xi32>], vector<16xf32>,
      %add3A_2602 = arith.addf %add3A_2597, %gather3A_2601 : vector<16xf32>
      %add3A_2603 = arith.constant 15 : i32
      %add3A_2604 = vector.broadcast %add3A_2603 : i32 to vector<16xi32>
      %add3A_2605 = arith.addi %mul3A_2531, %add3A_2604 : vector<16xi32>
      %gather3A_2606 = tpu.vector_load_idx %arg14[%add3A_2605] : memref<1360xf32, #tpu.memory_space<vmem>>[vector<16xi32>], vector<16xf32>,
      %add3A_2607 = arith.addf %add3A_2602, %gather3A_2606 : vector<16xf32>
      %swap3A_2608 = arith.constant 1 : i32
      %swap3A_2609 = arith.index_cast %swap3A_2608 : i32 to index
      %swap3A_2610 = arith.index_cast %mul3A_212 : i32 to index
      %swap3A_2611 = tpu.vector_load %arg13[%swap3A_2609, %swap3A_2610] {strides = array<i32>} : memref<5x128xf32, #tpu.memory_space<vmem>>, vector<16xf32>,
      tpu.vector_store %arg13[%swap3A_2609, %swap3A_2610], %add3A_2607 {strides = array<i32>} : memref<5x128xf32, #tpu.memory_space<vmem>>, vector<16xf32>,
      %mul3A_2612 = arith.constant 5 : i32
      %mul3A_2613 = vector.broadcast %mul3A_2612 : i32 to vector<16xi32>
      %mul3A_2614 = arith.muli %iota3A, %mul3A_2613 : vector<16xi32>
      %add3A_2615 = arith.constant 2 : i32
      %add3A_2616 = vector.broadcast %add3A_2615 : i32 to vector<16xi32>
      %add3A_2617 = arith.addi %mul3A_2614, %add3A_2616 : vector<16xi32>
      %mul3A_2618 = arith.constant 17 : i32
      %mul3A_2619 = vector.broadcast %mul3A_2618 : i32 to vector<16xi32>
      %mul3A_2620 = arith.muli %add3A_2617, %mul3A_2619 : vector<16xi32>
      %gather3A_2621 = tpu.vector_load_idx %arg14[%mul3A_2620] : memref<1360xf32, #tpu.memory_space<vmem>>[vector<16xi32>], vector<16xf32>,
      %add3A_2622 = arith.constant 1 : i32
      %add3A_2623 = vector.broadcast %add3A_2622 : i32 to vector<16xi32>
      %add3A_2624 = arith.addi %mul3A_2620, %add3A_2623 : vector<16xi32>
      %gather3A_2625 = tpu.vector_load_idx %arg14[%add3A_2624] : memref<1360xf32, #tpu.memory_space<vmem>>[vector<16xi32>], vector<16xf32>,
      %add3A_2626 = arith.addf %gather3A_2621, %gather3A_2625 : vector<16xf32>
      %add3A_2627 = arith.constant 2 : i32
      %add3A_2628 = vector.broadcast %add3A_2627 : i32 to vector<16xi32>
      %add3A_2629 = arith.addi %mul3A_2620, %add3A_2628 : vector<16xi32>
      %gather3A_2630 = tpu.vector_load_idx %arg14[%add3A_2629] : memref<1360xf32, #tpu.memory_space<vmem>>[vector<16xi32>], vector<16xf32>,
      %add3A_2631 = arith.addf %add3A_2626, %gather3A_2630 : vector<16xf32>
      %add3A_2632 = arith.constant 3 : i32
      %add3A_2633 = vector.broadcast %add3A_2632 : i32 to vector<16xi32>
      %add3A_2634 = arith.addi %mul3A_2620, %add3A_2633 : vector<16xi32>
      %gather3A_2635 = tpu.vector_load_idx %arg14[%add3A_2634] : memref<1360xf32, #tpu.memory_space<vmem>>[vector<16xi32>], vector<16xf32>,
      %add3A_2636 = arith.addf %add3A_2631, %gather3A_2635 : vector<16xf32>
      %add3A_2637 = arith.constant 4 : i32
      %add3A_2638 = vector.broadcast %add3A_2637 : i32 to vector<16xi32>
      %add3A_2639 = arith.addi %mul3A_2620, %add3A_2638 : vector<16xi32>
      %gather3A_2640 = tpu.vector_load_idx %arg14[%add3A_2639] : memref<1360xf32, #tpu.memory_space<vmem>>[vector<16xi32>], vector<16xf32>,
      %add3A_2641 = arith.addf %add3A_2636, %gather3A_2640 : vector<16xf32>
      %add3A_2642 = arith.constant 5 : i32
      %add3A_2643 = vector.broadcast %add3A_2642 : i32 to vector<16xi32>
      %add3A_2644 = arith.addi %mul3A_2620, %add3A_2643 : vector<16xi32>
      %gather3A_2645 = tpu.vector_load_idx %arg14[%add3A_2644] : memref<1360xf32, #tpu.memory_space<vmem>>[vector<16xi32>], vector<16xf32>,
      %add3A_2646 = arith.addf %add3A_2641, %gather3A_2645 : vector<16xf32>
      %add3A_2647 = arith.constant 6 : i32
      %add3A_2648 = vector.broadcast %add3A_2647 : i32 to vector<16xi32>
      %add3A_2649 = arith.addi %mul3A_2620, %add3A_2648 : vector<16xi32>
      %gather3A_2650 = tpu.vector_load_idx %arg14[%add3A_2649] : memref<1360xf32, #tpu.memory_space<vmem>>[vector<16xi32>], vector<16xf32>,
      %add3A_2651 = arith.addf %add3A_2646, %gather3A_2650 : vector<16xf32>
      %add3A_2652 = arith.constant 7 : i32
      %add3A_2653 = vector.broadcast %add3A_2652 : i32 to vector<16xi32>
      %add3A_2654 = arith.addi %mul3A_2620, %add3A_2653 : vector<16xi32>
      %gather3A_2655 = tpu.vector_load_idx %arg14[%add3A_2654] : memref<1360xf32, #tpu.memory_space<vmem>>[vector<16xi32>], vector<16xf32>,
      %add3A_2656 = arith.addf %add3A_2651, %gather3A_2655 : vector<16xf32>
      %add3A_2657 = arith.constant 8 : i32
      %add3A_2658 = vector.broadcast %add3A_2657 : i32 to vector<16xi32>
      %add3A_2659 = arith.addi %mul3A_2620, %add3A_2658 : vector<16xi32>
      %gather3A_2660 = tpu.vector_load_idx %arg14[%add3A_2659] : memref<1360xf32, #tpu.memory_space<vmem>>[vector<16xi32>], vector<16xf32>,
      %add3A_2661 = arith.addf %add3A_2656, %gather3A_2660 : vector<16xf32>
      %add3A_2662 = arith.constant 9 : i32
      %add3A_2663 = vector.broadcast %add3A_2662 : i32 to vector<16xi32>
      %add3A_2664 = arith.addi %mul3A_2620, %add3A_2663 : vector<16xi32>
      %gather3A_2665 = tpu.vector_load_idx %arg14[%add3A_2664] : memref<1360xf32, #tpu.memory_space<vmem>>[vector<16xi32>], vector<16xf32>,
      %add3A_2666 = arith.addf %add3A_2661, %gather3A_2665 : vector<16xf32>
      %add3A_2667 = arith.constant 10 : i32
      %add3A_2668 = vector.broadcast %add3A_2667 : i32 to vector<16xi32>
      %add3A_2669 = arith.addi %mul3A_2620, %add3A_2668 : vector<16xi32>
      %gather3A_2670 = tpu.vector_load_idx %arg14[%add3A_2669] : memref<1360xf32, #tpu.memory_space<vmem>>[vector<16xi32>], vector<16xf32>,
      %add3A_2671 = arith.addf %add3A_2666, %gather3A_2670 : vector<16xf32>
      %add3A_2672 = arith.constant 11 : i32
      %add3A_2673 = vector.broadcast %add3A_2672 : i32 to vector<16xi32>
      %add3A_2674 = arith.addi %mul3A_2620, %add3A_2673 : vector<16xi32>
      %gather3A_2675 = tpu.vector_load_idx %arg14[%add3A_2674] : memref<1360xf32, #tpu.memory_space<vmem>>[vector<16xi32>], vector<16xf32>,
      %add3A_2676 = arith.addf %add3A_2671, %gather3A_2675 : vector<16xf32>
      %add3A_2677 = arith.constant 12 : i32
      %add3A_2678 = vector.broadcast %add3A_2677 : i32 to vector<16xi32>
      %add3A_2679 = arith.addi %mul3A_2620, %add3A_2678 : vector<16xi32>
      %gather3A_2680 = tpu.vector_load_idx %arg14[%add3A_2679] : memref<1360xf32, #tpu.memory_space<vmem>>[vector<16xi32>], vector<16xf32>,
      %add3A_2681 = arith.addf %add3A_2676, %gather3A_2680 : vector<16xf32>
      %add3A_2682 = arith.constant 13 : i32
      %add3A_2683 = vector.broadcast %add3A_2682 : i32 to vector<16xi32>
      %add3A_2684 = arith.addi %mul3A_2620, %add3A_2683 : vector<16xi32>
      %gather3A_2685 = tpu.vector_load_idx %arg14[%add3A_2684] : memref<1360xf32, #tpu.memory_space<vmem>>[vector<16xi32>], vector<16xf32>,
      %add3A_2686 = arith.addf %add3A_2681, %gather3A_2685 : vector<16xf32>
      %add3A_2687 = arith.constant 14 : i32
      %add3A_2688 = vector.broadcast %add3A_2687 : i32 to vector<16xi32>
      %add3A_2689 = arith.addi %mul3A_2620, %add3A_2688 : vector<16xi32>
      %gather3A_2690 = tpu.vector_load_idx %arg14[%add3A_2689] : memref<1360xf32, #tpu.memory_space<vmem>>[vector<16xi32>], vector<16xf32>,
      %add3A_2691 = arith.addf %add3A_2686, %gather3A_2690 : vector<16xf32>
      %add3A_2692 = arith.constant 15 : i32
      %add3A_2693 = vector.broadcast %add3A_2692 : i32 to vector<16xi32>
      %add3A_2694 = arith.addi %mul3A_2620, %add3A_2693 : vector<16xi32>
      %gather3A_2695 = tpu.vector_load_idx %arg14[%add3A_2694] : memref<1360xf32, #tpu.memory_space<vmem>>[vector<16xi32>], vector<16xf32>,
      %add3A_2696 = arith.addf %add3A_2691, %gather3A_2695 : vector<16xf32>
      %swap3A_2697 = arith.constant 2 : i32
      %swap3A_2698 = arith.index_cast %swap3A_2697 : i32 to index
      %swap3A_2699 = arith.index_cast %mul3A_212 : i32 to index
      %swap3A_2700 = tpu.vector_load %arg13[%swap3A_2698, %swap3A_2699] {strides = array<i32>} : memref<5x128xf32, #tpu.memory_space<vmem>>, vector<16xf32>,
      tpu.vector_store %arg13[%swap3A_2698, %swap3A_2699], %add3A_2696 {strides = array<i32>} : memref<5x128xf32, #tpu.memory_space<vmem>>, vector<16xf32>,
      %mul3A_2701 = arith.constant 5 : i32
      %mul3A_2702 = vector.broadcast %mul3A_2701 : i32 to vector<16xi32>
      %mul3A_2703 = arith.muli %iota3A, %mul3A_2702 : vector<16xi32>
      %add3A_2704 = arith.constant 3 : i32
      %add3A_2705 = vector.broadcast %add3A_2704 : i32 to vector<16xi32>
      %add3A_2706 = arith.addi %mul3A_2703, %add3A_2705 : vector<16xi32>
      %mul3A_2707 = arith.constant 17 : i32
      %mul3A_2708 = vector.broadcast %mul3A_2707 : i32 to vector<16xi32>
      %mul3A_2709 = arith.muli %add3A_2706, %mul3A_2708 : vector<16xi32>
      %gather3A_2710 = tpu.vector_load_idx %arg14[%mul3A_2709] : memref<1360xf32, #tpu.memory_space<vmem>>[vector<16xi32>], vector<16xf32>,
      %add3A_2711 = arith.constant 1 : i32
      %add3A_2712 = vector.broadcast %add3A_2711 : i32 to vector<16xi32>
      %add3A_2713 = arith.addi %mul3A_2709, %add3A_2712 : vector<16xi32>
      %gather3A_2714 = tpu.vector_load_idx %arg14[%add3A_2713] : memref<1360xf32, #tpu.memory_space<vmem>>[vector<16xi32>], vector<16xf32>,
      %add3A_2715 = arith.addf %gather3A_2710, %gather3A_2714 : vector<16xf32>
      %add3A_2716 = arith.constant 2 : i32
      %add3A_2717 = vector.broadcast %add3A_2716 : i32 to vector<16xi32>
      %add3A_2718 = arith.addi %mul3A_2709, %add3A_2717 : vector<16xi32>
      %gather3A_2719 = tpu.vector_load_idx %arg14[%add3A_2718] : memref<1360xf32, #tpu.memory_space<vmem>>[vector<16xi32>], vector<16xf32>,
      %add3A_2720 = arith.addf %add3A_2715, %gather3A_2719 : vector<16xf32>
      %add3A_2721 = arith.constant 3 : i32
      %add3A_2722 = vector.broadcast %add3A_2721 : i32 to vector<16xi32>
      %add3A_2723 = arith.addi %mul3A_2709, %add3A_2722 : vector<16xi32>
      %gather3A_2724 = tpu.vector_load_idx %arg14[%add3A_2723] : memref<1360xf32, #tpu.memory_space<vmem>>[vector<16xi32>], vector<16xf32>,
      %add3A_2725 = arith.addf %add3A_2720, %gather3A_2724 : vector<16xf32>
      %add3A_2726 = arith.constant 4 : i32
      %add3A_2727 = vector.broadcast %add3A_2726 : i32 to vector<16xi32>
      %add3A_2728 = arith.addi %mul3A_2709, %add3A_2727 : vector<16xi32>
      %gather3A_2729 = tpu.vector_load_idx %arg14[%add3A_2728] : memref<1360xf32, #tpu.memory_space<vmem>>[vector<16xi32>], vector<16xf32>,
      %add3A_2730 = arith.addf %add3A_2725, %gather3A_2729 : vector<16xf32>
      %add3A_2731 = arith.constant 5 : i32
      %add3A_2732 = vector.broadcast %add3A_2731 : i32 to vector<16xi32>
      %add3A_2733 = arith.addi %mul3A_2709, %add3A_2732 : vector<16xi32>
      %gather3A_2734 = tpu.vector_load_idx %arg14[%add3A_2733] : memref<1360xf32, #tpu.memory_space<vmem>>[vector<16xi32>], vector<16xf32>,
      %add3A_2735 = arith.addf %add3A_2730, %gather3A_2734 : vector<16xf32>
      %add3A_2736 = arith.constant 6 : i32
      %add3A_2737 = vector.broadcast %add3A_2736 : i32 to vector<16xi32>
      %add3A_2738 = arith.addi %mul3A_2709, %add3A_2737 : vector<16xi32>
      %gather3A_2739 = tpu.vector_load_idx %arg14[%add3A_2738] : memref<1360xf32, #tpu.memory_space<vmem>>[vector<16xi32>], vector<16xf32>,
      %add3A_2740 = arith.addf %add3A_2735, %gather3A_2739 : vector<16xf32>
      %add3A_2741 = arith.constant 7 : i32
      %add3A_2742 = vector.broadcast %add3A_2741 : i32 to vector<16xi32>
      %add3A_2743 = arith.addi %mul3A_2709, %add3A_2742 : vector<16xi32>
      %gather3A_2744 = tpu.vector_load_idx %arg14[%add3A_2743] : memref<1360xf32, #tpu.memory_space<vmem>>[vector<16xi32>], vector<16xf32>,
      %add3A_2745 = arith.addf %add3A_2740, %gather3A_2744 : vector<16xf32>
      %add3A_2746 = arith.constant 8 : i32
      %add3A_2747 = vector.broadcast %add3A_2746 : i32 to vector<16xi32>
      %add3A_2748 = arith.addi %mul3A_2709, %add3A_2747 : vector<16xi32>
      %gather3A_2749 = tpu.vector_load_idx %arg14[%add3A_2748] : memref<1360xf32, #tpu.memory_space<vmem>>[vector<16xi32>], vector<16xf32>,
      %add3A_2750 = arith.addf %add3A_2745, %gather3A_2749 : vector<16xf32>
      %add3A_2751 = arith.constant 9 : i32
      %add3A_2752 = vector.broadcast %add3A_2751 : i32 to vector<16xi32>
      %add3A_2753 = arith.addi %mul3A_2709, %add3A_2752 : vector<16xi32>
      %gather3A_2754 = tpu.vector_load_idx %arg14[%add3A_2753] : memref<1360xf32, #tpu.memory_space<vmem>>[vector<16xi32>], vector<16xf32>,
      %add3A_2755 = arith.addf %add3A_2750, %gather3A_2754 : vector<16xf32>
      %add3A_2756 = arith.constant 10 : i32
      %add3A_2757 = vector.broadcast %add3A_2756 : i32 to vector<16xi32>
      %add3A_2758 = arith.addi %mul3A_2709, %add3A_2757 : vector<16xi32>
      %gather3A_2759 = tpu.vector_load_idx %arg14[%add3A_2758] : memref<1360xf32, #tpu.memory_space<vmem>>[vector<16xi32>], vector<16xf32>,
      %add3A_2760 = arith.addf %add3A_2755, %gather3A_2759 : vector<16xf32>
      %add3A_2761 = arith.constant 11 : i32
      %add3A_2762 = vector.broadcast %add3A_2761 : i32 to vector<16xi32>
      %add3A_2763 = arith.addi %mul3A_2709, %add3A_2762 : vector<16xi32>
      %gather3A_2764 = tpu.vector_load_idx %arg14[%add3A_2763] : memref<1360xf32, #tpu.memory_space<vmem>>[vector<16xi32>], vector<16xf32>,
      %add3A_2765 = arith.addf %add3A_2760, %gather3A_2764 : vector<16xf32>
      %add3A_2766 = arith.constant 12 : i32
      %add3A_2767 = vector.broadcast %add3A_2766 : i32 to vector<16xi32>
      %add3A_2768 = arith.addi %mul3A_2709, %add3A_2767 : vector<16xi32>
      %gather3A_2769 = tpu.vector_load_idx %arg14[%add3A_2768] : memref<1360xf32, #tpu.memory_space<vmem>>[vector<16xi32>], vector<16xf32>,
      %add3A_2770 = arith.addf %add3A_2765, %gather3A_2769 : vector<16xf32>
      %add3A_2771 = arith.constant 13 : i32
      %add3A_2772 = vector.broadcast %add3A_2771 : i32 to vector<16xi32>
      %add3A_2773 = arith.addi %mul3A_2709, %add3A_2772 : vector<16xi32>
      %gather3A_2774 = tpu.vector_load_idx %arg14[%add3A_2773] : memref<1360xf32, #tpu.memory_space<vmem>>[vector<16xi32>], vector<16xf32>,
      %add3A_2775 = arith.addf %add3A_2770, %gather3A_2774 : vector<16xf32>
      %add3A_2776 = arith.constant 14 : i32
      %add3A_2777 = vector.broadcast %add3A_2776 : i32 to vector<16xi32>
      %add3A_2778 = arith.addi %mul3A_2709, %add3A_2777 : vector<16xi32>
      %gather3A_2779 = tpu.vector_load_idx %arg14[%add3A_2778] : memref<1360xf32, #tpu.memory_space<vmem>>[vector<16xi32>], vector<16xf32>,
      %add3A_2780 = arith.addf %add3A_2775, %gather3A_2779 : vector<16xf32>
      %add3A_2781 = arith.constant 15 : i32
      %add3A_2782 = vector.broadcast %add3A_2781 : i32 to vector<16xi32>
      %add3A_2783 = arith.addi %mul3A_2709, %add3A_2782 : vector<16xi32>
      %gather3A_2784 = tpu.vector_load_idx %arg14[%add3A_2783] : memref<1360xf32, #tpu.memory_space<vmem>>[vector<16xi32>], vector<16xf32>,
      %add3A_2785 = arith.addf %add3A_2780, %gather3A_2784 : vector<16xf32>
      %swap3A_2786 = arith.constant 3 : i32
      %swap3A_2787 = arith.index_cast %swap3A_2786 : i32 to index
      %swap3A_2788 = arith.index_cast %mul3A_212 : i32 to index
      %swap3A_2789 = tpu.vector_load %arg13[%swap3A_2787, %swap3A_2788] {strides = array<i32>} : memref<5x128xf32, #tpu.memory_space<vmem>>, vector<16xf32>,
      tpu.vector_store %arg13[%swap3A_2787, %swap3A_2788], %add3A_2785 {strides = array<i32>} : memref<5x128xf32, #tpu.memory_space<vmem>>, vector<16xf32>,
      %mul3A_2790 = arith.constant 5 : i32
      %mul3A_2791 = vector.broadcast %mul3A_2790 : i32 to vector<16xi32>
      %mul3A_2792 = arith.muli %iota3A, %mul3A_2791 : vector<16xi32>
      %add3A_2793 = arith.constant 4 : i32
      %add3A_2794 = vector.broadcast %add3A_2793 : i32 to vector<16xi32>
      %add3A_2795 = arith.addi %mul3A_2792, %add3A_2794 : vector<16xi32>
      %mul3A_2796 = arith.constant 17 : i32
      %mul3A_2797 = vector.broadcast %mul3A_2796 : i32 to vector<16xi32>
      %mul3A_2798 = arith.muli %add3A_2795, %mul3A_2797 : vector<16xi32>
      %gather3A_2799 = tpu.vector_load_idx %arg14[%mul3A_2798] : memref<1360xf32, #tpu.memory_space<vmem>>[vector<16xi32>], vector<16xf32>,
      %add3A_2800 = arith.constant 1 : i32
      %add3A_2801 = vector.broadcast %add3A_2800 : i32 to vector<16xi32>
      %add3A_2802 = arith.addi %mul3A_2798, %add3A_2801 : vector<16xi32>
      %gather3A_2803 = tpu.vector_load_idx %arg14[%add3A_2802] : memref<1360xf32, #tpu.memory_space<vmem>>[vector<16xi32>], vector<16xf32>,
      %add3A_2804 = arith.addf %gather3A_2799, %gather3A_2803 : vector<16xf32>
      %add3A_2805 = arith.constant 2 : i32
      %add3A_2806 = vector.broadcast %add3A_2805 : i32 to vector<16xi32>
      %add3A_2807 = arith.addi %mul3A_2798, %add3A_2806 : vector<16xi32>
      %gather3A_2808 = tpu.vector_load_idx %arg14[%add3A_2807] : memref<1360xf32, #tpu.memory_space<vmem>>[vector<16xi32>], vector<16xf32>,
      %add3A_2809 = arith.addf %add3A_2804, %gather3A_2808 : vector<16xf32>
      %add3A_2810 = arith.constant 3 : i32
      %add3A_2811 = vector.broadcast %add3A_2810 : i32 to vector<16xi32>
      %add3A_2812 = arith.addi %mul3A_2798, %add3A_2811 : vector<16xi32>
      %gather3A_2813 = tpu.vector_load_idx %arg14[%add3A_2812] : memref<1360xf32, #tpu.memory_space<vmem>>[vector<16xi32>], vector<16xf32>,
      %add3A_2814 = arith.addf %add3A_2809, %gather3A_2813 : vector<16xf32>
      %add3A_2815 = arith.constant 4 : i32
      %add3A_2816 = vector.broadcast %add3A_2815 : i32 to vector<16xi32>
      %add3A_2817 = arith.addi %mul3A_2798, %add3A_2816 : vector<16xi32>
      %gather3A_2818 = tpu.vector_load_idx %arg14[%add3A_2817] : memref<1360xf32, #tpu.memory_space<vmem>>[vector<16xi32>], vector<16xf32>,
      %add3A_2819 = arith.addf %add3A_2814, %gather3A_2818 : vector<16xf32>
      %add3A_2820 = arith.constant 5 : i32
      %add3A_2821 = vector.broadcast %add3A_2820 : i32 to vector<16xi32>
      %add3A_2822 = arith.addi %mul3A_2798, %add3A_2821 : vector<16xi32>
      %gather3A_2823 = tpu.vector_load_idx %arg14[%add3A_2822] : memref<1360xf32, #tpu.memory_space<vmem>>[vector<16xi32>], vector<16xf32>,
      %add3A_2824 = arith.addf %add3A_2819, %gather3A_2823 : vector<16xf32>
      %add3A_2825 = arith.constant 6 : i32
      %add3A_2826 = vector.broadcast %add3A_2825 : i32 to vector<16xi32>
      %add3A_2827 = arith.addi %mul3A_2798, %add3A_2826 : vector<16xi32>
      %gather3A_2828 = tpu.vector_load_idx %arg14[%add3A_2827] : memref<1360xf32, #tpu.memory_space<vmem>>[vector<16xi32>], vector<16xf32>,
      %add3A_2829 = arith.addf %add3A_2824, %gather3A_2828 : vector<16xf32>
      %add3A_2830 = arith.constant 7 : i32
      %add3A_2831 = vector.broadcast %add3A_2830 : i32 to vector<16xi32>
      %add3A_2832 = arith.addi %mul3A_2798, %add3A_2831 : vector<16xi32>
      %gather3A_2833 = tpu.vector_load_idx %arg14[%add3A_2832] : memref<1360xf32, #tpu.memory_space<vmem>>[vector<16xi32>], vector<16xf32>,
      %add3A_2834 = arith.addf %add3A_2829, %gather3A_2833 : vector<16xf32>
      %add3A_2835 = arith.constant 8 : i32
      %add3A_2836 = vector.broadcast %add3A_2835 : i32 to vector<16xi32>
      %add3A_2837 = arith.addi %mul3A_2798, %add3A_2836 : vector<16xi32>
      %gather3A_2838 = tpu.vector_load_idx %arg14[%add3A_2837] : memref<1360xf32, #tpu.memory_space<vmem>>[vector<16xi32>], vector<16xf32>,
      %add3A_2839 = arith.addf %add3A_2834, %gather3A_2838 : vector<16xf32>
      %add3A_2840 = arith.constant 9 : i32
      %add3A_2841 = vector.broadcast %add3A_2840 : i32 to vector<16xi32>
      %add3A_2842 = arith.addi %mul3A_2798, %add3A_2841 : vector<16xi32>
      %gather3A_2843 = tpu.vector_load_idx %arg14[%add3A_2842] : memref<1360xf32, #tpu.memory_space<vmem>>[vector<16xi32>], vector<16xf32>,
      %add3A_2844 = arith.addf %add3A_2839, %gather3A_2843 : vector<16xf32>
      %add3A_2845 = arith.constant 10 : i32
      %add3A_2846 = vector.broadcast %add3A_2845 : i32 to vector<16xi32>
      %add3A_2847 = arith.addi %mul3A_2798, %add3A_2846 : vector<16xi32>
      %gather3A_2848 = tpu.vector_load_idx %arg14[%add3A_2847] : memref<1360xf32, #tpu.memory_space<vmem>>[vector<16xi32>], vector<16xf32>,
      %add3A_2849 = arith.addf %add3A_2844, %gather3A_2848 : vector<16xf32>
      %add3A_2850 = arith.constant 11 : i32
      %add3A_2851 = vector.broadcast %add3A_2850 : i32 to vector<16xi32>
      %add3A_2852 = arith.addi %mul3A_2798, %add3A_2851 : vector<16xi32>
      %gather3A_2853 = tpu.vector_load_idx %arg14[%add3A_2852] : memref<1360xf32, #tpu.memory_space<vmem>>[vector<16xi32>], vector<16xf32>,
      %add3A_2854 = arith.addf %add3A_2849, %gather3A_2853 : vector<16xf32>
      %add3A_2855 = arith.constant 12 : i32
      %add3A_2856 = vector.broadcast %add3A_2855 : i32 to vector<16xi32>
      %add3A_2857 = arith.addi %mul3A_2798, %add3A_2856 : vector<16xi32>
      %gather3A_2858 = tpu.vector_load_idx %arg14[%add3A_2857] : memref<1360xf32, #tpu.memory_space<vmem>>[vector<16xi32>], vector<16xf32>,
      %add3A_2859 = arith.addf %add3A_2854, %gather3A_2858 : vector<16xf32>
      %add3A_2860 = arith.constant 13 : i32
      %add3A_2861 = vector.broadcast %add3A_2860 : i32 to vector<16xi32>
      %add3A_2862 = arith.addi %mul3A_2798, %add3A_2861 : vector<16xi32>
      %gather3A_2863 = tpu.vector_load_idx %arg14[%add3A_2862] : memref<1360xf32, #tpu.memory_space<vmem>>[vector<16xi32>], vector<16xf32>,
      %add3A_2864 = arith.addf %add3A_2859, %gather3A_2863 : vector<16xf32>
      %add3A_2865 = arith.constant 14 : i32
      %add3A_2866 = vector.broadcast %add3A_2865 : i32 to vector<16xi32>
      %add3A_2867 = arith.addi %mul3A_2798, %add3A_2866 : vector<16xi32>
      %gather3A_2868 = tpu.vector_load_idx %arg14[%add3A_2867] : memref<1360xf32, #tpu.memory_space<vmem>>[vector<16xi32>], vector<16xf32>,
      %add3A_2869 = arith.addf %add3A_2864, %gather3A_2868 : vector<16xf32>
      %add3A_2870 = arith.constant 15 : i32
      %add3A_2871 = vector.broadcast %add3A_2870 : i32 to vector<16xi32>
      %add3A_2872 = arith.addi %mul3A_2798, %add3A_2871 : vector<16xi32>
      %gather3A_2873 = tpu.vector_load_idx %arg14[%add3A_2872] : memref<1360xf32, #tpu.memory_space<vmem>>[vector<16xi32>], vector<16xf32>,
      %add3A_2874 = arith.addf %add3A_2869, %gather3A_2873 : vector<16xf32>
      %swap3A_2875 = arith.constant 4 : i32
      %swap3A_2876 = arith.index_cast %swap3A_2875 : i32 to index
      %swap3A_2877 = arith.index_cast %mul3A_212 : i32 to index
      %swap3A_2878 = tpu.vector_load %arg13[%swap3A_2876, %swap3A_2877] {strides = array<i32>} : memref<5x128xf32, #tpu.memory_space<vmem>>, vector<16xf32>,
      tpu.vector_store %arg13[%swap3A_2876, %swap3A_2877], %add3A_2874 {strides = array<i32>} : memref<5x128xf32, #tpu.memory_space<vmem>>, vector<16xf32>,
    }
    %scan3A_109 = arith.constant 8 : i32
    %dma_start3A_110 = arith.constant 0 : i32
    %dma_start3A_111 = arith.constant 0 : i32
    %dma_start3A_112 = tpu.memref_slice %arg13[%dma_start3A_110, %dma_start3A_111] : memref<5x128xf32, #tpu.memory_space<vmem>> -> memref<1x128xf32, #tpu.memory_space<vmem>>
    %dma_start3A_113 = arith.constant 0 : i32
    %dma_start3A_114 = tpu.memref_slice %arg6[%dma_start3A_113, %mul3A_2] : memref<5x4096xf32, #tpu.memory_space<hbm>> -> memref<1x128xf32, #tpu.memory_space<hbm>>
    %dma_start3A_115 = arith.constant 0 : i32
    %dma_start3A_116 = tpu.memref_slice %arg6[%dma_start3A_115, %mul3A_2] : memref<5x4096xf32, #tpu.memory_space<hbm>> -> memref<1x128xf32, #tpu.memory_space<hbm>>
    %dma_start3A_117 = arith.constant 0 : i32
    %dma_start3A_118 = arith.constant 0 : i32
    %dma_start3A_119 = tpu.memref_slice %arg13[%dma_start3A_117, %dma_start3A_118] : memref<5x128xf32, #tpu.memory_space<vmem>> -> memref<1x128xf32, #tpu.memory_space<vmem>>
    tpu.enqueue_dma source(%dma_start3A_119 : memref<1x128xf32, #tpu.memory_space<vmem>>) target(%dma_start3A_116 : memref<1x128xf32, #tpu.memory_space<hbm>>) target_semaphore(%arg15 : memref<!tpu.dma_semaphore, #tpu.memory_space<semaphore_mem>>)
    %dma_start3A_120 = arith.constant 1 : i32
    %dma_start3A_121 = arith.constant 0 : i32
    %dma_start3A_122 = tpu.memref_slice %arg13[%dma_start3A_120, %dma_start3A_121] : memref<5x128xf32, #tpu.memory_space<vmem>> -> memref<1x128xf32, #tpu.memory_space<vmem>>
    %dma_start3A_123 = arith.constant 1 : i32
    %dma_start3A_124 = tpu.memref_slice %arg6[%dma_start3A_123, %mul3A_2] : memref<5x4096xf32, #tpu.memory_space<hbm>> -> memref<1x128xf32, #tpu.memory_space<hbm>>
    %dma_start3A_125 = arith.constant 1 : i32
    %dma_start3A_126 = tpu.memref_slice %arg6[%dma_start3A_125, %mul3A_2] : memref<5x4096xf32, #tpu.memory_space<hbm>> -> memref<1x128xf32, #tpu.memory_space<hbm>>
    %dma_start3A_127 = arith.constant 1 : i32
    %dma_start3A_128 = arith.constant 0 : i32
    %dma_start3A_129 = tpu.memref_slice %arg13[%dma_start3A_127, %dma_start3A_128] : memref<5x128xf32, #tpu.memory_space<vmem>> -> memref<1x128xf32, #tpu.memory_space<vmem>>
    tpu.enqueue_dma source(%dma_start3A_129 : memref<1x128xf32, #tpu.memory_space<vmem>>) target(%dma_start3A_126 : memref<1x128xf32, #tpu.memory_space<hbm>>) target_semaphore(%arg15 : memref<!tpu.dma_semaphore, #tpu.memory_space<semaphore_mem>>)
    %dma_start3A_130 = arith.constant 2 : i32
    %dma_start3A_131 = arith.constant 0 : i32
    %dma_start3A_132 = tpu.memref_slice %arg13[%dma_start3A_130, %dma_start3A_131] : memref<5x128xf32, #tpu.memory_space<vmem>> -> memref<1x128xf32, #tpu.memory_space<vmem>>
    %dma_start3A_133 = arith.constant 2 : i32
    %dma_start3A_134 = tpu.memref_slice %arg6[%dma_start3A_133, %mul3A_2] : memref<5x4096xf32, #tpu.memory_space<hbm>> -> memref<1x128xf32, #tpu.memory_space<hbm>>
    %dma_start3A_135 = arith.constant 2 : i32
    %dma_start3A_136 = tpu.memref_slice %arg6[%dma_start3A_135, %mul3A_2] : memref<5x4096xf32, #tpu.memory_space<hbm>> -> memref<1x128xf32, #tpu.memory_space<hbm>>
    %dma_start3A_137 = arith.constant 2 : i32
    %dma_start3A_138 = arith.constant 0 : i32
    %dma_start3A_139 = tpu.memref_slice %arg13[%dma_start3A_137, %dma_start3A_138] : memref<5x128xf32, #tpu.memory_space<vmem>> -> memref<1x128xf32, #tpu.memory_space<vmem>>
    tpu.enqueue_dma source(%dma_start3A_139 : memref<1x128xf32, #tpu.memory_space<vmem>>) target(%dma_start3A_136 : memref<1x128xf32, #tpu.memory_space<hbm>>) target_semaphore(%arg15 : memref<!tpu.dma_semaphore, #tpu.memory_space<semaphore_mem>>)
    %dma_start3A_140 = arith.constant 3 : i32
    %dma_start3A_141 = arith.constant 0 : i32
    %dma_start3A_142 = tpu.memref_slice %arg13[%dma_start3A_140, %dma_start3A_141] : memref<5x128xf32, #tpu.memory_space<vmem>> -> memref<1x128xf32, #tpu.memory_space<vmem>>
    %dma_start3A_143 = arith.constant 3 : i32
    %dma_start3A_144 = tpu.memref_slice %arg6[%dma_start3A_143, %mul3A_2] : memref<5x4096xf32, #tpu.memory_space<hbm>> -> memref<1x128xf32, #tpu.memory_space<hbm>>
    %dma_start3A_145 = arith.constant 3 : i32
    %dma_start3A_146 = tpu.memref_slice %arg6[%dma_start3A_145, %mul3A_2] : memref<5x4096xf32, #tpu.memory_space<hbm>> -> memref<1x128xf32, #tpu.memory_space<hbm>>
    %dma_start3A_147 = arith.constant 3 : i32
    %dma_start3A_148 = arith.constant 0 : i32
    %dma_start3A_149 = tpu.memref_slice %arg13[%dma_start3A_147, %dma_start3A_148] : memref<5x128xf32, #tpu.memory_space<vmem>> -> memref<1x128xf32, #tpu.memory_space<vmem>>
    tpu.enqueue_dma source(%dma_start3A_149 : memref<1x128xf32, #tpu.memory_space<vmem>>) target(%dma_start3A_146 : memref<1x128xf32, #tpu.memory_space<hbm>>) target_semaphore(%arg15 : memref<!tpu.dma_semaphore, #tpu.memory_space<semaphore_mem>>)
    %dma_start3A_150 = arith.constant 4 : i32
    %dma_start3A_151 = arith.constant 0 : i32
    %dma_start3A_152 = tpu.memref_slice %arg13[%dma_start3A_150, %dma_start3A_151] : memref<5x128xf32, #tpu.memory_space<vmem>> -> memref<1x128xf32, #tpu.memory_space<vmem>>
    %dma_start3A_153 = arith.constant 4 : i32
    %dma_start3A_154 = tpu.memref_slice %arg6[%dma_start3A_153, %mul3A_2] : memref<5x4096xf32, #tpu.memory_space<hbm>> -> memref<1x128xf32, #tpu.memory_space<hbm>>
    %dma_start3A_155 = arith.constant 4 : i32
    %dma_start3A_156 = tpu.memref_slice %arg6[%dma_start3A_155, %mul3A_2] : memref<5x4096xf32, #tpu.memory_space<hbm>> -> memref<1x128xf32, #tpu.memory_space<hbm>>
    %dma_start3A_157 = arith.constant 4 : i32
    %dma_start3A_158 = arith.constant 0 : i32
    %dma_start3A_159 = tpu.memref_slice %arg13[%dma_start3A_157, %dma_start3A_158] : memref<5x128xf32, #tpu.memory_space<vmem>> -> memref<1x128xf32, #tpu.memory_space<vmem>>
    tpu.enqueue_dma source(%dma_start3A_159 : memref<1x128xf32, #tpu.memory_space<vmem>>) target(%dma_start3A_156 : memref<1x128xf32, #tpu.memory_space<hbm>>) target_semaphore(%arg15 : memref<!tpu.dma_semaphore, #tpu.memory_space<semaphore_mem>>)
    %dma_wait3A_160 = arith.constant 0 : i32
    %dma_wait3A_161 = arith.constant 0 : i32
    %dma_wait3A_162 = tpu.memref_slice %arg13[%dma_wait3A_160, %dma_wait3A_161] : memref<5x128xf32, #tpu.memory_space<vmem>> -> memref<1x128xf32, #tpu.memory_space<vmem>>
    %dma_wait3A_163 = arith.constant 0 : i32
    %dma_wait3A_164 = tpu.memref_slice %arg6[%dma_wait3A_163, %mul3A_2] : memref<5x4096xf32, #tpu.memory_space<hbm>> -> memref<1x128xf32, #tpu.memory_space<hbm>>
    %dma_wait3A_165 = arith.constant 0 : i32
    %dma_wait3A_166 = tpu.memref_slice %arg6[%dma_wait3A_165, %mul3A_2] : memref<5x4096xf32, #tpu.memory_space<hbm>> -> memref<1x128xf32, #tpu.memory_space<hbm>>
    %dma_wait3A_167 = arith.constant 0 : i32
    %dma_wait3A_168 = arith.constant 0 : i32
    %dma_wait3A_169 = tpu.memref_slice %arg13[%dma_wait3A_167, %dma_wait3A_168] : memref<5x128xf32, #tpu.memory_space<vmem>> -> memref<1x128xf32, #tpu.memory_space<vmem>>
    tpu.wait_dma2 semaphore(%arg15 : memref<!tpu.dma_semaphore, #tpu.memory_space<semaphore_mem>>) src(%dma_wait3A_169 : memref<1x128xf32, #tpu.memory_space<vmem>>) dst(%dma_wait3A_166 : memref<1x128xf32, #tpu.memory_space<hbm>>)
    %dma_wait3A_170 = arith.constant 1 : i32
    %dma_wait3A_171 = arith.constant 0 : i32
    %dma_wait3A_172 = tpu.memref_slice %arg13[%dma_wait3A_170, %dma_wait3A_171] : memref<5x128xf32, #tpu.memory_space<vmem>> -> memref<1x128xf32, #tpu.memory_space<vmem>>
    %dma_wait3A_173 = arith.constant 1 : i32
    %dma_wait3A_174 = tpu.memref_slice %arg6[%dma_wait3A_173, %mul3A_2] : memref<5x4096xf32, #tpu.memory_space<hbm>> -> memref<1x128xf32, #tpu.memory_space<hbm>>
    %dma_wait3A_175 = arith.constant 1 : i32
    %dma_wait3A_176 = tpu.memref_slice %arg6[%dma_wait3A_175, %mul3A_2] : memref<5x4096xf32, #tpu.memory_space<hbm>> -> memref<1x128xf32, #tpu.memory_space<hbm>>
    %dma_wait3A_177 = arith.constant 1 : i32
    %dma_wait3A_178 = arith.constant 0 : i32
    %dma_wait3A_179 = tpu.memref_slice %arg13[%dma_wait3A_177, %dma_wait3A_178] : memref<5x128xf32, #tpu.memory_space<vmem>> -> memref<1x128xf32, #tpu.memory_space<vmem>>
    tpu.wait_dma2 semaphore(%arg15 : memref<!tpu.dma_semaphore, #tpu.memory_space<semaphore_mem>>) src(%dma_wait3A_179 : memref<1x128xf32, #tpu.memory_space<vmem>>) dst(%dma_wait3A_176 : memref<1x128xf32, #tpu.memory_space<hbm>>)
    %dma_wait3A_180 = arith.constant 2 : i32
    %dma_wait3A_181 = arith.constant 0 : i32
    %dma_wait3A_182 = tpu.memref_slice %arg13[%dma_wait3A_180, %dma_wait3A_181] : memref<5x128xf32, #tpu.memory_space<vmem>> -> memref<1x128xf32, #tpu.memory_space<vmem>>
    %dma_wait3A_183 = arith.constant 2 : i32
    %dma_wait3A_184 = tpu.memref_slice %arg6[%dma_wait3A_183, %mul3A_2] : memref<5x4096xf32, #tpu.memory_space<hbm>> -> memref<1x128xf32, #tpu.memory_space<hbm>>
    %dma_wait3A_185 = arith.constant 2 : i32
    %dma_wait3A_186 = tpu.memref_slice %arg6[%dma_wait3A_185, %mul3A_2] : memref<5x4096xf32, #tpu.memory_space<hbm>> -> memref<1x128xf32, #tpu.memory_space<hbm>>
    %dma_wait3A_187 = arith.constant 2 : i32
    %dma_wait3A_188 = arith.constant 0 : i32
    %dma_wait3A_189 = tpu.memref_slice %arg13[%dma_wait3A_187, %dma_wait3A_188] : memref<5x128xf32, #tpu.memory_space<vmem>> -> memref<1x128xf32, #tpu.memory_space<vmem>>
    tpu.wait_dma2 semaphore(%arg15 : memref<!tpu.dma_semaphore, #tpu.memory_space<semaphore_mem>>) src(%dma_wait3A_189 : memref<1x128xf32, #tpu.memory_space<vmem>>) dst(%dma_wait3A_186 : memref<1x128xf32, #tpu.memory_space<hbm>>)
    %dma_wait3A_190 = arith.constant 3 : i32
    %dma_wait3A_191 = arith.constant 0 : i32
    %dma_wait3A_192 = tpu.memref_slice %arg13[%dma_wait3A_190, %dma_wait3A_191] : memref<5x128xf32, #tpu.memory_space<vmem>> -> memref<1x128xf32, #tpu.memory_space<vmem>>
    %dma_wait3A_193 = arith.constant 3 : i32
    %dma_wait3A_194 = tpu.memref_slice %arg6[%dma_wait3A_193, %mul3A_2] : memref<5x4096xf32, #tpu.memory_space<hbm>> -> memref<1x128xf32, #tpu.memory_space<hbm>>
    %dma_wait3A_195 = arith.constant 3 : i32
    %dma_wait3A_196 = tpu.memref_slice %arg6[%dma_wait3A_195, %mul3A_2] : memref<5x4096xf32, #tpu.memory_space<hbm>> -> memref<1x128xf32, #tpu.memory_space<hbm>>
    %dma_wait3A_197 = arith.constant 3 : i32
    %dma_wait3A_198 = arith.constant 0 : i32
    %dma_wait3A_199 = tpu.memref_slice %arg13[%dma_wait3A_197, %dma_wait3A_198] : memref<5x128xf32, #tpu.memory_space<vmem>> -> memref<1x128xf32, #tpu.memory_space<vmem>>
    tpu.wait_dma2 semaphore(%arg15 : memref<!tpu.dma_semaphore, #tpu.memory_space<semaphore_mem>>) src(%dma_wait3A_199 : memref<1x128xf32, #tpu.memory_space<vmem>>) dst(%dma_wait3A_196 : memref<1x128xf32, #tpu.memory_space<hbm>>)
    %dma_wait3A_200 = arith.constant 4 : i32
    %dma_wait3A_201 = arith.constant 0 : i32
    %dma_wait3A_202 = tpu.memref_slice %arg13[%dma_wait3A_200, %dma_wait3A_201] : memref<5x128xf32, #tpu.memory_space<vmem>> -> memref<1x128xf32, #tpu.memory_space<vmem>>
    %dma_wait3A_203 = arith.constant 4 : i32
    %dma_wait3A_204 = tpu.memref_slice %arg6[%dma_wait3A_203, %mul3A_2] : memref<5x4096xf32, #tpu.memory_space<hbm>> -> memref<1x128xf32, #tpu.memory_space<hbm>>
    %dma_wait3A_205 = arith.constant 4 : i32
    %dma_wait3A_206 = tpu.memref_slice %arg6[%dma_wait3A_205, %mul3A_2] : memref<5x4096xf32, #tpu.memory_space<hbm>> -> memref<1x128xf32, #tpu.memory_space<hbm>>
    %dma_wait3A_207 = arith.constant 4 : i32
    %dma_wait3A_208 = arith.constant 0 : i32
    %dma_wait3A_209 = tpu.memref_slice %arg13[%dma_wait3A_207, %dma_wait3A_208] : memref<5x128xf32, #tpu.memory_space<vmem>> -> memref<1x128xf32, #tpu.memory_space<vmem>>
    tpu.wait_dma2 semaphore(%arg15 : memref<!tpu.dma_semaphore, #tpu.memory_space<semaphore_mem>>) src(%dma_wait3A_209 : memref<1x128xf32, #tpu.memory_space<vmem>>) dst(%dma_wait3A_206 : memref<1x128xf32, #tpu.memory_space<hbm>>)
    return
  }
}

</mosaic_0001>

<sc_bundles>
// kernel: kernel.3.cloned.1.call-start
scs
__scs_entry_jumppad:
0x0: {  	(pc) =	sbr.rel $0x88, $3  }
0x1: {  	(tag) =	ssettag $0x0;
	lr =	simm.s32 $0x1  }
0x2: {  	[smem:$0x3F9D] =	sst lr;
	_ =	strace $0xD0000000  }
0x3: {  	_ = 	snop  }
0x4: {  	_ = 	snop  }
0x5: {  	_ = 	snop  }
0x6: {  	_ = 	snop  }
0x7: {  	_ = 	snop  }
__scs_overlays_trampoline_lowered:
0x8: {  	[smem:$0x3FAC] =	sst s0  }
0x9: {  	[smem:$0x3FAD] =	sst s1  }
0xa: {  	[smem:$0x3FAE] =	sst s2  }
0xb: {  	[smem:$0x3FAF] =	sst s3  }
0xc: {  	[smem:$0x3FB0] =	sst s4  }
0xd: {  	[smem:$0x3FB1] =	sst s5  }
0xe: {  	[smem:$0x3FB2] =	sst s6  }
0xf: {  	[smem:$0x3FB3] =	sst s7  }
0x10: {  	[smem:$0x3FB4] =	sst s8  }
0x11: {  	[smem:$0x3FB5] =	sst s9;
	s0 =	simm.s32 @!p0 $0x0  }
0x12: {  	s1 =	sld [smem:$0x3F9B];
	s0 =	simm.s32 @p0 $0x1  }
0x13: {  	[smem:$0x3FB6] =	sst s0;
	s0 =	simm.s32 @!p1 $0x0  }
0x14: {  	s2 =	sld [smem:$0x3F9A];
	s0 =	simm.s32 @p1 $0x1  }
0x15: {  	[smem:$0x3FB7] =	sst s0;
	s0 =	simm.s32 @!p2 $0x0  }
0x16: {  	s3 =	sld [smem:$0x3FDB];
	s0 =	simm.s32 @p2 $0x1  }
0x17: {  	s4 =	simm.s32 $0x1BF5;
	[smem:$0x3FB9] =	sst s0  }
0x18: {  	s0 =	sld [smem:$0x3F9C];
	_ =	swait.ge [sflag:s4], $0x0  }
0x19: {  	s7 =	sld [smem:$0x3F9D]  }
0x1a: {  	s8 =	sadd.s32 $0xFFFFE003, lr  }
0x1b: {  	s9 =	sadd.s32 $0xFFFFFEF7, lr;
	s5 =	simm.s32 $0xFFFFFFFF;
	p2 =	slt.u32 s8, $0xFFFFF086  }
0x1c: {  	p1 =	slt.u32 s9, $0xF7A;
	s5 =	simm.s32 @!p2 $0x0  }
0x1d: {  	s5 =	simm.s32 @p1 $0x1;
	p0 =	seq.s32 s7, s2  }
0x1e: {  	s7 =	smul.u32 @!p0 $0xF7A, s2;
	p2 =	seq.s32 @!p0 s5, $0x0  }
0x1f: {  	s9 =	smul.u32 $0xF7A, s1;
	s8 =	simm.s32 @!p0 $0x1BF5;
	p2 =	por !p2, p0  }
0x20: {  	[sflag:s8] =	ssyncset.s32 @!p0 $0xFFFFF086;
	s6 =	sadd.s32 @!p0 s3, s7;
	s7 =	simm.s32 @!p0 $0x108  }
0x21: {  	s3 =	sadd.s32 s3, s9;
	s6 =	sadd.s32 @!p0 $0x88, s6;
	s7 =	simm.s32 @p2 $0x1082  }
0x22: {  	[simem:s7], [sflag:s8] =	dma.local @!p0 [hbm:s6], $0xF7A  }
0x23: {  	s9 =	sor.u32 $0xD0000000, s2;
	s6 =	simm.s32 $0x108;
	_ =	swait.ge @!p0 [sflag:s8], $0x0  }
0x24: {  	s3 =	sadd.s32 $0x88, s3;
	s6 =	simm.s32 @!p1 $0x1082;
	[sflag:s4] =	ssyncset.s32 $0xFFFFF086  }
0x25: {  	[simem:s6], [sflag:s4] =	dma.local [hbm:s3], $0xF7A  }
0x26: {  	[smem:$0x3F9D] =	sst s1;
	(tag) =	ssettag s2;
	_ =	strace s9  }
0x27: {  	s1 =	sld [smem:$0x3FAD]  }
0x28: {  	s2 =	sld [smem:$0x3FAE]  }
0x29: {  	s4 =	sld [smem:$0x3FB0]  }
0x2a: {  	p0 =	seq.s32 s5, $0x0;
	s5 =	sld [smem:$0x3FB1]  }
0x2b: {  	s6 =	sld [smem:$0x3FB2]  }
0x2c: {  	s7 =	sld [smem:$0x3FB3]  }
0x2d: {  	s3 =	simm.s32 $0x108;
	s8 =	sld [smem:$0x3FB4]  }
0x2e: {  	s3 =	simm.s32 @!p0 $0x1082;
	s9 =	sld [smem:$0x3FB5]  }
0x2f: {  	lr =	sadd.s32 s0, s3;
	s0 =	sld [smem:$0x3FAC]  }
0x30: {  	s3 =	sld [smem:$0x3FAF]  }
0x31: {  	[smem:$0x3FB8] =	sst s10  }
0x32: {  	s10 =	sld [smem:$0x3FB6];
	_ =	sdelay $0x3  }
0x33: {  	p0 =	seq.s32 s10, $0x1;
	s10 =	sld [smem:$0x3FB8];
	_ =	sdelay $0x3  }
0x34: {  	[smem:$0x3FB8] =	sst s10  }
0x35: {  	s10 =	sld [smem:$0x3FB7];
	_ =	sdelay $0x3  }
0x36: {  	p1 =	seq.s32 s10, $0x1;
	s10 =	sld [smem:$0x3FB8];
	_ =	sdelay $0x3  }
0x37: {  	[smem:$0x3FB8] =	sst s10  }
0x38: {  	s10 =	sld [smem:$0x3FB9]  }
0x39: {  	_ = 	snop;
	(pc) =	sbr.ind lr, $3  }
0x3a: {  	_ = 	snop  }
0x3b: {  	_ = 	snop  }
0x3c: {  	p2 =	seq.s32 s10, $0x1;
	s10 =	sld [smem:$0x3FB8]  }
0x3d: {  	_ =	shalt  }
0x3e: {  	_ =	shalt  }
0x3f: {  	_ =	shalt  }
0x40: {  	_ =	shalt  }
0x41: {  	_ =	shalt  }
0x42: {  	_ =	shalt  }
0x43: {  	_ =	shalt  }
0x44: {  	_ =	shalt  }
0x45: {  	_ =	shalt  }
0x46: {  	_ =	shalt  }
0x47: {  	_ =	shalt  }
0x48: {  	_ =	shalt  }
0x49: {  	_ =	shalt  }
0x4a: {  	_ =	shalt  }
0x4b: {  	_ =	shalt  }
0x4c: {  	_ =	shalt  }
0x4d: {  	_ =	shalt  }
0x4e: {  	_ =	shalt  }
0x4f: {  	_ =	shalt  }
0x50: {  	_ =	shalt  }
0x51: {  	_ =	shalt  }
0x52: {  	_ =	shalt  }
0x53: {  	_ =	shalt  }
0x54: {  	_ =	shalt  }
0x55: {  	_ =	shalt  }
0x56: {  	_ =	shalt  }
0x57: {  	_ =	shalt  }
0x58: {  	_ =	shalt  }
0x59: {  	_ =	shalt  }
0x5a: {  	_ =	shalt  }
0x5b: {  	_ =	shalt  }
0x5c: {  	_ =	shalt  }
0x5d: {  	_ =	shalt  }
0x5e: {  	_ =	shalt  }
0x5f: {  	_ =	shalt  }
0x60: {  	_ =	shalt  }
0x61: {  	_ =	shalt  }
0x62: {  	_ =	shalt  }
0x63: {  	_ =	shalt  }
0x64: {  	_ =	shalt  }
0x65: {  	_ =	shalt  }
0x66: {  	_ =	shalt  }
0x67: {  	_ =	shalt  }
0x68: {  	_ =	shalt  }
0x69: {  	_ =	shalt  }
0x6a: {  	_ =	shalt  }
0x6b: {  	_ =	shalt  }
0x6c: {  	_ =	shalt  }
0x6d: {  	_ =	shalt  }
0x6e: {  	_ =	shalt  }
0x6f: {  	_ =	shalt  }
0x70: {  	_ =	shalt  }
0x71: {  	_ =	shalt  }
0x72: {  	_ =	shalt  }
0x73: {  	_ =	shalt  }
0x74: {  	_ =	shalt  }
0x75: {  	_ =	shalt  }
0x76: {  	_ =	shalt  }
0x77: {  	_ =	shalt  }
0x78: {  	_ =	shalt  }
0x79: {  	_ =	shalt  }
0x7a: {  	_ =	shalt  }
0x7b: {  	_ =	shalt  }
0x7c: {  	_ =	shalt  }
0x7d: {  	_ =	shalt  }
0x7e: {  	_ =	shalt  }
0x7f: {  	_ =	shalt  }
0x80: {  	_ =	shalt  }
0x81: {  	_ =	shalt  }
0x82: {  	_ =	shalt  }
0x83: {  	_ =	shalt  }
0x84: {  	_ =	shalt  }
0x85: {  	_ =	shalt  }
0x86: {  	_ =	shalt  }
0x87: {  	_ =	shalt  }
.Lfunc_end0:
.L_simem_size_0:
called_computation_lowered:
.L_overlay_start_0:
0x88: {  	s2 =	sld [smem:$0x3FD9]  }
0x89: {  	s3 =	sld [smem:$0x3FFE];
	_ =	sdelay $0x1  }
0x8a: {  	s1 =	srdreg.scid  }
0x8b: {  	s0 =	sand.u32 $0x1, s1  }
0x8c: {  	s17 =	sshll.u32 s0, $0xA;
	s2 =	sadd.s32 s3, s2  }
0x8d: {  	s2 =	sadd.s32 s2, s17  }
0x8e: {  	[smem:$0x3FC4] =	sst s2  }
0x8f: {  	_ = 	snop  }
0x90: {  	s2 =	sld [smem:$0x3FC9]  }
0x91: {  	s18 =	sld [smem:$0x3FD0];
	(tm) =	ssettm $0x1  }
0x92: {  	s4 =	sld [smem:$0x3FFB];
	_ =	sdelay $0x3  }
0x93: {  	_ =	strace s4  }
0x94: {  	s4 =	sld [smem:$0x3FFC];
	_ =	sdelay $0x3  }
0x95: {  	_ =	strace s4  }
0x96: {  	s4 =	sld [smem:$0x3FFD];
	_ =	sdelay $0x3  }
0x97: {  	_ =	strace s4  }
0x98: {  	_ =	strace $0x8FFFFFFF  }
0x99: {  	s19 =	sld [smem:$0x3FDB];
	_ =	sdelay $0x1  }
0x9a: {  	s5 =	simm.s32 $_scs_section_size  }
0x9b: {  	s6 =	simm.s32 $_size__tile_overlayer_lowered;
	s7 =	simm.s32 $_tile_overlayer_lowered  }
0x9c: {  	s22 =	simm.s32 $0x1BFF;
	s21 =	sshll.u32 s7, $0x1;
	s4 =	sadd.s32 s5, s19  }
0x9d: {  	s8 =	simm.s32 $0x0;
	s20 =	sshll.u32 s6, $0x1;
	s6 =	sadd.s32 s21, s4  }
0x9e: {  	[timem:s8], [sflag:s22] =	dma.local [hbm:s6], s20  }
0x9f: {  	_ =	swait.ge [sflag:s22], s20  }
0xa0: {  	s5 =	ssub.s32 $0x0, s20;
	[sflag:s22] =	ssyncset.done $0x0  }
0xa1: {  	[sflag:s22] =	ssyncadd.s32 s5;
	_ =	sdelay $0x1  }
0xa2: {  	s23 =	simm.s32 $0x1B8B  }
0xa3: {  	_ =	swait.ge [sflag:s23], $0x1  }
0xa4: {  	[sflag:s23] =	ssyncset.done $0x0  }
0xa5: {  	s25 =	simm.s32 $0x1B8E;
	s24 =	sld [smem:$0x3FFE];
	[sflag:s23] =	ssyncadd.s32 $0xFFFFFFFF  }
0xa6: {  	s26 =	simm.s32 $execute0_lowered;
	[smem:$0x3FD2] =	sst s25  }
0xa7: {  	s6 =	sshll.u32 s26, $0x1;
	_ =	strace $0x80000046;
	[dreg:$0x1] =	wrdreg $0xFFFFFFFF  }
0xa8: {  	s28 =	simm.s32 $_size_execute0_lowered;
	s4 =	sadd.s32 s4, s6;
	[dreg:$0x0] =	wrdreg $0x0  }
0xa9: {  	s6 =	sshll.u32 s28, $0x1;
	[dreg:$0x2] =	wrdreg s4  }
0xaa: {  	[dreg:$0x3] =	wrdreg s6  }
0xab: {  	[dreg:$0x4] =	wrdreg $0xC0  }
0xac: {  	_ =	task [dreg:s8], $0x5FFFF  }
0xad: {  	[dreg:$0x1] =	wrdreg $0xFFFFFFFF  }
0xae: {  	[dreg:$0x0] =	wrdreg $0x60  }
0xaf: {  	[dreg:$0x2] =	wrdreg s2  }
0xb0: {  	[dreg:$0x3] =	wrdreg s24  }
0xb1: {  	[dreg:$0x4] =	wrdreg s18  }
0xb2: {  	[dreg:$0x5] =	wrdreg $0x9  }
0xb3: {  	_ =	task.clear_ibuf [dreg:s8], $0x6FFFF;
	_ =	strace $0x90000046  }
0xb4: {  	s29 =	simm.s32 $0x9;
	_ =	strace $0x80000048  }
0xb5: {  	_ =	swait.ge [sflag:s29], $0x1  }
0xb6: {  	[sflag:s29] =	ssyncadd.s32 $0xFFFFFFFF  }
0xb7: {  	_ =	strace $0x90000048  }
0xb8: {  	_ =	sfence  }
0xb9: {  	s30 =	sld [smem:$0x0];
	_ =	sdelay $0x2  }
0xba: {  	s31 =	sshll.u32 s1, $0xD;
	s1 =	sshrl.u32 s1, $0x2  }
0xbb: {  	s3 =	sand.u32 $0x4000, s31;
	s1 =	sadd.s32 s1, s30  }
0xbc: {  	s0 =	sor.u32 s3, s0;
	s1 =	sshll.u32 s1, $0x11  }
0xbd: {  	s0 =	sor.u32 s1, s0  }
0xbe: {  	s0 =	sadd.s32 $0x8F2B, s0  }
0xbf: {  	[sflag:s0] =	ssyncadd.remote.s32 $0x1  }
0xc0: {  	_ =	sfence.sel $0xFFFF  }
0xc1: {  	[dreg:$0x0] =	wrdreg $0xFFFFFFFF;
	(pc) =	sbr.abs _section_cstart, $3  }
0xc2: {  	[dreg:$0x1] =	wrdreg $0xFFFFFFFF  }
0xc3: {  	_ =	task.clear_ibuf [dreg:s8], $0x2FFFF;
	_ =	strace $0x9FFFFFFF  }
0xc4: {  	(tm) =	ssettm $0x7FFFFFFF  }
0xc5: {  	_ =	shalt  }
tec
execute0_lowered:
.L_overlay_start_1:
0x0: {  	(tag) =	ssettag $0x1  }
0x1: {  	vm0 =	vmmov $0x1;
	vm1 =	vcmask $0x308  }
0x2: {  	vm2 =	vcmask $0x70C;
	vm3 =	vcmask $0xB10;
	vm4 =	vcmask $0xF14  }
0x3: {  	s0 =	rddreg [dreg:$0x0];
	vm5 =	vcmask $0x1318;
	vm6 =	vcmask $0x171C;
	vm7 =	vcmask $0x1B20  }
0x4: {  	s1 =	rddreg [dreg:$0x1];
	vm8 =	vcmask $0x1F24;
	vm9 =	vcmask $0x2328;
	v0 =	vlaneseq.u32  }
0x5: {  	s10 =	rddreg [dreg:$0x2];
	s3 =	srdreg.scid;
	vm10 =	vcmask $0x272C;
	vm11 =	vcmask $0x2B30;
	v0 =	vmul.u32 $0x55, v0  }
0x6: {  	s2 =	simm.s32 $0x0;
	s4 =	stileid.u32;
	vm12 =	vcmask $0x2F34;
	vm13 =	vcmask $0x3338;
	vm14 =	vcmask $0x373C;
	s21 =	simm.s32 $0x1  }
0x7: {  	vm15 =	vmmov $0x7fff;
	s22 =	simm.s32 $0x18700;
	s28 =	simm.s32 $0x18500;
	s29 =	simm.s32 $0x0;
	v1 =	vadd.s32 $0x1, v0;
	v2 =	vadd.s32 $0x2, v0  }
0x8: {  	s3 =	sand.u32 $0x1, s3;
	[smem:$0x7FF] =	sst s2;
	s4 =	sshll.u32 s4, $0x8;
	v3 =	vadd.s32 $0x3, v0;
	v4 =	vadd.s32 $0x4, v0;
	v5 =	vadd.s32 $0x5, v0  }
0x9: {  	s26 =	sadd.s32 $0x2A00, s1;
	s5 =	sshll.u32 s3, $0x7;
	_ =	strace $0x80000047;
	v6 =	vadd.s32 $0x6, v0;
	v7 =	vadd.s32 $0x7, v0;
	v8 =	vadd.s32 $0x8, v0  }
0xa: {  	s6 =	ssub.s32 $0x2, s3;
	[dreg:$0x4] =	wrdreg s26;
	s3 =	sadd.s32 $0x189400, s1;
	v9 =	vadd.s32 $0x9, v0;
	v10 =	vadd.s32 $0xA, v0;
	v11 =	vadd.s32 $0xB, v0  }
0xb: {  	s26 =	simm.s32 $0x18480;
	s11 =	sor.u32 s5, s4;
	s30 =	sshrl.u32 s6, $0x1;
	v12 =	vadd.s32 $0xC, v0;
	v13 =	vadd.s32 $0xD, v0;
	v14 =	vadd.s32 $0xE, v0  }
0xc: {  	v15 =	vadd.s32 $0xF, v0;
	v16 =	vadd.s32 $0x11, v0;
	v17 =	vadd.s32 $0x12, v0;
	s4 =	sshrl.u32 s11, $0x3;
	s31 =	ssub.s32 s6, s30;
	s10 =	sadd.s32 s10, s11  }
0xd: {  	v18 =	vadd.s32 $0x13, v0;
	v19 =	vadd.s32 $0x14, v0;
	v20 =	vadd.s32 $0x15, v0;
	s9 =	sadd.s32 s4, s1;
	s4 =	sadd.s32 s0, s4;
	s11 =	sadd.s32 $0x10, s10  }
0xe: {  	v21 =	vadd.s32 $0x16, v0;
	v22 =	vadd.s32 $0x17, v0;
	v23 =	vadd.s32 $0x18, v0;
	s12 =	sadd.s32 $0x20, s10;
	s13 =	sadd.s32 $0x30, s10;
	s14 =	sadd.s32 $0x40, s10  }
0xf: {  	v24 =	vadd.s32 $0x19, v0;
	v25 =	vadd.s32 $0x1A, v0;
	v26 =	vadd.s32 $0x1B, v0;
	s15 =	smax.u32 s31, $0x1;
	s5 =	sadd.s32 $0x2000, s9;
	s6 =	sadd.s32 $0x2200, s9  }
0x10: {  	v27 =	vadd.s32 $0x1C, v0;
	v28 =	vadd.s32 $0x1D, v0;
	v29 =	vadd.s32 $0x1E, v0;
	s7 =	sadd.s32 $0x2400, s9;
	s8 =	sadd.s32 $0x2600, s9;
	s9 =	sadd.s32 $0x2800, s9  }
.LBB2_1:
0x11: {  	[tilespmem:s2], [sflag:$0x1] =	stream.linear.gather [hbm4b:s4+s2], $0x80, $0x38;
	[tilespmem:$0x18C80] =	vst v63  }
0x12: {  	s0 =	simm.s32 $0x80  }
0x13: {  	[tilespmem:s0], [sflag:$0x1] =	stream.linear.gather [hbm4b:s5+s2], $0x80, $0x38;
	[tilespmem:$0x18C80] =	vst v63  }
0x14: {  	s17 =	simm.s32 $0x100  }
0x15: {  	[tilespmem:s17], [sflag:$0x1] =	stream.linear.gather [hbm4b:s6+s2], $0x80, $0x38;
	[tilespmem:$0x18C80] =	vst v63  }
0x16: {  	s18 =	simm.s32 $0x180  }
0x17: {  	[tilespmem:s18], [sflag:$0x1] =	stream.linear.gather [hbm4b:s7+s2], $0x80, $0x38;
	[tilespmem:$0x18C80] =	vst v63  }
0x18: {  	s19 =	simm.s32 $0x200  }
0x19: {  	[tilespmem:s19], [sflag:$0x1] =	stream.linear.gather [hbm4b:s8+s2], $0x80, $0x38;
	[tilespmem:$0x18C80] =	vst v63  }
0x1a: {  	s20 =	simm.s32 $0x280  }
0x1b: {  	[tilespmem:s20], [sflag:$0x1] =	stream.linear.gather [hbm4b:s9+s2], $0x80, $0x38;
	[tilespmem:$0x18C80] =	vst v63  }
0x1c: {  	_ =	swait.ge [sflag:s21], $0x80  }
0x1d: {  	[sflag:s21] =	ssyncset.done $0x0  }
0x1e: {  	[sflag:s21] =	ssyncadd.s32 $0xFFFFFF80  }
0x1f: {  	_ =	swait.ge [sflag:s21], $0x80  }
0x20: {  	[sflag:s21] =	ssyncset.done $0x0  }
0x21: {  	[sflag:s21] =	ssyncadd.s32 $0xFFFFFF80  }
0x22: {  	_ =	swait.ge [sflag:s21], $0x80  }
0x23: {  	[sflag:s21] =	ssyncset.done $0x0  }
0x24: {  	[sflag:s21] =	ssyncadd.s32 $0xFFFFFF80  }
0x25: {  	_ =	swait.ge [sflag:s21], $0x80  }
0x26: {  	[sflag:s21] =	ssyncset.done $0x0  }
0x27: {  	[sflag:s21] =	ssyncadd.s32 $0xFFFFFF80  }
0x28: {  	_ =	swait.ge [sflag:s21], $0x80  }
0x29: {  	[sflag:s21] =	ssyncset.done $0x0  }
0x2a: {  	[sflag:s21] =	ssyncadd.s32 $0xFFFFFF80  }
0x2b: {  	_ =	swait.ge [sflag:s21], $0x80  }
0x2c: {  	[sflag:s21] =	ssyncset.done $0x0  }
0x2d: {  	s31 =	simm.s32 $0x0;
	[sflag:s21] =	ssyncadd.s32 $0xFFFFFF80  }
0x2e: {  	v30 =	vld [tilespmem:s31+$0x0];
	_ =	sdelay $0x4  }
0x2f: {  	v31 =	vnsel vm0, $0x0, v30  }
0x30: {  	v32 =	vsel vm1, $0x0, v30;
	(xrf0) =	vadd.scan.msk.s32 $0xffff, v31  }
0x31: {  	v31 =	vsel vm2, $0x0, v30;
	(xrf0) =	vadd.scan.msk.s32 $0xffff, v32  }
0x32: {  	v60 =	vsel vm3, $0x0, v30;
	(xrf0) =	vadd.scan.msk.s32 $0xffff, v31  }
0x33: {  	v31 =	vsel vm4, $0x0, v30;
	(xrf0) =	vadd.scan.msk.s32 $0xffff, v60  }
0x34: {  	v61 =	vsel vm5, $0x0, v30;
	(xrf0) =	vadd.scan.msk.s32 $0xffff, v31  }
0x35: {  	v31 =	vsel vm6, $0x0, v30;
	(xrf0) =	vadd.scan.msk.s32 $0xffff, v61  }
0x36: {  	v62 =	vsel vm7, $0x0, v30;
	v33, _, _ =	vpop (xrf0);
	(xrf0) =	vadd.scan.msk.s32 $0xffff, v31  }
0x37: {  	v31 =	vsel vm8, $0x0, v30;
	v34, _, _ =	vpop (xrf0);
	(xrf0) =	vadd.scan.msk.s32 $0xffff, v62  }
0x38: {  	v63 =	vsel vm9, $0x0, v30;
	(v2sf) =	vpush v33, $0xF;
	v36, _, _ =	vpop (xrf0);
	(xrf0) =	vadd.scan.msk.s32 $0xffff, v31  }
0x39: {  	s30 =	simm.s32 $0x10;
	(v2sf) =	vpush v34, $0xF;
	v31 =	vsel vm10, $0x0, v30;
	v37, _, _ =	vpop (xrf0);
	(xrf0) =	vadd.scan.msk.s32 $0xffff, v63  }
0x3a: {  	v40 =	vld [tilespmem:s30+$0x0];
	v38 =	vsel vm13, $0x0, v30;
	(v2sf) =	vpush v36, $0xF;
	v39, _, _ =	vpop (xrf0);
	(xrf0) =	vadd.scan.msk.s32 $0xffff, v31;
	v31 =	vsel vm11, $0x0, v30  }
0x3b: {  	(v2sf) =	vpush v37, $0xF;
	v35, _, _ =	vpop (xrf0);
	(xrf0) =	vadd.scan.msk.s32 $0xffff, v38  }
0x3c: {  	v41 =	vsel vm12, $0x0, v30;
	(v2sf) =	vpush v39, $0xF;
	v42, _, _ =	vpop (xrf0);
	(xrf0) =	vadd.scan.msk.s32 $0xffff, v31  }
0x3d: {  	v43 =	vsel vm14, $0x0, v30;
	(v2sf) =	vpush v35, $0xF;
	v31, _, _ =	vpop (xrf0);
	(xrf0) =	vadd.scan.msk.s32 $0xffff, v41  }
0x3e: {  	v30 =	vsel vm15, $0x0, v30;
	(v2sf) =	vpush v42, $0xF;
	v44, _, _ =	vpop (xrf0);
	(xrf0) =	vadd.scan.msk.s32 $0xffff, v43  }
0x3f: {  	(v2sf) =	vpush v31, $0xF;
	v31, _, _ =	vpop (xrf0);
	(xrf0) =	vadd.scan.msk.s32 $0xffff, v30;
	v30 =	vnsel vm0, $0x0, v40;
	_ =	sdelay $0x1  }
0x40: {  	(v2sf) =	vpush v44, $0xF;
	v45, _, _ =	vpop (xrf0)  }
0x41: {  	v46 =	vsel vm1, $0x0, v40;
	(xrf0) =	vadd.scan.msk.s32 $0xffff, v30;
	(v2sf) =	vpush v45, $0xF;
	v30, _, _ =	vpop (xrf0)  }
0x42: {  	v47 =	vsel vm2, $0x0, v40;
	(xrf0) =	vadd.scan.msk.s32 $0xffff, v46;
	(v2sf) =	vpush v31, $0xF;
	v31, _, _ =	vpop (xrf0)  }
0x43: {  	v48 =	vsel vm3, $0x0, v40;
	(xrf0) =	vadd.scan.msk.s32 $0xffff, v47;
	(v2sf) =	vpush v31, $0xF;
	v31, _, _ =	vpop (xrf0)  }
0x44: {  	v49 =	vsel vm4, $0x0, v40;
	(xrf0) =	vadd.scan.msk.s32 $0xffff, v48;
	(v2sf) =	vpush v31, $0xF  }
0x45: {  	v31 =	vsel vm5, $0x0, v40;
	v50, _, _ =	vpop (xrf0);
	(xrf0) =	vadd.scan.msk.s32 $0xffff, v49;
	(v2sf) =	vpush v30, $0xF  }
0x46: {  	v30 =	vsel vm6, $0x0, v40;
	v51, _, _ =	vpop (xrf0);
	(xrf0) =	vadd.scan.msk.s32 $0xffff, v31;
	v31 =	vsel vm7, $0x0, v40;
	(v2sf) =	vpush v50, $0xF  }
0x47: {  	s23 =	spop (v2sf);
	v52, _, _ =	vpop (xrf0);
	(xrf0) =	vadd.scan.msk.s32 $0xffff, v30;
	(v2sf) =	vpush v51, $0xF  }
0x48: {  	s1 =	spop (v2sf);
	v30 =	vsel vm8, $0x0, v40;
	[smem:s31] =	sst s23;
	v53, _, _ =	vpop (xrf0);
	(xrf0) =	vadd.scan.msk.s32 $0xffff, v31;
	(v2sf) =	vpush v52, $0xF  }
0x49: {  	s24 =	spop (v2sf);
	v31, _, _ =	vpop (xrf0);
	(xrf0) =	vadd.scan.msk.s32 $0xffff, v30;
	v30 =	vsel vm9, $0x0, v40;
	(v2sf) =	vpush v53, $0xF;
	[smem:$0x1] =	sst s1  }
0x4a: {  	s1 =	spop (v2sf);
	(v2sf) =	vpush v31, $0xF;
	v31, _, _ =	vpop (xrf0);
	(xrf0) =	vadd.scan.msk.s32 $0xffff, v30;
	v30 =	vsel vm10, $0x0, v40;
	[smem:$0x2] =	sst s24  }
0x4b: {  	s0 =	simm.s32 $0x20;
	v54 =	vsel vm13, $0x0, v40;
	s16 =	spop (v2sf);
	(v2sf) =	vpush v31, $0xF;
	v31, _, _ =	vpop (xrf0);
	(xrf0) =	vadd.scan.msk.s32 $0xffff, v30;
	[smem:$0x3] =	sst s1  }
0x4c: {  	v55 =	vsel vm11, $0x0, v40;
	s1 =	spop (v2sf);
	v30 =	vld [tilespmem:s0+$0x0];
	(v2sf) =	vpush v31, $0xF;
	v31, _, _ =	vpop (xrf0);
	(xrf0) =	vadd.scan.msk.s32 $0xffff, v54;
	[smem:$0x4] =	sst s16  }
0x4d: {  	v56 =	vsel vm12, $0x0, v40;
	s16 =	spop (v2sf);
	(v2sf) =	vpush v31, $0xF;
	v31, _, _ =	vpop (xrf0);
	(xrf0) =	vadd.scan.msk.s32 $0xffff, v55;
	[smem:$0x5] =	sst s1  }
0x4e: {  	v57 =	vsel vm14, $0x0, v40;
	s1 =	spop (v2sf);
	(v2sf) =	vpush v31, $0xF;
	v31, _, _ =	vpop (xrf0);
	(xrf0) =	vadd.scan.msk.s32 $0xffff, v56;
	[smem:$0x6] =	sst s16  }
0x4f: {  	v58 =	vsel vm15, $0x0, v40;
	s16 =	spop (v2sf);
	(v2sf) =	vpush v31, $0xF;
	v31, _, _ =	vpop (xrf0);
	(xrf0) =	vadd.scan.msk.s32 $0xffff, v57;
	[smem:$0x7] =	sst s1  }
0x50: {  	(v2sf) =	vpush v31, $0xF;
	v31, _, _ =	vpop (xrf0);
	(xrf0) =	vadd.scan.msk.s32 $0xffff, v58;
	[smem:$0x8] =	sst s16  }
0x51: {  	s25 =	spop (v2sf)  }
0x52: {  	v59 =	vnsel vm0, $0x0, v30;
	v60, _, _ =	vpop (xrf0);
	s16 =	spop (v2sf)  }
0x53: {  	v61 =	vsel vm1, $0x0, v30;
	(xrf0) =	vadd.scan.msk.s32 $0xffff, v59;
	(v2sf) =	vpush v60, $0xF;
	v35, _, _ =	vpop (xrf0);
	[smem:$0x9] =	sst s16  }
0x54: {  	v62 =	vsel vm2, $0x0, v30;
	v63 =	vsel vm3, $0x0, v30;
	s16 =	spop (v2sf);
	(xrf0) =	vadd.scan.msk.s32 $0xffff, v61;
	(v2sf) =	vpush v31, $0xF;
	v31, _, _ =	vpop (xrf0);
	[smem:$0xA] =	sst s25  }
0x55: {  	v37 =	vsel vm4, $0x0, v30;
	v36 =	vsel vm6, $0x0, v30;
	s1 =	spop (v2sf);
	(xrf0) =	vadd.scan.msk.s32 $0xffff, v62;
	(v2sf) =	vpush v31, $0xF;
	v31, _, _ =	vpop (xrf0);
	[smem:$0xB] =	sst s16  }
0x56: {  	v34 =	vsel vm7, $0x0, v30;
	v38 =	vsel vm5, $0x0, v30;
	s16 =	spop (v2sf);
	(xrf0) =	vadd.scan.msk.s32 $0xffff, v63;
	(v2sf) =	vpush v31, $0xF;
	v39, _, _ =	vpop (xrf0);
	[smem:$0xC] =	sst s1  }
0x57: {  	s18 =	simm.s32 $0xC0;
	v33 =	vsel vm9, $0x0, v30;
	v32 =	vsel vm11, $0x0, v30;
	v31 =	vsel vm12, $0x0, v30;
	s17 =	spop (v2sf)  }
.LBB2_2:
0x58: {  	[smem:s31+$0xD] =	sst s16  }
0x59: {  	v40 =	vsel vm13, $0x0, v30;
	v41 =	vsel vm14, $0x0, v30;
	(xrf0) =	vadd.scan.msk.s32 $0xffff, v37;
	(v2sf) =	vpush v35, $0xF;
	v35, _, _ =	vpop (xrf0);
	s16 =	spop (v2sf);
	s19 =	smov.u32 s18;
	s1 =	sadd.s32 $0x40, s18  }
0x5a: {  	p0 =	sne.s32 s18, $0x1C0;
	v37 =	vsel vm15, $0x0, v30;
	(xrf0) =	vadd.scan.msk.s32 $0xffff, v38;
	s18 =	spop (v2sf);
	(v2sf) =	vpush v39, $0xF;
	[smem:s31+$0xE] =	sst s17  }
0x5b: {  	v38, _, _ =	vpop (xrf0);
	(xrf0) =	vadd.scan.msk.s32 $0xffff, v36;
	s17 =	spop (v2sf);
	(v2sf) =	vpush v35, $0xF;
	[smem:s31+$0xF] =	sst s16;
	s31 =	smov.u32 s30  }
0x5c: {  	v35 =	vsel vm8, $0x0, v30;
	s30 =	smov.u32 s0;
	(v2sf) =	vpush v38, $0xF;
	v36, _, _ =	vpop (xrf0);
	(xrf0) =	vadd.scan.msk.s32 $0xffff, v34;
	[smem:s31] =	sst s18;
	s16 =	spop (v2sf)  }
0x5d: {  	(v2sf) =	vpush v36, $0xF;
	v34, _, _ =	vpop (xrf0);
	(xrf0) =	vadd.scan.msk.s32 $0xffff, v35;
	[smem:s31+$0x1] =	sst s17;
	s17 =	spop (v2sf)  }
0x5e: {  	v30 =	vsel vm10, $0x0, v30;
	(v2sf) =	vpush v34, $0xF;
	v34, _, _ =	vpop (xrf0);
	(xrf0) =	vadd.scan.msk.s32 $0xffff, v33;
	[smem:s31+$0x2] =	sst s16;
	s16 =	spop (v2sf)  }
0x5f: {  	s0 =	sshra.s32 s19, $0x2;
	(v2sf) =	vpush v34, $0xF;
	v33, _, _ =	vpop (xrf0);
	(xrf0) =	vadd.scan.msk.s32 $0xffff, v30;
	[smem:s31+$0x3] =	sst s17;
	s17 =	spop (v2sf)  }
0x60: {  	v30 =	vld [tilespmem:s0+$0x0];
	(v2sf) =	vpush v33, $0xF;
	v33, _, _ =	vpop (xrf0);
	(xrf0) =	vadd.scan.msk.s32 $0xffff, v40;
	[smem:s31+$0x4] =	sst s16;
	s16 =	spop (v2sf)  }
0x61: {  	(v2sf) =	vpush v33, $0xF;
	v33, _, _ =	vpop (xrf0);
	(xrf0) =	vadd.scan.msk.s32 $0xffff, v32;
	[smem:s31+$0x5] =	sst s17;
	s17 =	spop (v2sf)  }
0x62: {  	(v2sf) =	vpush v33, $0xF;
	v32, _, _ =	vpop (xrf0);
	(xrf0) =	vadd.scan.msk.s32 $0xffff, v31;
	[smem:s31+$0x6] =	sst s16;
	s16 =	spop (v2sf)  }
0x63: {  	(v2sf) =	vpush v32, $0xF;
	v31, _, _ =	vpop (xrf0);
	(xrf0) =	vadd.scan.msk.s32 $0xffff, v41;
	[smem:s31+$0x7] =	sst s17  }
0x64: {  	(v2sf) =	vpush v31, $0xF;
	v31, _, _ =	vpop (xrf0);
	(xrf0) =	vadd.scan.msk.s32 $0xffff, v37;
	[smem:s31+$0x8] =	sst s16;
	s16 =	spop (v2sf)  }
.Ltmp0:
0x65: {  	v32 =	vnsel vm0, $0x0, v30;
	v33 =	vsel vm1, $0x0, v30;
	v39 =	vsel vm2, $0x0, v30;
	v34, _, _ =	vpop (xrf0);
	s17 =	spop (v2sf);
	(pc) =	sbr.rel @p0 .LBB2_2-.Ltmp0, $4  }
0x66: {  	v40 =	vsel vm3, $0x0, v30;
	v37 =	vsel vm4, $0x0, v30;
	(xrf0) =	vadd.scan.msk.s32 $0xffff, v32;
	(v2sf) =	vpush v34, $0xF;
	v35, _, _ =	vpop (xrf0);
	[smem:s31+$0x9] =	sst s17;
	s17 =	spop (v2sf)  }
0x67: {  	v36 =	vsel vm6, $0x0, v30;
	v34 =	vsel vm7, $0x0, v30;
	(xrf0) =	vadd.scan.msk.s32 $0xffff, v33;
	(v2sf) =	vpush v31, $0xF;
	v31, _, _ =	vpop (xrf0);
	[smem:s31+$0xA] =	sst s16;
	s18 =	spop (v2sf)  }
0x68: {  	v38 =	vsel vm5, $0x0, v30;
	v33 =	vsel vm9, $0x0, v30;
	(xrf0) =	vadd.scan.msk.s32 $0xffff, v39;
	(v2sf) =	vpush v31, $0xF;
	v39, _, _ =	vpop (xrf0);
	[smem:s31+$0xB] =	sst s17;
	s16 =	spop (v2sf)  }
0x69: {  	v32 =	vsel vm11, $0x0, v30;
	v31 =	vsel vm12, $0x0, v30;
	(xrf0) =	vadd.scan.msk.s32 $0xffff, v40;
	(v2sf) =	vpush v39, $0xF;
	v39, _, _ =	vpop (xrf0);
	[smem:s31+$0xC] =	sst s18;
	s17 =	spop (v2sf);
	s18 =	smov.u32 s1  }
0x6a: {  	(xrf0) =	vadd.scan.msk.s32 $0xffff, v37  }
0x6b: {  	(v2sf) =	vpush v35, $0xF;
	v48, _, _ =	vpop (xrf0);
	(xrf0) =	vadd.scan.msk.s32 $0xffff, v38  }
0x6c: {  	[smem:s31+$0xD] =	sst s16;
	s1 =	spop (v2sf);
	(v2sf) =	vpush v39, $0xF;
	v49, _, _ =	vpop (xrf0);
	(xrf0) =	vadd.scan.msk.s32 $0xffff, v36  }
0x6d: {  	v50 =	vsel vm8, $0x0, v30;
	s20 =	spop (v2sf);
	[smem:s31+$0xE] =	sst s17;
	(v2sf) =	vpush v48, $0xF;
	v51, _, _ =	vpop (xrf0);
	(xrf0) =	vadd.scan.msk.s32 $0xffff, v34  }
0x6e: {  	s23 =	spop (v2sf);
	[smem:s31+$0xF] =	sst s1;
	(v2sf) =	vpush v49, $0xF;
	v52, _, _ =	vpop (xrf0);
	(xrf0) =	vadd.scan.msk.s32 $0xffff, v50  }
0x6f: {  	v53 =	vsel vm10, $0x0, v30;
	[smem:s30] =	sst s20;
	s24 =	spop (v2sf);
	(v2sf) =	vpush v51, $0xF;
	v54, _, _ =	vpop (xrf0);
	(xrf0) =	vadd.scan.msk.s32 $0xffff, v33  }
0x70: {  	v56 =	vsel vm13, $0x0, v30;
	[smem:s30+$0x1] =	sst s23;
	s25 =	spop (v2sf);
	(v2sf) =	vpush v52, $0xF;
	v55, _, _ =	vpop (xrf0);
	(xrf0) =	vadd.scan.msk.s32 $0xffff, v53  }
0x71: {  	[smem:s30+$0x2] =	sst s24;
	s17 =	spop (v2sf);
	(v2sf) =	vpush v54, $0xF;
	v57, _, _ =	vpop (xrf0);
	(xrf0) =	vadd.scan.msk.s32 $0xffff, v56  }
0x72: {  	[smem:s30+$0x3] =	sst s25;
	s18 =	spop (v2sf);
	(v2sf) =	vpush v55, $0xF;
	v58, _, _ =	vpop (xrf0);
	(xrf0) =	vadd.scan.msk.s32 $0xffff, v32  }
0x73: {  	[smem:s30+$0x4] =	sst s17;
	s19 =	spop (v2sf);
	(v2sf) =	vpush v57, $0xF;
	v59, _, _ =	vpop (xrf0);
	(xrf0) =	vadd.scan.msk.s32 $0xffff, v31  }
0x74: {  	v60 =	vsel vm14, $0x0, v30;
	v30 =	vsel vm15, $0x0, v30;
	[smem:s30+$0x5] =	sst s18;
	s20 =	spop (v2sf);
	(v2sf) =	vpush v58, $0xF;
	v31, _, _ =	vpop (xrf0)  }
0x75: {  	[smem:s30+$0x6] =	sst s19;
	s23 =	spop (v2sf);
	(v2sf) =	vpush v59, $0xF;
	v61, _, _ =	vpop (xrf0)  }
0x76: {  	(xrf0) =	vadd.scan.msk.s32 $0xffff, v60;
	[smem:s30+$0x7] =	sst s20;
	(v2sf) =	vpush v31, $0xF;
	s24 =	spop (v2sf);
	v31, _, _ =	vpop (xrf0)  }
0x77: {  	(xrf0) =	vadd.scan.msk.s32 $0xffff, v30;
	[smem:s30+$0x8] =	sst s23;
	s25 =	spop (v2sf);
	(v2sf) =	vpush v31, $0xF;
	v30, _, _ =	vpop (xrf0)  }
0x78: {  	[smem:s30+$0x9] =	sst s25;
	s17 =	spop (v2sf);
	(v2sf) =	vpush v61, $0xF;
	v31, _, _ =	vpop (xrf0)  }
0x79: {  	[smem:s30+$0xA] =	sst s24;
	s18 =	spop (v2sf);
	(v2sf) =	vpush v31, $0xF;
	v31, _, _ =	vpop (xrf0)  }
0x7a: {  	[smem:s30+$0xB] =	sst s17;
	s19 =	spop (v2sf);
	(v2sf) =	vpush v31, $0xF  }
0x7b: {  	[smem:s30+$0xC] =	sst s18;
	s20 =	spop (v2sf)  }
0x7c: {  	v31, _, _ =	vpop (xrf0);
	(v2sf) =	vpush v30, $0xF;
	[smem:s30+$0xD] =	sst s19;
	s23 =	spop (v2sf)  }
0x7d: {  	v30, _, _ =	vpop (xrf0);
	s24 =	spop (v2sf);
	(v2sf) =	vpush v31, $0xF;
	[smem:s30+$0xE] =	sst s20  }
0x7e: {  	s25 =	spop (v2sf);
	(v2sf) =	vpush v30, $0xF;
	[smem:s30+$0xF] =	sst s23  }
0x7f: {  	[smem:s0] =	sst s24;
	s17 =	spop (v2sf)  }
0x80: {  	[smem:s0+$0x1] =	sst s25;
	s18 =	spop (v2sf)  }
0x81: {  	[smem:s0+$0x2] =	sst s17;
	s19 =	spop (v2sf)  }
0x82: {  	[smem:s0+$0x3] =	sst s18;
	s20 =	spop (v2sf)  }
0x83: {  	[smem:s0+$0x4] =	sst s19;
	s23 =	spop (v2sf)  }
0x84: {  	s31 =	simm.s32 $0x0;
	[smem:s0+$0x5] =	sst s20;
	s24 =	spop (v2sf)  }
0x85: {  	v30 =	vld [tilespmem:s31+$0x80];
	[smem:s0+$0x6] =	sst s23;
	s25 =	spop (v2sf)  }
0x86: {  	[smem:s0+$0x7] =	sst s24;
	s17 =	spop (v2sf)  }
0x87: {  	[smem:s0+$0x8] =	sst s25;
	s18 =	spop (v2sf)  }
0x88: {  	[smem:s0+$0x9] =	sst s18;
	s19 =	spop (v2sf)  }
0x89: {  	p2 =	por $0x1, $0x1;
	[smem:s0+$0xA] =	sst s17;
	s20 =	spop (v2sf)  }
.Ltmp1:
0x8a: {  	v31 =	vnsel vm0, $0x0, v30;
	[smem:s0+$0xB] =	sst s19;
	(pc) =	sbr.rel @!p2 .LBB2_4-.Ltmp1, $4  }
0x8b: {  	v62 =	vsel vm1, $0x0, v30;
	(xrf0) =	vadd.scan.msk.s32 $0xffff, v31;
	s23 =	spop (v2sf);
	[smem:s0+$0xC] =	sst s20  }
0x8c: {  	v63 =	vsel vm3, $0x0, v30;
	v36 =	vsel vm4, $0x0, v30;
	v31 =	vsel vm2, $0x0, v30;
	(xrf0) =	vadd.scan.msk.s32 $0xffff, v62;
	s24 =	spop (v2sf);
	[smem:s0+$0xD] =	sst s23  }
0x8d: {  	p0 =	por $0x0, $0x0;
	v35 =	vsel vm6, $0x0, v30;
	v34 =	vsel vm7, $0x0, v30;
	v38 =	vsel vm5, $0x0, v30;
	(xrf0) =	vadd.scan.msk.s32 $0xffff, v31;
	s25 =	spop (v2sf);
	[smem:s0+$0xE] =	sst s24  }
0x8e: {  	p1 =	por $0x0, $0x0;
	s30 =	simm.s32 $0x0;
	v33 =	vsel vm9, $0x0, v30;
	v32 =	vsel vm11, $0x0, v30;
	v31 =	vsel vm12, $0x0, v30;
	(xrf0) =	vadd.scan.msk.s32 $0xffff, v63;
	[smem:s0+$0xF] =	sst s25  }
0x8f: {  	(xrf0) =	vadd.scan.msk.s32 $0xffff, v36  }
0x90: {  	(xrf0) =	vadd.scan.msk.s32 $0xffff, v38  }
0x91: {  	v48, _, _ =	vpop (xrf0);
	(xrf0) =	vadd.scan.msk.s32 $0xffff, v35  }
0x92: {  	v49 =	vsel vm8, $0x0, v30;
	(v2sf) =	vpush v48, $0xF;
	v50, _, _ =	vpop (xrf0);
	(xrf0) =	vadd.scan.msk.s32 $0xffff, v34  }
0x93: {  	(v2sf) =	vpush v50, $0xF;
	v51, _, _ =	vpop (xrf0);
	(xrf0) =	vadd.scan.msk.s32 $0xffff, v49  }
0x94: {  	v53 =	vsel vm10, $0x0, v30;
	(v2sf) =	vpush v51, $0xF;
	v54, _, _ =	vpop (xrf0);
	(xrf0) =	vadd.scan.msk.s32 $0xffff, v33  }
0x95: {  	v52 =	vsel vm13, $0x0, v30;
	s0 =	simm.s32 $0x10;
	(v2sf) =	vpush v54, $0xF;
	v56, _, _ =	vpop (xrf0);
	(xrf0) =	vadd.scan.msk.s32 $0xffff, v53  }
0x96: {  	v55 =	vsel vm14, $0x0, v30;
	v37 =	vsel vm15, $0x0, v30;
	v30 =	vld [tilespmem:s0+$0x80];
	(v2sf) =	vpush v56, $0xF;
	v57, _, _ =	vpop (xrf0);
	(xrf0) =	vadd.scan.msk.s32 $0xffff, v52  }
0x97: {  	(v2sf) =	vpush v57, $0xF;
	v58, _, _ =	vpop (xrf0);
	(xrf0) =	vadd.scan.msk.s32 $0xffff, v32  }
0x98: {  	(v2sf) =	vpush v58, $0xF;
	v59, _, _ =	vpop (xrf0);
	(xrf0) =	vadd.scan.msk.s32 $0xffff, v31  }
0x99: {  	(v2sf) =	vpush v59, $0xF;
	v31, _, _ =	vpop (xrf0);
	(xrf0) =	vadd.scan.msk.s32 $0xffff, v55  }
0x9a: {  	p2 =	por $0x1, $0x1;
	(v2sf) =	vpush v31, $0xF;
	v31, _, _ =	vpop (xrf0)  }
.Ltmp2:
0x9b: {  	v60 =	vnsel vm0, $0x0, v30;
	v61 =	vsel vm1, $0x0, v30;
	v39 =	vsel vm2, $0x0, v30;
	(xrf0) =	vadd.scan.msk.s32 $0xffff, v37;
	v62, _, _ =	vpop (xrf0);
	(pc) =	sbr.rel @!p2 .LBB2_6-.Ltmp2, $4  }
0x9c: {  	v40 =	vsel vm3, $0x0, v30;
	v36 =	vsel vm4, $0x0, v30;
	(xrf0) =	vadd.scan.msk.s32 $0xffff, v60;
	(v2sf) =	vpush v62, $0xF;
	v37, _, _ =	vpop (xrf0)  }
0x9d: {  	v35 =	vsel vm6, $0x0, v30;
	v34 =	vsel vm7, $0x0, v30;
	(xrf0) =	vadd.scan.msk.s32 $0xffff, v61;
	(v2sf) =	vpush v31, $0xF;
	v31, _, _ =	vpop (xrf0)  }
0x9e: {  	v38 =	vsel vm5, $0x0, v30;
	v33 =	vsel vm9, $0x0, v30;
	(xrf0) =	vadd.scan.msk.s32 $0xffff, v39;
	(v2sf) =	vpush v31, $0xF;
	v63, _, _ =	vpop (xrf0)  }
0x9f: {  	p0 =	por $0x1, $0x1;
	v32 =	vsel vm11, $0x0, v30;
	v31 =	vsel vm12, $0x0, v30;
	(xrf0) =	vadd.scan.msk.s32 $0xffff, v40;
	(v2sf) =	vpush v63, $0xF;
	v39, _, _ =	vpop (xrf0)  }
0xa0: {  	(xrf0) =	vadd.scan.msk.s32 $0xffff, v36;
	(v2sf) =	vpush v37, $0xF  }
0xa1: {  	v45, _, _ =	vpop (xrf0);
	(xrf0) =	vadd.scan.msk.s32 $0xffff, v38;
	(v2sf) =	vpush v39, $0xF  }
0xa2: {  	s1 =	spop (v2sf);
	v46, _, _ =	vpop (xrf0);
	(xrf0) =	vadd.scan.msk.s32 $0xffff, v35;
	(v2sf) =	vpush v45, $0xF  }
0xa3: {  	v48 =	vsel vm8, $0x0, v30;
	s16 =	spop (v2sf);
	(v2sf) =	vpush v46, $0xF;
	v47, _, _ =	vpop (xrf0);
	(xrf0) =	vadd.scan.msk.s32 $0xffff, v34;
	[smem:$0x80] =	sst s1  }
0xa4: {  	s1 =	spop (v2sf);
	(v2sf) =	vpush v47, $0xF;
	v49, _, _ =	vpop (xrf0);
	(xrf0) =	vadd.scan.msk.s32 $0xffff, v48;
	[smem:$0x81] =	sst s16  }
0xa5: {  	v51 =	vsel vm10, $0x0, v30;
	s16 =	spop (v2sf);
	(v2sf) =	vpush v49, $0xF;
	v50, _, _ =	vpop (xrf0);
	(xrf0) =	vadd.scan.msk.s32 $0xffff, v33;
	[smem:$0x82] =	sst s1  }
0xa6: {  	v53 =	vsel vm13, $0x0, v30;
	s1 =	simm.s32 $0x20;
	s17 =	spop (v2sf);
	(v2sf) =	vpush v50, $0xF;
	v52, _, _ =	vpop (xrf0);
	(xrf0) =	vadd.scan.msk.s32 $0xffff, v51;
	[smem:$0x83] =	sst s16  }
0xa7: {  	v54 =	vsel vm14, $0x0, v30;
	v55 =	vsel vm15, $0x0, v30;
	s16 =	spop (v2sf);
	v30 =	vld [tilespmem:s1+$0x80];
	(v2sf) =	vpush v52, $0xF;
	v56, _, _ =	vpop (xrf0);
	(xrf0) =	vadd.scan.msk.s32 $0xffff, v53;
	[smem:$0x84] =	sst s17  }
0xa8: {  	s17 =	spop (v2sf);
	(v2sf) =	vpush v56, $0xF;
	v57, _, _ =	vpop (xrf0);
	(xrf0) =	vadd.scan.msk.s32 $0xffff, v32;
	[smem:$0x85] =	sst s16  }
0xa9: {  	s16 =	spop (v2sf);
	(v2sf) =	vpush v57, $0xF;
	v58, _, _ =	vpop (xrf0);
	(xrf0) =	vadd.scan.msk.s32 $0xffff, v31;
	[smem:$0x86] =	sst s17  }
0xaa: {  	s17 =	spop (v2sf);
	(v2sf) =	vpush v58, $0xF;
	v31, _, _ =	vpop (xrf0);
	(xrf0) =	vadd.scan.msk.s32 $0xffff, v54;
	[smem:$0x87] =	sst s16  }
0xab: {  	(v2sf) =	vpush v31, $0xF;
	v31, _, _ =	vpop (xrf0);
	(xrf0) =	vadd.scan.msk.s32 $0xffff, v55;
	[smem:$0x88] =	sst s17  }
0xac: {  	s25 =	spop (v2sf)  }
0xad: {  	p2 =	por $0x1, $0x1;
	v59 =	vnsel vm0, $0x0, v30;
	v60, _, _ =	vpop (xrf0);
	s17 =	spop (v2sf)  }
.Ltmp3:
0xae: {  	v61 =	vsel vm1, $0x0, v30;
	(xrf0) =	vadd.scan.msk.s32 $0xffff, v59;
	(v2sf) =	vpush v60, $0xF;
	v37, _, _ =	vpop (xrf0);
	[smem:$0x89] =	sst s17;
	(pc) =	sbr.rel @!p2 .LBB2_8-.Ltmp3, $4  }
0xaf: {  	v62 =	vsel vm2, $0x0, v30;
	v63 =	vsel vm3, $0x0, v30;
	s17 =	spop (v2sf);
	(xrf0) =	vadd.scan.msk.s32 $0xffff, v61;
	(v2sf) =	vpush v31, $0xF;
	v31, _, _ =	vpop (xrf0);
	[smem:$0x8A] =	sst s25  }
0xb0: {  	v36 =	vsel vm4, $0x0, v30;
	v35 =	vsel vm6, $0x0, v30;
	s16 =	spop (v2sf);
	(xrf0) =	vadd.scan.msk.s32 $0xffff, v62;
	(v2sf) =	vpush v31, $0xF;
	v31, _, _ =	vpop (xrf0);
	[smem:$0x8B] =	sst s17  }
0xb1: {  	v34 =	vsel vm7, $0x0, v30;
	v38 =	vsel vm5, $0x0, v30;
	s17 =	spop (v2sf);
	(xrf0) =	vadd.scan.msk.s32 $0xffff, v63;
	(v2sf) =	vpush v31, $0xF;
	v39, _, _ =	vpop (xrf0);
	[smem:$0x8C] =	sst s16  }
0xb2: {  	p1 =	por $0x1, $0x1;
	v33 =	vsel vm9, $0x0, v30;
	v32 =	vsel vm11, $0x0, v30;
	s16 =	simm.s32 $0xC0;
	v31 =	vsel vm12, $0x0, v30;
	s18 =	spop (v2sf)  }
.LBB2_9:
0xb3: {  	[smem:s31+$0x8D] =	sst s17  }
0xb4: {  	v40 =	vsel vm13, $0x0, v30;
	v41 =	vsel vm14, $0x0, v30;
	(xrf0) =	vadd.scan.msk.s32 $0xffff, v36;
	(v2sf) =	vpush v37, $0xF;
	v36, _, _ =	vpop (xrf0);
	s17 =	spop (v2sf);
	s20 =	smov.u32 s16;
	s19 =	sadd.s32 $0x40, s16  }
0xb5: {  	p2 =	sne.s32 s16, $0x9C0;
	v37 =	vsel vm15, $0x0, v30;
	(xrf0) =	vadd.scan.msk.s32 $0xffff, v38;
	s16 =	spop (v2sf);
	(v2sf) =	vpush v39, $0xF;
	[smem:s31+$0x8E] =	sst s18  }
0xb6: {  	v38, _, _ =	vpop (xrf0);
	(xrf0) =	vadd.scan.msk.s32 $0xffff, v35;
	s18 =	spop (v2sf);
	(v2sf) =	vpush v36, $0xF;
	[smem:s31+$0x8F] =	sst s17;
	s31 =	smov.u32 s0  }
0xb7: {  	v35 =	vsel vm8, $0x0, v30;
	s0 =	smov.u32 s1;
	(v2sf) =	vpush v38, $0xF;
	v36, _, _ =	vpop (xrf0);
	(xrf0) =	vadd.scan.msk.s32 $0xffff, v34;
	[smem:s31+$0x80] =	sst s16;
	s16 =	spop (v2sf)  }
0xb8: {  	(v2sf) =	vpush v36, $0xF;
	v34, _, _ =	vpop (xrf0);
	(xrf0) =	vadd.scan.msk.s32 $0xffff, v35;
	[smem:s31+$0x81] =	sst s18;
	s17 =	spop (v2sf)  }
0xb9: {  	v30 =	vsel vm10, $0x0, v30;
	(v2sf) =	vpush v34, $0xF;
	v34, _, _ =	vpop (xrf0);
	(xrf0) =	vadd.scan.msk.s32 $0xffff, v33;
	[smem:s31+$0x82] =	sst s16;
	s16 =	spop (v2sf)  }
0xba: {  	s1 =	sshra.s32 s20, $0x2;
	(v2sf) =	vpush v34, $0xF;
	v33, _, _ =	vpop (xrf0);
	(xrf0) =	vadd.scan.msk.s32 $0xffff, v30;
	[smem:s31+$0x83] =	sst s17;
	s17 =	spop (v2sf)  }
0xbb: {  	v30 =	vld [tilespmem:s1+$0x80];
	(v2sf) =	vpush v33, $0xF;
	v33, _, _ =	vpop (xrf0);
	(xrf0) =	vadd.scan.msk.s32 $0xffff, v40;
	[smem:s31+$0x84] =	sst s16;
	s16 =	spop (v2sf)  }
0xbc: {  	(v2sf) =	vpush v33, $0xF;
	v33, _, _ =	vpop (xrf0);
	(xrf0) =	vadd.scan.msk.s32 $0xffff, v32;
	[smem:s31+$0x85] =	sst s17;
	s17 =	spop (v2sf)  }
0xbd: {  	(v2sf) =	vpush v33, $0xF;
	v32, _, _ =	vpop (xrf0);
	(xrf0) =	vadd.scan.msk.s32 $0xffff, v31;
	[smem:s31+$0x86] =	sst s16;
	s16 =	spop (v2sf)  }
0xbe: {  	(v2sf) =	vpush v32, $0xF;
	v31, _, _ =	vpop (xrf0);
	(xrf0) =	vadd.scan.msk.s32 $0xffff, v41;
	[smem:s31+$0x87] =	sst s17  }
0xbf: {  	(v2sf) =	vpush v31, $0xF;
	v31, _, _ =	vpop (xrf0);
	(xrf0) =	vadd.scan.msk.s32 $0xffff, v37;
	[smem:s31+$0x88] =	sst s16;
	s16 =	spop (v2sf)  }
.Ltmp4:
0xc0: {  	v32 =	vnsel vm0, $0x0, v30;
	v33 =	vsel vm1, $0x0, v30;
	v39 =	vsel vm2, $0x0, v30;
	v34, _, _ =	vpop (xrf0);
	s17 =	spop (v2sf);
	(pc) =	sbr.rel @p2 .LBB2_9-.Ltmp4, $4  }
0xc1: {  	v40 =	vsel vm3, $0x0, v30;
	v36 =	vsel vm4, $0x0, v30;
	(xrf0) =	vadd.scan.msk.s32 $0xffff, v32;
	(v2sf) =	vpush v34, $0xF;
	v37, _, _ =	vpop (xrf0);
	[smem:s31+$0x89] =	sst s17;
	s17 =	spop (v2sf)  }
0xc2: {  	v35 =	vsel vm6, $0x0, v30;
	v34 =	vsel vm7, $0x0, v30;
	(xrf0) =	vadd.scan.msk.s32 $0xffff, v33;
	(v2sf) =	vpush v31, $0xF;
	v31, _, _ =	vpop (xrf0);
	[smem:s31+$0x8A] =	sst s16;
	s16 =	spop (v2sf)  }
0xc3: {  	v38 =	vsel vm5, $0x0, v30;
	v33 =	vsel vm9, $0x0, v30;
	(xrf0) =	vadd.scan.msk.s32 $0xffff, v39;
	(v2sf) =	vpush v31, $0xF;
	v39, _, _ =	vpop (xrf0);
	[smem:s31+$0x8B] =	sst s17;
	s17 =	spop (v2sf)  }
0xc4: {  	v32 =	vsel vm11, $0x0, v30;
	v31 =	vsel vm12, $0x0, v30;
	(xrf0) =	vadd.scan.msk.s32 $0xffff, v40;
	(v2sf) =	vpush v39, $0xF;
	v39, _, _ =	vpop (xrf0);
	[smem:s31+$0x8C] =	sst s16;
	s18 =	spop (v2sf);
	s16 =	smov.u32 s19  }
0xc5: {  	s16 =	smov.u32 s31;
	s31 =	smov.u32 s1  }
.LBB2_11:
0xc6: {  	(xrf0) =	vadd.scan.msk.s32 $0xffff, v36  }
0xc7: {  	(v2sf) =	vpush @p0 v37, $0xF;
	[smem:s16+$0x8D] =	sst @p1 s17;
	s1 =	spop @p1 (v2sf);
	v36, _, _ =	vpop @p0 (xrf0);
	(xrf0) =	vadd.scan.msk.s32 $0xffff, v38  }
0xc8: {  	s17 =	spop @p0 (v2sf);
	(v2sf) =	vpush @p0 v39, $0xF;
	[smem:s16+$0x8E] =	sst @p1 s18;
	v51, _, _ =	vpop (xrf0);
	(xrf0) =	vadd.scan.msk.s32 $0xffff, v35  }
0xc9: {  	v52 =	vsel vm8, $0x0, v30;
	s18 =	spop @p0 (v2sf);
	[smem:s16+$0x8F] =	sst @p1 s1;
	(v2sf) =	vpush @p0 v36, $0xF;
	v53, _, _ =	vpop (xrf0);
	(xrf0) =	vadd.scan.msk.s32 $0xffff, v34  }
0xca: {  	[smem:s0+$0x80] =	sst @p0 s17;
	s1 =	spop @p0 (v2sf);
	(v2sf) =	vpush v51, $0xF;
	v54, _, _ =	vpop (xrf0);
	(xrf0) =	vadd.scan.msk.s32 $0xffff, v52  }
0xcb: {  	v55 =	vsel vm10, $0x0, v30;
	[smem:s0+$0x81] =	sst @p0 s18;
	s16 =	spop @p0 (v2sf);
	(v2sf) =	vpush v53, $0xF;
	v56, _, _ =	vpop (xrf0);
	(xrf0) =	vadd.scan.msk.s32 $0xffff, v33  }
0xcc: {  	[smem:s0+$0x82] =	sst @p0 s1;
	s1 =	spop @p0 (v2sf);
	(v2sf) =	vpush v54, $0xF;
	v57, _, _ =	vpop (xrf0);
	(xrf0) =	vadd.scan.msk.s32 $0xffff, v55  }
0xcd: {  	v58 =	vsel vm13, $0x0, v30;
	[smem:s0+$0x83] =	sst @p0 s16;
	s16 =	spop @p0 (v2sf);
	(v2sf) =	vpush v56, $0xF;
	v59, _, _ =	vpop (xrf0)  }
0xce: {  	[smem:s0+$0x84] =	sst @p0 s1;
	s1 =	spop @p0 (v2sf);
	(v2sf) =	vpush v57, $0xF;
	(xrf0) =	vadd.scan.msk.s32 $0xffff, v58;
	v60, _, _ =	vpop (xrf0)  }
0xcf: {  	[smem:s0+$0x85] =	sst @p0 s16;
	s16 =	spop @p0 (v2sf);
	(v2sf) =	vpush v59, $0xF;
	(xrf0) =	vadd.scan.msk.s32 $0xffff, v32;
	v61, _, _ =	vpop (xrf0)  }
0xd0: {  	[smem:s0+$0x86] =	sst @p0 s1;
	s1 =	spop @p0 (v2sf);
	(v2sf) =	vpush v60, $0xF;
	(xrf0) =	vadd.scan.msk.s32 $0xffff, v31;
	v31, _, _ =	vpop (xrf0)  }
0xd1: {  	v62 =	vsel vm14, $0x0, v30;
	v30 =	vsel vm15, $0x0, v30;
	[smem:s0+$0x87] =	sst @p0 s16;
	s16 =	spop @p0 (v2sf);
	(v2sf) =	vpush v61, $0xF;
	v63, _, _ =	vpop (xrf0)  }
0xd2: {  	(xrf0) =	vadd.scan.msk.s32 $0xffff, v62;
	[smem:s0+$0x88] =	sst @p0 s1;
	s1 =	spop @p0 (v2sf);
	(v2sf) =	vpush v31, $0xF;
	v31, _, _ =	vpop (xrf0)  }
0xd3: {  	(xrf0) =	vadd.scan.msk.s32 $0xffff, v30;
	[smem:s0+$0x89] =	sst @p0 s1;
	(v2sf) =	vpush v31, $0xF  }
0xd4: {  	s1 =	spop @p0 (v2sf);
	[smem:s0+$0x8A] =	sst @p0 s16;
	v30, _, _ =	vpop (xrf0);
	(v2sf) =	vpush v63, $0xF  }
0xd5: {  	s16 =	spop @p0 (v2sf);
	[smem:s0+$0x8B] =	sst @p0 s1;
	v31, _, _ =	vpop (xrf0)  }
0xd6: {  	s1 =	spop @p0 (v2sf);
	[smem:s0+$0x8C] =	sst @p0 s16;
	(v2sf) =	vpush v31, $0xF;
	v31, _, _ =	vpop (xrf0)  }
0xd7: {  	s0 =	smov.u32 @p0 s0;
	s16 =	spop @p0 (v2sf);
	s1 =	smov.u32 @p0 s1;
	(v2sf) =	vpush v31, $0xF  }
0xd8: {  	v31, _, _ =	vpop (xrf0);
	s16 =	smov.u32 @p0 s16;
	(v2sf) =	vpush v30, $0xF;
	[smem:s0+$0x8D] =	sst @p0 s1;
	s1 =	spop @p0 (v2sf)  }
0xd9: {  	v30, _, _ =	vpop (xrf0);
	s25 =	spop (v2sf);
	(v2sf) =	vpush v31, $0xF;
	[smem:s0+$0x8E] =	sst @p0 s16  }
0xda: {  	s18 =	spop (v2sf);
	(v2sf) =	vpush v30, $0xF;
	[smem:s0+$0x8F] =	sst @p0 s1  }
0xdb: {  	[smem:s31+$0x80] =	sst s25;
	s19 =	spop (v2sf)  }
0xdc: {  	[smem:s31+$0x81] =	sst s18;
	s20 =	spop (v2sf)  }
0xdd: {  	[smem:s31+$0x82] =	sst s19;
	s23 =	spop (v2sf)  }
0xde: {  	[smem:s31+$0x83] =	sst s20;
	s24 =	spop (v2sf)  }
0xdf: {  	[smem:s31+$0x84] =	sst s23;
	s25 =	spop (v2sf)  }
0xe0: {  	[smem:s31+$0x85] =	sst s24;
	s16 =	spop (v2sf)  }
0xe1: {  	[smem:s31+$0x86] =	sst s25;
	s17 =	spop (v2sf)  }
0xe2: {  	[smem:s31+$0x87] =	sst s16;
	s18 =	spop (v2sf)  }
0xe3: {  	[smem:s31+$0x88] =	sst s17;
	s19 =	spop (v2sf)  }
0xe4: {  	[smem:s31+$0x89] =	sst s19  }
0xe5: {  	s20 =	spop (v2sf);
	[smem:s31+$0x8A] =	sst s18  }
0xe6: {  	s23 =	spop (v2sf);
	[smem:s31+$0x8B] =	sst s20  }
0xe7: {  	s24 =	spop (v2sf);
	[smem:s31+$0x8C] =	sst s23  }
0xe8: {  	s25 =	spop (v2sf);
	[smem:s31+$0x8D] =	sst s24  }
0xe9: {  	s16 =	spop (v2sf);
	[smem:s31+$0x8E] =	sst s25  }
0xea: {  	[smem:s31+$0x8F] =	sst s16  }
0xeb: {  	s1 =	sld [smem:$0x280]  }
0xec: {  	s16 =	sld [smem:$0x200]  }
0xed: {  	s17 =	sld [smem:$0x0]  }
0xee: {  	s18 =	sld [smem:$0x80]  }
0xef: {  	s23 =	rddreg [dreg:$0x4]  }
0xf0: {  	p0 =	por $0x1, $0x1;
	s25 =	simm.s32 $0x4300;
	s19 =	sld [smem:$0x180]  }
0xf1: {  	s16 =	sshll.u32 s16, $0x4;
	s0 =	sshll.u32 s17, $0x4;
	s24 =	sld [smem:$0x100]  }
0xf2: {  	s16 =	sand.u32 $0x1FFFFFF0, s16;
	s20 =	sand.u32 $0x1FFFFFF0, s0;
	s17 =	sshll.u32 s18, $0x4  }
0xf3: {  	s0 =	simm.s32 $0x300;
	s16 =	sadd.s32 s3, s16;
	s18 =	sadd.s32 s23, s20  }
0xf4: {  	[tilespmem:s0], [sflag:$0x1] =	stream.linear.gather [hbm4b:s18+s2], $0x80, $0x38;
	[tilespmem:$0x18C80] =	vst v63  }
0xf5: {  	s17 =	sand.u32 $0x1FFFFFF0, s17;
	s19 =	sshll.u32 s19, $0x4;
	s31 =	sshll.u32 s24, $0x4  }
0xf6: {  	s20 =	simm.s32 $0x4380;
	s17 =	sadd.s32 s3, s17;
	s18 =	sand.u32 $0x1FFFFFF0, s31  }
0xf7: {  	[tilespmem:s25], [sflag:$0x1] =	stream.linear.gather [hbm4b:s17+s2], $0x80, $0x38;
	[tilespmem:$0x18C80] =	vst v63  }
0xf8: {  	s23 =	simm.s32 $0x4400;
	s17 =	sadd.s32 s3, s18;
	s18 =	sand.u32 $0x1FFFFFF0, s19  }
0xf9: {  	[tilespmem:s20], [sflag:$0x1] =	stream.linear.gather [hbm4b:s17+s2], $0x80, $0x38;
	[tilespmem:$0x18C80] =	vst v63  }
.Ltmp5:
0xfa: {  	s24 =	sshll.u32 s1, $0x4;
	s18 =	sadd.s32 s3, s18;
	(pc) =	sbr.rel @!p0 .LBB2_13-.Ltmp5, $4  }
0xfb: {  	[tilespmem:s23], [sflag:$0x1] =	stream.linear.gather [hbm4b:s18+s2], $0x80, $0x38;
	[tilespmem:$0x18C80] =	vst v63  }
0xfc: {  	s1 =	simm.s32 $0x180;
	s31 =	sand.u32 $0x1FFFFFF0, s24;
	s25 =	simm.s32 $0x4480  }
0xfd: {  	[tilespmem:s25], [sflag:$0x1] =	stream.linear.gather [hbm4b:s16+s2], $0x80, $0x38;
	[tilespmem:$0x18C80] =	vst v63  }
0xfe: {  	s17 =	simm.s32 $0x4500;
	s18 =	sadd.s32 s3, s31;
	s16 =	simm.s32 $0xA00  }
.LBB2_12:
0xff: {  	s1 =	sadd.s32 $0x1, s1  }
0x100: {  	s23 =	sld [smem:s1+$0x100]  }
0x101: {  	s30 =	sadd.s32 $0x1, s30;
	s24 =	sld [smem:s1+$0x80]  }
0x102: {  	s20 =	sld [smem:s30+$0x0]  }
0x103: {  	s0 =	sadd.s32 $0x80, s0;
	s19 =	smov.u32 s16;
	s31 =	sld [smem:s1+$0xFFFFFF00]  }
0x104: {  	[tilespmem:s17], [sflag:$0x1] =	stream.linear.gather [hbm4b:s18+s2], $0x80, $0x38;
	[tilespmem:$0x18C80] =	vst v63  }
0x105: {  	s19 =	sshra.s32 s19, $0x2;
	s17 =	sshll.u32 s23, $0x4;
	s23 =	rddreg [dreg:$0x4]  }
0x106: {  	s18 =	sshll.u32 s24, $0x4;
	s25 =	sshll.u32 s20, $0x4;
	s31 =	sshll.u32 s31, $0x4  }
0x107: {  	s24 =	sand.u32 $0x1FFFFFF0, s17;
	s17 =	sand.u32 $0x1FFFFFF0, s25;
	s25 =	sld [smem:s1+$0xFFFFFF80]  }
0x108: {  	s20 =	sld [smem:s1+$0x0];
	s17 =	sadd.s32 s23, s17;
	s23 =	sand.u32 $0x1FFFFFF0, s31  }
0x109: {  	[tilespmem:s0], [sflag:$0x1] =	stream.linear.gather [hbm4b:s17+s2], $0x80, $0x38;
	[tilespmem:$0x18C80] =	vst v63  }
0x10a: {  	s31 =	sadd.s32 $0x4300, s19;
	s23 =	sadd.s32 s3, s23;
	s25 =	sshll.u32 s25, $0x4  }
0x10b: {  	[tilespmem:s31], [sflag:$0x1] =	stream.linear.gather [hbm4b:s23+s2], $0x80, $0x38;
	[tilespmem:$0x18C80] =	vst v63  }
0x10c: {  	p0 =	sne.s32 s16, $0x4F600;
	s16 =	sadd.s32 $0xA00, s16;
	s25 =	sand.u32 $0x1FFFFFF0, s25  }
0x10d: {  	s20 =	sshll.u32 s20, $0x4;
	s31 =	sadd.s32 $0x4380, s19;
	s17 =	sadd.s32 s3, s25  }
0x10e: {  	[tilespmem:s31], [sflag:$0x1] =	stream.linear.gather [hbm4b:s17+s2], $0x80, $0x38;
	[tilespmem:$0x18C80] =	vst v63  }
.Ltmp6:
0x10f: {  	s18 =	sand.u32 $0x1FFFFFF0, s18;
	s20 =	sand.u32 $0x1FFFFFF0, s20;
	(pc) =	sbr.rel @p0 .LBB2_12-.Ltmp6, $4  }
0x110: {  	s23 =	sadd.s32 $0x4400, s19;
	s20 =	sadd.s32 s3, s20;
	s25 =	sadd.s32 $0x4480, s19  }
0x111: {  	[tilespmem:s23], [sflag:$0x1] =	stream.linear.gather [hbm4b:s20+s2], $0x80, $0x38;
	[tilespmem:$0x18C80] =	vst v63  }
0x112: {  	s31 =	sadd.s32 s3, s18;
	s17 =	sadd.s32 $0x4500, s19;
	s18 =	sadd.s32 s3, s24  }
0x113: {  	[tilespmem:s25], [sflag:$0x1] =	stream.linear.gather [hbm4b:s31+s2], $0x80, $0x38;
	[tilespmem:$0x18C80] =	vst v63  }
.LBB2_13:
0x114: {  	[tilespmem:s17], [sflag:$0x1] =	stream.linear.gather [hbm4b:s18+s2], $0x80, $0x38;
	[tilespmem:$0x18C80] =	vst v63  }
0x115: {  	_ =	swait.ge [sflag:s21], $0x4000  }
0x116: {  	[sflag:s21] =	ssyncset.done $0x0  }
0x117: {  	[sflag:s21] =	ssyncadd.s32 $0xFFFFC000  }
0x118: {  	_ =	swait.ge [sflag:s21], $0x14000  }
0x119: {  	[sflag:s21] =	ssyncset.done $0x0  }
0x11a: {  	s30 =	simm.s32 $0x0;
	[sflag:s21] =	ssyncadd.s32 $0xFFFEC000  }
.LBB2_14:
0x11b: {  	s0 =	sshll.u32 s30, $0xB  }
0x11c: {  	s1 =	smul.u32 $0xA000, s30;
	s0 =	sand.u32 $0x3FFFF800, s0  }
0x11d: {  	v30 =	vld [tilespmem:s0+$0x300]  }
0x11e: {  	v31 =	vld [tilespmem:s0+$0x310];
	s1 =	sshra.s32 s1, $0x2  }
0x11f: {  	v32 =	vld [tilespmem:s1+$0x4300]  }
0x120: {  	v33 =	vld [tilespmem:s1+$0x4310]  }
0x121: {  	v34 =	vld [tilespmem:s0+$0x320]  }
0x122: {  	v35 =	vld [tilespmem:s1+$0x4320]  }
0x123: {  	v36 =	vld [tilespmem:s0+$0x330]  }
0x124: {  	v37 =	vld [tilespmem:s1+$0x4330]  }
0x125: {  	v32 =	vmul.f32 v32, v30;
	v33 =	vmul.f32 v33, v31;
	_ =	sdelay $0x1  }
0x126: {  	v59 =	vmul.f32 v35, v34;
	v32 =	vadd.f32 v33, v32;
	_ =	sdelay $0x1  }
0x127: {  	v60 =	vmul.f32 v37, v36;
	v32 =	vadd.f32 v59, v32;
	_ =	sdelay $0x1  }
0x128: {  	v32 =	vadd.f32 v60, v32;
	_ =	sdelay $0x1  }
0x129: {  	[tilespmem:$0x18700] =	vst v32  }
0x12a: {  	v32 =	vld [tilespmem:s1+$0x4380]  }
0x12b: {  	v61 =	vld [tilespmem:s1+$0x4390];
	_ =	sdelay $0x1  }
0x12c: {  	v62 =	vld [tilespmem:s1+$0x43A0];
	_ =	sdelay $0x1  }
0x12d: {  	v63 =	vld [tilespmem:s1+$0x43B0]  }
0x12e: {  	v32 =	vmul.f32 v32, v30;
	v33 =	vmul.f32 v61, v31;
	_ =	sdelay $0x1  }
0x12f: {  	v38 =	vmul.f32 v62, v34;
	v32 =	vadd.f32 v33, v32;
	_ =	sdelay $0x1  }
0x130: {  	v39 =	vmul.f32 v63, v36;
	v32 =	vadd.f32 v38, v32;
	_ =	sdelay $0x1  }
0x131: {  	v32 =	vadd.f32 v39, v32;
	_ =	sdelay $0x1  }
0x132: {  	[tilespmem:$0x18711] =	vst v32  }
0x133: {  	v32 =	vld [tilespmem:s1+$0x4400]  }
0x134: {  	v40 =	vld [tilespmem:s1+$0x4410];
	_ =	sdelay $0x1  }
0x135: {  	v41 =	vld [tilespmem:s1+$0x4420];
	_ =	sdelay $0x1  }
0x136: {  	v42 =	vld [tilespmem:s1+$0x4430]  }
0x137: {  	v32 =	vmul.f32 v32, v30;
	v33 =	vmul.f32 v40, v31;
	_ =	sdelay $0x1  }
0x138: {  	v43 =	vmul.f32 v41, v34;
	v32 =	vadd.f32 v33, v32;
	_ =	sdelay $0x1  }
0x139: {  	v44 =	vmul.f32 v42, v36;
	v32 =	vadd.f32 v43, v32;
	_ =	sdelay $0x1  }
0x13a: {  	v32 =	vadd.f32 v44, v32;
	_ =	sdelay $0x1  }
0x13b: {  	[tilespmem:$0x18722] =	vst v32  }
0x13c: {  	v32 =	vld [tilespmem:s1+$0x4480]  }
0x13d: {  	v45 =	vld [tilespmem:s1+$0x4490];
	_ =	sdelay $0x1  }
0x13e: {  	v46 =	vld [tilespmem:s1+$0x44A0];
	_ =	sdelay $0x1  }
0x13f: {  	v47 =	vld [tilespmem:s1+$0x44B0]  }
0x140: {  	v32 =	vmul.f32 v32, v30;
	v33 =	vmul.f32 v45, v31;
	_ =	sdelay $0x1  }
0x141: {  	v48 =	vmul.f32 v46, v34;
	v32 =	vadd.f32 v33, v32;
	_ =	sdelay $0x1  }
0x142: {  	v49 =	vmul.f32 v47, v36;
	v32 =	vadd.f32 v48, v32;
	_ =	sdelay $0x1  }
0x143: {  	v32 =	vadd.f32 v49, v32;
	_ =	sdelay $0x1  }
0x144: {  	[tilespmem:$0x18733] =	vst v32  }
0x145: {  	v32 =	vld [tilespmem:s1+$0x4500]  }
0x146: {  	v50 =	vld [tilespmem:s1+$0x4510];
	_ =	sdelay $0x1  }
0x147: {  	v51 =	vld [tilespmem:s1+$0x4520];
	_ =	sdelay $0x1  }
0x148: {  	v52 =	vld [tilespmem:s1+$0x4530]  }
0x149: {  	v30 =	vmul.f32 v32, v30;
	v31 =	vmul.f32 v50, v31;
	_ =	sdelay $0x1  }
0x14a: {  	v30 =	vadd.f32 v31, v30;
	v31 =	vmul.f32 v51, v34;
	_ =	sdelay $0x1  }
0x14b: {  	v30 =	vadd.f32 v31, v30;
	v31 =	vmul.f32 v52, v36  }
0x14c: {  	s31 =	sshll.u32 s30, $0x4  }
0x14d: {  	s18 =	sor.u32 $0x1, s31;
	v30 =	vadd.f32 v31, v30  }
0x14e: {  	s19 =	sshll.u32 s18, $0x7  }
0x14f: {  	s0 =	smul.u32 $0xA00, s18;
	s1 =	sand.u32 $0x3FFFF880, s19;
	[tilespmem:$0x18744] =	vst v30  }
0x150: {  	v30 =	vld [tilespmem:s1+$0x300]  }
0x151: {  	s0 =	sshra.s32 s0, $0x2;
	v31 =	vld [tilespmem:s1+$0x310]  }
0x152: {  	v53 =	vld [tilespmem:s0+$0x4300]  }
0x153: {  	v54 =	vld [tilespmem:s0+$0x4310]  }
0x154: {  	v55 =	vld [tilespmem:s1+$0x320]  }
0x155: {  	v56 =	vld [tilespmem:s0+$0x4320]  }
0x156: {  	v57 =	vld [tilespmem:s1+$0x330]  }
0x157: {  	v58 =	vld [tilespmem:s0+$0x4330]  }
0x158: {  	v32 =	vmul.f32 v53, v30;
	v33 =	vmul.f32 v54, v31;
	_ =	sdelay $0x1  }
0x159: {  	v59 =	vmul.f32 v56, v55;
	v32 =	vadd.f32 v33, v32;
	_ =	sdelay $0x1  }
0x15a: {  	v60 =	vmul.f32 v58, v57;
	v32 =	vadd.f32 v59, v32;
	_ =	sdelay $0x1  }
0x15b: {  	v32 =	vadd.f32 v60, v32;
	_ =	sdelay $0x1  }
0x15c: {  	[tilespmem:$0x18755] =	vst v32  }
0x15d: {  	v32 =	vld [tilespmem:s0+$0x4380]  }
0x15e: {  	v61 =	vld [tilespmem:s0+$0x4390];
	_ =	sdelay $0x1  }
0x15f: {  	v62 =	vld [tilespmem:s0+$0x43A0];
	_ =	sdelay $0x1  }
0x160: {  	v63 =	vld [tilespmem:s0+$0x43B0]  }
0x161: {  	v32 =	vmul.f32 v32, v30;
	v33 =	vmul.f32 v61, v31;
	_ =	sdelay $0x1  }
0x162: {  	v38 =	vmul.f32 v62, v55;
	v32 =	vadd.f32 v33, v32;
	_ =	sdelay $0x1  }
0x163: {  	v39 =	vmul.f32 v63, v57;
	v32 =	vadd.f32 v38, v32;
	_ =	sdelay $0x1  }
0x164: {  	v32 =	vadd.f32 v39, v32;
	_ =	sdelay $0x1  }
0x165: {  	[tilespmem:$0x18766] =	vst v32  }
0x166: {  	v32 =	vld [tilespmem:s0+$0x4400]  }
0x167: {  	v40 =	vld [tilespmem:s0+$0x4410];
	_ =	sdelay $0x1  }
0x168: {  	v41 =	vld [tilespmem:s0+$0x4420];
	_ =	sdelay $0x1  }
0x169: {  	v42 =	vld [tilespmem:s0+$0x4430]  }
0x16a: {  	v32 =	vmul.f32 v32, v30;
	v33 =	vmul.f32 v40, v31;
	_ =	sdelay $0x1  }
0x16b: {  	v43 =	vmul.f32 v41, v55;
	v32 =	vadd.f32 v33, v32;
	_ =	sdelay $0x1  }
0x16c: {  	v44 =	vmul.f32 v42, v57;
	v32 =	vadd.f32 v43, v32;
	_ =	sdelay $0x1  }
0x16d: {  	v32 =	vadd.f32 v44, v32;
	_ =	sdelay $0x1  }
0x16e: {  	[tilespmem:$0x18777] =	vst v32  }
0x16f: {  	v32 =	vld [tilespmem:s0+$0x4480]  }
0x170: {  	v45 =	vld [tilespmem:s0+$0x4490];
	_ =	sdelay $0x1  }
0x171: {  	v46 =	vld [tilespmem:s0+$0x44A0];
	_ =	sdelay $0x1  }
0x172: {  	v47 =	vld [tilespmem:s0+$0x44B0]  }
0x173: {  	v32 =	vmul.f32 v32, v30;
	v33 =	vmul.f32 v45, v31;
	_ =	sdelay $0x1  }
0x174: {  	v48 =	vmul.f32 v46, v55;
	v32 =	vadd.f32 v33, v32;
	_ =	sdelay $0x1  }
0x175: {  	v49 =	vmul.f32 v47, v57;
	v32 =	vadd.f32 v48, v32;
	_ =	sdelay $0x1  }
0x176: {  	v32 =	vadd.f32 v49, v32;
	_ =	sdelay $0x1  }
0x177: {  	[tilespmem:$0x18788] =	vst v32  }
0x178: {  	v32 =	vld [tilespmem:s0+$0x4500]  }
0x179: {  	v50 =	vld [tilespmem:s0+$0x4510];
	_ =	sdelay $0x1  }
0x17a: {  	v51 =	vld [tilespmem:s0+$0x4520];
	_ =	sdelay $0x1  }
0x17b: {  	v52 =	vld [tilespmem:s0+$0x4530]  }
0x17c: {  	v30 =	vmul.f32 v32, v30;
	v31 =	vmul.f32 v50, v31;
	_ =	sdelay $0x1  }
0x17d: {  	v30 =	vadd.f32 v31, v30;
	v31 =	vmul.f32 v51, v55;
	_ =	sdelay $0x1  }
0x17e: {  	v30 =	vadd.f32 v31, v30;
	v31 =	vmul.f32 v52, v57;
	_ =	sdelay $0x1  }
0x17f: {  	s20 =	sor.u32 $0x2, s31;
	v30 =	vadd.f32 v31, v30  }
0x180: {  	s23 =	sshll.u32 s20, $0x7  }
0x181: {  	s1 =	sand.u32 $0x3FFFF900, s23;
	s0 =	smul.u32 $0xA00, s20;
	[tilespmem:$0x18799] =	vst v30  }
0x182: {  	v30 =	vld [tilespmem:s1+$0x300]  }
0x183: {  	s0 =	sshra.s32 s0, $0x2;
	v31 =	vld [tilespmem:s1+$0x310]  }
0x184: {  	v53 =	vld [tilespmem:s0+$0x4300]  }
0x185: {  	v54 =	vld [tilespmem:s0+$0x4310]  }
0x186: {  	v55 =	vld [tilespmem:s1+$0x320]  }
0x187: {  	v56 =	vld [tilespmem:s0+$0x4320]  }
0x188: {  	v57 =	vld [tilespmem:s1+$0x330]  }
0x189: {  	v58 =	vld [tilespmem:s0+$0x4330]  }
0x18a: {  	v32 =	vmul.f32 v53, v30;
	v33 =	vmul.f32 v54, v31;
	_ =	sdelay $0x1  }
0x18b: {  	v59 =	vmul.f32 v56, v55;
	v32 =	vadd.f32 v33, v32;
	_ =	sdelay $0x1  }
0x18c: {  	v60 =	vmul.f32 v58, v57;
	v32 =	vadd.f32 v59, v32;
	_ =	sdelay $0x1  }
0x18d: {  	v32 =	vadd.f32 v60, v32;
	_ =	sdelay $0x1  }
0x18e: {  	[tilespmem:$0x187AA] =	vst v32  }
0x18f: {  	v32 =	vld [tilespmem:s0+$0x4380]  }
0x190: {  	v61 =	vld [tilespmem:s0+$0x4390];
	_ =	sdelay $0x1  }
0x191: {  	v62 =	vld [tilespmem:s0+$0x43A0];
	_ =	sdelay $0x1  }
0x192: {  	v63 =	vld [tilespmem:s0+$0x43B0]  }
0x193: {  	v32 =	vmul.f32 v32, v30;
	v33 =	vmul.f32 v61, v31;
	_ =	sdelay $0x1  }
0x194: {  	v38 =	vmul.f32 v62, v55;
	v32 =	vadd.f32 v33, v32;
	_ =	sdelay $0x1  }
0x195: {  	v39 =	vmul.f32 v63, v57;
	v32 =	vadd.f32 v38, v32;
	_ =	sdelay $0x1  }
0x196: {  	v32 =	vadd.f32 v39, v32;
	_ =	sdelay $0x1  }
0x197: {  	[tilespmem:$0x187BB] =	vst v32  }
0x198: {  	v32 =	vld [tilespmem:s0+$0x4400]  }
0x199: {  	v40 =	vld [tilespmem:s0+$0x4410];
	_ =	sdelay $0x1  }
0x19a: {  	v41 =	vld [tilespmem:s0+$0x4420];
	_ =	sdelay $0x1  }
0x19b: {  	v42 =	vld [tilespmem:s0+$0x4430]  }
0x19c: {  	v32 =	vmul.f32 v32, v30;
	v33 =	vmul.f32 v40, v31;
	_ =	sdelay $0x1  }
0x19d: {  	v43 =	vmul.f32 v41, v55;
	v32 =	vadd.f32 v33, v32;
	_ =	sdelay $0x1  }
0x19e: {  	v44 =	vmul.f32 v42, v57;
	v32 =	vadd.f32 v43, v32;
	_ =	sdelay $0x1  }
0x19f: {  	v32 =	vadd.f32 v44, v32;
	_ =	sdelay $0x1  }
0x1a0: {  	[tilespmem:$0x187CC] =	vst v32  }
0x1a1: {  	v32 =	vld [tilespmem:s0+$0x4480]  }
0x1a2: {  	v45 =	vld [tilespmem:s0+$0x4490];
	_ =	sdelay $0x1  }
0x1a3: {  	v46 =	vld [tilespmem:s0+$0x44A0];
	_ =	sdelay $0x1  }
0x1a4: {  	v47 =	vld [tilespmem:s0+$0x44B0]  }
0x1a5: {  	v32 =	vmul.f32 v32, v30;
	v33 =	vmul.f32 v45, v31;
	_ =	sdelay $0x1  }
0x1a6: {  	v48 =	vmul.f32 v46, v55;
	v32 =	vadd.f32 v33, v32;
	_ =	sdelay $0x1  }
0x1a7: {  	v49 =	vmul.f32 v47, v57;
	v32 =	vadd.f32 v48, v32;
	_ =	sdelay $0x1  }
0x1a8: {  	v32 =	vadd.f32 v49, v32;
	_ =	sdelay $0x1  }
0x1a9: {  	[tilespmem:$0x187DD] =	vst v32  }
0x1aa: {  	v32 =	vld [tilespmem:s0+$0x4500]  }
0x1ab: {  	v50 =	vld [tilespmem:s0+$0x4510];
	_ =	sdelay $0x1  }
0x1ac: {  	v51 =	vld [tilespmem:s0+$0x4520];
	_ =	sdelay $0x1  }
0x1ad: {  	v52 =	vld [tilespmem:s0+$0x4530]  }
0x1ae: {  	v30 =	vmul.f32 v32, v30;
	v31 =	vmul.f32 v50, v31;
	_ =	sdelay $0x1  }
0x1af: {  	v30 =	vadd.f32 v31, v30;
	v31 =	vmul.f32 v51, v55;
	_ =	sdelay $0x1  }
0x1b0: {  	v30 =	vadd.f32 v31, v30;
	v31 =	vmul.f32 v52, v57;
	_ =	sdelay $0x1  }
0x1b1: {  	s24 =	sor.u32 $0x3, s31;
	v30 =	vadd.f32 v31, v30  }
0x1b2: {  	s25 =	sshll.u32 s24, $0x7  }
0x1b3: {  	s1 =	sand.u32 $0x3FFFF980, s25;
	s0 =	smul.u32 $0xA00, s24;
	[tilespmem:$0x187EE] =	vst v30  }
0x1b4: {  	v30 =	vld [tilespmem:s1+$0x300]  }
0x1b5: {  	s0 =	sshra.s32 s0, $0x2;
	v31 =	vld [tilespmem:s1+$0x310]  }
0x1b6: {  	v53 =	vld [tilespmem:s0+$0x4300]  }
0x1b7: {  	v54 =	vld [tilespmem:s0+$0x4310]  }
0x1b8: {  	v55 =	vld [tilespmem:s1+$0x320]  }
0x1b9: {  	v56 =	vld [tilespmem:s0+$0x4320]  }
0x1ba: {  	v57 =	vld [tilespmem:s1+$0x330]  }
0x1bb: {  	v58 =	vld [tilespmem:s0+$0x4330]  }
0x1bc: {  	v32 =	vmul.f32 v53, v30;
	v33 =	vmul.f32 v54, v31;
	_ =	sdelay $0x1  }
0x1bd: {  	v59 =	vmul.f32 v56, v55;
	v32 =	vadd.f32 v33, v32;
	_ =	sdelay $0x1  }
0x1be: {  	v60 =	vmul.f32 v58, v57;
	v32 =	vadd.f32 v59, v32;
	_ =	sdelay $0x1  }
0x1bf: {  	v32 =	vadd.f32 v60, v32;
	_ =	sdelay $0x1  }
0x1c0: {  	[tilespmem:$0x187FF] =	vst v32  }
0x1c1: {  	v32 =	vld [tilespmem:s0+$0x4380]  }
0x1c2: {  	v61 =	vld [tilespmem:s0+$0x4390];
	_ =	sdelay $0x1  }
0x1c3: {  	v62 =	vld [tilespmem:s0+$0x43A0];
	_ =	sdelay $0x1  }
0x1c4: {  	v63 =	vld [tilespmem:s0+$0x43B0]  }
0x1c5: {  	v32 =	vmul.f32 v32, v30;
	v33 =	vmul.f32 v61, v31;
	_ =	sdelay $0x1  }
0x1c6: {  	v38 =	vmul.f32 v62, v55;
	v32 =	vadd.f32 v33, v32;
	_ =	sdelay $0x1  }
0x1c7: {  	v39 =	vmul.f32 v63, v57;
	v32 =	vadd.f32 v38, v32;
	_ =	sdelay $0x1  }
0x1c8: {  	v32 =	vadd.f32 v39, v32;
	_ =	sdelay $0x1  }
0x1c9: {  	[tilespmem:$0x18810] =	vst v32  }
0x1ca: {  	v32 =	vld [tilespmem:s0+$0x4400]  }
0x1cb: {  	v40 =	vld [tilespmem:s0+$0x4410];
	_ =	sdelay $0x1  }
0x1cc: {  	v41 =	vld [tilespmem:s0+$0x4420];
	_ =	sdelay $0x1  }
0x1cd: {  	v42 =	vld [tilespmem:s0+$0x4430]  }
0x1ce: {  	v32 =	vmul.f32 v32, v30;
	v33 =	vmul.f32 v40, v31;
	_ =	sdelay $0x1  }
0x1cf: {  	v43 =	vmul.f32 v41, v55;
	v32 =	vadd.f32 v33, v32;
	_ =	sdelay $0x1  }
0x1d0: {  	v44 =	vmul.f32 v42, v57;
	v32 =	vadd.f32 v43, v32;
	_ =	sdelay $0x1  }
0x1d1: {  	v32 =	vadd.f32 v44, v32;
	_ =	sdelay $0x1  }
0x1d2: {  	[tilespmem:$0x18821] =	vst v32  }
0x1d3: {  	v32 =	vld [tilespmem:s0+$0x4480]  }
0x1d4: {  	v45 =	vld [tilespmem:s0+$0x4490];
	_ =	sdelay $0x1  }
0x1d5: {  	v46 =	vld [tilespmem:s0+$0x44A0];
	_ =	sdelay $0x1  }
0x1d6: {  	v47 =	vld [tilespmem:s0+$0x44B0]  }
0x1d7: {  	v32 =	vmul.f32 v32, v30;
	v33 =	vmul.f32 v45, v31;
	_ =	sdelay $0x1  }
0x1d8: {  	v48 =	vmul.f32 v46, v55;
	v32 =	vadd.f32 v33, v32;
	_ =	sdelay $0x1  }
0x1d9: {  	v49 =	vmul.f32 v47, v57;
	v32 =	vadd.f32 v48, v32;
	_ =	sdelay $0x1  }
0x1da: {  	v32 =	vadd.f32 v49, v32;
	_ =	sdelay $0x1  }
0x1db: {  	[tilespmem:$0x18832] =	vst v32  }
0x1dc: {  	v32 =	vld [tilespmem:s0+$0x4500]  }
0x1dd: {  	v50 =	vld [tilespmem:s0+$0x4510];
	_ =	sdelay $0x1  }
0x1de: {  	v51 =	vld [tilespmem:s0+$0x4520];
	_ =	sdelay $0x1  }
0x1df: {  	v52 =	vld [tilespmem:s0+$0x4530]  }
0x1e0: {  	v30 =	vmul.f32 v32, v30;
	v31 =	vmul.f32 v50, v31;
	_ =	sdelay $0x1  }
0x1e1: {  	v30 =	vadd.f32 v31, v30;
	v31 =	vmul.f32 v51, v55;
	_ =	sdelay $0x1  }
0x1e2: {  	v30 =	vadd.f32 v31, v30;
	v31 =	vmul.f32 v52, v57;
	_ =	sdelay $0x1  }
0x1e3: {  	s16 =	sor.u32 $0x4, s31;
	v30 =	vadd.f32 v31, v30  }
0x1e4: {  	s17 =	sshll.u32 s16, $0x7  }
0x1e5: {  	s1 =	sand.u32 $0x3FFFFA00, s17;
	s0 =	smul.u32 $0xA00, s16;
	[tilespmem:$0x18843] =	vst v30  }
0x1e6: {  	v30 =	vld [tilespmem:s1+$0x300]  }
0x1e7: {  	s0 =	sshra.s32 s0, $0x2;
	v31 =	vld [tilespmem:s1+$0x310]  }
0x1e8: {  	v53 =	vld [tilespmem:s0+$0x4300]  }
0x1e9: {  	v54 =	vld [tilespmem:s0+$0x4310]  }
0x1ea: {  	v55 =	vld [tilespmem:s1+$0x320]  }
0x1eb: {  	v56 =	vld [tilespmem:s0+$0x4320]  }
0x1ec: {  	v57 =	vld [tilespmem:s1+$0x330]  }
0x1ed: {  	v58 =	vld [tilespmem:s0+$0x4330]  }
0x1ee: {  	v32 =	vmul.f32 v53, v30;
	v33 =	vmul.f32 v54, v31;
	_ =	sdelay $0x1  }
0x1ef: {  	v59 =	vmul.f32 v56, v55;
	v32 =	vadd.f32 v33, v32;
	_ =	sdelay $0x1  }
0x1f0: {  	v60 =	vmul.f32 v58, v57;
	v32 =	vadd.f32 v59, v32;
	_ =	sdelay $0x1  }
0x1f1: {  	v32 =	vadd.f32 v60, v32;
	_ =	sdelay $0x1  }
0x1f2: {  	[tilespmem:$0x18854] =	vst v32  }
0x1f3: {  	v32 =	vld [tilespmem:s0+$0x4380]  }
0x1f4: {  	v61 =	vld [tilespmem:s0+$0x4390];
	_ =	sdelay $0x1  }
0x1f5: {  	v62 =	vld [tilespmem:s0+$0x43A0];
	_ =	sdelay $0x1  }
0x1f6: {  	v63 =	vld [tilespmem:s0+$0x43B0]  }
0x1f7: {  	v32 =	vmul.f32 v32, v30;
	v33 =	vmul.f32 v61, v31;
	_ =	sdelay $0x1  }
0x1f8: {  	v38 =	vmul.f32 v62, v55;
	v32 =	vadd.f32 v33, v32;
	_ =	sdelay $0x1  }
0x1f9: {  	v39 =	vmul.f32 v63, v57;
	v32 =	vadd.f32 v38, v32;
	_ =	sdelay $0x1  }
0x1fa: {  	v32 =	vadd.f32 v39, v32;
	_ =	sdelay $0x1  }
0x1fb: {  	[tilespmem:$0x18865] =	vst v32  }
0x1fc: {  	v32 =	vld [tilespmem:s0+$0x4400]  }
0x1fd: {  	v40 =	vld [tilespmem:s0+$0x4410];
	_ =	sdelay $0x1  }
0x1fe: {  	v41 =	vld [tilespmem:s0+$0x4420];
	_ =	sdelay $0x1  }
0x1ff: {  	v42 =	vld [tilespmem:s0+$0x4430]  }
0x200: {  	v32 =	vmul.f32 v32, v30;
	v33 =	vmul.f32 v40, v31;
	_ =	sdelay $0x1  }
0x201: {  	v43 =	vmul.f32 v41, v55;
	v32 =	vadd.f32 v33, v32;
	_ =	sdelay $0x1  }
0x202: {  	v44 =	vmul.f32 v42, v57;
	v32 =	vadd.f32 v43, v32;
	_ =	sdelay $0x1  }
0x203: {  	v32 =	vadd.f32 v44, v32;
	_ =	sdelay $0x1  }
0x204: {  	[tilespmem:$0x18876] =	vst v32  }
0x205: {  	v32 =	vld [tilespmem:s0+$0x4480]  }
0x206: {  	v45 =	vld [tilespmem:s0+$0x4490];
	_ =	sdelay $0x1  }
0x207: {  	v46 =	vld [tilespmem:s0+$0x44A0];
	_ =	sdelay $0x1  }
0x208: {  	v47 =	vld [tilespmem:s0+$0x44B0]  }
0x209: {  	v32 =	vmul.f32 v32, v30;
	v33 =	vmul.f32 v45, v31;
	_ =	sdelay $0x1  }
0x20a: {  	v48 =	vmul.f32 v46, v55;
	v32 =	vadd.f32 v33, v32;
	_ =	sdelay $0x1  }
0x20b: {  	v49 =	vmul.f32 v47, v57;
	v32 =	vadd.f32 v48, v32;
	_ =	sdelay $0x1  }
0x20c: {  	v32 =	vadd.f32 v49, v32;
	_ =	sdelay $0x1  }
0x20d: {  	[tilespmem:$0x18887] =	vst v32  }
0x20e: {  	v32 =	vld [tilespmem:s0+$0x4500]  }
0x20f: {  	v50 =	vld [tilespmem:s0+$0x4510];
	_ =	sdelay $0x1  }
0x210: {  	v51 =	vld [tilespmem:s0+$0x4520];
	_ =	sdelay $0x1  }
0x211: {  	v52 =	vld [tilespmem:s0+$0x4530]  }
0x212: {  	v30 =	vmul.f32 v32, v30;
	v31 =	vmul.f32 v50, v31;
	_ =	sdelay $0x1  }
0x213: {  	v30 =	vadd.f32 v31, v30;
	v31 =	vmul.f32 v51, v55;
	_ =	sdelay $0x1  }
0x214: {  	v30 =	vadd.f32 v31, v30;
	v31 =	vmul.f32 v52, v57;
	_ =	sdelay $0x1  }
0x215: {  	s18 =	sor.u32 $0x5, s31;
	v30 =	vadd.f32 v31, v30  }
0x216: {  	s19 =	sshll.u32 s18, $0x7  }
0x217: {  	s1 =	sand.u32 $0x3FFFFA80, s19;
	s0 =	smul.u32 $0xA00, s18;
	[tilespmem:$0x18898] =	vst v30  }
0x218: {  	v30 =	vld [tilespmem:s1+$0x300]  }
0x219: {  	s0 =	sshra.s32 s0, $0x2;
	v31 =	vld [tilespmem:s1+$0x310]  }
0x21a: {  	v53 =	vld [tilespmem:s0+$0x4300]  }
0x21b: {  	v54 =	vld [tilespmem:s0+$0x4310]  }
0x21c: {  	v55 =	vld [tilespmem:s1+$0x320]  }
0x21d: {  	v56 =	vld [tilespmem:s0+$0x4320]  }
0x21e: {  	v57 =	vld [tilespmem:s1+$0x330]  }
0x21f: {  	v58 =	vld [tilespmem:s0+$0x4330]  }
0x220: {  	v32 =	vmul.f32 v53, v30;
	v33 =	vmul.f32 v54, v31;
	_ =	sdelay $0x1  }
0x221: {  	v59 =	vmul.f32 v56, v55;
	v32 =	vadd.f32 v33, v32;
	_ =	sdelay $0x1  }
0x222: {  	v60 =	vmul.f32 v58, v57;
	v32 =	vadd.f32 v59, v32;
	_ =	sdelay $0x1  }
0x223: {  	v32 =	vadd.f32 v60, v32;
	_ =	sdelay $0x1  }
0x224: {  	[tilespmem:$0x188A9] =	vst v32  }
0x225: {  	v32 =	vld [tilespmem:s0+$0x4380]  }
0x226: {  	v61 =	vld [tilespmem:s0+$0x4390];
	_ =	sdelay $0x1  }
0x227: {  	v62 =	vld [tilespmem:s0+$0x43A0];
	_ =	sdelay $0x1  }
0x228: {  	v63 =	vld [tilespmem:s0+$0x43B0]  }
0x229: {  	v32 =	vmul.f32 v32, v30;
	v33 =	vmul.f32 v61, v31;
	_ =	sdelay $0x1  }
0x22a: {  	v38 =	vmul.f32 v62, v55;
	v32 =	vadd.f32 v33, v32;
	_ =	sdelay $0x1  }
0x22b: {  	v39 =	vmul.f32 v63, v57;
	v32 =	vadd.f32 v38, v32;
	_ =	sdelay $0x1  }
0x22c: {  	v32 =	vadd.f32 v39, v32;
	_ =	sdelay $0x1  }
0x22d: {  	[tilespmem:$0x188BA] =	vst v32  }
0x22e: {  	v32 =	vld [tilespmem:s0+$0x4400]  }
0x22f: {  	v40 =	vld [tilespmem:s0+$0x4410];
	_ =	sdelay $0x1  }
0x230: {  	v41 =	vld [tilespmem:s0+$0x4420];
	_ =	sdelay $0x1  }
0x231: {  	v42 =	vld [tilespmem:s0+$0x4430]  }
0x232: {  	v32 =	vmul.f32 v32, v30;
	v33 =	vmul.f32 v40, v31;
	_ =	sdelay $0x1  }
0x233: {  	v43 =	vmul.f32 v41, v55;
	v32 =	vadd.f32 v33, v32;
	_ =	sdelay $0x1  }
0x234: {  	v44 =	vmul.f32 v42, v57;
	v32 =	vadd.f32 v43, v32;
	_ =	sdelay $0x1  }
0x235: {  	v32 =	vadd.f32 v44, v32;
	_ =	sdelay $0x1  }
0x236: {  	[tilespmem:$0x188CB] =	vst v32  }
0x237: {  	v32 =	vld [tilespmem:s0+$0x4480]  }
0x238: {  	v45 =	vld [tilespmem:s0+$0x4490];
	_ =	sdelay $0x1  }
0x239: {  	v46 =	vld [tilespmem:s0+$0x44A0];
	_ =	sdelay $0x1  }
0x23a: {  	v47 =	vld [tilespmem:s0+$0x44B0]  }
0x23b: {  	v32 =	vmul.f32 v32, v30;
	v33 =	vmul.f32 v45, v31;
	_ =	sdelay $0x1  }
0x23c: {  	v48 =	vmul.f32 v46, v55;
	v32 =	vadd.f32 v33, v32;
	_ =	sdelay $0x1  }
0x23d: {  	v49 =	vmul.f32 v47, v57;
	v32 =	vadd.f32 v48, v32;
	_ =	sdelay $0x1  }
0x23e: {  	v32 =	vadd.f32 v49, v32;
	_ =	sdelay $0x1  }
0x23f: {  	[tilespmem:$0x188DC] =	vst v32  }
0x240: {  	v32 =	vld [tilespmem:s0+$0x4500]  }
0x241: {  	v50 =	vld [tilespmem:s0+$0x4510];
	_ =	sdelay $0x1  }
0x242: {  	v51 =	vld [tilespmem:s0+$0x4520];
	_ =	sdelay $0x1  }
0x243: {  	v52 =	vld [tilespmem:s0+$0x4530]  }
0x244: {  	v30 =	vmul.f32 v32, v30;
	v31 =	vmul.f32 v50, v31;
	_ =	sdelay $0x1  }
0x245: {  	v30 =	vadd.f32 v31, v30;
	v31 =	vmul.f32 v51, v55;
	_ =	sdelay $0x1  }
0x246: {  	v30 =	vadd.f32 v31, v30;
	v31 =	vmul.f32 v52, v57;
	_ =	sdelay $0x1  }
0x247: {  	s20 =	sor.u32 $0x6, s31;
	v30 =	vadd.f32 v31, v30  }
0x248: {  	s23 =	sshll.u32 s20, $0x7  }
0x249: {  	s1 =	sand.u32 $0x3FFFFB00, s23;
	s0 =	smul.u32 $0xA00, s20;
	[tilespmem:$0x188ED] =	vst v30  }
0x24a: {  	v30 =	vld [tilespmem:s1+$0x300]  }
0x24b: {  	s0 =	sshra.s32 s0, $0x2;
	v31 =	vld [tilespmem:s1+$0x310]  }
0x24c: {  	v53 =	vld [tilespmem:s0+$0x4300]  }
0x24d: {  	v54 =	vld [tilespmem:s0+$0x4310]  }
0x24e: {  	v55 =	vld [tilespmem:s1+$0x320]  }
0x24f: {  	v56 =	vld [tilespmem:s0+$0x4320]  }
0x250: {  	v57 =	vld [tilespmem:s1+$0x330]  }
0x251: {  	v58 =	vld [tilespmem:s0+$0x4330]  }
0x252: {  	v32 =	vmul.f32 v53, v30;
	v33 =	vmul.f32 v54, v31;
	_ =	sdelay $0x1  }
0x253: {  	v59 =	vmul.f32 v56, v55;
	v32 =	vadd.f32 v33, v32;
	_ =	sdelay $0x1  }
0x254: {  	v60 =	vmul.f32 v58, v57;
	v32 =	vadd.f32 v59, v32;
	_ =	sdelay $0x1  }
0x255: {  	v32 =	vadd.f32 v60, v32;
	_ =	sdelay $0x1  }
0x256: {  	[tilespmem:$0x188FE] =	vst v32  }
0x257: {  	v32 =	vld [tilespmem:s0+$0x4380]  }
0x258: {  	v61 =	vld [tilespmem:s0+$0x4390];
	_ =	sdelay $0x1  }
0x259: {  	v62 =	vld [tilespmem:s0+$0x43A0];
	_ =	sdelay $0x1  }
0x25a: {  	v63 =	vld [tilespmem:s0+$0x43B0]  }
0x25b: {  	v32 =	vmul.f32 v32, v30;
	v33 =	vmul.f32 v61, v31;
	_ =	sdelay $0x1  }
0x25c: {  	v38 =	vmul.f32 v62, v55;
	v32 =	vadd.f32 v33, v32;
	_ =	sdelay $0x1  }
0x25d: {  	v39 =	vmul.f32 v63, v57;
	v32 =	vadd.f32 v38, v32;
	_ =	sdelay $0x1  }
0x25e: {  	v32 =	vadd.f32 v39, v32;
	_ =	sdelay $0x1  }
0x25f: {  	[tilespmem:$0x1890F] =	vst v32  }
0x260: {  	v32 =	vld [tilespmem:s0+$0x4400]  }
0x261: {  	v40 =	vld [tilespmem:s0+$0x4410];
	_ =	sdelay $0x1  }
0x262: {  	v41 =	vld [tilespmem:s0+$0x4420];
	_ =	sdelay $0x1  }
0x263: {  	v42 =	vld [tilespmem:s0+$0x4430]  }
0x264: {  	v32 =	vmul.f32 v32, v30;
	v33 =	vmul.f32 v40, v31;
	_ =	sdelay $0x1  }
0x265: {  	v43 =	vmul.f32 v41, v55;
	v32 =	vadd.f32 v33, v32;
	_ =	sdelay $0x1  }
0x266: {  	v44 =	vmul.f32 v42, v57;
	v32 =	vadd.f32 v43, v32;
	_ =	sdelay $0x1  }
0x267: {  	v32 =	vadd.f32 v44, v32;
	_ =	sdelay $0x1  }
0x268: {  	[tilespmem:$0x18920] =	vst v32  }
0x269: {  	v32 =	vld [tilespmem:s0+$0x4480]  }
0x26a: {  	v45 =	vld [tilespmem:s0+$0x4490];
	_ =	sdelay $0x1  }
0x26b: {  	v46 =	vld [tilespmem:s0+$0x44A0];
	_ =	sdelay $0x1  }
0x26c: {  	v47 =	vld [tilespmem:s0+$0x44B0]  }
0x26d: {  	v32 =	vmul.f32 v32, v30;
	v33 =	vmul.f32 v45, v31;
	_ =	sdelay $0x1  }
0x26e: {  	v48 =	vmul.f32 v46, v55;
	v32 =	vadd.f32 v33, v32;
	_ =	sdelay $0x1  }
0x26f: {  	v49 =	vmul.f32 v47, v57;
	v32 =	vadd.f32 v48, v32;
	_ =	sdelay $0x1  }
0x270: {  	v32 =	vadd.f32 v49, v32;
	_ =	sdelay $0x1  }
0x271: {  	[tilespmem:$0x18931] =	vst v32  }
0x272: {  	v32 =	vld [tilespmem:s0+$0x4500]  }
0x273: {  	v50 =	vld [tilespmem:s0+$0x4510];
	_ =	sdelay $0x1  }
0x274: {  	v51 =	vld [tilespmem:s0+$0x4520];
	_ =	sdelay $0x1  }
0x275: {  	v52 =	vld [tilespmem:s0+$0x4530]  }
0x276: {  	v30 =	vmul.f32 v32, v30;
	v31 =	vmul.f32 v50, v31;
	_ =	sdelay $0x1  }
0x277: {  	v30 =	vadd.f32 v31, v30;
	v31 =	vmul.f32 v51, v55;
	_ =	sdelay $0x1  }
0x278: {  	v30 =	vadd.f32 v31, v30;
	v31 =	vmul.f32 v52, v57;
	_ =	sdelay $0x1  }
0x279: {  	s24 =	sor.u32 $0x7, s31;
	v30 =	vadd.f32 v31, v30  }
0x27a: {  	s25 =	sshll.u32 s24, $0x7  }
0x27b: {  	s1 =	sand.u32 $0x3FFFFB80, s25;
	s0 =	smul.u32 $0xA00, s24;
	[tilespmem:$0x18942] =	vst v30  }
0x27c: {  	v30 =	vld [tilespmem:s1+$0x300]  }
0x27d: {  	s0 =	sshra.s32 s0, $0x2;
	v31 =	vld [tilespmem:s1+$0x310]  }
0x27e: {  	v53 =	vld [tilespmem:s0+$0x4300]  }
0x27f: {  	v54 =	vld [tilespmem:s0+$0x4310]  }
0x280: {  	v55 =	vld [tilespmem:s1+$0x320]  }
0x281: {  	v56 =	vld [tilespmem:s0+$0x4320]  }
0x282: {  	v57 =	vld [tilespmem:s1+$0x330]  }
0x283: {  	v58 =	vld [tilespmem:s0+$0x4330]  }
0x284: {  	v32 =	vmul.f32 v53, v30;
	v33 =	vmul.f32 v54, v31;
	_ =	sdelay $0x1  }
0x285: {  	v59 =	vmul.f32 v56, v55;
	v32 =	vadd.f32 v33, v32;
	_ =	sdelay $0x1  }
0x286: {  	v60 =	vmul.f32 v58, v57;
	v32 =	vadd.f32 v59, v32;
	_ =	sdelay $0x1  }
0x287: {  	v32 =	vadd.f32 v60, v32;
	_ =	sdelay $0x1  }
0x288: {  	[tilespmem:$0x18953] =	vst v32  }
0x289: {  	v32 =	vld [tilespmem:s0+$0x4380]  }
0x28a: {  	v61 =	vld [tilespmem:s0+$0x4390];
	_ =	sdelay $0x1  }
0x28b: {  	v62 =	vld [tilespmem:s0+$0x43A0];
	_ =	sdelay $0x1  }
0x28c: {  	v63 =	vld [tilespmem:s0+$0x43B0]  }
0x28d: {  	v32 =	vmul.f32 v32, v30;
	v33 =	vmul.f32 v61, v31;
	_ =	sdelay $0x1  }
0x28e: {  	v38 =	vmul.f32 v62, v55;
	v32 =	vadd.f32 v33, v32;
	_ =	sdelay $0x1  }
0x28f: {  	v39 =	vmul.f32 v63, v57;
	v32 =	vadd.f32 v38, v32;
	_ =	sdelay $0x1  }
0x290: {  	v32 =	vadd.f32 v39, v32;
	_ =	sdelay $0x1  }
0x291: {  	[tilespmem:$0x18964] =	vst v32  }
0x292: {  	v32 =	vld [tilespmem:s0+$0x4400]  }
0x293: {  	v40 =	vld [tilespmem:s0+$0x4410];
	_ =	sdelay $0x1  }
0x294: {  	v41 =	vld [tilespmem:s0+$0x4420];
	_ =	sdelay $0x1  }
0x295: {  	v42 =	vld [tilespmem:s0+$0x4430]  }
0x296: {  	v32 =	vmul.f32 v32, v30;
	v33 =	vmul.f32 v40, v31;
	_ =	sdelay $0x1  }
0x297: {  	v43 =	vmul.f32 v41, v55;
	v32 =	vadd.f32 v33, v32;
	_ =	sdelay $0x1  }
0x298: {  	v44 =	vmul.f32 v42, v57;
	v32 =	vadd.f32 v43, v32;
	_ =	sdelay $0x1  }
0x299: {  	v32 =	vadd.f32 v44, v32;
	_ =	sdelay $0x1  }
0x29a: {  	[tilespmem:$0x18975] =	vst v32  }
0x29b: {  	v32 =	vld [tilespmem:s0+$0x4480]  }
0x29c: {  	v45 =	vld [tilespmem:s0+$0x4490];
	_ =	sdelay $0x1  }
0x29d: {  	v46 =	vld [tilespmem:s0+$0x44A0];
	_ =	sdelay $0x1  }
0x29e: {  	v47 =	vld [tilespmem:s0+$0x44B0]  }
0x29f: {  	v32 =	vmul.f32 v32, v30;
	v33 =	vmul.f32 v45, v31;
	_ =	sdelay $0x1  }
0x2a0: {  	v48 =	vmul.f32 v46, v55;
	v32 =	vadd.f32 v33, v32;
	_ =	sdelay $0x1  }
0x2a1: {  	v49 =	vmul.f32 v47, v57;
	v32 =	vadd.f32 v48, v32;
	_ =	sdelay $0x1  }
0x2a2: {  	v32 =	vadd.f32 v49, v32;
	_ =	sdelay $0x1  }
0x2a3: {  	[tilespmem:$0x18986] =	vst v32  }
0x2a4: {  	v32 =	vld [tilespmem:s0+$0x4500]  }
0x2a5: {  	v50 =	vld [tilespmem:s0+$0x4510];
	_ =	sdelay $0x1  }
0x2a6: {  	v51 =	vld [tilespmem:s0+$0x4520];
	_ =	sdelay $0x1  }
0x2a7: {  	v52 =	vld [tilespmem:s0+$0x4530]  }
0x2a8: {  	v30 =	vmul.f32 v32, v30;
	v31 =	vmul.f32 v50, v31;
	_ =	sdelay $0x1  }
0x2a9: {  	v30 =	vadd.f32 v31, v30;
	v31 =	vmul.f32 v51, v55;
	_ =	sdelay $0x1  }
0x2aa: {  	v30 =	vadd.f32 v31, v30;
	v31 =	vmul.f32 v52, v57;
	_ =	sdelay $0x1  }
0x2ab: {  	s16 =	sor.u32 $0x8, s31;
	v30 =	vadd.f32 v31, v30  }
0x2ac: {  	s17 =	sshll.u32 s16, $0x7  }
0x2ad: {  	s1 =	sand.u32 $0x3FFFFC00, s17;
	s0 =	smul.u32 $0xA00, s16;
	[tilespmem:$0x18997] =	vst v30  }
0x2ae: {  	v30 =	vld [tilespmem:s1+$0x300]  }
0x2af: {  	s0 =	sshra.s32 s0, $0x2;
	v31 =	vld [tilespmem:s1+$0x310]  }
0x2b0: {  	v53 =	vld [tilespmem:s0+$0x4300]  }
0x2b1: {  	v54 =	vld [tilespmem:s0+$0x4310]  }
0x2b2: {  	v55 =	vld [tilespmem:s1+$0x320]  }
0x2b3: {  	v56 =	vld [tilespmem:s0+$0x4320]  }
0x2b4: {  	v57 =	vld [tilespmem:s1+$0x330]  }
0x2b5: {  	v58 =	vld [tilespmem:s0+$0x4330]  }
0x2b6: {  	v32 =	vmul.f32 v53, v30;
	v33 =	vmul.f32 v54, v31;
	_ =	sdelay $0x1  }
0x2b7: {  	v59 =	vmul.f32 v56, v55;
	v32 =	vadd.f32 v33, v32;
	_ =	sdelay $0x1  }
0x2b8: {  	v60 =	vmul.f32 v58, v57;
	v32 =	vadd.f32 v59, v32;
	_ =	sdelay $0x1  }
0x2b9: {  	v32 =	vadd.f32 v60, v32;
	_ =	sdelay $0x1  }
0x2ba: {  	[tilespmem:$0x189A8] =	vst v32  }
0x2bb: {  	v32 =	vld [tilespmem:s0+$0x4380]  }
0x2bc: {  	v61 =	vld [tilespmem:s0+$0x4390];
	_ =	sdelay $0x1  }
0x2bd: {  	v62 =	vld [tilespmem:s0+$0x43A0];
	_ =	sdelay $0x1  }
0x2be: {  	v63 =	vld [tilespmem:s0+$0x43B0]  }
0x2bf: {  	v32 =	vmul.f32 v32, v30;
	v33 =	vmul.f32 v61, v31;
	_ =	sdelay $0x1  }
0x2c0: {  	v38 =	vmul.f32 v62, v55;
	v32 =	vadd.f32 v33, v32;
	_ =	sdelay $0x1  }
0x2c1: {  	v39 =	vmul.f32 v63, v57;
	v32 =	vadd.f32 v38, v32;
	_ =	sdelay $0x1  }
0x2c2: {  	v32 =	vadd.f32 v39, v32;
	_ =	sdelay $0x1  }
0x2c3: {  	[tilespmem:$0x189B9] =	vst v32  }
0x2c4: {  	v32 =	vld [tilespmem:s0+$0x4400]  }
0x2c5: {  	v40 =	vld [tilespmem:s0+$0x4410];
	_ =	sdelay $0x1  }
0x2c6: {  	v41 =	vld [tilespmem:s0+$0x4420];
	_ =	sdelay $0x1  }
0x2c7: {  	v42 =	vld [tilespmem:s0+$0x4430]  }
0x2c8: {  	v32 =	vmul.f32 v32, v30;
	v33 =	vmul.f32 v40, v31;
	_ =	sdelay $0x1  }
0x2c9: {  	v43 =	vmul.f32 v41, v55;
	v32 =	vadd.f32 v33, v32;
	_ =	sdelay $0x1  }
0x2ca: {  	v44 =	vmul.f32 v42, v57;
	v32 =	vadd.f32 v43, v32;
	_ =	sdelay $0x1  }
0x2cb: {  	v32 =	vadd.f32 v44, v32;
	_ =	sdelay $0x1  }
0x2cc: {  	[tilespmem:$0x189CA] =	vst v32  }
0x2cd: {  	v32 =	vld [tilespmem:s0+$0x4480]  }
0x2ce: {  	v45 =	vld [tilespmem:s0+$0x4490];
	_ =	sdelay $0x1  }
0x2cf: {  	v46 =	vld [tilespmem:s0+$0x44A0];
	_ =	sdelay $0x1  }
0x2d0: {  	v47 =	vld [tilespmem:s0+$0x44B0]  }
0x2d1: {  	v32 =	vmul.f32 v32, v30;
	v33 =	vmul.f32 v45, v31;
	_ =	sdelay $0x1  }
0x2d2: {  	v48 =	vmul.f32 v46, v55;
	v32 =	vadd.f32 v33, v32;
	_ =	sdelay $0x1  }
0x2d3: {  	v49 =	vmul.f32 v47, v57;
	v32 =	vadd.f32 v48, v32;
	_ =	sdelay $0x1  }
0x2d4: {  	v32 =	vadd.f32 v49, v32;
	_ =	sdelay $0x1  }
0x2d5: {  	[tilespmem:$0x189DB] =	vst v32  }
0x2d6: {  	v32 =	vld [tilespmem:s0+$0x4500]  }
0x2d7: {  	v50 =	vld [tilespmem:s0+$0x4510];
	_ =	sdelay $0x1  }
0x2d8: {  	v51 =	vld [tilespmem:s0+$0x4520];
	_ =	sdelay $0x1  }
0x2d9: {  	v52 =	vld [tilespmem:s0+$0x4530]  }
0x2da: {  	v30 =	vmul.f32 v32, v30;
	v31 =	vmul.f32 v50, v31;
	_ =	sdelay $0x1  }
0x2db: {  	v30 =	vadd.f32 v31, v30;
	v31 =	vmul.f32 v51, v55;
	_ =	sdelay $0x1  }
0x2dc: {  	v30 =	vadd.f32 v31, v30;
	v31 =	vmul.f32 v52, v57;
	_ =	sdelay $0x1  }
0x2dd: {  	s18 =	sor.u32 $0x9, s31;
	v30 =	vadd.f32 v31, v30  }
0x2de: {  	s19 =	sshll.u32 s18, $0x7  }
0x2df: {  	s1 =	sand.u32 $0x3FFFFC80, s19;
	s0 =	smul.u32 $0xA00, s18;
	[tilespmem:$0x189EC] =	vst v30  }
0x2e0: {  	v30 =	vld [tilespmem:s1+$0x300]  }
0x2e1: {  	s0 =	sshra.s32 s0, $0x2;
	v31 =	vld [tilespmem:s1+$0x310]  }
0x2e2: {  	v53 =	vld [tilespmem:s0+$0x4300]  }
0x2e3: {  	v54 =	vld [tilespmem:s0+$0x4310]  }
0x2e4: {  	v55 =	vld [tilespmem:s1+$0x320]  }
0x2e5: {  	v56 =	vld [tilespmem:s0+$0x4320]  }
0x2e6: {  	v57 =	vld [tilespmem:s1+$0x330]  }
0x2e7: {  	v58 =	vld [tilespmem:s0+$0x4330]  }
0x2e8: {  	v32 =	vmul.f32 v53, v30;
	v33 =	vmul.f32 v54, v31;
	_ =	sdelay $0x1  }
0x2e9: {  	v59 =	vmul.f32 v56, v55;
	v32 =	vadd.f32 v33, v32;
	_ =	sdelay $0x1  }
0x2ea: {  	v60 =	vmul.f32 v58, v57;
	v32 =	vadd.f32 v59, v32;
	_ =	sdelay $0x1  }
0x2eb: {  	v32 =	vadd.f32 v60, v32;
	_ =	sdelay $0x1  }
0x2ec: {  	[tilespmem:$0x189FD] =	vst v32  }
0x2ed: {  	v32 =	vld [tilespmem:s0+$0x4380]  }
0x2ee: {  	v61 =	vld [tilespmem:s0+$0x4390];
	_ =	sdelay $0x1  }
0x2ef: {  	v62 =	vld [tilespmem:s0+$0x43A0];
	_ =	sdelay $0x1  }
0x2f0: {  	v63 =	vld [tilespmem:s0+$0x43B0]  }
0x2f1: {  	v32 =	vmul.f32 v32, v30;
	v33 =	vmul.f32 v61, v31;
	_ =	sdelay $0x1  }
0x2f2: {  	v38 =	vmul.f32 v62, v55;
	v32 =	vadd.f32 v33, v32;
	_ =	sdelay $0x1  }
0x2f3: {  	v39 =	vmul.f32 v63, v57;
	v32 =	vadd.f32 v38, v32;
	_ =	sdelay $0x1  }
0x2f4: {  	v32 =	vadd.f32 v39, v32;
	_ =	sdelay $0x1  }
0x2f5: {  	[tilespmem:$0x18A0E] =	vst v32  }
0x2f6: {  	v32 =	vld [tilespmem:s0+$0x4400]  }
0x2f7: {  	v40 =	vld [tilespmem:s0+$0x4410];
	_ =	sdelay $0x1  }
0x2f8: {  	v41 =	vld [tilespmem:s0+$0x4420];
	_ =	sdelay $0x1  }
0x2f9: {  	v42 =	vld [tilespmem:s0+$0x4430]  }
0x2fa: {  	v32 =	vmul.f32 v32, v30;
	v33 =	vmul.f32 v40, v31;
	_ =	sdelay $0x1  }
0x2fb: {  	v43 =	vmul.f32 v41, v55;
	v32 =	vadd.f32 v33, v32;
	_ =	sdelay $0x1  }
0x2fc: {  	v44 =	vmul.f32 v42, v57;
	v32 =	vadd.f32 v43, v32;
	_ =	sdelay $0x1  }
0x2fd: {  	v32 =	vadd.f32 v44, v32;
	_ =	sdelay $0x1  }
0x2fe: {  	[tilespmem:$0x18A1F] =	vst v32  }
0x2ff: {  	v32 =	vld [tilespmem:s0+$0x4480]  }
0x300: {  	v45 =	vld [tilespmem:s0+$0x4490];
	_ =	sdelay $0x1  }
0x301: {  	v46 =	vld [tilespmem:s0+$0x44A0];
	_ =	sdelay $0x1  }
0x302: {  	v47 =	vld [tilespmem:s0+$0x44B0]  }
0x303: {  	v32 =	vmul.f32 v32, v30;
	v33 =	vmul.f32 v45, v31;
	_ =	sdelay $0x1  }
0x304: {  	v48 =	vmul.f32 v46, v55;
	v32 =	vadd.f32 v33, v32;
	_ =	sdelay $0x1  }
0x305: {  	v49 =	vmul.f32 v47, v57;
	v32 =	vadd.f32 v48, v32;
	_ =	sdelay $0x1  }
0x306: {  	v32 =	vadd.f32 v49, v32;
	_ =	sdelay $0x1  }
0x307: {  	[tilespmem:$0x18A30] =	vst v32  }
0x308: {  	v32 =	vld [tilespmem:s0+$0x4500]  }
0x309: {  	v50 =	vld [tilespmem:s0+$0x4510];
	_ =	sdelay $0x1  }
0x30a: {  	v51 =	vld [tilespmem:s0+$0x4520];
	_ =	sdelay $0x1  }
0x30b: {  	v52 =	vld [tilespmem:s0+$0x4530]  }
0x30c: {  	v30 =	vmul.f32 v32, v30;
	v31 =	vmul.f32 v50, v31;
	_ =	sdelay $0x1  }
0x30d: {  	v30 =	vadd.f32 v31, v30;
	v31 =	vmul.f32 v51, v55;
	_ =	sdelay $0x1  }
0x30e: {  	v30 =	vadd.f32 v31, v30;
	v31 =	vmul.f32 v52, v57;
	_ =	sdelay $0x1  }
0x30f: {  	s20 =	sor.u32 $0xA, s31;
	v30 =	vadd.f32 v31, v30  }
0x310: {  	s23 =	sshll.u32 s20, $0x7  }
0x311: {  	s1 =	sand.u32 $0x3FFFFD00, s23;
	s0 =	smul.u32 $0xA00, s20;
	[tilespmem:$0x18A41] =	vst v30  }
0x312: {  	v30 =	vld [tilespmem:s1+$0x300]  }
0x313: {  	s0 =	sshra.s32 s0, $0x2;
	v31 =	vld [tilespmem:s1+$0x310]  }
0x314: {  	v53 =	vld [tilespmem:s0+$0x4300]  }
0x315: {  	v54 =	vld [tilespmem:s0+$0x4310]  }
0x316: {  	v55 =	vld [tilespmem:s1+$0x320]  }
0x317: {  	v56 =	vld [tilespmem:s0+$0x4320]  }
0x318: {  	v57 =	vld [tilespmem:s1+$0x330]  }
0x319: {  	v58 =	vld [tilespmem:s0+$0x4330]  }
0x31a: {  	v32 =	vmul.f32 v53, v30;
	v33 =	vmul.f32 v54, v31;
	_ =	sdelay $0x1  }
0x31b: {  	v59 =	vmul.f32 v56, v55;
	v32 =	vadd.f32 v33, v32;
	_ =	sdelay $0x1  }
0x31c: {  	v60 =	vmul.f32 v58, v57;
	v32 =	vadd.f32 v59, v32;
	_ =	sdelay $0x1  }
0x31d: {  	v32 =	vadd.f32 v60, v32;
	_ =	sdelay $0x1  }
0x31e: {  	[tilespmem:$0x18A52] =	vst v32  }
0x31f: {  	v32 =	vld [tilespmem:s0+$0x4380]  }
0x320: {  	v61 =	vld [tilespmem:s0+$0x4390];
	_ =	sdelay $0x1  }
0x321: {  	v62 =	vld [tilespmem:s0+$0x43A0];
	_ =	sdelay $0x1  }
0x322: {  	v63 =	vld [tilespmem:s0+$0x43B0]  }
0x323: {  	v32 =	vmul.f32 v32, v30;
	v33 =	vmul.f32 v61, v31;
	_ =	sdelay $0x1  }
0x324: {  	v38 =	vmul.f32 v62, v55;
	v32 =	vadd.f32 v33, v32;
	_ =	sdelay $0x1  }
0x325: {  	v39 =	vmul.f32 v63, v57;
	v32 =	vadd.f32 v38, v32;
	_ =	sdelay $0x1  }
0x326: {  	v32 =	vadd.f32 v39, v32;
	_ =	sdelay $0x1  }
0x327: {  	[tilespmem:$0x18A63] =	vst v32  }
0x328: {  	v32 =	vld [tilespmem:s0+$0x4400]  }
0x329: {  	v40 =	vld [tilespmem:s0+$0x4410];
	_ =	sdelay $0x1  }
0x32a: {  	v41 =	vld [tilespmem:s0+$0x4420];
	_ =	sdelay $0x1  }
0x32b: {  	v42 =	vld [tilespmem:s0+$0x4430]  }
0x32c: {  	v32 =	vmul.f32 v32, v30;
	v33 =	vmul.f32 v40, v31;
	_ =	sdelay $0x1  }
0x32d: {  	v43 =	vmul.f32 v41, v55;
	v32 =	vadd.f32 v33, v32;
	_ =	sdelay $0x1  }
0x32e: {  	v44 =	vmul.f32 v42, v57;
	v32 =	vadd.f32 v43, v32;
	_ =	sdelay $0x1  }
0x32f: {  	v32 =	vadd.f32 v44, v32;
	_ =	sdelay $0x1  }
0x330: {  	[tilespmem:$0x18A74] =	vst v32  }
0x331: {  	v32 =	vld [tilespmem:s0+$0x4480]  }
0x332: {  	v45 =	vld [tilespmem:s0+$0x4490];
	_ =	sdelay $0x1  }
0x333: {  	v46 =	vld [tilespmem:s0+$0x44A0];
	_ =	sdelay $0x1  }
0x334: {  	v47 =	vld [tilespmem:s0+$0x44B0]  }
0x335: {  	v32 =	vmul.f32 v32, v30;
	v33 =	vmul.f32 v45, v31;
	_ =	sdelay $0x1  }
0x336: {  	v48 =	vmul.f32 v46, v55;
	v32 =	vadd.f32 v33, v32;
	_ =	sdelay $0x1  }
0x337: {  	v49 =	vmul.f32 v47, v57;
	v32 =	vadd.f32 v48, v32;
	_ =	sdelay $0x1  }
0x338: {  	v32 =	vadd.f32 v49, v32;
	_ =	sdelay $0x1  }
0x339: {  	[tilespmem:$0x18A85] =	vst v32  }
0x33a: {  	v32 =	vld [tilespmem:s0+$0x4500]  }
0x33b: {  	v50 =	vld [tilespmem:s0+$0x4510];
	_ =	sdelay $0x1  }
0x33c: {  	v51 =	vld [tilespmem:s0+$0x4520];
	_ =	sdelay $0x1  }
0x33d: {  	v52 =	vld [tilespmem:s0+$0x4530]  }
0x33e: {  	v30 =	vmul.f32 v32, v30;
	v31 =	vmul.f32 v50, v31;
	_ =	sdelay $0x1  }
0x33f: {  	v30 =	vadd.f32 v31, v30;
	v31 =	vmul.f32 v51, v55;
	_ =	sdelay $0x1  }
0x340: {  	v30 =	vadd.f32 v31, v30;
	v31 =	vmul.f32 v52, v57;
	_ =	sdelay $0x1  }
0x341: {  	s24 =	sor.u32 $0xB, s31;
	v30 =	vadd.f32 v31, v30  }
0x342: {  	s25 =	sshll.u32 s24, $0x7  }
0x343: {  	s1 =	sand.u32 $0x3FFFFD80, s25;
	s0 =	smul.u32 $0xA00, s24;
	[tilespmem:$0x18A96] =	vst v30  }
0x344: {  	v30 =	vld [tilespmem:s1+$0x300]  }
0x345: {  	s0 =	sshra.s32 s0, $0x2;
	v31 =	vld [tilespmem:s1+$0x310]  }
0x346: {  	v53 =	vld [tilespmem:s0+$0x4300]  }
0x347: {  	v54 =	vld [tilespmem:s0+$0x4310]  }
0x348: {  	v55 =	vld [tilespmem:s1+$0x320]  }
0x349: {  	v56 =	vld [tilespmem:s0+$0x4320]  }
0x34a: {  	v57 =	vld [tilespmem:s1+$0x330]  }
0x34b: {  	v58 =	vld [tilespmem:s0+$0x4330]  }
0x34c: {  	v32 =	vmul.f32 v53, v30;
	v33 =	vmul.f32 v54, v31;
	_ =	sdelay $0x1  }
0x34d: {  	v59 =	vmul.f32 v56, v55;
	v32 =	vadd.f32 v33, v32;
	_ =	sdelay $0x1  }
0x34e: {  	v60 =	vmul.f32 v58, v57;
	v32 =	vadd.f32 v59, v32;
	_ =	sdelay $0x1  }
0x34f: {  	v32 =	vadd.f32 v60, v32;
	_ =	sdelay $0x1  }
0x350: {  	[tilespmem:$0x18AA7] =	vst v32  }
0x351: {  	v32 =	vld [tilespmem:s0+$0x4380]  }
0x352: {  	v61 =	vld [tilespmem:s0+$0x4390];
	_ =	sdelay $0x1  }
0x353: {  	v62 =	vld [tilespmem:s0+$0x43A0];
	_ =	sdelay $0x1  }
0x354: {  	v63 =	vld [tilespmem:s0+$0x43B0]  }
0x355: {  	v32 =	vmul.f32 v32, v30;
	v33 =	vmul.f32 v61, v31;
	_ =	sdelay $0x1  }
0x356: {  	v38 =	vmul.f32 v62, v55;
	v32 =	vadd.f32 v33, v32;
	_ =	sdelay $0x1  }
0x357: {  	v39 =	vmul.f32 v63, v57;
	v32 =	vadd.f32 v38, v32;
	_ =	sdelay $0x1  }
0x358: {  	v32 =	vadd.f32 v39, v32;
	_ =	sdelay $0x1  }
0x359: {  	[tilespmem:$0x18AB8] =	vst v32  }
0x35a: {  	v32 =	vld [tilespmem:s0+$0x4400]  }
0x35b: {  	v40 =	vld [tilespmem:s0+$0x4410];
	_ =	sdelay $0x1  }
0x35c: {  	v41 =	vld [tilespmem:s0+$0x4420];
	_ =	sdelay $0x1  }
0x35d: {  	v42 =	vld [tilespmem:s0+$0x4430]  }
0x35e: {  	v32 =	vmul.f32 v32, v30;
	v33 =	vmul.f32 v40, v31;
	_ =	sdelay $0x1  }
0x35f: {  	v43 =	vmul.f32 v41, v55;
	v32 =	vadd.f32 v33, v32;
	_ =	sdelay $0x1  }
0x360: {  	v44 =	vmul.f32 v42, v57;
	v32 =	vadd.f32 v43, v32;
	_ =	sdelay $0x1  }
0x361: {  	v32 =	vadd.f32 v44, v32;
	_ =	sdelay $0x1  }
0x362: {  	[tilespmem:$0x18AC9] =	vst v32  }
0x363: {  	v32 =	vld [tilespmem:s0+$0x4480]  }
0x364: {  	v45 =	vld [tilespmem:s0+$0x4490];
	_ =	sdelay $0x1  }
0x365: {  	v46 =	vld [tilespmem:s0+$0x44A0];
	_ =	sdelay $0x1  }
0x366: {  	v47 =	vld [tilespmem:s0+$0x44B0]  }
0x367: {  	v32 =	vmul.f32 v32, v30;
	v33 =	vmul.f32 v45, v31;
	_ =	sdelay $0x1  }
0x368: {  	v48 =	vmul.f32 v46, v55;
	v32 =	vadd.f32 v33, v32;
	_ =	sdelay $0x1  }
0x369: {  	v49 =	vmul.f32 v47, v57;
	v32 =	vadd.f32 v48, v32;
	_ =	sdelay $0x1  }
0x36a: {  	v32 =	vadd.f32 v49, v32;
	_ =	sdelay $0x1  }
0x36b: {  	[tilespmem:$0x18ADA] =	vst v32  }
0x36c: {  	v32 =	vld [tilespmem:s0+$0x4500]  }
0x36d: {  	v50 =	vld [tilespmem:s0+$0x4510];
	_ =	sdelay $0x1  }
0x36e: {  	v51 =	vld [tilespmem:s0+$0x4520];
	_ =	sdelay $0x1  }
0x36f: {  	v52 =	vld [tilespmem:s0+$0x4530]  }
0x370: {  	v30 =	vmul.f32 v32, v30;
	v31 =	vmul.f32 v50, v31;
	_ =	sdelay $0x1  }
0x371: {  	v30 =	vadd.f32 v31, v30;
	v31 =	vmul.f32 v51, v55;
	_ =	sdelay $0x1  }
0x372: {  	v30 =	vadd.f32 v31, v30;
	v31 =	vmul.f32 v52, v57;
	_ =	sdelay $0x1  }
0x373: {  	s16 =	sor.u32 $0xC, s31;
	v30 =	vadd.f32 v31, v30  }
0x374: {  	s17 =	sshll.u32 s16, $0x7  }
0x375: {  	s1 =	sand.u32 $0x3FFFFE00, s17;
	s0 =	smul.u32 $0xA00, s16;
	[tilespmem:$0x18AEB] =	vst v30  }
0x376: {  	v30 =	vld [tilespmem:s1+$0x300]  }
0x377: {  	s0 =	sshra.s32 s0, $0x2;
	v31 =	vld [tilespmem:s1+$0x310]  }
0x378: {  	v53 =	vld [tilespmem:s0+$0x4300]  }
0x379: {  	v54 =	vld [tilespmem:s0+$0x4310]  }
0x37a: {  	v55 =	vld [tilespmem:s1+$0x320]  }
0x37b: {  	v56 =	vld [tilespmem:s0+$0x4320]  }
0x37c: {  	v57 =	vld [tilespmem:s1+$0x330]  }
0x37d: {  	v58 =	vld [tilespmem:s0+$0x4330]  }
0x37e: {  	v32 =	vmul.f32 v53, v30;
	v33 =	vmul.f32 v54, v31;
	_ =	sdelay $0x1  }
0x37f: {  	v59 =	vmul.f32 v56, v55;
	v32 =	vadd.f32 v33, v32;
	_ =	sdelay $0x1  }
0x380: {  	v60 =	vmul.f32 v58, v57;
	v32 =	vadd.f32 v59, v32;
	_ =	sdelay $0x1  }
0x381: {  	v32 =	vadd.f32 v60, v32;
	_ =	sdelay $0x1  }
0x382: {  	[tilespmem:$0x18AFC] =	vst v32  }
0x383: {  	v32 =	vld [tilespmem:s0+$0x4380]  }
0x384: {  	v61 =	vld [tilespmem:s0+$0x4390];
	_ =	sdelay $0x1  }
0x385: {  	v62 =	vld [tilespmem:s0+$0x43A0];
	_ =	sdelay $0x1  }
0x386: {  	v63 =	vld [tilespmem:s0+$0x43B0]  }
0x387: {  	v32 =	vmul.f32 v32, v30;
	v33 =	vmul.f32 v61, v31;
	_ =	sdelay $0x1  }
0x388: {  	v38 =	vmul.f32 v62, v55;
	v32 =	vadd.f32 v33, v32;
	_ =	sdelay $0x1  }
0x389: {  	v39 =	vmul.f32 v63, v57;
	v32 =	vadd.f32 v38, v32;
	_ =	sdelay $0x1  }
0x38a: {  	v32 =	vadd.f32 v39, v32;
	_ =	sdelay $0x1  }
0x38b: {  	[tilespmem:$0x18B0D] =	vst v32  }
0x38c: {  	v32 =	vld [tilespmem:s0+$0x4400]  }
0x38d: {  	v40 =	vld [tilespmem:s0+$0x4410];
	_ =	sdelay $0x1  }
0x38e: {  	v41 =	vld [tilespmem:s0+$0x4420];
	_ =	sdelay $0x1  }
0x38f: {  	v42 =	vld [tilespmem:s0+$0x4430]  }
0x390: {  	v32 =	vmul.f32 v32, v30;
	v33 =	vmul.f32 v40, v31;
	_ =	sdelay $0x1  }
0x391: {  	v43 =	vmul.f32 v41, v55;
	v32 =	vadd.f32 v33, v32;
	_ =	sdelay $0x1  }
0x392: {  	v44 =	vmul.f32 v42, v57;
	v32 =	vadd.f32 v43, v32;
	_ =	sdelay $0x1  }
0x393: {  	v32 =	vadd.f32 v44, v32;
	_ =	sdelay $0x1  }
0x394: {  	[tilespmem:$0x18B1E] =	vst v32  }
0x395: {  	v32 =	vld [tilespmem:s0+$0x4480]  }
0x396: {  	v45 =	vld [tilespmem:s0+$0x4490];
	_ =	sdelay $0x1  }
0x397: {  	v46 =	vld [tilespmem:s0+$0x44A0];
	_ =	sdelay $0x1  }
0x398: {  	v47 =	vld [tilespmem:s0+$0x44B0]  }
0x399: {  	v32 =	vmul.f32 v32, v30;
	v33 =	vmul.f32 v45, v31;
	_ =	sdelay $0x1  }
0x39a: {  	v48 =	vmul.f32 v46, v55;
	v32 =	vadd.f32 v33, v32;
	_ =	sdelay $0x1  }
0x39b: {  	v49 =	vmul.f32 v47, v57;
	v32 =	vadd.f32 v48, v32;
	_ =	sdelay $0x1  }
0x39c: {  	v32 =	vadd.f32 v49, v32;
	_ =	sdelay $0x1  }
0x39d: {  	[tilespmem:$0x18B2F] =	vst v32  }
0x39e: {  	v32 =	vld [tilespmem:s0+$0x4500]  }
0x39f: {  	v50 =	vld [tilespmem:s0+$0x4510];
	_ =	sdelay $0x1  }
0x3a0: {  	v51 =	vld [tilespmem:s0+$0x4520];
	_ =	sdelay $0x1  }
0x3a1: {  	v52 =	vld [tilespmem:s0+$0x4530]  }
0x3a2: {  	v30 =	vmul.f32 v32, v30;
	v31 =	vmul.f32 v50, v31;
	_ =	sdelay $0x1  }
0x3a3: {  	v30 =	vadd.f32 v31, v30;
	v31 =	vmul.f32 v51, v55;
	_ =	sdelay $0x1  }
0x3a4: {  	v30 =	vadd.f32 v31, v30;
	v31 =	vmul.f32 v52, v57;
	_ =	sdelay $0x1  }
0x3a5: {  	s18 =	sor.u32 $0xD, s31;
	v30 =	vadd.f32 v31, v30  }
0x3a6: {  	s19 =	sshll.u32 s18, $0x7  }
0x3a7: {  	s1 =	sand.u32 $0x3FFFFE80, s19;
	s0 =	smul.u32 $0xA00, s18;
	[tilespmem:$0x18B40] =	vst v30  }
0x3a8: {  	v30 =	vld [tilespmem:s1+$0x300]  }
0x3a9: {  	s0 =	sshra.s32 s0, $0x2;
	v31 =	vld [tilespmem:s1+$0x310]  }
0x3aa: {  	v53 =	vld [tilespmem:s0+$0x4300]  }
0x3ab: {  	v54 =	vld [tilespmem:s0+$0x4310]  }
0x3ac: {  	v55 =	vld [tilespmem:s1+$0x320]  }
0x3ad: {  	v56 =	vld [tilespmem:s0+$0x4320]  }
0x3ae: {  	v57 =	vld [tilespmem:s1+$0x330]  }
0x3af: {  	v58 =	vld [tilespmem:s0+$0x4330]  }
0x3b0: {  	v32 =	vmul.f32 v53, v30;
	v33 =	vmul.f32 v54, v31;
	_ =	sdelay $0x1  }
0x3b1: {  	v59 =	vmul.f32 v56, v55;
	v32 =	vadd.f32 v33, v32;
	_ =	sdelay $0x1  }
0x3b2: {  	v60 =	vmul.f32 v58, v57;
	v32 =	vadd.f32 v59, v32;
	_ =	sdelay $0x1  }
0x3b3: {  	v32 =	vadd.f32 v60, v32;
	_ =	sdelay $0x1  }
0x3b4: {  	[tilespmem:$0x18B51] =	vst v32  }
0x3b5: {  	v32 =	vld [tilespmem:s0+$0x4380]  }
0x3b6: {  	v61 =	vld [tilespmem:s0+$0x4390];
	_ =	sdelay $0x1  }
0x3b7: {  	v62 =	vld [tilespmem:s0+$0x43A0];
	_ =	sdelay $0x1  }
0x3b8: {  	v63 =	vld [tilespmem:s0+$0x43B0]  }
0x3b9: {  	v32 =	vmul.f32 v32, v30;
	v33 =	vmul.f32 v61, v31;
	_ =	sdelay $0x1  }
0x3ba: {  	v38 =	vmul.f32 v62, v55;
	v32 =	vadd.f32 v33, v32;
	_ =	sdelay $0x1  }
0x3bb: {  	v39 =	vmul.f32 v63, v57;
	v32 =	vadd.f32 v38, v32;
	_ =	sdelay $0x1  }
0x3bc: {  	v32 =	vadd.f32 v39, v32;
	_ =	sdelay $0x1  }
0x3bd: {  	[tilespmem:$0x18B62] =	vst v32  }
0x3be: {  	v32 =	vld [tilespmem:s0+$0x4400]  }
0x3bf: {  	v40 =	vld [tilespmem:s0+$0x4410];
	_ =	sdelay $0x1  }
0x3c0: {  	v41 =	vld [tilespmem:s0+$0x4420];
	_ =	sdelay $0x1  }
0x3c1: {  	v42 =	vld [tilespmem:s0+$0x4430]  }
0x3c2: {  	v32 =	vmul.f32 v32, v30;
	v33 =	vmul.f32 v40, v31;
	_ =	sdelay $0x1  }
0x3c3: {  	v43 =	vmul.f32 v41, v55;
	v32 =	vadd.f32 v33, v32;
	_ =	sdelay $0x1  }
0x3c4: {  	v44 =	vmul.f32 v42, v57;
	v32 =	vadd.f32 v43, v32;
	_ =	sdelay $0x1  }
0x3c5: {  	v32 =	vadd.f32 v44, v32;
	_ =	sdelay $0x1  }
0x3c6: {  	[tilespmem:$0x18B73] =	vst v32  }
0x3c7: {  	v32 =	vld [tilespmem:s0+$0x4480]  }
0x3c8: {  	v45 =	vld [tilespmem:s0+$0x4490];
	_ =	sdelay $0x1  }
0x3c9: {  	v46 =	vld [tilespmem:s0+$0x44A0];
	_ =	sdelay $0x1  }
0x3ca: {  	v47 =	vld [tilespmem:s0+$0x44B0]  }
0x3cb: {  	v32 =	vmul.f32 v32, v30;
	v33 =	vmul.f32 v45, v31;
	_ =	sdelay $0x1  }
0x3cc: {  	v48 =	vmul.f32 v46, v55;
	v32 =	vadd.f32 v33, v32;
	_ =	sdelay $0x1  }
0x3cd: {  	v49 =	vmul.f32 v47, v57;
	v32 =	vadd.f32 v48, v32;
	_ =	sdelay $0x1  }
0x3ce: {  	v32 =	vadd.f32 v49, v32;
	_ =	sdelay $0x1  }
0x3cf: {  	[tilespmem:$0x18B84] =	vst v32  }
0x3d0: {  	v32 =	vld [tilespmem:s0+$0x4500]  }
0x3d1: {  	v50 =	vld [tilespmem:s0+$0x4510];
	_ =	sdelay $0x1  }
0x3d2: {  	v51 =	vld [tilespmem:s0+$0x4520];
	_ =	sdelay $0x1  }
0x3d3: {  	v52 =	vld [tilespmem:s0+$0x4530]  }
0x3d4: {  	v30 =	vmul.f32 v32, v30;
	v31 =	vmul.f32 v50, v31;
	_ =	sdelay $0x1  }
0x3d5: {  	v30 =	vadd.f32 v31, v30;
	v31 =	vmul.f32 v51, v55;
	_ =	sdelay $0x1  }
0x3d6: {  	v30 =	vadd.f32 v31, v30;
	v31 =	vmul.f32 v52, v57;
	_ =	sdelay $0x1  }
0x3d7: {  	s20 =	sor.u32 $0xE, s31;
	v30 =	vadd.f32 v31, v30  }
0x3d8: {  	s23 =	sshll.u32 s20, $0x7  }
0x3d9: {  	s1 =	sand.u32 $0x3FFFFF00, s23;
	s0 =	smul.u32 $0xA00, s20;
	[tilespmem:$0x18B95] =	vst v30  }
0x3da: {  	v30 =	vld [tilespmem:s1+$0x300]  }
0x3db: {  	s0 =	sshra.s32 s0, $0x2;
	v31 =	vld [tilespmem:s1+$0x310]  }
0x3dc: {  	v53 =	vld [tilespmem:s0+$0x4300]  }
0x3dd: {  	v54 =	vld [tilespmem:s0+$0x4310]  }
0x3de: {  	v55 =	vld [tilespmem:s1+$0x320]  }
0x3df: {  	v56 =	vld [tilespmem:s0+$0x4320]  }
0x3e0: {  	v57 =	vld [tilespmem:s1+$0x330]  }
0x3e1: {  	v58 =	vld [tilespmem:s0+$0x4330]  }
0x3e2: {  	v32 =	vmul.f32 v53, v30;
	v33 =	vmul.f32 v54, v31;
	_ =	sdelay $0x1  }
0x3e3: {  	v59 =	vmul.f32 v56, v55;
	v32 =	vadd.f32 v33, v32;
	_ =	sdelay $0x1  }
0x3e4: {  	v60 =	vmul.f32 v58, v57;
	v32 =	vadd.f32 v59, v32;
	_ =	sdelay $0x1  }
0x3e5: {  	v32 =	vadd.f32 v60, v32;
	_ =	sdelay $0x1  }
0x3e6: {  	[tilespmem:$0x18BA6] =	vst v32  }
0x3e7: {  	v32 =	vld [tilespmem:s0+$0x4380]  }
0x3e8: {  	v61 =	vld [tilespmem:s0+$0x4390];
	_ =	sdelay $0x1  }
0x3e9: {  	v62 =	vld [tilespmem:s0+$0x43A0];
	_ =	sdelay $0x1  }
0x3ea: {  	v63 =	vld [tilespmem:s0+$0x43B0]  }
0x3eb: {  	v32 =	vmul.f32 v32, v30;
	v33 =	vmul.f32 v61, v31;
	_ =	sdelay $0x1  }
0x3ec: {  	v40 =	vmul.f32 v62, v55;
	v32 =	vadd.f32 v33, v32;
	_ =	sdelay $0x1  }
0x3ed: {  	v41 =	vmul.f32 v63, v57;
	v32 =	vadd.f32 v40, v32;
	_ =	sdelay $0x1  }
0x3ee: {  	v32 =	vadd.f32 v41, v32;
	_ =	sdelay $0x1  }
0x3ef: {  	[tilespmem:$0x18BB7] =	vst v32  }
0x3f0: {  	v32 =	vld [tilespmem:s0+$0x4400]  }
0x3f1: {  	v42 =	vld [tilespmem:s0+$0x4410];
	_ =	sdelay $0x1  }
0x3f2: {  	v43 =	vld [tilespmem:s0+$0x4420];
	_ =	sdelay $0x1  }
0x3f3: {  	v44 =	vld [tilespmem:s0+$0x4430]  }
0x3f4: {  	v32 =	vmul.f32 v32, v30;
	v33 =	vmul.f32 v42, v31;
	_ =	sdelay $0x1  }
0x3f5: {  	v45 =	vmul.f32 v43, v55;
	v32 =	vadd.f32 v33, v32;
	_ =	sdelay $0x1  }
0x3f6: {  	v46 =	vmul.f32 v44, v57;
	v32 =	vadd.f32 v45, v32;
	_ =	sdelay $0x1  }
0x3f7: {  	v32 =	vadd.f32 v46, v32;
	_ =	sdelay $0x1  }
0x3f8: {  	[tilespmem:$0x18BC8] =	vst v32  }
0x3f9: {  	v32 =	vld [tilespmem:s0+$0x4480]  }
0x3fa: {  	v47 =	vld [tilespmem:s0+$0x4490];
	_ =	sdelay $0x1  }
0x3fb: {  	v48 =	vld [tilespmem:s0+$0x44A0];
	_ =	sdelay $0x1  }
0x3fc: {  	v49 =	vld [tilespmem:s0+$0x44B0]  }
0x3fd: {  	v32 =	vmul.f32 v32, v30;
	v33 =	vmul.f32 v47, v31;
	_ =	sdelay $0x1  }
0x3fe: {  	v50 =	vmul.f32 v48, v55;
	v32 =	vadd.f32 v33, v32;
	_ =	sdelay $0x1  }
0x3ff: {  	v51 =	vmul.f32 v49, v57;
	v32 =	vadd.f32 v50, v32;
	_ =	sdelay $0x1  }
0x400: {  	v32 =	vadd.f32 v51, v32;
	_ =	sdelay $0x1  }
0x401: {  	[tilespmem:$0x18BD9] =	vst v32  }
0x402: {  	v32 =	vld [tilespmem:s0+$0x4500]  }
0x403: {  	v52 =	vld [tilespmem:s0+$0x4510];
	_ =	sdelay $0x1  }
0x404: {  	v53 =	vld [tilespmem:s0+$0x4520];
	_ =	sdelay $0x1  }
0x405: {  	v54 =	vld [tilespmem:s0+$0x4530]  }
0x406: {  	v30 =	vmul.f32 v32, v30;
	v31 =	vmul.f32 v52, v31;
	_ =	sdelay $0x1  }
0x407: {  	v30 =	vadd.f32 v31, v30;
	v31 =	vmul.f32 v53, v55;
	_ =	sdelay $0x1  }
0x408: {  	v30 =	vadd.f32 v31, v30;
	v31 =	vmul.f32 v54, v57;
	_ =	sdelay $0x1  }
0x409: {  	s24 =	sshllo.u32 s30, $0x4;
	v30 =	vadd.f32 v31, v30  }
0x40a: {  	s25 =	sshll.u32 s24, $0x7  }
0x40b: {  	s1 =	sand.u32 $0x3FFFFF80, s25;
	s0 =	smul.u32 $0xA00, s24;
	[tilespmem:$0x18BEA] =	vst v30  }
0x40c: {  	v30 =	vld [tilespmem:s1+$0x300]  }
0x40d: {  	s0 =	sshra.s32 s0, $0x2;
	v31 =	vld [tilespmem:s1+$0x310]  }
0x40e: {  	v55 =	vld [tilespmem:s0+$0x4300]  }
0x40f: {  	v56 =	vld [tilespmem:s0+$0x4310]  }
0x410: {  	v57 =	vld [tilespmem:s1+$0x320]  }
0x411: {  	v58 =	vld [tilespmem:s0+$0x4320]  }
0x412: {  	v59 =	vld [tilespmem:s1+$0x330]  }
0x413: {  	v60 =	vld [tilespmem:s0+$0x4330]  }
0x414: {  	v32 =	vmul.f32 v55, v30;
	v33 =	vmul.f32 v56, v31;
	_ =	sdelay $0x1  }
0x415: {  	v61 =	vmul.f32 v58, v57;
	v32 =	vadd.f32 v33, v32;
	_ =	sdelay $0x1  }
0x416: {  	v62 =	vmul.f32 v60, v59;
	v32 =	vadd.f32 v61, v32;
	_ =	sdelay $0x1  }
0x417: {  	v32 =	vadd.f32 v62, v32;
	_ =	sdelay $0x1  }
0x418: {  	[tilespmem:$0x18BFB] =	vst v32  }
0x419: {  	v32 =	vld [tilespmem:s0+$0x4380]  }
0x41a: {  	v63 =	vld [tilespmem:s0+$0x4390];
	_ =	sdelay $0x1  }
0x41b: {  	v40 =	vld [tilespmem:s0+$0x43A0];
	_ =	sdelay $0x1  }
0x41c: {  	v41 =	vld [tilespmem:s0+$0x43B0]  }
0x41d: {  	v32 =	vmul.f32 v32, v30;
	v33 =	vmul.f32 v63, v31;
	_ =	sdelay $0x1  }
0x41e: {  	v42 =	vmul.f32 v40, v57;
	v32 =	vadd.f32 v33, v32;
	_ =	sdelay $0x1  }
0x41f: {  	v43 =	vmul.f32 v41, v59;
	v32 =	vadd.f32 v42, v32;
	_ =	sdelay $0x1  }
0x420: {  	v32 =	vadd.f32 v43, v32;
	_ =	sdelay $0x1  }
0x421: {  	[tilespmem:$0x18C0C] =	vst v32  }
0x422: {  	v32 =	vld [tilespmem:s0+$0x4400]  }
0x423: {  	v44 =	vld [tilespmem:s0+$0x4410];
	_ =	sdelay $0x1  }
0x424: {  	v45 =	vld [tilespmem:s0+$0x4420];
	_ =	sdelay $0x1  }
0x425: {  	v46 =	vld [tilespmem:s0+$0x4430]  }
0x426: {  	v32 =	vmul.f32 v32, v30;
	v33 =	vmul.f32 v44, v31;
	_ =	sdelay $0x1  }
0x427: {  	v47 =	vmul.f32 v45, v57;
	v32 =	vadd.f32 v33, v32;
	_ =	sdelay $0x1  }
0x428: {  	v48 =	vmul.f32 v46, v59;
	v32 =	vadd.f32 v47, v32;
	_ =	sdelay $0x1  }
0x429: {  	v32 =	vadd.f32 v48, v32;
	_ =	sdelay $0x1  }
0x42a: {  	[tilespmem:$0x18C1D] =	vst v32  }
0x42b: {  	v32 =	vld [tilespmem:s0+$0x4480]  }
0x42c: {  	v49 =	vld [tilespmem:s0+$0x4490];
	_ =	sdelay $0x1  }
0x42d: {  	v50 =	vld [tilespmem:s0+$0x44A0];
	_ =	sdelay $0x1  }
0x42e: {  	v51 =	vld [tilespmem:s0+$0x44B0]  }
0x42f: {  	v32 =	vmul.f32 v32, v30;
	v33 =	vmul.f32 v49, v31;
	_ =	sdelay $0x1  }
0x430: {  	v52 =	vmul.f32 v50, v57;
	v32 =	vadd.f32 v33, v32;
	_ =	sdelay $0x1  }
0x431: {  	v53 =	vmul.f32 v51, v59;
	v32 =	vadd.f32 v52, v32;
	_ =	sdelay $0x1  }
0x432: {  	v32 =	vadd.f32 v53, v32;
	_ =	sdelay $0x1  }
0x433: {  	[tilespmem:$0x18C2E] =	vst v32  }
0x434: {  	v32 =	vld [tilespmem:s0+$0x4500]  }
0x435: {  	v54 =	vld [tilespmem:s0+$0x4510];
	_ =	sdelay $0x1  }
0x436: {  	v55 =	vld [tilespmem:s0+$0x4520];
	_ =	sdelay $0x1  }
0x437: {  	v56 =	vld [tilespmem:s0+$0x4530]  }
0x438: {  	v30 =	vmul.f32 v32, v30;
	v31 =	vmul.f32 v54, v31;
	_ =	sdelay $0x1  }
0x439: {  	v30 =	vadd.f32 v31, v30;
	v31 =	vmul.f32 v55, v57;
	_ =	sdelay $0x1  }
0x43a: {  	v30 =	vadd.f32 v31, v30;
	v31 =	vmul.f32 v56, v59;
	_ =	sdelay $0x1  }
0x43b: {  	v30 =	vadd.f32 v31, v30;
	_ =	sdelay $0x1  }
0x43c: {  	[tilespmem:$0x18C3F] =	vst v30  }
0x43d: {  	v30 =	vld.idx.msk [tilespmem:v0+s22+$0x0], $0xffff  }
0x43e: {  	v31 =	vld.idx.msk [tilespmem:v1+s22+$0x0], $0xffff;
	_ =	sdelay $0x1  }
0x43f: {  	v57 =	vld.idx.msk [tilespmem:v2+s22+$0x0], $0xffff;
	_ =	sdelay $0x1  }
0x440: {  	v58 =	vld.idx.msk [tilespmem:v3+s22+$0x0], $0xffff  }
0x441: {  	v30 =	vadd.f32 v31, v30  }
0x442: {  	v31 =	vld.idx.msk [tilespmem:v4+s22+$0x0], $0xffff  }
0x443: {  	v30 =	vadd.f32 v57, v30  }
0x444: {  	v59 =	vld.idx.msk [tilespmem:v5+s22+$0x0], $0xffff  }
0x445: {  	v30 =	vadd.f32 v58, v30  }
0x446: {  	v60 =	vld.idx.msk [tilespmem:v6+s22+$0x0], $0xffff  }
0x447: {  	v30 =	vadd.f32 v31, v30  }
0x448: {  	v31 =	vld.idx.msk [tilespmem:v7+s22+$0x0], $0xffff  }
0x449: {  	v30 =	vadd.f32 v59, v30  }
0x44a: {  	v61 =	vld.idx.msk [tilespmem:v8+s22+$0x0], $0xffff  }
0x44b: {  	v30 =	vadd.f32 v60, v30  }
0x44c: {  	v62 =	vld.idx.msk [tilespmem:v9+s22+$0x0], $0xffff  }
0x44d: {  	v30 =	vadd.f32 v31, v30  }
0x44e: {  	v31 =	vld.idx.msk [tilespmem:v10+s22+$0x0], $0xffff  }
0x44f: {  	v30 =	vadd.f32 v61, v30  }
0x450: {  	v63 =	vld.idx.msk [tilespmem:v11+s22+$0x0], $0xffff  }
0x451: {  	v30 =	vadd.f32 v62, v30  }
0x452: {  	v36 =	vld.idx.msk [tilespmem:v12+s22+$0x0], $0xffff  }
0x453: {  	v30 =	vadd.f32 v31, v30  }
0x454: {  	v31 =	vld.idx.msk [tilespmem:v13+s22+$0x0], $0xffff  }
0x455: {  	v30 =	vadd.f32 v63, v30  }
0x456: {  	v37 =	vld.idx.msk [tilespmem:v14+s22+$0x0], $0xffff  }
0x457: {  	v30 =	vadd.f32 v36, v30  }
0x458: {  	v38 =	vld.idx.msk [tilespmem:v15+s22+$0x0], $0xffff  }
0x459: {  	v30 =	vadd.f32 v31, v30;
	_ =	sdelay $0x1  }
0x45a: {  	v30 =	vadd.f32 v37, v30;
	_ =	sdelay $0x1  }
0x45b: {  	v30 =	vadd.f32 v38, v30;
	_ =	sdelay $0x1  }
0x45c: {  	[tilespmem:s31+$0x18300] =	vst v30  }
0x45d: {  	v30 =	vld.idx.msk [tilespmem:v16+s22+$0x0], $0xffff  }
0x45e: {  	v31 =	vld.idx.msk [tilespmem:v17+s22+$0x0], $0xffff;
	_ =	sdelay $0x1  }
0x45f: {  	v39 =	vld.idx.msk [tilespmem:v18+s22+$0x0], $0xffff;
	_ =	sdelay $0x1  }
0x460: {  	v40 =	vld.idx.msk [tilespmem:v19+s22+$0x0], $0xffff  }
0x461: {  	v30 =	vadd.f32 v31, v30  }
0x462: {  	v31 =	vld.idx.msk [tilespmem:v20+s22+$0x0], $0xffff  }
0x463: {  	v30 =	vadd.f32 v39, v30  }
0x464: {  	v41 =	vld.idx.msk [tilespmem:v21+s22+$0x0], $0xffff  }
0x465: {  	v30 =	vadd.f32 v40, v30  }
0x466: {  	v42 =	vld.idx.msk [tilespmem:v22+s22+$0x0], $0xffff  }
0x467: {  	v30 =	vadd.f32 v31, v30  }
0x468: {  	v31 =	vld.idx.msk [tilespmem:v23+s22+$0x0], $0xffff  }
0x469: {  	v30 =	vadd.f32 v41, v30  }
0x46a: {  	v43 =	vld.idx.msk [tilespmem:v24+s22+$0x0], $0xffff  }
0x46b: {  	v30 =	vadd.f32 v42, v30  }
0x46c: {  	v44 =	vld.idx.msk [tilespmem:v25+s22+$0x0], $0xffff  }
0x46d: {  	v30 =	vadd.f32 v31, v30  }
0x46e: {  	v31 =	vld.idx.msk [tilespmem:v26+s22+$0x0], $0xffff  }
0x46f: {  	v30 =	vadd.f32 v43, v30  }
0x470: {  	v45 =	vld.idx.msk [tilespmem:v27+s22+$0x0], $0xffff  }
0x471: {  	v46 =	vadd.s32 $0x1F, v0;
	v30 =	vadd.f32 v44, v30  }
0x472: {  	v47 =	vld.idx.msk [tilespmem:v28+s22+$0x0], $0xffff  }
0x473: {  	v30 =	vadd.f32 v31, v30;
	v31 =	vadd.s32 $0x20, v0  }
0x474: {  	v48 =	vld.idx.msk [tilespmem:v29+s22+$0x0], $0xffff  }
0x475: {  	v30 =	vadd.f32 v45, v30  }
0x476: {  	v49 =	vld.idx.msk [tilespmem:v46+s22+$0x0], $0xffff  }
0x477: {  	v30 =	vadd.f32 v47, v30  }
0x478: {  	v31 =	vld.idx.msk [tilespmem:v31+s22+$0x0], $0xffff  }
0x479: {  	v30 =	vadd.f32 v48, v30;
	_ =	sdelay $0x1  }
0x47a: {  	v50 =	vadd.s32 $0x22, v0;
	v30 =	vadd.f32 v49, v30  }
0x47b: {  	v51 =	vadd.s32 $0x23, v0  }
0x47c: {  	v30 =	vadd.f32 v31, v30  }
0x47d: {  	v31 =	vadd.s32 $0x24, v0  }
0x47e: {  	[tilespmem:s31+$0x18380] =	vst v30  }
0x47f: {  	v52 =	vadd.s32 $0x25, v0;
	v30 =	vld.idx.msk [tilespmem:v50+s22+$0x0], $0xffff  }
0x480: {  	v33 =	vld.idx.msk [tilespmem:v51+s22+$0x0], $0xffff  }
0x481: {  	v53 =	vadd.s32 $0x26, v0  }
0x482: {  	v31 =	vld.idx.msk [tilespmem:v31+s22+$0x0], $0xffff  }
0x483: {  	v54 =	vadd.s32 $0x27, v0  }
0x484: {  	v32 =	vld.idx.msk [tilespmem:v52+s22+$0x0], $0xffff  }
0x485: {  	v55 =	vadd.s32 $0x28, v0;
	v30 =	vadd.f32 v33, v30  }
0x486: {  	v34 =	vld.idx.msk [tilespmem:v53+s22+$0x0], $0xffff  }
0x487: {  	v30 =	vadd.f32 v31, v30;
	v31 =	vadd.s32 $0x29, v0  }
0x488: {  	v35 =	vld.idx.msk [tilespmem:v54+s22+$0x0], $0xffff  }
0x489: {  	v56 =	vadd.s32 $0x2A, v0;
	v30 =	vadd.f32 v32, v30  }
0x48a: {  	v33 =	vld.idx.msk [tilespmem:v55+s22+$0x0], $0xffff  }
0x48b: {  	v57 =	vadd.s32 $0x2B, v0;
	v30 =	vadd.f32 v34, v30  }
0x48c: {  	v31 =	vld.idx.msk [tilespmem:v31+s22+$0x0], $0xffff  }
0x48d: {  	v58 =	vadd.s32 $0x2C, v0;
	v30 =	vadd.f32 v35, v30  }
0x48e: {  	v32 =	vld.idx.msk [tilespmem:v56+s22+$0x0], $0xffff  }
0x48f: {  	v59 =	vadd.s32 $0x2D, v0;
	v30 =	vadd.f32 v33, v30  }
0x490: {  	v34 =	vld.idx.msk [tilespmem:v57+s22+$0x0], $0xffff  }
0x491: {  	v30 =	vadd.f32 v31, v30;
	v31 =	vadd.s32 $0x2E, v0  }
0x492: {  	v35 =	vld.idx.msk [tilespmem:v58+s22+$0x0], $0xffff  }
0x493: {  	v60 =	vadd.s32 $0x2F, v0;
	v30 =	vadd.f32 v32, v30  }
0x494: {  	v33 =	vld.idx.msk [tilespmem:v59+s22+$0x0], $0xffff  }
0x495: {  	v61 =	vadd.s32 $0x30, v0;
	v30 =	vadd.f32 v34, v30  }
0x496: {  	v31 =	vld.idx.msk [tilespmem:v31+s22+$0x0], $0xffff  }
0x497: {  	v62 =	vadd.s32 $0x31, v0;
	v30 =	vadd.f32 v35, v30  }
0x498: {  	v32 =	vld.idx.msk [tilespmem:v60+s22+$0x0], $0xffff  }
0x499: {  	v30 =	vadd.f32 v33, v30  }
0x49a: {  	v63 =	vld.idx.msk [tilespmem:v61+s22+$0x0], $0xffff  }
0x49b: {  	v30 =	vadd.f32 v31, v30  }
0x49c: {  	v31 =	vld.idx.msk [tilespmem:v62+s22+$0x0], $0xffff  }
0x49d: {  	v30 =	vadd.f32 v32, v30;
	_ =	sdelay $0x1  }
0x49e: {  	v36 =	vadd.s32 $0x33, v0;
	v30 =	vadd.f32 v63, v30  }
0x49f: {  	v37 =	vadd.s32 $0x34, v0  }
0x4a0: {  	v30 =	vadd.f32 v31, v30  }
0x4a1: {  	v31 =	vadd.s32 $0x35, v0  }
0x4a2: {  	[tilespmem:s31+$0x18400] =	vst v30  }
0x4a3: {  	v38 =	vadd.s32 $0x36, v0;
	v30 =	vld.idx.msk [tilespmem:v36+s22+$0x0], $0xffff  }
0x4a4: {  	v33 =	vld.idx.msk [tilespmem:v37+s22+$0x0], $0xffff  }
0x4a5: {  	v39 =	vadd.s32 $0x37, v0  }
0x4a6: {  	v31 =	vld.idx.msk [tilespmem:v31+s22+$0x0], $0xffff  }
0x4a7: {  	v40 =	vadd.s32 $0x38, v0  }
0x4a8: {  	v32 =	vld.idx.msk [tilespmem:v38+s22+$0x0], $0xffff  }
0x4a9: {  	v41 =	vadd.s32 $0x39, v0;
	v30 =	vadd.f32 v33, v30  }
0x4aa: {  	v34 =	vld.idx.msk [tilespmem:v39+s22+$0x0], $0xffff  }
0x4ab: {  	v30 =	vadd.f32 v31, v30;
	v31 =	vadd.s32 $0x3A, v0  }
0x4ac: {  	v35 =	vld.idx.msk [tilespmem:v40+s22+$0x0], $0xffff  }
0x4ad: {  	v42 =	vadd.s32 $0x3B, v0;
	v30 =	vadd.f32 v32, v30  }
0x4ae: {  	v33 =	vld.idx.msk [tilespmem:v41+s22+$0x0], $0xffff  }
0x4af: {  	v43 =	vadd.s32 $0x3C, v0;
	v30 =	vadd.f32 v34, v30  }
0x4b0: {  	v31 =	vld.idx.msk [tilespmem:v31+s22+$0x0], $0xffff  }
0x4b1: {  	v44 =	vadd.s32 $0x3D, v0;
	v30 =	vadd.f32 v35, v30  }
0x4b2: {  	v32 =	vld.idx.msk [tilespmem:v42+s22+$0x0], $0xffff  }
0x4b3: {  	v45 =	vadd.s32 $0x3E, v0;
	v30 =	vadd.f32 v33, v30  }
0x4b4: {  	v34 =	vld.idx.msk [tilespmem:v43+s22+$0x0], $0xffff  }
0x4b5: {  	v30 =	vadd.f32 v31, v30;
	v31 =	vadd.s32 $0x3F, v0  }
0x4b6: {  	v35 =	vld.idx.msk [tilespmem:v44+s22+$0x0], $0xffff  }
0x4b7: {  	v46 =	vadd.s32 $0x40, v0;
	v30 =	vadd.f32 v32, v30  }
0x4b8: {  	v33 =	vld.idx.msk [tilespmem:v45+s22+$0x0], $0xffff  }
0x4b9: {  	v47 =	vadd.s32 $0x41, v0;
	v30 =	vadd.f32 v34, v30  }
0x4ba: {  	v31 =	vld.idx.msk [tilespmem:v31+s22+$0x0], $0xffff  }
0x4bb: {  	v48 =	vadd.s32 $0x42, v0;
	v30 =	vadd.f32 v35, v30  }
0x4bc: {  	v32 =	vld.idx.msk [tilespmem:v46+s22+$0x0], $0xffff  }
0x4bd: {  	v30 =	vadd.f32 v33, v30  }
0x4be: {  	v49 =	vld.idx.msk [tilespmem:v47+s22+$0x0], $0xffff  }
0x4bf: {  	v30 =	vadd.f32 v31, v30  }
0x4c0: {  	v31 =	vld.idx.msk [tilespmem:v48+s22+$0x0], $0xffff  }
0x4c1: {  	v30 =	vadd.f32 v32, v30;
	_ =	sdelay $0x1  }
0x4c2: {  	v50 =	vadd.s32 $0x44, v0;
	v30 =	vadd.f32 v49, v30  }
0x4c3: {  	v51 =	vadd.s32 $0x45, v0  }
0x4c4: {  	v30 =	vadd.f32 v31, v30  }
0x4c5: {  	v31 =	vadd.s32 $0x46, v0  }
0x4c6: {  	[tilespmem:s31+$0x18480] =	vst v30  }
0x4c7: {  	v52 =	vadd.s32 $0x47, v0;
	v30 =	vld.idx.msk [tilespmem:v50+s22+$0x0], $0xffff  }
0x4c8: {  	v33 =	vld.idx.msk [tilespmem:v51+s22+$0x0], $0xffff  }
0x4c9: {  	v53 =	vadd.s32 $0x48, v0  }
0x4ca: {  	v31 =	vld.idx.msk [tilespmem:v31+s22+$0x0], $0xffff  }
0x4cb: {  	v54 =	vadd.s32 $0x49, v0  }
0x4cc: {  	v32 =	vld.idx.msk [tilespmem:v52+s22+$0x0], $0xffff  }
0x4cd: {  	v55 =	vadd.s32 $0x4A, v0;
	v30 =	vadd.f32 v33, v30  }
0x4ce: {  	v34 =	vld.idx.msk [tilespmem:v53+s22+$0x0], $0xffff  }
0x4cf: {  	v30 =	vadd.f32 v31, v30;
	v31 =	vadd.s32 $0x4B, v0  }
0x4d0: {  	v35 =	vld.idx.msk [tilespmem:v54+s22+$0x0], $0xffff  }
0x4d1: {  	v56 =	vadd.s32 $0x4C, v0;
	v30 =	vadd.f32 v32, v30  }
0x4d2: {  	v33 =	vld.idx.msk [tilespmem:v55+s22+$0x0], $0xffff  }
0x4d3: {  	v57 =	vadd.s32 $0x4D, v0;
	v30 =	vadd.f32 v34, v30  }
0x4d4: {  	v31 =	vld.idx.msk [tilespmem:v31+s22+$0x0], $0xffff  }
0x4d5: {  	v58 =	vadd.s32 $0x4E, v0;
	v30 =	vadd.f32 v35, v30  }
0x4d6: {  	v32 =	vld.idx.msk [tilespmem:v56+s22+$0x0], $0xffff  }
0x4d7: {  	v59 =	vadd.s32 $0x4F, v0;
	v30 =	vadd.f32 v33, v30  }
0x4d8: {  	v34 =	vld.idx.msk [tilespmem:v57+s22+$0x0], $0xffff  }
0x4d9: {  	v30 =	vadd.f32 v31, v30;
	v31 =	vadd.s32 $0x50, v0  }
0x4da: {  	v35 =	vld.idx.msk [tilespmem:v58+s22+$0x0], $0xffff  }
0x4db: {  	v60 =	vadd.s32 $0x51, v0;
	v30 =	vadd.f32 v32, v30  }
0x4dc: {  	v33 =	vld.idx.msk [tilespmem:v59+s22+$0x0], $0xffff  }
0x4dd: {  	v61 =	vadd.s32 $0x52, v0;
	v30 =	vadd.f32 v34, v30  }
0x4de: {  	v31 =	vld.idx.msk [tilespmem:v31+s22+$0x0], $0xffff  }
0x4df: {  	v62 =	vadd.s32 $0x53, v0;
	v30 =	vadd.f32 v35, v30  }
0x4e0: {  	v32 =	vld.idx.msk [tilespmem:v60+s22+$0x0], $0xffff  }
0x4e1: {  	v30 =	vadd.f32 v33, v30  }
0x4e2: {  	v63 =	vld.idx.msk [tilespmem:v61+s22+$0x0], $0xffff  }
0x4e3: {  	v30 =	vadd.f32 v31, v30  }
0x4e4: {  	v31 =	vld.idx.msk [tilespmem:v62+s22+$0x0], $0xffff  }
0x4e5: {  	v30 =	vadd.f32 v32, v30  }
0x4e6: {  	p0 =	sne.s32 s30, $0x7  }
.Ltmp7:
0x4e7: {  	v30 =	vadd.f32 v63, v30;
	(pc) =	sbr.rel @p0 .LBB2_14-.Ltmp7, $3  }
0x4e8: {  	_ = 	snop  }
0x4e9: {  	v30 =	vadd.f32 v31, v30;
	_ =	sdelay $0x1  }
0x4ea: {  	s30 =	sadd.s32 $0x1, s30;
	[tilespmem:s31+$0x18500] =	vst v30  }
0x4eb: {  	s0 =	simm.s32 $0x18300  }
0x4ec: {  	[hbm4b:s10+s2] =	stream.linear.scatter [tilespmem:s0], [sflag:$0x1], $0x80, $0x38;
	[tilespmem:$0x18C80] =	vst v63  }
0x4ed: {  	s30 =	simm.s32 $0x18380  }
0x4ee: {  	[hbm4b:s11+s2] =	stream.linear.scatter [tilespmem:s30], [sflag:$0x1], $0x80, $0x38;
	[tilespmem:$0x18C80] =	vst v63  }
0x4ef: {  	s31 =	simm.s32 $0x18400  }
0x4f0: {  	[hbm4b:s12+s2] =	stream.linear.scatter [tilespmem:s31], [sflag:$0x1], $0x80, $0x38;
	[tilespmem:$0x18C80] =	vst v63  }
0x4f1: {  	_ = 	snop  }
0x4f2: {  	[hbm4b:s13+s2] =	stream.linear.scatter [tilespmem:s26], [sflag:$0x1], $0x80, $0x38;
	[tilespmem:$0x18C80] =	vst v63  }
0x4f3: {  	_ = 	snop  }
0x4f4: {  	[hbm4b:s14+s2] =	stream.linear.scatter [tilespmem:s28], [sflag:$0x1], $0x80, $0x38;
	[tilespmem:$0x18C80] =	vst v63  }
0x4f5: {  	_ =	swait.ge [sflag:s21], $0x80  }
0x4f6: {  	[sflag:s21] =	ssyncset.done $0x0  }
0x4f7: {  	[sflag:s21] =	ssyncadd.s32 $0xFFFFFF80  }
0x4f8: {  	_ =	swait.ge [sflag:s21], $0x80  }
0x4f9: {  	[sflag:s21] =	ssyncset.done $0x0  }
0x4fa: {  	[sflag:s21] =	ssyncadd.s32 $0xFFFFFF80  }
0x4fb: {  	_ =	swait.ge [sflag:s21], $0x80  }
0x4fc: {  	[sflag:s21] =	ssyncset.done $0x0  }
0x4fd: {  	s29 =	sadd.s32 $0x1, s29;
	[sflag:s21] =	ssyncadd.s32 $0xFFFFFF80  }
0x4fe: {  	p0 =	sne.s32 s29, s15;
	_ =	swait.ge [sflag:s21], $0x80  }
.Ltmp8:
0x4ff: {  	[sflag:s21] =	ssyncset.done $0x0;
	(pc) =	sbr.rel @p0 .LBB2_1-.Ltmp8, $4  }
.Ltmp9:
0x500: {  	[sflag:s21] =	ssyncadd.s32 $0xFFFFFF80;
	(pc) =	sbr.rel @!p0 .LBB2_16-.Ltmp9, $4  }
0x501: {  	_ =	swait.ge [sflag:s21], $0x80  }
0x502: {  	[sflag:s21] =	ssyncset.done $0x0  }
0x503: {  	[sflag:s21] =	ssyncadd.s32 $0xFFFFFF80  }
0x504: {  	_ = 	snop  }
.LBB2_4:
.Ltmp10:
0x505: {  	(pc) =	sbr.rel .LBB2_11-.Ltmp10, $2  }
0x506: {  	_ =	sdelay $0x2  }
0x507: {  	_ = 	snop  }
.LBB2_6:
.Ltmp11:
0x508: {  	(pc) =	sbr.rel .LBB2_11-.Ltmp11, $2  }
0x509: {  	_ =	sdelay $0x2  }
0x50a: {  	s0 =	simm.s32 $0x0;
	s31 =	simm.s32 $0x10  }
.LBB2_8:
.Ltmp12:
0x50b: {  	(pc) =	sbr.rel .LBB2_11-.Ltmp12, $2  }
0x50c: {  	_ =	sdelay $0x2  }
0x50d: {  	s16 =	simm.s32 $0x0;
	s31 =	simm.s32 $0x20  }
.LBB2_16:
0x50e: {  	_ =	sfence.sel $0x180000  }
0x50f: {  	[bflag:$0x0] =	sbarrier.arrive $0xFFFF  }
0x510: {  	_ =	strace $0x90000047  }
0x511: {  	s0 =	stileid.u32;
	[bflag:$0x2] =	sbarrier.arrive $0xFFFF  }
0x512: {  	p0 =	sne.s32 s0, $0x0;
	s0 =	rddreg [dreg:$0x3]  }
0x513: {  	s0 =	sadd.s32 @!p0 $0x100000, s0  }
0x514: {  	[sflag:s0] =	ssyncadd.tile.s32 @!p0 $0x1;
	_ =	shalt  }
.Lfunc_end2:
_tile_overlayer_lowered:
.L_overlay_start_2:
0x515: {  	(tag) =	ssettag $0x2  }
0x516: {  	s0 =	rddreg [dreg:$0x0];
	s2 =	stileid.u32  }
0x517: {  	s1 =	rddreg [dreg:$0x1];
	p0 =	sne.s32 s2, $0x0  }
0x518: {  	s3 =	rddreg [dreg:$0x2];
	[bflag:$0x3] =	sbarrier.arrive $0xFFFF;
	s2 =	simm.s32 @!p0 $0x1C02  }
0x519: {  	[timem:s3], [sflag:s2] =	dma.local @!p0 [hbm:s0], s1  }
0x51a: {  	s0 =	simm.s32 @!p0 $0x2  }
0x51b: {  	_ =	swait.ge @!p0 [sflag:s0], s1  }
0x51c: {  	s1 =	ssub.s32 @!p0 $0x0, s1;
	[sflag:s0] =	ssyncset.done @!p0 $0x0  }
0x51d: {  	[sflag:s0] =	ssyncadd.s32 @!p0 s1  }
0x51e: {  	[bflag:$0x3] =	sbarrier.arrive $0xFFFF  }
0x51f: {  	_ =	shalt  }

</sc_bundles>
